<compile_context>
chip_gen: v7x
topology: tpu7x:2x2x1
jax: 0.10.2.dev20260603
libtpu: 0.0.44.dev20260713+nightly
codegen_flags: <defaults>
</compile_context>

<pallas_src>
import functools

import jax
import jax.numpy as jnp
import numpy as np
from jax import lax
from jax.experimental import pallas as pl
from jax.experimental.pallas import tpu as pltpu
from jax.experimental.pallas import tpu_sc as plsc

_N = 10000
_E = 320000
_IN = 128
_H = 8
_D = 16
_HD = _H * _D
_ZR = _N // 16
_NC = 2
_NS = 16
_NW = _NC * _NS
_EPW = _E // _NW
_B = 40
_NCHUNK = _EPW // _B
_BLK = 1000
_NBLK = _N // _BLK

_SCALE = 0.25


def _proj_body(h_ref, wq_ref, wkv_ref, bq_ref, bkv_ref, q_ref, kv_ref):
    hb = h_ref[...]
    q_ref[...] = (
        jnp.dot(hb, wq_ref[...], preferred_element_type=jnp.float32) + bq_ref[...]
    )
    kv_ref[...] = (
        jnp.dot(hb, wkv_ref[...], preferred_element_type=jnp.float32) + bkv_ref[...]
    )


_proj = pl.pallas_call(
    _proj_body,
    grid=(_NBLK,),
    in_specs=[
        pl.BlockSpec((_BLK, _IN), lambda i: (i, 0)),
        pl.BlockSpec((_IN, _HD), lambda i: (0, 0)),
        pl.BlockSpec((_IN, 2 * _HD), lambda i: (0, 0)),
        pl.BlockSpec((1, _HD), lambda i: (0, 0)),
        pl.BlockSpec((1, 2 * _HD), lambda i: (0, 0)),
    ],
    out_specs=[
        pl.BlockSpec((_BLK, _HD), lambda i: (i, 0)),
        pl.BlockSpec((_BLK, 2 * _HD), lambda i: (i, 0)),
    ],
    out_shape=[
        jax.ShapeDtypeStruct((_N, _HD), jnp.float32),
        jax.ShapeDtypeStruct((_N, 2 * _HD), jnp.float32),
    ],
)


@functools.partial(
    pl.kernel,
    out_type=(
        jax.ShapeDtypeStruct((_NC, _N, _HD), jnp.float32),
        jax.ShapeDtypeStruct((_NC, _ZR, _HD), jnp.float32),
    ),
    mesh=plsc.VectorSubcoreMesh(core_axis_name="c", subcore_axis_name="s"),
    scratch_types=[
        pltpu.VMEM((_B,), jnp.int32),
        pltpu.VMEM((_B,), jnp.int32),
        pltpu.VMEM((_B,), jnp.int32),
        pltpu.VMEM((_B,), jnp.int32),
        pltpu.VMEM((_B,), jnp.int32),
        pltpu.VMEM((_B, _HD), jnp.float32),
        pltpu.VMEM((_B, _HD), jnp.float32),
        pltpu.VMEM((_B, 2 * _HD), jnp.float32),
        pltpu.VMEM((_B, 2 * _HD), jnp.float32),
        pltpu.VMEM((_B, _HD), jnp.float32),
        pltpu.VMEM((_B, _HD), jnp.float32),
        pltpu.VMEM_SHARED((_N, _HD), jnp.float32),
        pltpu.VMEM_SHARED((_ZR, _HD), jnp.float32),
        pltpu.SemaphoreType.DMA,
        pltpu.SemaphoreType.DMA,
        pltpu.SemaphoreType.DMA,
        pltpu.SemaphoreType.DMA,
        pltpu.SemaphoreType.DMA,
        pltpu.SemaphoreType.DMA,
        pltpu.SemaphoreType.DMA,
        pltpu.SemaphoreType.DMA,
    ],
)
def _sc_edge(
    q_hbm,
    kv_hbm,
    src_hbm,
    dst_hbm,
    out_hbm,
    z_hbm,
    src_v0,
    src_v1,
    dst_v0,
    dst_v1,
    dst8_v,
    qg0,
    qg1,
    kvg0,
    kvg1,
    oc,
    ocz,
    acc,
    acc_z,
    sem_s0,
    sem_s1,
    sem_d0,
    sem_d1,
    sem_q0,
    sem_q1,
    sem_kv0,
    sem_kv1,
):
    cid = lax.axis_index("c")
    sid = lax.axis_index("s")
    wid = sid * _NC + cid
    zero = jnp.zeros((_D,), jnp.float32)
    srcs = [src_v0, src_v1]
    dsts = [dst_v0, dst_v1]
    qgs = [qg0, qg1]
    kvgs = [kvg0, kvg1]
    sem_s = [sem_s0, sem_s1]
    sem_d = [sem_d0, sem_d1]
    sem_q = [sem_q0, sem_q1]
    sem_kv = [sem_kv0, sem_kv1]

    def _zrow(r, _):
        for j in range(_H):
            oc[r, pl.ds(_D * j, _D)] = zero
        return 0

    lax.fori_loop(0, _B, _zrow, 0)
    row0 = sid * 624
    zrow0 = sid * 40
    for i in range(15):
        pltpu.sync_copy(oc, acc.at[pl.ds(row0 + i * _B, _B)])
    pltpu.sync_copy(oc, acc.at[pl.ds(row0 + 624 - _B, _B)])

    @pl.when(sid < _NS - 1)
    def _zero_z():
        pltpu.sync_copy(oc, acc_z.at[pl.ds(zrow0, _B)])

    @pl.when(sid == _NS - 1)
    def _zero_tails():
        pltpu.sync_copy(oc, acc.at[pl.ds(_N - _B, _B)])
        pltpu.sync_copy(oc.at[pl.ds(0, 25)], acc_z.at[pl.ds(_ZR - 25, 25)])

    plsc.subcore_barrier()

    iot = lax.iota(jnp.int32, _D)
    swap = jnp.bitwise_xor(iot, _H)
    half = lax.shift_right_logical(iot, 3)
    ebase = wid * _EPW

    def _idx_load(c, b):
        off = ebase + c * _B
        cps = pltpu.async_copy(src_hbm.at[pl.ds(off, _B)], srcs[b], sem_s[b])
        cpd = pltpu.async_copy(dst_hbm.at[pl.ds(off, _B)], dsts[b], sem_d[b])
        return cps, cpd

    def _idx_wait(b):
        pltpu.make_async_copy(
            src_hbm.at[pl.ds(0, _B)], srcs[b], sem_s[b]
        ).wait()
        pltpu.make_async_copy(
            dst_hbm.at[pl.ds(0, _B)], dsts[b], sem_d[b]
        ).wait()

    def _gather_issue(b):
        pltpu.async_copy(kv_hbm.at[srcs[b]], kvgs[b], sem_kv[b])
        pltpu.async_copy(q_hbm.at[dsts[b]], qgs[b], sem_q[b])

    def _gather_wait(b):
        pltpu.make_async_copy(kv_hbm.at[srcs[b]], kvgs[b], sem_kv[b]).wait()
        pltpu.make_async_copy(q_hbm.at[dsts[b]], qgs[b], sem_q[b]).wait()

    cps, cpd = _idx_load(0, 0)
    cps.wait()
    cpd.wait()
    _gather_issue(0)
    _idx_load(1, 1)

    def _step(c, b):
        b1 = 1 - b
        kvg = kvgs[b]
        qg = qgs[b]
        dst_v = dsts[b]

        @pl.when(c + 1 < _NCHUNK)
        def _prefetch():
            _idx_wait(b1)
            _gather_issue(b1)

        _gather_wait(b)

        @plsc.parallel_loop(0, _B, unroll=10)
        def _edge(ei):
            a = kvg[ei, pl.ds(0, _D)] * qg[ei, pl.ds(0, _D)]
            for j in range(1, _H):
                a = a + kvg[ei, pl.ds(_D * j, _D)] * qg[ei, pl.ds(_D * j, _D)]
            a = a + a.at[swap].get(mode="promise_in_bounds")
            s = jnp.exp(jnp.clip(a * _SCALE, -5.0, 5.0))
            for j in range(_H):
                oc[ei, pl.ds(_D * j, _D)] = kvg[ei, pl.ds(_HD + _D * j, _D)] * s
            grp = dst_v[pl.ds(jnp.bitwise_and(ei, -16), _D)]
            lane = jnp.full((_D,), jnp.bitwise_and(ei, 15), jnp.int32)
            dvec = grp.at[lane].get(mode="promise_in_bounds")
            slot = jnp.bitwise_and(dvec, 15)
            one = jnp.ones((_D,), jnp.int32)
            for k in range(_H):
                tgt = half + 2 * k
                ind = jnp.maximum(one - jnp.abs(slot - tgt), 0)
                ocz[ei, pl.ds(_D * k, _D)] = s * ind.astype(jnp.float32)

        for o in (0, 16, 24):
            dst8_v[pl.ds(o, _D)] = lax.shift_right_logical(
                dst_v[pl.ds(o, _D)], 4
            )
        pltpu.sync_copy(oc, acc.at[dst_v], add=True)
        pltpu.sync_copy(ocz, acc_z.at[dst8_v], add=True)

        @pl.when(c + 2 < _NCHUNK)
        def _next_idx():
            _idx_load(c + 2, b)

        return 0

    def _pair(i, _):
        _step(2 * i, 0)
        _step(2 * i + 1, 1)
        return 0

    lax.fori_loop(0, _NCHUNK // 2, _pair, 0)
    plsc.subcore_barrier()
    pltpu.sync_copy(acc.at[pl.ds(row0, 624)], out_hbm.at[cid, pl.ds(row0, 624)])

    @pl.when(sid < _NS - 1)
    def _copy_z_main():
        pltpu.sync_copy(
            acc_z.at[pl.ds(zrow0, 40)], z_hbm.at[cid, pl.ds(zrow0, 40)]
        )

    @pl.when(sid == _NS - 1)
    def _copy_tails():
        pltpu.sync_copy(
            acc.at[pl.ds(_N - 16, 16)], out_hbm.at[cid, pl.ds(_N - 16, 16)]
        )
        pltpu.sync_copy(
            acc_z.at[pl.ds(_ZR - 25, 25)], z_hbm.at[cid, pl.ds(_ZR - 25, 25)]
        )


def _zsum_body(zp_ref, o_ref):
    o_ref[...] = zp_ref[0] + zp_ref[1]


_zsum = pl.pallas_call(
    _zsum_body,
    out_shape=jax.ShapeDtypeStruct((_ZR, _HD), jnp.float32),
)


def _norm_body(p_ref, z_ref, perm_ref, t_ref, o_ref):
    x = p_ref[0] + p_ref[1]
    num = jnp.dot(x, perm_ref[...], preferred_element_type=jnp.float32)
    den = jnp.dot(z_ref[...], t_ref[...], preferred_element_type=jnp.float32)
    o_ref[...] = num / (den + 1e-6)


_norm = pl.pallas_call(
    _norm_body,
    grid=(_NBLK,),
    in_specs=[
        pl.BlockSpec((_NC, _BLK, _HD), lambda i: (0, i, 0)),
        pl.BlockSpec((_BLK, _H), lambda i: (i, 0)),
        pl.BlockSpec((_HD, _HD), lambda i: (0, 0)),
        pl.BlockSpec((_H, _HD), lambda i: (0, 0)),
    ],
    out_specs=pl.BlockSpec((_BLK, _HD), lambda i: (i, 0)),
    out_shape=jax.ShapeDtypeStruct((_N, _HD), jnp.float32),
)

_P_np = np.zeros((_HD, _HD), np.float32)
for _d in range(_D):
    for _h in range(_H):
        _P_np[_d * _H + _h, _h * _D + _d] = 1.0
_T_np = np.zeros((_H, _HD), np.float32)
for _j in range(_H):
    for _k in range(_HD):
        if _j == _k // _D:
            _T_np[_j, _k] = 1.0


def _dmajor(w):
    return w.reshape(_IN, _H, _D).transpose(0, 2, 1).reshape(_IN, _HD)


def _dmajor_b(b):
    return b.reshape(_H, _D).T.reshape(1, _HD)


def kernel(h, e, edge_index, Wq, bq, Wk, bk, We, be, Wv, bv):
    wq_t = _dmajor(Wq)
    wkv = jnp.concatenate([_dmajor(Wk), _dmajor(Wv)], axis=1)
    bq_t = _dmajor_b(bq)
    bkv = jnp.concatenate([_dmajor_b(bk), _dmajor_b(bv)], axis=1)
    q_t, kv = _proj(h, wq_t, wkv, bq_t, bkv)
    src = edge_index[0]
    dst = edge_index[1]
    acc, zp = _sc_edge(q_t, kv, src, dst)
    z8 = _zsum(zp).reshape(_N, _H)
    out = _norm(acc, z8, jnp.asarray(_P_np), jnp.asarray(_T_np))
    return out.reshape(_N, _H, _D)

# --- scband reference (transcript-rebuilt; emitter-appended) ---
"""Pipeline reference for scband-batched-attention-layer-68332929679617 (READ-ONLY COPY).

The authoritative reference and input builder live on the scoring server;
editing this copy changes nothing except your own understanding.
"""

import jax, jax.numpy as jnp
import numpy as np

N_NODES = 10000
N_EDGES = 320000
IN_DIM = 128
NUM_HEADS = 8
OUT_DIM = 16


def setup_inputs(seed: int = 0) -> dict:
    key = jax.random.key(seed)
    ks = jax.random.split(key, 12)
    h = jax.random.normal(ks[0], (N_NODES, IN_DIM), dtype=jnp.float32)
    e = jax.random.normal(ks[1], (N_EDGES, IN_DIM), dtype=jnp.float32)
    edge_index = jax.random.randint(ks[2], (2, N_EDGES), 0, N_NODES, dtype=jnp.int32)
    s = 1.0 / np.sqrt(IN_DIM)
    Wq = jax.random.normal(ks[3], (IN_DIM, NUM_HEADS * OUT_DIM), dtype=jnp.float32) * s
    bq = jnp.zeros((NUM_HEADS * OUT_DIM,), dtype=jnp.float32)
    Wk = jax.random.normal(ks[4], (IN_DIM, NUM_HEADS * OUT_DIM), dtype=jnp.float32) * s
    bk = jnp.zeros((NUM_HEADS * OUT_DIM,), dtype=jnp.float32)
    We = jax.random.normal(ks[5], (IN_DIM, NUM_HEADS * OUT_DIM), dtype=jnp.float32) * s
    be = jnp.zeros((NUM_HEADS * OUT_DIM,), dtype=jnp.float32)
    Wv = jax.random.normal(ks[6], (IN_DIM, NUM_HEADS * OUT_DIM), dtype=jnp.float32) * s
    bv = jnp.zeros((NUM_HEADS * OUT_DIM,), dtype=jnp.float32)
    return {"h": h, "e": e, "edge_index": edge_index, "Wq": Wq, "bq": bq, "Wk": Wk, "bk": bk, "We": We, "be": be, "Wv": Wv, "bv": bv}


def reference(h, e, edge_index, Wq, bq, Wk, bk, We, be, Wv, bv):
    N = h.shape[0]
    Q_h = (h @ Wq + bq).reshape(N, NUM_HEADS, OUT_DIM)
    K_h = (h @ Wk + bk).reshape(N, NUM_HEADS, OUT_DIM)
    E_h = (e @ We + be).reshape(-1, NUM_HEADS, OUT_DIM)  # computed but unused downstream (matches original)
    V_h = (h @ Wv + bv).reshape(N, NUM_HEADS, OUT_DIM)
    src = edge_index[0]
    dst = edge_index[1]
    # apply_edges: src_dot_dst -> elementwise K_h[src] * Q_h[dst]
    score = K_h[src] * Q_h[dst]
    # scaling by sqrt(out_dim)
    score = score / np.sqrt(OUT_DIM)
    # exp(clamped sum over feature dim)
    score_soft = jnp.exp(jnp.clip(jnp.sum(score, axis=-1, keepdims=True), -5.0, 5.0))
    # send_and_recv: src_mul_edge + sum -> scatter-add to dst
    wV = jax.ops.segment_sum(V_h[src] * score_soft, dst, num_segments=N)
    z = jax.ops.segment_sum(score_soft, dst, num_segments=N)
    h_out = wV / (z + jnp.full_like(z, 1e-06))
    return h_out

if __name__ == "__main__":
    import jax
    _d = setup_inputs()
    print(jax.jit(kernel)(*tuple(_d.values())))

</pallas_src>

<mosaic_0001>
#map = affine_map<(d0, d1) -> (0, 0)>
#map1 = affine_map<(d0, d1) -> (0)>
#map2 = affine_map<(d0, d1) -> (0, 0, 0)>
module attributes {stable_mosaic.version = 14 : i64} {
  func.func @_sc_edge(%arg0: i32, %arg1: i32, %arg2: memref<10000x128xf32, #tpu.memory_space<hbm>>, %arg3: memref<10000x256xf32, #tpu.memory_space<hbm>>, %arg4: memref<320000xi32, #tpu.memory_space<hbm>>, %arg5: memref<320000xi32, #tpu.memory_space<hbm>>, %arg6: memref<2x10000x128xf32, #tpu.memory_space<hbm>>, %arg7: memref<2x625x128xf32, #tpu.memory_space<hbm>>, %arg8: memref<40xi32, #tpu.memory_space<vmem>>, %arg9: memref<40xi32, #tpu.memory_space<vmem>>, %arg10: memref<40xi32, #tpu.memory_space<vmem>>, %arg11: memref<40xi32, #tpu.memory_space<vmem>>, %arg12: memref<40xi32, #tpu.memory_space<vmem>>, %arg13: memref<40x128xf32, #tpu.memory_space<vmem>>, %arg14: memref<40x128xf32, #tpu.memory_space<vmem>>, %arg15: memref<40x256xf32, #tpu.memory_space<vmem>>, %arg16: memref<40x256xf32, #tpu.memory_space<vmem>>, %arg17: memref<40x128xf32, #tpu.memory_space<vmem>>, %arg18: memref<40x128xf32, #tpu.memory_space<vmem>>, %arg19: memref<10000x128xf32, #tpu.memory_space<vmem_shared>>, %arg20: memref<625x128xf32, #tpu.memory_space<vmem_shared>>, %arg21: memref<!tpu.dma_semaphore, #tpu.memory_space<semaphore_mem>>, %arg22: memref<!tpu.dma_semaphore, #tpu.memory_space<semaphore_mem>>, %arg23: memref<!tpu.dma_semaphore, #tpu.memory_space<semaphore_mem>>, %arg24: memref<!tpu.dma_semaphore, #tpu.memory_space<semaphore_mem>>, %arg25: memref<!tpu.dma_semaphore, #tpu.memory_space<semaphore_mem>>, %arg26: memref<!tpu.dma_semaphore, #tpu.memory_space<semaphore_mem>>, %arg27: memref<!tpu.dma_semaphore, #tpu.memory_space<semaphore_mem>>, %arg28: memref<!tpu.dma_semaphore, #tpu.memory_space<semaphore_mem>>) attributes {dimension_semantics = [#tpu.dimension_semantics<core_parallel>, #tpu.dimension_semantics<subcore_parallel>], iteration_bounds = array<i64: 2, 16>, scalar_prefetch = 0 : i64, scratch_operands = 21 : i64, tpu.core_type = #tpu.core_type<sc_vector_subcore>, window_params = [{transform_indices = #map}, {transform_indices = #map}, {transform_indices = #map1}, {transform_indices = #map1}, {transform_indices = #map2}, {transform_indices = #map2}]} {
    %mul3A = arith.constant 2 : i32
    %mul3A_0 = arith.muli %arg1, %mul3A : i32
    %add3A = arith.addi %mul3A_0, %arg0 : i32
    %broadcast_in_dim3A = arith.constant 0.000000e+00 : f32
    %broadcast_in_dim3A_1 = vector.broadcast %broadcast_in_dim3A : f32 to vector<16xf32>
    %scan3A = arith.constant 0 : i32
    %scan3A_2 = arith.constant 0 : i32
    %scan3A_3 = arith.constant 40 : i32
    %scan3A_4 = arith.addi %scan3A_2, %scan3A_3 : i32
    %scan3A_5 = arith.constant 1 : i32
    %scan3A_6 = scf.for %scan3A_95 = %scan3A_2 to %scan3A_4 step %scan3A_5 iter_args(%scan3A_96 = %scan3A) -> (i32)  : i32 {
      %swap3A = arith.index_cast %scan3A_95 : i32 to index
      %swap3A_97 = arith.constant 0 : index
      %swap3A_98 = tpu.vector_load %arg17[%swap3A, %swap3A_97] {strides = array<i32>} : memref<40x128xf32, #tpu.memory_space<vmem>>, vector<1x16xf32>,
      %swap3A_99 = vector.shape_cast %swap3A_98 : vector<1x16xf32> to vector<16xf32>
      %swap3A_100 = vector.shape_cast %broadcast_in_dim3A_1 : vector<16xf32> to vector<1x16xf32>
      tpu.vector_store %arg17[%swap3A, %swap3A_97], %swap3A_100 {strides = array<i32>} : memref<40x128xf32, #tpu.memory_space<vmem>>, vector<1x16xf32>,
      %swap3A_101 = arith.index_cast %scan3A_95 : i32 to index
      %swap3A_102 = arith.constant 16 : index
      %swap3A_103 = tpu.vector_load %arg17[%swap3A_101, %swap3A_102] {strides = array<i32>} : memref<40x128xf32, #tpu.memory_space<vmem>>, vector<1x16xf32>,
      %swap3A_104 = vector.shape_cast %swap3A_103 : vector<1x16xf32> to vector<16xf32>
      %swap3A_105 = vector.shape_cast %broadcast_in_dim3A_1 : vector<16xf32> to vector<1x16xf32>
      tpu.vector_store %arg17[%swap3A_101, %swap3A_102], %swap3A_105 {strides = array<i32>} : memref<40x128xf32, #tpu.memory_space<vmem>>, vector<1x16xf32>,
      %swap3A_106 = arith.index_cast %scan3A_95 : i32 to index
      %swap3A_107 = arith.constant 32 : index
      %swap3A_108 = tpu.vector_load %arg17[%swap3A_106, %swap3A_107] {strides = array<i32>} : memref<40x128xf32, #tpu.memory_space<vmem>>, vector<1x16xf32>,
      %swap3A_109 = vector.shape_cast %swap3A_108 : vector<1x16xf32> to vector<16xf32>
      %swap3A_110 = vector.shape_cast %broadcast_in_dim3A_1 : vector<16xf32> to vector<1x16xf32>
      tpu.vector_store %arg17[%swap3A_106, %swap3A_107], %swap3A_110 {strides = array<i32>} : memref<40x128xf32, #tpu.memory_space<vmem>>, vector<1x16xf32>,
      %swap3A_111 = arith.index_cast %scan3A_95 : i32 to index
      %swap3A_112 = arith.constant 48 : index
      %swap3A_113 = tpu.vector_load %arg17[%swap3A_111, %swap3A_112] {strides = array<i32>} : memref<40x128xf32, #tpu.memory_space<vmem>>, vector<1x16xf32>,
      %swap3A_114 = vector.shape_cast %swap3A_113 : vector<1x16xf32> to vector<16xf32>
      %swap3A_115 = vector.shape_cast %broadcast_in_dim3A_1 : vector<16xf32> to vector<1x16xf32>
      tpu.vector_store %arg17[%swap3A_111, %swap3A_112], %swap3A_115 {strides = array<i32>} : memref<40x128xf32, #tpu.memory_space<vmem>>, vector<1x16xf32>,
      %swap3A_116 = arith.index_cast %scan3A_95 : i32 to index
      %swap3A_117 = arith.constant 64 : index
      %swap3A_118 = tpu.vector_load %arg17[%swap3A_116, %swap3A_117] {strides = array<i32>} : memref<40x128xf32, #tpu.memory_space<vmem>>, vector<1x16xf32>,
      %swap3A_119 = vector.shape_cast %swap3A_118 : vector<1x16xf32> to vector<16xf32>
      %swap3A_120 = vector.shape_cast %broadcast_in_dim3A_1 : vector<16xf32> to vector<1x16xf32>
      tpu.vector_store %arg17[%swap3A_116, %swap3A_117], %swap3A_120 {strides = array<i32>} : memref<40x128xf32, #tpu.memory_space<vmem>>, vector<1x16xf32>,
      %swap3A_121 = arith.index_cast %scan3A_95 : i32 to index
      %swap3A_122 = arith.constant 80 : index
      %swap3A_123 = tpu.vector_load %arg17[%swap3A_121, %swap3A_122] {strides = array<i32>} : memref<40x128xf32, #tpu.memory_space<vmem>>, vector<1x16xf32>,
      %swap3A_124 = vector.shape_cast %swap3A_123 : vector<1x16xf32> to vector<16xf32>
      %swap3A_125 = vector.shape_cast %broadcast_in_dim3A_1 : vector<16xf32> to vector<1x16xf32>
      tpu.vector_store %arg17[%swap3A_121, %swap3A_122], %swap3A_125 {strides = array<i32>} : memref<40x128xf32, #tpu.memory_space<vmem>>, vector<1x16xf32>,
      %swap3A_126 = arith.index_cast %scan3A_95 : i32 to index
      %swap3A_127 = arith.constant 96 : index
      %swap3A_128 = tpu.vector_load %arg17[%swap3A_126, %swap3A_127] {strides = array<i32>} : memref<40x128xf32, #tpu.memory_space<vmem>>, vector<1x16xf32>,
      %swap3A_129 = vector.shape_cast %swap3A_128 : vector<1x16xf32> to vector<16xf32>
      %swap3A_130 = vector.shape_cast %broadcast_in_dim3A_1 : vector<16xf32> to vector<1x16xf32>
      tpu.vector_store %arg17[%swap3A_126, %swap3A_127], %swap3A_130 {strides = array<i32>} : memref<40x128xf32, #tpu.memory_space<vmem>>, vector<1x16xf32>,
      %swap3A_131 = arith.index_cast %scan3A_95 : i32 to index
      %swap3A_132 = arith.constant 112 : index
      %swap3A_133 = tpu.vector_load %arg17[%swap3A_131, %swap3A_132] {strides = array<i32>} : memref<40x128xf32, #tpu.memory_space<vmem>>, vector<1x16xf32>,
      %swap3A_134 = vector.shape_cast %swap3A_133 : vector<1x16xf32> to vector<16xf32>
      %swap3A_135 = vector.shape_cast %broadcast_in_dim3A_1 : vector<16xf32> to vector<1x16xf32>
      tpu.vector_store %arg17[%swap3A_131, %swap3A_132], %swap3A_135 {strides = array<i32>} : memref<40x128xf32, #tpu.memory_space<vmem>>, vector<1x16xf32>,
      %scan3A_136 = arith.constant 0 : i32
      scf.yield %scan3A_136 : i32
    }
    %scan3A_7 = arith.constant 40 : i32
    %mul3A_8 = arith.constant 624 : i32
    %mul3A_9 = arith.muli %arg1, %mul3A_8 : i32
    %mul3A_10 = arith.constant 40 : i32
    %mul3A_11 = arith.muli %arg1, %mul3A_10 : i32
    %add3A_12 = arith.constant 0 : i32
    %add3A_13 = arith.addi %mul3A_9, %add3A_12 : i32
    "tpu.region"() ({
      %run_scoped3A = tpu.sem_alloc : memref<!tpu.dma_semaphore, #tpu.memory_space<semaphore_mem>>
      %dma_start3A_95 = arith.constant 0 : i32
      %dma_start3A_96 = tpu.memref_slice %arg19[%add3A_13, %dma_start3A_95] : memref<10000x128xf32, #tpu.memory_space<vmem_shared>> -> memref<40x128xf32, #tpu.memory_space<vmem_shared>>
      %dma_start3A_97 = arith.constant 0 : i32
      %dma_start3A_98 = tpu.memref_slice %arg19[%add3A_13, %dma_start3A_97] : memref<10000x128xf32, #tpu.memory_space<vmem_shared>> -> memref<40x128xf32, #tpu.memory_space<vmem_shared>>
      tpu.enqueue_dma source(%arg17 : memref<40x128xf32, #tpu.memory_space<vmem>>) target(%dma_start3A_98 : memref<40x128xf32, #tpu.memory_space<vmem_shared>>) target_semaphore(%run_scoped3A : memref<!tpu.dma_semaphore, #tpu.memory_space<semaphore_mem>>)
      %dma_wait3A_99 = arith.constant 0 : i32
      %dma_wait3A_100 = tpu.memref_slice %arg19[%add3A_13, %dma_wait3A_99] : memref<10000x128xf32, #tpu.memory_space<vmem_shared>> -> memref<40x128xf32, #tpu.memory_space<vmem_shared>>
      %dma_wait3A_101 = arith.constant 0 : i32
      %dma_wait3A_102 = tpu.memref_slice %arg19[%add3A_13, %dma_wait3A_101] : memref<10000x128xf32, #tpu.memory_space<vmem_shared>> -> memref<40x128xf32, #tpu.memory_space<vmem_shared>>
      tpu.wait_dma2 semaphore(%run_scoped3A : memref<!tpu.dma_semaphore, #tpu.memory_space<semaphore_mem>>) src(%arg17 : memref<40x128xf32, #tpu.memory_space<vmem>>) dst(%dma_wait3A_102 : memref<40x128xf32, #tpu.memory_space<vmem_shared>>)
      tpu.yield
    }) : () -> ()
    %add3A_14 = arith.constant 40 : i32
    %add3A_15 = arith.addi %mul3A_9, %add3A_14 : i32
    "tpu.region"() ({
      %run_scoped3A = tpu.sem_alloc : memref<!tpu.dma_semaphore, #tpu.memory_space<semaphore_mem>>
      %dma_start3A_95 = arith.constant 0 : i32
      %dma_start3A_96 = tpu.memref_slice %arg19[%add3A_15, %dma_start3A_95] : memref<10000x128xf32, #tpu.memory_space<vmem_shared>> -> memref<40x128xf32, #tpu.memory_space<vmem_shared>>
      %dma_start3A_97 = arith.constant 0 : i32
      %dma_start3A_98 = tpu.memref_slice %arg19[%add3A_15, %dma_start3A_97] : memref<10000x128xf32, #tpu.memory_space<vmem_shared>> -> memref<40x128xf32, #tpu.memory_space<vmem_shared>>
      tpu.enqueue_dma source(%arg17 : memref<40x128xf32, #tpu.memory_space<vmem>>) target(%dma_start3A_98 : memref<40x128xf32, #tpu.memory_space<vmem_shared>>) target_semaphore(%run_scoped3A : memref<!tpu.dma_semaphore, #tpu.memory_space<semaphore_mem>>)
      %dma_wait3A_99 = arith.constant 0 : i32
      %dma_wait3A_100 = tpu.memref_slice %arg19[%add3A_15, %dma_wait3A_99] : memref<10000x128xf32, #tpu.memory_space<vmem_shared>> -> memref<40x128xf32, #tpu.memory_space<vmem_shared>>
      %dma_wait3A_101 = arith.constant 0 : i32
      %dma_wait3A_102 = tpu.memref_slice %arg19[%add3A_15, %dma_wait3A_101] : memref<10000x128xf32, #tpu.memory_space<vmem_shared>> -> memref<40x128xf32, #tpu.memory_space<vmem_shared>>
      tpu.wait_dma2 semaphore(%run_scoped3A : memref<!tpu.dma_semaphore, #tpu.memory_space<semaphore_mem>>) src(%arg17 : memref<40x128xf32, #tpu.memory_space<vmem>>) dst(%dma_wait3A_102 : memref<40x128xf32, #tpu.memory_space<vmem_shared>>)
      tpu.yield
    }) : () -> ()
    %add3A_16 = arith.constant 80 : i32
    %add3A_17 = arith.addi %mul3A_9, %add3A_16 : i32
    "tpu.region"() ({
      %run_scoped3A = tpu.sem_alloc : memref<!tpu.dma_semaphore, #tpu.memory_space<semaphore_mem>>
      %dma_start3A_95 = arith.constant 0 : i32
      %dma_start3A_96 = tpu.memref_slice %arg19[%add3A_17, %dma_start3A_95] : memref<10000x128xf32, #tpu.memory_space<vmem_shared>> -> memref<40x128xf32, #tpu.memory_space<vmem_shared>>
      %dma_start3A_97 = arith.constant 0 : i32
      %dma_start3A_98 = tpu.memref_slice %arg19[%add3A_17, %dma_start3A_97] : memref<10000x128xf32, #tpu.memory_space<vmem_shared>> -> memref<40x128xf32, #tpu.memory_space<vmem_shared>>
      tpu.enqueue_dma source(%arg17 : memref<40x128xf32, #tpu.memory_space<vmem>>) target(%dma_start3A_98 : memref<40x128xf32, #tpu.memory_space<vmem_shared>>) target_semaphore(%run_scoped3A : memref<!tpu.dma_semaphore, #tpu.memory_space<semaphore_mem>>)
      %dma_wait3A_99 = arith.constant 0 : i32
      %dma_wait3A_100 = tpu.memref_slice %arg19[%add3A_17, %dma_wait3A_99] : memref<10000x128xf32, #tpu.memory_space<vmem_shared>> -> memref<40x128xf32, #tpu.memory_space<vmem_shared>>
      %dma_wait3A_101 = arith.constant 0 : i32
      %dma_wait3A_102 = tpu.memref_slice %arg19[%add3A_17, %dma_wait3A_101] : memref<10000x128xf32, #tpu.memory_space<vmem_shared>> -> memref<40x128xf32, #tpu.memory_space<vmem_shared>>
      tpu.wait_dma2 semaphore(%run_scoped3A : memref<!tpu.dma_semaphore, #tpu.memory_space<semaphore_mem>>) src(%arg17 : memref<40x128xf32, #tpu.memory_space<vmem>>) dst(%dma_wait3A_102 : memref<40x128xf32, #tpu.memory_space<vmem_shared>>)
      tpu.yield
    }) : () -> ()
    %add3A_18 = arith.constant 120 : i32
    %add3A_19 = arith.addi %mul3A_9, %add3A_18 : i32
    "tpu.region"() ({
      %run_scoped3A = tpu.sem_alloc : memref<!tpu.dma_semaphore, #tpu.memory_space<semaphore_mem>>
      %dma_start3A_95 = arith.constant 0 : i32
      %dma_start3A_96 = tpu.memref_slice %arg19[%add3A_19, %dma_start3A_95] : memref<10000x128xf32, #tpu.memory_space<vmem_shared>> -> memref<40x128xf32, #tpu.memory_space<vmem_shared>>
      %dma_start3A_97 = arith.constant 0 : i32
      %dma_start3A_98 = tpu.memref_slice %arg19[%add3A_19, %dma_start3A_97] : memref<10000x128xf32, #tpu.memory_space<vmem_shared>> -> memref<40x128xf32, #tpu.memory_space<vmem_shared>>
      tpu.enqueue_dma source(%arg17 : memref<40x128xf32, #tpu.memory_space<vmem>>) target(%dma_start3A_98 : memref<40x128xf32, #tpu.memory_space<vmem_shared>>) target_semaphore(%run_scoped3A : memref<!tpu.dma_semaphore, #tpu.memory_space<semaphore_mem>>)
      %dma_wait3A_99 = arith.constant 0 : i32
      %dma_wait3A_100 = tpu.memref_slice %arg19[%add3A_19, %dma_wait3A_99] : memref<10000x128xf32, #tpu.memory_space<vmem_shared>> -> memref<40x128xf32, #tpu.memory_space<vmem_shared>>
      %dma_wait3A_101 = arith.constant 0 : i32
      %dma_wait3A_102 = tpu.memref_slice %arg19[%add3A_19, %dma_wait3A_101] : memref<10000x128xf32, #tpu.memory_space<vmem_shared>> -> memref<40x128xf32, #tpu.memory_space<vmem_shared>>
      tpu.wait_dma2 semaphore(%run_scoped3A : memref<!tpu.dma_semaphore, #tpu.memory_space<semaphore_mem>>) src(%arg17 : memref<40x128xf32, #tpu.memory_space<vmem>>) dst(%dma_wait3A_102 : memref<40x128xf32, #tpu.memory_space<vmem_shared>>)
      tpu.yield
    }) : () -> ()
    %add3A_20 = arith.constant 160 : i32
    %add3A_21 = arith.addi %mul3A_9, %add3A_20 : i32
    "tpu.region"() ({
      %run_scoped3A = tpu.sem_alloc : memref<!tpu.dma_semaphore, #tpu.memory_space<semaphore_mem>>
      %dma_start3A_95 = arith.constant 0 : i32
      %dma_start3A_96 = tpu.memref_slice %arg19[%add3A_21, %dma_start3A_95] : memref<10000x128xf32, #tpu.memory_space<vmem_shared>> -> memref<40x128xf32, #tpu.memory_space<vmem_shared>>
      %dma_start3A_97 = arith.constant 0 : i32
      %dma_start3A_98 = tpu.memref_slice %arg19[%add3A_21, %dma_start3A_97] : memref<10000x128xf32, #tpu.memory_space<vmem_shared>> -> memref<40x128xf32, #tpu.memory_space<vmem_shared>>
      tpu.enqueue_dma source(%arg17 : memref<40x128xf32, #tpu.memory_space<vmem>>) target(%dma_start3A_98 : memref<40x128xf32, #tpu.memory_space<vmem_shared>>) target_semaphore(%run_scoped3A : memref<!tpu.dma_semaphore, #tpu.memory_space<semaphore_mem>>)
      %dma_wait3A_99 = arith.constant 0 : i32
      %dma_wait3A_100 = tpu.memref_slice %arg19[%add3A_21, %dma_wait3A_99] : memref<10000x128xf32, #tpu.memory_space<vmem_shared>> -> memref<40x128xf32, #tpu.memory_space<vmem_shared>>
      %dma_wait3A_101 = arith.constant 0 : i32
      %dma_wait3A_102 = tpu.memref_slice %arg19[%add3A_21, %dma_wait3A_101] : memref<10000x128xf32, #tpu.memory_space<vmem_shared>> -> memref<40x128xf32, #tpu.memory_space<vmem_shared>>
      tpu.wait_dma2 semaphore(%run_scoped3A : memref<!tpu.dma_semaphore, #tpu.memory_space<semaphore_mem>>) src(%arg17 : memref<40x128xf32, #tpu.memory_space<vmem>>) dst(%dma_wait3A_102 : memref<40x128xf32, #tpu.memory_space<vmem_shared>>)
      tpu.yield
    }) : () -> ()
    %add3A_22 = arith.constant 200 : i32
    %add3A_23 = arith.addi %mul3A_9, %add3A_22 : i32
    "tpu.region"() ({
      %run_scoped3A = tpu.sem_alloc : memref<!tpu.dma_semaphore, #tpu.memory_space<semaphore_mem>>
      %dma_start3A_95 = arith.constant 0 : i32
      %dma_start3A_96 = tpu.memref_slice %arg19[%add3A_23, %dma_start3A_95] : memref<10000x128xf32, #tpu.memory_space<vmem_shared>> -> memref<40x128xf32, #tpu.memory_space<vmem_shared>>
      %dma_start3A_97 = arith.constant 0 : i32
      %dma_start3A_98 = tpu.memref_slice %arg19[%add3A_23, %dma_start3A_97] : memref<10000x128xf32, #tpu.memory_space<vmem_shared>> -> memref<40x128xf32, #tpu.memory_space<vmem_shared>>
      tpu.enqueue_dma source(%arg17 : memref<40x128xf32, #tpu.memory_space<vmem>>) target(%dma_start3A_98 : memref<40x128xf32, #tpu.memory_space<vmem_shared>>) target_semaphore(%run_scoped3A : memref<!tpu.dma_semaphore, #tpu.memory_space<semaphore_mem>>)
      %dma_wait3A_99 = arith.constant 0 : i32
      %dma_wait3A_100 = tpu.memref_slice %arg19[%add3A_23, %dma_wait3A_99] : memref<10000x128xf32, #tpu.memory_space<vmem_shared>> -> memref<40x128xf32, #tpu.memory_space<vmem_shared>>
      %dma_wait3A_101 = arith.constant 0 : i32
      %dma_wait3A_102 = tpu.memref_slice %arg19[%add3A_23, %dma_wait3A_101] : memref<10000x128xf32, #tpu.memory_space<vmem_shared>> -> memref<40x128xf32, #tpu.memory_space<vmem_shared>>
      tpu.wait_dma2 semaphore(%run_scoped3A : memref<!tpu.dma_semaphore, #tpu.memory_space<semaphore_mem>>) src(%arg17 : memref<40x128xf32, #tpu.memory_space<vmem>>) dst(%dma_wait3A_102 : memref<40x128xf32, #tpu.memory_space<vmem_shared>>)
      tpu.yield
    }) : () -> ()
    %add3A_24 = arith.constant 240 : i32
    %add3A_25 = arith.addi %mul3A_9, %add3A_24 : i32
    "tpu.region"() ({
      %run_scoped3A = tpu.sem_alloc : memref<!tpu.dma_semaphore, #tpu.memory_space<semaphore_mem>>
      %dma_start3A_95 = arith.constant 0 : i32
      %dma_start3A_96 = tpu.memref_slice %arg19[%add3A_25, %dma_start3A_95] : memref<10000x128xf32, #tpu.memory_space<vmem_shared>> -> memref<40x128xf32, #tpu.memory_space<vmem_shared>>
      %dma_start3A_97 = arith.constant 0 : i32
      %dma_start3A_98 = tpu.memref_slice %arg19[%add3A_25, %dma_start3A_97] : memref<10000x128xf32, #tpu.memory_space<vmem_shared>> -> memref<40x128xf32, #tpu.memory_space<vmem_shared>>
      tpu.enqueue_dma source(%arg17 : memref<40x128xf32, #tpu.memory_space<vmem>>) target(%dma_start3A_98 : memref<40x128xf32, #tpu.memory_space<vmem_shared>>) target_semaphore(%run_scoped3A : memref<!tpu.dma_semaphore, #tpu.memory_space<semaphore_mem>>)
      %dma_wait3A_99 = arith.constant 0 : i32
      %dma_wait3A_100 = tpu.memref_slice %arg19[%add3A_25, %dma_wait3A_99] : memref<10000x128xf32, #tpu.memory_space<vmem_shared>> -> memref<40x128xf32, #tpu.memory_space<vmem_shared>>
      %dma_wait3A_101 = arith.constant 0 : i32
      %dma_wait3A_102 = tpu.memref_slice %arg19[%add3A_25, %dma_wait3A_101] : memref<10000x128xf32, #tpu.memory_space<vmem_shared>> -> memref<40x128xf32, #tpu.memory_space<vmem_shared>>
      tpu.wait_dma2 semaphore(%run_scoped3A : memref<!tpu.dma_semaphore, #tpu.memory_space<semaphore_mem>>) src(%arg17 : memref<40x128xf32, #tpu.memory_space<vmem>>) dst(%dma_wait3A_102 : memref<40x128xf32, #tpu.memory_space<vmem_shared>>)
      tpu.yield
    }) : () -> ()
    %add3A_26 = arith.constant 280 : i32
    %add3A_27 = arith.addi %mul3A_9, %add3A_26 : i32
    "tpu.region"() ({
      %run_scoped3A = tpu.sem_alloc : memref<!tpu.dma_semaphore, #tpu.memory_space<semaphore_mem>>
      %dma_start3A_95 = arith.constant 0 : i32
      %dma_start3A_96 = tpu.memref_slice %arg19[%add3A_27, %dma_start3A_95] : memref<10000x128xf32, #tpu.memory_space<vmem_shared>> -> memref<40x128xf32, #tpu.memory_space<vmem_shared>>
      %dma_start3A_97 = arith.constant 0 : i32
      %dma_start3A_98 = tpu.memref_slice %arg19[%add3A_27, %dma_start3A_97] : memref<10000x128xf32, #tpu.memory_space<vmem_shared>> -> memref<40x128xf32, #tpu.memory_space<vmem_shared>>
      tpu.enqueue_dma source(%arg17 : memref<40x128xf32, #tpu.memory_space<vmem>>) target(%dma_start3A_98 : memref<40x128xf32, #tpu.memory_space<vmem_shared>>) target_semaphore(%run_scoped3A : memref<!tpu.dma_semaphore, #tpu.memory_space<semaphore_mem>>)
      %dma_wait3A_99 = arith.constant 0 : i32
      %dma_wait3A_100 = tpu.memref_slice %arg19[%add3A_27, %dma_wait3A_99] : memref<10000x128xf32, #tpu.memory_space<vmem_shared>> -> memref<40x128xf32, #tpu.memory_space<vmem_shared>>
      %dma_wait3A_101 = arith.constant 0 : i32
      %dma_wait3A_102 = tpu.memref_slice %arg19[%add3A_27, %dma_wait3A_101] : memref<10000x128xf32, #tpu.memory_space<vmem_shared>> -> memref<40x128xf32, #tpu.memory_space<vmem_shared>>
      tpu.wait_dma2 semaphore(%run_scoped3A : memref<!tpu.dma_semaphore, #tpu.memory_space<semaphore_mem>>) src(%arg17 : memref<40x128xf32, #tpu.memory_space<vmem>>) dst(%dma_wait3A_102 : memref<40x128xf32, #tpu.memory_space<vmem_shared>>)
      tpu.yield
    }) : () -> ()
    %add3A_28 = arith.constant 320 : i32
    %add3A_29 = arith.addi %mul3A_9, %add3A_28 : i32
    "tpu.region"() ({
      %run_scoped3A = tpu.sem_alloc : memref<!tpu.dma_semaphore, #tpu.memory_space<semaphore_mem>>
      %dma_start3A_95 = arith.constant 0 : i32
      %dma_start3A_96 = tpu.memref_slice %arg19[%add3A_29, %dma_start3A_95] : memref<10000x128xf32, #tpu.memory_space<vmem_shared>> -> memref<40x128xf32, #tpu.memory_space<vmem_shared>>
      %dma_start3A_97 = arith.constant 0 : i32
      %dma_start3A_98 = tpu.memref_slice %arg19[%add3A_29, %dma_start3A_97] : memref<10000x128xf32, #tpu.memory_space<vmem_shared>> -> memref<40x128xf32, #tpu.memory_space<vmem_shared>>
      tpu.enqueue_dma source(%arg17 : memref<40x128xf32, #tpu.memory_space<vmem>>) target(%dma_start3A_98 : memref<40x128xf32, #tpu.memory_space<vmem_shared>>) target_semaphore(%run_scoped3A : memref<!tpu.dma_semaphore, #tpu.memory_space<semaphore_mem>>)
      %dma_wait3A_99 = arith.constant 0 : i32
      %dma_wait3A_100 = tpu.memref_slice %arg19[%add3A_29, %dma_wait3A_99] : memref<10000x128xf32, #tpu.memory_space<vmem_shared>> -> memref<40x128xf32, #tpu.memory_space<vmem_shared>>
      %dma_wait3A_101 = arith.constant 0 : i32
      %dma_wait3A_102 = tpu.memref_slice %arg19[%add3A_29, %dma_wait3A_101] : memref<10000x128xf32, #tpu.memory_space<vmem_shared>> -> memref<40x128xf32, #tpu.memory_space<vmem_shared>>
      tpu.wait_dma2 semaphore(%run_scoped3A : memref<!tpu.dma_semaphore, #tpu.memory_space<semaphore_mem>>) src(%arg17 : memref<40x128xf32, #tpu.memory_space<vmem>>) dst(%dma_wait3A_102 : memref<40x128xf32, #tpu.memory_space<vmem_shared>>)
      tpu.yield
    }) : () -> ()
    %add3A_30 = arith.constant 360 : i32
    %add3A_31 = arith.addi %mul3A_9, %add3A_30 : i32
    "tpu.region"() ({
      %run_scoped3A = tpu.sem_alloc : memref<!tpu.dma_semaphore, #tpu.memory_space<semaphore_mem>>
      %dma_start3A_95 = arith.constant 0 : i32
      %dma_start3A_96 = tpu.memref_slice %arg19[%add3A_31, %dma_start3A_95] : memref<10000x128xf32, #tpu.memory_space<vmem_shared>> -> memref<40x128xf32, #tpu.memory_space<vmem_shared>>
      %dma_start3A_97 = arith.constant 0 : i32
      %dma_start3A_98 = tpu.memref_slice %arg19[%add3A_31, %dma_start3A_97] : memref<10000x128xf32, #tpu.memory_space<vmem_shared>> -> memref<40x128xf32, #tpu.memory_space<vmem_shared>>
      tpu.enqueue_dma source(%arg17 : memref<40x128xf32, #tpu.memory_space<vmem>>) target(%dma_start3A_98 : memref<40x128xf32, #tpu.memory_space<vmem_shared>>) target_semaphore(%run_scoped3A : memref<!tpu.dma_semaphore, #tpu.memory_space<semaphore_mem>>)
      %dma_wait3A_99 = arith.constant 0 : i32
      %dma_wait3A_100 = tpu.memref_slice %arg19[%add3A_31, %dma_wait3A_99] : memref<10000x128xf32, #tpu.memory_space<vmem_shared>> -> memref<40x128xf32, #tpu.memory_space<vmem_shared>>
      %dma_wait3A_101 = arith.constant 0 : i32
      %dma_wait3A_102 = tpu.memref_slice %arg19[%add3A_31, %dma_wait3A_101] : memref<10000x128xf32, #tpu.memory_space<vmem_shared>> -> memref<40x128xf32, #tpu.memory_space<vmem_shared>>
      tpu.wait_dma2 semaphore(%run_scoped3A : memref<!tpu.dma_semaphore, #tpu.memory_space<semaphore_mem>>) src(%arg17 : memref<40x128xf32, #tpu.memory_space<vmem>>) dst(%dma_wait3A_102 : memref<40x128xf32, #tpu.memory_space<vmem_shared>>)
      tpu.yield
    }) : () -> ()
    %add3A_32 = arith.constant 400 : i32
    %add3A_33 = arith.addi %mul3A_9, %add3A_32 : i32
    "tpu.region"() ({
      %run_scoped3A = tpu.sem_alloc : memref<!tpu.dma_semaphore, #tpu.memory_space<semaphore_mem>>
      %dma_start3A_95 = arith.constant 0 : i32
      %dma_start3A_96 = tpu.memref_slice %arg19[%add3A_33, %dma_start3A_95] : memref<10000x128xf32, #tpu.memory_space<vmem_shared>> -> memref<40x128xf32, #tpu.memory_space<vmem_shared>>
      %dma_start3A_97 = arith.constant 0 : i32
      %dma_start3A_98 = tpu.memref_slice %arg19[%add3A_33, %dma_start3A_97] : memref<10000x128xf32, #tpu.memory_space<vmem_shared>> -> memref<40x128xf32, #tpu.memory_space<vmem_shared>>
      tpu.enqueue_dma source(%arg17 : memref<40x128xf32, #tpu.memory_space<vmem>>) target(%dma_start3A_98 : memref<40x128xf32, #tpu.memory_space<vmem_shared>>) target_semaphore(%run_scoped3A : memref<!tpu.dma_semaphore, #tpu.memory_space<semaphore_mem>>)
      %dma_wait3A_99 = arith.constant 0 : i32
      %dma_wait3A_100 = tpu.memref_slice %arg19[%add3A_33, %dma_wait3A_99] : memref<10000x128xf32, #tpu.memory_space<vmem_shared>> -> memref<40x128xf32, #tpu.memory_space<vmem_shared>>
      %dma_wait3A_101 = arith.constant 0 : i32
      %dma_wait3A_102 = tpu.memref_slice %arg19[%add3A_33, %dma_wait3A_101] : memref<10000x128xf32, #tpu.memory_space<vmem_shared>> -> memref<40x128xf32, #tpu.memory_space<vmem_shared>>
      tpu.wait_dma2 semaphore(%run_scoped3A : memref<!tpu.dma_semaphore, #tpu.memory_space<semaphore_mem>>) src(%arg17 : memref<40x128xf32, #tpu.memory_space<vmem>>) dst(%dma_wait3A_102 : memref<40x128xf32, #tpu.memory_space<vmem_shared>>)
      tpu.yield
    }) : () -> ()
    %add3A_34 = arith.constant 440 : i32
    %add3A_35 = arith.addi %mul3A_9, %add3A_34 : i32
    "tpu.region"() ({
      %run_scoped3A = tpu.sem_alloc : memref<!tpu.dma_semaphore, #tpu.memory_space<semaphore_mem>>
      %dma_start3A_95 = arith.constant 0 : i32
      %dma_start3A_96 = tpu.memref_slice %arg19[%add3A_35, %dma_start3A_95] : memref<10000x128xf32, #tpu.memory_space<vmem_shared>> -> memref<40x128xf32, #tpu.memory_space<vmem_shared>>
      %dma_start3A_97 = arith.constant 0 : i32
      %dma_start3A_98 = tpu.memref_slice %arg19[%add3A_35, %dma_start3A_97] : memref<10000x128xf32, #tpu.memory_space<vmem_shared>> -> memref<40x128xf32, #tpu.memory_space<vmem_shared>>
      tpu.enqueue_dma source(%arg17 : memref<40x128xf32, #tpu.memory_space<vmem>>) target(%dma_start3A_98 : memref<40x128xf32, #tpu.memory_space<vmem_shared>>) target_semaphore(%run_scoped3A : memref<!tpu.dma_semaphore, #tpu.memory_space<semaphore_mem>>)
      %dma_wait3A_99 = arith.constant 0 : i32
      %dma_wait3A_100 = tpu.memref_slice %arg19[%add3A_35, %dma_wait3A_99] : memref<10000x128xf32, #tpu.memory_space<vmem_shared>> -> memref<40x128xf32, #tpu.memory_space<vmem_shared>>
      %dma_wait3A_101 = arith.constant 0 : i32
      %dma_wait3A_102 = tpu.memref_slice %arg19[%add3A_35, %dma_wait3A_101] : memref<10000x128xf32, #tpu.memory_space<vmem_shared>> -> memref<40x128xf32, #tpu.memory_space<vmem_shared>>
      tpu.wait_dma2 semaphore(%run_scoped3A : memref<!tpu.dma_semaphore, #tpu.memory_space<semaphore_mem>>) src(%arg17 : memref<40x128xf32, #tpu.memory_space<vmem>>) dst(%dma_wait3A_102 : memref<40x128xf32, #tpu.memory_space<vmem_shared>>)
      tpu.yield
    }) : () -> ()
    %add3A_36 = arith.constant 480 : i32
    %add3A_37 = arith.addi %mul3A_9, %add3A_36 : i32
    "tpu.region"() ({
      %run_scoped3A = tpu.sem_alloc : memref<!tpu.dma_semaphore, #tpu.memory_space<semaphore_mem>>
      %dma_start3A_95 = arith.constant 0 : i32
      %dma_start3A_96 = tpu.memref_slice %arg19[%add3A_37, %dma_start3A_95] : memref<10000x128xf32, #tpu.memory_space<vmem_shared>> -> memref<40x128xf32, #tpu.memory_space<vmem_shared>>
      %dma_start3A_97 = arith.constant 0 : i32
      %dma_start3A_98 = tpu.memref_slice %arg19[%add3A_37, %dma_start3A_97] : memref<10000x128xf32, #tpu.memory_space<vmem_shared>> -> memref<40x128xf32, #tpu.memory_space<vmem_shared>>
      tpu.enqueue_dma source(%arg17 : memref<40x128xf32, #tpu.memory_space<vmem>>) target(%dma_start3A_98 : memref<40x128xf32, #tpu.memory_space<vmem_shared>>) target_semaphore(%run_scoped3A : memref<!tpu.dma_semaphore, #tpu.memory_space<semaphore_mem>>)
      %dma_wait3A_99 = arith.constant 0 : i32
      %dma_wait3A_100 = tpu.memref_slice %arg19[%add3A_37, %dma_wait3A_99] : memref<10000x128xf32, #tpu.memory_space<vmem_shared>> -> memref<40x128xf32, #tpu.memory_space<vmem_shared>>
      %dma_wait3A_101 = arith.constant 0 : i32
      %dma_wait3A_102 = tpu.memref_slice %arg19[%add3A_37, %dma_wait3A_101] : memref<10000x128xf32, #tpu.memory_space<vmem_shared>> -> memref<40x128xf32, #tpu.memory_space<vmem_shared>>
      tpu.wait_dma2 semaphore(%run_scoped3A : memref<!tpu.dma_semaphore, #tpu.memory_space<semaphore_mem>>) src(%arg17 : memref<40x128xf32, #tpu.memory_space<vmem>>) dst(%dma_wait3A_102 : memref<40x128xf32, #tpu.memory_space<vmem_shared>>)
      tpu.yield
    }) : () -> ()
    %add3A_38 = arith.constant 520 : i32
    %add3A_39 = arith.addi %mul3A_9, %add3A_38 : i32
    "tpu.region"() ({
      %run_scoped3A = tpu.sem_alloc : memref<!tpu.dma_semaphore, #tpu.memory_space<semaphore_mem>>
      %dma_start3A_95 = arith.constant 0 : i32
      %dma_start3A_96 = tpu.memref_slice %arg19[%add3A_39, %dma_start3A_95] : memref<10000x128xf32, #tpu.memory_space<vmem_shared>> -> memref<40x128xf32, #tpu.memory_space<vmem_shared>>
      %dma_start3A_97 = arith.constant 0 : i32
      %dma_start3A_98 = tpu.memref_slice %arg19[%add3A_39, %dma_start3A_97] : memref<10000x128xf32, #tpu.memory_space<vmem_shared>> -> memref<40x128xf32, #tpu.memory_space<vmem_shared>>
      tpu.enqueue_dma source(%arg17 : memref<40x128xf32, #tpu.memory_space<vmem>>) target(%dma_start3A_98 : memref<40x128xf32, #tpu.memory_space<vmem_shared>>) target_semaphore(%run_scoped3A : memref<!tpu.dma_semaphore, #tpu.memory_space<semaphore_mem>>)
      %dma_wait3A_99 = arith.constant 0 : i32
      %dma_wait3A_100 = tpu.memref_slice %arg19[%add3A_39, %dma_wait3A_99] : memref<10000x128xf32, #tpu.memory_space<vmem_shared>> -> memref<40x128xf32, #tpu.memory_space<vmem_shared>>
      %dma_wait3A_101 = arith.constant 0 : i32
      %dma_wait3A_102 = tpu.memref_slice %arg19[%add3A_39, %dma_wait3A_101] : memref<10000x128xf32, #tpu.memory_space<vmem_shared>> -> memref<40x128xf32, #tpu.memory_space<vmem_shared>>
      tpu.wait_dma2 semaphore(%run_scoped3A : memref<!tpu.dma_semaphore, #tpu.memory_space<semaphore_mem>>) src(%arg17 : memref<40x128xf32, #tpu.memory_space<vmem>>) dst(%dma_wait3A_102 : memref<40x128xf32, #tpu.memory_space<vmem_shared>>)
      tpu.yield
    }) : () -> ()
    %add3A_40 = arith.constant 560 : i32
    %add3A_41 = arith.addi %mul3A_9, %add3A_40 : i32
    "tpu.region"() ({
      %run_scoped3A = tpu.sem_alloc : memref<!tpu.dma_semaphore, #tpu.memory_space<semaphore_mem>>
      %dma_start3A_95 = arith.constant 0 : i32
      %dma_start3A_96 = tpu.memref_slice %arg19[%add3A_41, %dma_start3A_95] : memref<10000x128xf32, #tpu.memory_space<vmem_shared>> -> memref<40x128xf32, #tpu.memory_space<vmem_shared>>
      %dma_start3A_97 = arith.constant 0 : i32
      %dma_start3A_98 = tpu.memref_slice %arg19[%add3A_41, %dma_start3A_97] : memref<10000x128xf32, #tpu.memory_space<vmem_shared>> -> memref<40x128xf32, #tpu.memory_space<vmem_shared>>
      tpu.enqueue_dma source(%arg17 : memref<40x128xf32, #tpu.memory_space<vmem>>) target(%dma_start3A_98 : memref<40x128xf32, #tpu.memory_space<vmem_shared>>) target_semaphore(%run_scoped3A : memref<!tpu.dma_semaphore, #tpu.memory_space<semaphore_mem>>)
      %dma_wait3A_99 = arith.constant 0 : i32
      %dma_wait3A_100 = tpu.memref_slice %arg19[%add3A_41, %dma_wait3A_99] : memref<10000x128xf32, #tpu.memory_space<vmem_shared>> -> memref<40x128xf32, #tpu.memory_space<vmem_shared>>
      %dma_wait3A_101 = arith.constant 0 : i32
      %dma_wait3A_102 = tpu.memref_slice %arg19[%add3A_41, %dma_wait3A_101] : memref<10000x128xf32, #tpu.memory_space<vmem_shared>> -> memref<40x128xf32, #tpu.memory_space<vmem_shared>>
      tpu.wait_dma2 semaphore(%run_scoped3A : memref<!tpu.dma_semaphore, #tpu.memory_space<semaphore_mem>>) src(%arg17 : memref<40x128xf32, #tpu.memory_space<vmem>>) dst(%dma_wait3A_102 : memref<40x128xf32, #tpu.memory_space<vmem_shared>>)
      tpu.yield
    }) : () -> ()
    %add3A_42 = arith.constant 624 : i32
    %add3A_43 = arith.addi %mul3A_9, %add3A_42 : i32
    %sub3A = arith.constant 40 : i32
    %sub3A_44 = arith.subi %add3A_43, %sub3A : i32
    "tpu.region"() ({
      %run_scoped3A = tpu.sem_alloc : memref<!tpu.dma_semaphore, #tpu.memory_space<semaphore_mem>>
      %dma_start3A_95 = arith.constant 0 : i32
      %dma_start3A_96 = tpu.memref_slice %arg19[%sub3A_44, %dma_start3A_95] : memref<10000x128xf32, #tpu.memory_space<vmem_shared>> -> memref<40x128xf32, #tpu.memory_space<vmem_shared>>
      %dma_start3A_97 = arith.constant 0 : i32
      %dma_start3A_98 = tpu.memref_slice %arg19[%sub3A_44, %dma_start3A_97] : memref<10000x128xf32, #tpu.memory_space<vmem_shared>> -> memref<40x128xf32, #tpu.memory_space<vmem_shared>>
      tpu.enqueue_dma source(%arg17 : memref<40x128xf32, #tpu.memory_space<vmem>>) target(%dma_start3A_98 : memref<40x128xf32, #tpu.memory_space<vmem_shared>>) target_semaphore(%run_scoped3A : memref<!tpu.dma_semaphore, #tpu.memory_space<semaphore_mem>>)
      %dma_wait3A_99 = arith.constant 0 : i32
      %dma_wait3A_100 = tpu.memref_slice %arg19[%sub3A_44, %dma_wait3A_99] : memref<10000x128xf32, #tpu.memory_space<vmem_shared>> -> memref<40x128xf32, #tpu.memory_space<vmem_shared>>
      %dma_wait3A_101 = arith.constant 0 : i32
      %dma_wait3A_102 = tpu.memref_slice %arg19[%sub3A_44, %dma_wait3A_101] : memref<10000x128xf32, #tpu.memory_space<vmem_shared>> -> memref<40x128xf32, #tpu.memory_space<vmem_shared>>
      tpu.wait_dma2 semaphore(%run_scoped3A : memref<!tpu.dma_semaphore, #tpu.memory_space<semaphore_mem>>) src(%arg17 : memref<40x128xf32, #tpu.memory_space<vmem>>) dst(%dma_wait3A_102 : memref<40x128xf32, #tpu.memory_space<vmem_shared>>)
      tpu.yield
    }) : () -> ()
    %lt3A = arith.constant 15 : i32
    %lt3A_45 = arith.cmpi slt, %arg1, %lt3A : i32
    %convert_element_type3A = arith.extui %lt3A_45 : i1 to i32
    %cond3A = arith.constant 0 : i32
    %cond3A_46 = arith.cmpi ne, %convert_element_type3A, %cond3A : i32
    scf.if %cond3A_46 {
      "tpu.region"() ({
        %run_scoped3A = tpu.sem_alloc : memref<!tpu.dma_semaphore, #tpu.memory_space<semaphore_mem>>
        %dma_start3A_95 = arith.constant 0 : i32
        %dma_start3A_96 = tpu.memref_slice %arg20[%mul3A_11, %dma_start3A_95] : memref<625x128xf32, #tpu.memory_space<vmem_shared>> -> memref<40x128xf32, #tpu.memory_space<vmem_shared>>
        %dma_start3A_97 = arith.constant 0 : i32
        %dma_start3A_98 = tpu.memref_slice %arg20[%mul3A_11, %dma_start3A_97] : memref<625x128xf32, #tpu.memory_space<vmem_shared>> -> memref<40x128xf32, #tpu.memory_space<vmem_shared>>
        tpu.enqueue_dma source(%arg17 : memref<40x128xf32, #tpu.memory_space<vmem>>) target(%dma_start3A_98 : memref<40x128xf32, #tpu.memory_space<vmem_shared>>) target_semaphore(%run_scoped3A : memref<!tpu.dma_semaphore, #tpu.memory_space<semaphore_mem>>)
        %dma_wait3A_99 = arith.constant 0 : i32
        %dma_wait3A_100 = tpu.memref_slice %arg20[%mul3A_11, %dma_wait3A_99] : memref<625x128xf32, #tpu.memory_space<vmem_shared>> -> memref<40x128xf32, #tpu.memory_space<vmem_shared>>
        %dma_wait3A_101 = arith.constant 0 : i32
        %dma_wait3A_102 = tpu.memref_slice %arg20[%mul3A_11, %dma_wait3A_101] : memref<625x128xf32, #tpu.memory_space<vmem_shared>> -> memref<40x128xf32, #tpu.memory_space<vmem_shared>>
        tpu.wait_dma2 semaphore(%run_scoped3A : memref<!tpu.dma_semaphore, #tpu.memory_space<semaphore_mem>>) src(%arg17 : memref<40x128xf32, #tpu.memory_space<vmem>>) dst(%dma_wait3A_102 : memref<40x128xf32, #tpu.memory_space<vmem_shared>>)
        tpu.yield
      }) : () -> ()
    } else {
    }
    %eq3A = arith.constant 15 : i32
    %eq3A_47 = arith.cmpi eq, %arg1, %eq3A : i32
    %convert_element_type3A_48 = arith.extui %eq3A_47 : i1 to i32
    %cond3A_49 = arith.constant 0 : i32
    %cond3A_50 = arith.cmpi ne, %convert_element_type3A_48, %cond3A_49 : i32
    scf.if %cond3A_50 {
      "tpu.region"() ({
        %run_scoped3A = tpu.sem_alloc : memref<!tpu.dma_semaphore, #tpu.memory_space<semaphore_mem>>
        %dma_start3A_95 = arith.constant 9960 : i32
        %dma_start3A_96 = arith.constant 0 : i32
        %dma_start3A_97 = tpu.memref_slice %arg19[%dma_start3A_95, %dma_start3A_96] : memref<10000x128xf32, #tpu.memory_space<vmem_shared>> -> memref<40x128xf32, #tpu.memory_space<vmem_shared>>
        %dma_start3A_98 = arith.constant 9960 : i32
        %dma_start3A_99 = arith.constant 0 : i32
        %dma_start3A_100 = tpu.memref_slice %arg19[%dma_start3A_98, %dma_start3A_99] : memref<10000x128xf32, #tpu.memory_space<vmem_shared>> -> memref<40x128xf32, #tpu.memory_space<vmem_shared>>
        tpu.enqueue_dma source(%arg17 : memref<40x128xf32, #tpu.memory_space<vmem>>) target(%dma_start3A_100 : memref<40x128xf32, #tpu.memory_space<vmem_shared>>) target_semaphore(%run_scoped3A : memref<!tpu.dma_semaphore, #tpu.memory_space<semaphore_mem>>)
        %dma_wait3A_101 = arith.constant 9960 : i32
        %dma_wait3A_102 = arith.constant 0 : i32
        %dma_wait3A_103 = tpu.memref_slice %arg19[%dma_wait3A_101, %dma_wait3A_102] : memref<10000x128xf32, #tpu.memory_space<vmem_shared>> -> memref<40x128xf32, #tpu.memory_space<vmem_shared>>
        %dma_wait3A_104 = arith.constant 9960 : i32
        %dma_wait3A_105 = arith.constant 0 : i32
        %dma_wait3A_106 = tpu.memref_slice %arg19[%dma_wait3A_104, %dma_wait3A_105] : memref<10000x128xf32, #tpu.memory_space<vmem_shared>> -> memref<40x128xf32, #tpu.memory_space<vmem_shared>>
        tpu.wait_dma2 semaphore(%run_scoped3A : memref<!tpu.dma_semaphore, #tpu.memory_space<semaphore_mem>>) src(%arg17 : memref<40x128xf32, #tpu.memory_space<vmem>>) dst(%dma_wait3A_106 : memref<40x128xf32, #tpu.memory_space<vmem_shared>>)
        tpu.yield
      }) : () -> ()
      "tpu.region"() ({
        %run_scoped3A = tpu.sem_alloc : memref<!tpu.dma_semaphore, #tpu.memory_space<semaphore_mem>>
        %dma_start3A_95 = arith.constant 0 : i32
        %dma_start3A_96 = arith.constant 0 : i32
        %dma_start3A_97 = tpu.memref_slice %arg17[%dma_start3A_95, %dma_start3A_96] : memref<40x128xf32, #tpu.memory_space<vmem>> -> memref<25x128xf32, #tpu.memory_space<vmem>>
        %dma_start3A_98 = arith.constant 600 : i32
        %dma_start3A_99 = arith.constant 0 : i32
        %dma_start3A_100 = tpu.memref_slice %arg20[%dma_start3A_98, %dma_start3A_99] : memref<625x128xf32, #tpu.memory_space<vmem_shared>> -> memref<25x128xf32, #tpu.memory_space<vmem_shared>>
        %dma_start3A_101 = arith.constant 600 : i32
        %dma_start3A_102 = arith.constant 0 : i32
        %dma_start3A_103 = tpu.memref_slice %arg20[%dma_start3A_101, %dma_start3A_102] : memref<625x128xf32, #tpu.memory_space<vmem_shared>> -> memref<25x128xf32, #tpu.memory_space<vmem_shared>>
        %dma_start3A_104 = arith.constant 0 : i32
        %dma_start3A_105 = arith.constant 0 : i32
        %dma_start3A_106 = tpu.memref_slice %arg17[%dma_start3A_104, %dma_start3A_105] : memref<40x128xf32, #tpu.memory_space<vmem>> -> memref<25x128xf32, #tpu.memory_space<vmem>>
        tpu.enqueue_dma source(%dma_start3A_106 : memref<25x128xf32, #tpu.memory_space<vmem>>) target(%dma_start3A_103 : memref<25x128xf32, #tpu.memory_space<vmem_shared>>) target_semaphore(%run_scoped3A : memref<!tpu.dma_semaphore, #tpu.memory_space<semaphore_mem>>)
        %dma_wait3A_107 = arith.constant 0 : i32
        %dma_wait3A_108 = arith.constant 0 : i32
        %dma_wait3A_109 = tpu.memref_slice %arg17[%dma_wait3A_107, %dma_wait3A_108] : memref<40x128xf32, #tpu.memory_space<vmem>> -> memref<25x128xf32, #tpu.memory_space<vmem>>
        %dma_wait3A_110 = arith.constant 600 : i32
        %dma_wait3A_111 = arith.constant 0 : i32
        %dma_wait3A_112 = tpu.memref_slice %arg20[%dma_wait3A_110, %dma_wait3A_111] : memref<625x128xf32, #tpu.memory_space<vmem_shared>> -> memref<25x128xf32, #tpu.memory_space<vmem_shared>>
        %dma_wait3A_113 = arith.constant 600 : i32
        %dma_wait3A_114 = arith.constant 0 : i32
        %dma_wait3A_115 = tpu.memref_slice %arg20[%dma_wait3A_113, %dma_wait3A_114] : memref<625x128xf32, #tpu.memory_space<vmem_shared>> -> memref<25x128xf32, #tpu.memory_space<vmem_shared>>
        %dma_wait3A_116 = arith.constant 0 : i32
        %dma_wait3A_117 = arith.constant 0 : i32
        %dma_wait3A_118 = tpu.memref_slice %arg17[%dma_wait3A_116, %dma_wait3A_117] : memref<40x128xf32, #tpu.memory_space<vmem>> -> memref<25x128xf32, #tpu.memory_space<vmem>>
        tpu.wait_dma2 semaphore(%run_scoped3A : memref<!tpu.dma_semaphore, #tpu.memory_space<semaphore_mem>>) src(%dma_wait3A_118 : memref<25x128xf32, #tpu.memory_space<vmem>>) dst(%dma_wait3A_115 : memref<25x128xf32, #tpu.memory_space<vmem_shared>>)
        tpu.yield
      }) : () -> ()
    } else {
    }
    %barrier3A = arith.constant 0 : index
    tpu.barrier barrier_id(%barrier3A)
    %iota3A = tpu.iota {dimensions = array<i32: 0>} : vector<16xi32>
    %xor3A = arith.constant 8 : i32
    %xor3A_51 = vector.broadcast %xor3A : i32 to vector<16xi32>
    %xor3A_52 = arith.xori %iota3A, %xor3A_51 : vector<16xi32>
    %shift_right_logical3A = arith.constant 3 : i32
    %shift_right_logical3A_53 = vector.broadcast %shift_right_logical3A : i32 to vector<16xi32>
    %shift_right_logical3A_54 = arith.shrui %iota3A, %shift_right_logical3A_53 : vector<16xi32>
    %mul3A_55 = arith.constant 10000 : i32
    %mul3A_56 = arith.muli %add3A, %mul3A_55 : i32
    %add3A_57 = arith.constant 0 : i32
    %add3A_58 = arith.addi %mul3A_56, %add3A_57 : i32
    %dma_start3A = tpu.memref_slice %arg4[%add3A_58] : memref<320000xi32, #tpu.memory_space<hbm>> -> memref<40xi32, #tpu.memory_space<hbm>>
    %dma_start3A_59 = tpu.memref_slice %arg4[%add3A_58] : memref<320000xi32, #tpu.memory_space<hbm>> -> memref<40xi32, #tpu.memory_space<hbm>>
    tpu.enqueue_dma source(%dma_start3A_59 : memref<40xi32, #tpu.memory_space<hbm>>) target(%arg8 : memref<40xi32, #tpu.memory_space<vmem>>) target_semaphore(%arg21 : memref<!tpu.dma_semaphore, #tpu.memory_space<semaphore_mem>>)
    %dma_start3A_60 = tpu.memref_slice %arg5[%add3A_58] : memref<320000xi32, #tpu.memory_space<hbm>> -> memref<40xi32, #tpu.memory_space<hbm>>
    %dma_start3A_61 = tpu.memref_slice %arg5[%add3A_58] : memref<320000xi32, #tpu.memory_space<hbm>> -> memref<40xi32, #tpu.memory_space<hbm>>
    tpu.enqueue_dma source(%dma_start3A_61 : memref<40xi32, #tpu.memory_space<hbm>>) target(%arg10 : memref<40xi32, #tpu.memory_space<vmem>>) target_semaphore(%arg23 : memref<!tpu.dma_semaphore, #tpu.memory_space<semaphore_mem>>)
    %dma_wait3A = tpu.memref_slice %arg4[%add3A_58] : memref<320000xi32, #tpu.memory_space<hbm>> -> memref<40xi32, #tpu.memory_space<hbm>>
    %dma_wait3A_62 = tpu.memref_slice %arg4[%add3A_58] : memref<320000xi32, #tpu.memory_space<hbm>> -> memref<40xi32, #tpu.memory_space<hbm>>
    tpu.wait_dma2 semaphore(%arg21 : memref<!tpu.dma_semaphore, #tpu.memory_space<semaphore_mem>>) src(%dma_wait3A_62 : memref<40xi32, #tpu.memory_space<hbm>>) dst(%arg8 : memref<40xi32, #tpu.memory_space<vmem>>)
    %dma_wait3A_63 = tpu.memref_slice %arg5[%add3A_58] : memref<320000xi32, #tpu.memory_space<hbm>> -> memref<40xi32, #tpu.memory_space<hbm>>
    %dma_wait3A_64 = tpu.memref_slice %arg5[%add3A_58] : memref<320000xi32, #tpu.memory_space<hbm>> -> memref<40xi32, #tpu.memory_space<hbm>>
    tpu.wait_dma2 semaphore(%arg23 : memref<!tpu.dma_semaphore, #tpu.memory_space<semaphore_mem>>) src(%dma_wait3A_64 : memref<40xi32, #tpu.memory_space<hbm>>) dst(%arg10 : memref<40xi32, #tpu.memory_space<vmem>>)
    %dma_start3A_65 = arith.constant 0 : i32
    %dma_start3A_66 = arith.constant 0 : i32
    %dma_start3A_67 = tpu.memref_slice %arg3[%dma_start3A_65, %dma_start3A_66] : memref<10000x256xf32, #tpu.memory_space<hbm>> -> memref<10000x256xf32, #tpu.memory_space<hbm>>
    tpu.enqueue_indirect_dma source(%dma_start3A_67 : memref<10000x256xf32, #tpu.memory_space<hbm>>) target(%arg15 : memref<40x256xf32, #tpu.memory_space<vmem>>) offsets(%arg8 : memref<40xi32, #tpu.memory_space<vmem>>) semaphore(%arg27 : memref<!tpu.dma_semaphore, #tpu.memory_space<semaphore_mem>>)
    %dma_start3A_68 = arith.constant 0 : i32
    %dma_start3A_69 = arith.constant 0 : i32
    %dma_start3A_70 = tpu.memref_slice %arg2[%dma_start3A_68, %dma_start3A_69] : memref<10000x128xf32, #tpu.memory_space<hbm>> -> memref<10000x128xf32, #tpu.memory_space<hbm>>
    tpu.enqueue_indirect_dma source(%dma_start3A_70 : memref<10000x128xf32, #tpu.memory_space<hbm>>) target(%arg13 : memref<40x128xf32, #tpu.memory_space<vmem>>) offsets(%arg10 : memref<40xi32, #tpu.memory_space<vmem>>) semaphore(%arg25 : memref<!tpu.dma_semaphore, #tpu.memory_space<semaphore_mem>>)
    %add3A_71 = arith.constant 40 : i32
    %add3A_72 = arith.addi %mul3A_56, %add3A_71 : i32
    %dma_start3A_73 = tpu.memref_slice %arg4[%add3A_72] : memref<320000xi32, #tpu.memory_space<hbm>> -> memref<40xi32, #tpu.memory_space<hbm>>
    %dma_start3A_74 = tpu.memref_slice %arg4[%add3A_72] : memref<320000xi32, #tpu.memory_space<hbm>> -> memref<40xi32, #tpu.memory_space<hbm>>
    tpu.enqueue_dma source(%dma_start3A_74 : memref<40xi32, #tpu.memory_space<hbm>>) target(%arg9 : memref<40xi32, #tpu.memory_space<vmem>>) target_semaphore(%arg22 : memref<!tpu.dma_semaphore, #tpu.memory_space<semaphore_mem>>)
    %dma_start3A_75 = tpu.memref_slice %arg5[%add3A_72] : memref<320000xi32, #tpu.memory_space<hbm>> -> memref<40xi32, #tpu.memory_space<hbm>>
    %dma_start3A_76 = tpu.memref_slice %arg5[%add3A_72] : memref<320000xi32, #tpu.memory_space<hbm>> -> memref<40xi32, #tpu.memory_space<hbm>>
    tpu.enqueue_dma source(%dma_start3A_76 : memref<40xi32, #tpu.memory_space<hbm>>) target(%arg11 : memref<40xi32, #tpu.memory_space<vmem>>) target_semaphore(%arg24 : memref<!tpu.dma_semaphore, #tpu.memory_space<semaphore_mem>>)
    %scan3A_77 = arith.constant 0 : i32
    %scan3A_78 = arith.constant 0 : i32
    %scan3A_79 = arith.constant 125 : i32
    %scan3A_80 = arith.addi %scan3A_78, %scan3A_79 : i32
    %scan3A_81 = arith.constant 1 : i32
    %scan3A_82 = scf.for %scan3A_95 = %scan3A_78 to %scan3A_80 step %scan3A_81 iter_args(%scan3A_96 = %scan3A_77) -> (i32)  : i32 {
      %mul3A_97 = arith.constant 2 : i32
      %mul3A_98 = arith.muli %mul3A_97, %scan3A_95 : i32
      %add3A_99 = arith.constant 1 : i32
      %add3A_100 = arith.addi %mul3A_98, %add3A_99 : i32
      %lt3A_101 = arith.constant 250 : i32
      %lt3A_102 = arith.cmpi slt, %add3A_100, %lt3A_101 : i32
      %convert_element_type3A_103 = arith.extui %lt3A_102 : i1 to i32
      %cond3A_104 = arith.constant 0 : i32
      %cond3A_105 = arith.cmpi ne, %convert_element_type3A_103, %cond3A_104 : i32
      scf.if %cond3A_105 {
        %dma_wait3A_207 = arith.constant 0 : i32
        %dma_wait3A_208 = tpu.memref_slice %arg4[%dma_wait3A_207] : memref<320000xi32, #tpu.memory_space<hbm>> -> memref<40xi32, #tpu.memory_space<hbm>>
        %dma_wait3A_209 = arith.constant 0 : i32
        %dma_wait3A_210 = tpu.memref_slice %arg4[%dma_wait3A_209] : memref<320000xi32, #tpu.memory_space<hbm>> -> memref<40xi32, #tpu.memory_space<hbm>>
        tpu.wait_dma2 semaphore(%arg22 : memref<!tpu.dma_semaphore, #tpu.memory_space<semaphore_mem>>) src(%dma_wait3A_210 : memref<40xi32, #tpu.memory_space<hbm>>) dst(%arg9 : memref<40xi32, #tpu.memory_space<vmem>>)
        %dma_wait3A_211 = arith.constant 0 : i32
        %dma_wait3A_212 = tpu.memref_slice %arg5[%dma_wait3A_211] : memref<320000xi32, #tpu.memory_space<hbm>> -> memref<40xi32, #tpu.memory_space<hbm>>
        %dma_wait3A_213 = arith.constant 0 : i32
        %dma_wait3A_214 = tpu.memref_slice %arg5[%dma_wait3A_213] : memref<320000xi32, #tpu.memory_space<hbm>> -> memref<40xi32, #tpu.memory_space<hbm>>
        tpu.wait_dma2 semaphore(%arg24 : memref<!tpu.dma_semaphore, #tpu.memory_space<semaphore_mem>>) src(%dma_wait3A_214 : memref<40xi32, #tpu.memory_space<hbm>>) dst(%arg11 : memref<40xi32, #tpu.memory_space<vmem>>)
        %dma_start3A_215 = arith.constant 0 : i32
        %dma_start3A_216 = arith.constant 0 : i32
        %dma_start3A_217 = tpu.memref_slice %arg3[%dma_start3A_215, %dma_start3A_216] : memref<10000x256xf32, #tpu.memory_space<hbm>> -> memref<10000x256xf32, #tpu.memory_space<hbm>>
        tpu.enqueue_indirect_dma source(%dma_start3A_217 : memref<10000x256xf32, #tpu.memory_space<hbm>>) target(%arg16 : memref<40x256xf32, #tpu.memory_space<vmem>>) offsets(%arg9 : memref<40xi32, #tpu.memory_space<vmem>>) semaphore(%arg28 : memref<!tpu.dma_semaphore, #tpu.memory_space<semaphore_mem>>)
        %dma_start3A_218 = arith.constant 0 : i32
        %dma_start3A_219 = arith.constant 0 : i32
        %dma_start3A_220 = tpu.memref_slice %arg2[%dma_start3A_218, %dma_start3A_219] : memref<10000x128xf32, #tpu.memory_space<hbm>> -> memref<10000x128xf32, #tpu.memory_space<hbm>>
        tpu.enqueue_indirect_dma source(%dma_start3A_220 : memref<10000x128xf32, #tpu.memory_space<hbm>>) target(%arg14 : memref<40x128xf32, #tpu.memory_space<vmem>>) offsets(%arg11 : memref<40xi32, #tpu.memory_space<vmem>>) semaphore(%arg26 : memref<!tpu.dma_semaphore, #tpu.memory_space<semaphore_mem>>)
      } else {
      }
      %dma_wait3A_106 = arith.constant 0 : i32
      %dma_wait3A_107 = arith.constant 0 : i32
      %dma_wait3A_108 = tpu.memref_slice %arg3[%dma_wait3A_106, %dma_wait3A_107] : memref<10000x256xf32, #tpu.memory_space<hbm>> -> memref<10000x256xf32, #tpu.memory_space<hbm>>
      tpu.wait_indirect_dma semaphore(%arg27 : memref<!tpu.dma_semaphore, #tpu.memory_space<semaphore_mem>>) src(%dma_wait3A_108 : memref<10000x256xf32, #tpu.memory_space<hbm>>) dst(%arg15 : memref<40x256xf32, #tpu.memory_space<vmem>>)
      %dma_wait3A_109 = arith.constant 0 : i32
      %dma_wait3A_110 = arith.constant 0 : i32
      %dma_wait3A_111 = tpu.memref_slice %arg2[%dma_wait3A_109, %dma_wait3A_110] : memref<10000x128xf32, #tpu.memory_space<hbm>> -> memref<10000x128xf32, #tpu.memory_space<hbm>>
      tpu.wait_indirect_dma semaphore(%arg25 : memref<!tpu.dma_semaphore, #tpu.memory_space<semaphore_mem>>) src(%dma_wait3A_111 : memref<10000x128xf32, #tpu.memory_space<hbm>>) dst(%arg13 : memref<40x128xf32, #tpu.memory_space<vmem>>)
      %parallel_loop3A = arith.constant 0 : i32
      %parallel_loop3A_112 = arith.constant 40 : i32
      %parallel_loop3A_113 = arith.constant 1 : i32
      scf.for %parallel_loop3A_207 = %parallel_loop3A to %parallel_loop3A_112 step %parallel_loop3A_113  : i32 {
        %parallel_loop3A_208 = arith.index_cast %parallel_loop3A_207 : i32 to index
        %parallel_loop3A_209 = arith.constant 0 : index
        %parallel_loop3A_210 = tpu.vector_load %arg15[%parallel_loop3A_208, %parallel_loop3A_209] {strides = array<i32>} : memref<40x256xf32, #tpu.memory_space<vmem>>, vector<1x16xf32>,
        %parallel_loop3A_211 = vector.shape_cast %parallel_loop3A_210 : vector<1x16xf32> to vector<16xf32>
        %parallel_loop3A_212 = arith.index_cast %parallel_loop3A_207 : i32 to index
        %parallel_loop3A_213 = arith.constant 0 : index
        %parallel_loop3A_214 = tpu.vector_load %arg13[%parallel_loop3A_212, %parallel_loop3A_213] {strides = array<i32>} : memref<40x128xf32, #tpu.memory_space<vmem>>, vector<1x16xf32>,
        %parallel_loop3A_215 = vector.shape_cast %parallel_loop3A_214 : vector<1x16xf32> to vector<16xf32>
        %parallel_loop3A_216 = arith.mulf %parallel_loop3A_211, %parallel_loop3A_215 : vector<16xf32>
        %parallel_loop3A_217 = arith.index_cast %parallel_loop3A_207 : i32 to index
        %parallel_loop3A_218 = arith.constant 16 : index
        %parallel_loop3A_219 = tpu.vector_load %arg15[%parallel_loop3A_217, %parallel_loop3A_218] {strides = array<i32>} : memref<40x256xf32, #tpu.memory_space<vmem>>, vector<1x16xf32>,
        %parallel_loop3A_220 = vector.shape_cast %parallel_loop3A_219 : vector<1x16xf32> to vector<16xf32>
        %parallel_loop3A_221 = arith.index_cast %parallel_loop3A_207 : i32 to index
        %parallel_loop3A_222 = arith.constant 16 : index
        %parallel_loop3A_223 = tpu.vector_load %arg13[%parallel_loop3A_221, %parallel_loop3A_222] {strides = array<i32>} : memref<40x128xf32, #tpu.memory_space<vmem>>, vector<1x16xf32>,
        %parallel_loop3A_224 = vector.shape_cast %parallel_loop3A_223 : vector<1x16xf32> to vector<16xf32>
        %parallel_loop3A_225 = arith.mulf %parallel_loop3A_220, %parallel_loop3A_224 : vector<16xf32>
        %parallel_loop3A_226 = arith.addf %parallel_loop3A_216, %parallel_loop3A_225 : vector<16xf32>
        %parallel_loop3A_227 = arith.index_cast %parallel_loop3A_207 : i32 to index
        %parallel_loop3A_228 = arith.constant 32 : index
        %parallel_loop3A_229 = tpu.vector_load %arg15[%parallel_loop3A_227, %parallel_loop3A_228] {strides = array<i32>} : memref<40x256xf32, #tpu.memory_space<vmem>>, vector<1x16xf32>,
        %parallel_loop3A_230 = vector.shape_cast %parallel_loop3A_229 : vector<1x16xf32> to vector<16xf32>
        %parallel_loop3A_231 = arith.index_cast %parallel_loop3A_207 : i32 to index
        %parallel_loop3A_232 = arith.constant 32 : index
        %parallel_loop3A_233 = tpu.vector_load %arg13[%parallel_loop3A_231, %parallel_loop3A_232] {strides = array<i32>} : memref<40x128xf32, #tpu.memory_space<vmem>>, vector<1x16xf32>,
        %parallel_loop3A_234 = vector.shape_cast %parallel_loop3A_233 : vector<1x16xf32> to vector<16xf32>
        %parallel_loop3A_235 = arith.mulf %parallel_loop3A_230, %parallel_loop3A_234 : vector<16xf32>
        %parallel_loop3A_236 = arith.addf %parallel_loop3A_226, %parallel_loop3A_235 : vector<16xf32>
        %parallel_loop3A_237 = arith.index_cast %parallel_loop3A_207 : i32 to index
        %parallel_loop3A_238 = arith.constant 48 : index
        %parallel_loop3A_239 = tpu.vector_load %arg15[%parallel_loop3A_237, %parallel_loop3A_238] {strides = array<i32>} : memref<40x256xf32, #tpu.memory_space<vmem>>, vector<1x16xf32>,
        %parallel_loop3A_240 = vector.shape_cast %parallel_loop3A_239 : vector<1x16xf32> to vector<16xf32>
        %parallel_loop3A_241 = arith.index_cast %parallel_loop3A_207 : i32 to index
        %parallel_loop3A_242 = arith.constant 48 : index
        %parallel_loop3A_243 = tpu.vector_load %arg13[%parallel_loop3A_241, %parallel_loop3A_242] {strides = array<i32>} : memref<40x128xf32, #tpu.memory_space<vmem>>, vector<1x16xf32>,
        %parallel_loop3A_244 = vector.shape_cast %parallel_loop3A_243 : vector<1x16xf32> to vector<16xf32>
        %parallel_loop3A_245 = arith.mulf %parallel_loop3A_240, %parallel_loop3A_244 : vector<16xf32>
        %parallel_loop3A_246 = arith.addf %parallel_loop3A_236, %parallel_loop3A_245 : vector<16xf32>
        %parallel_loop3A_247 = arith.index_cast %parallel_loop3A_207 : i32 to index
        %parallel_loop3A_248 = arith.constant 64 : index
        %parallel_loop3A_249 = tpu.vector_load %arg15[%parallel_loop3A_247, %parallel_loop3A_248] {strides = array<i32>} : memref<40x256xf32, #tpu.memory_space<vmem>>, vector<1x16xf32>,
        %parallel_loop3A_250 = vector.shape_cast %parallel_loop3A_249 : vector<1x16xf32> to vector<16xf32>
        %parallel_loop3A_251 = arith.index_cast %parallel_loop3A_207 : i32 to index
        %parallel_loop3A_252 = arith.constant 64 : index
        %parallel_loop3A_253 = tpu.vector_load %arg13[%parallel_loop3A_251, %parallel_loop3A_252] {strides = array<i32>} : memref<40x128xf32, #tpu.memory_space<vmem>>, vector<1x16xf32>,
        %parallel_loop3A_254 = vector.shape_cast %parallel_loop3A_253 : vector<1x16xf32> to vector<16xf32>
        %parallel_loop3A_255 = arith.mulf %parallel_loop3A_250, %parallel_loop3A_254 : vector<16xf32>
        %parallel_loop3A_256 = arith.addf %parallel_loop3A_246, %parallel_loop3A_255 : vector<16xf32>
        %parallel_loop3A_257 = arith.index_cast %parallel_loop3A_207 : i32 to index
        %parallel_loop3A_258 = arith.constant 80 : index
        %parallel_loop3A_259 = tpu.vector_load %arg15[%parallel_loop3A_257, %parallel_loop3A_258] {strides = array<i32>} : memref<40x256xf32, #tpu.memory_space<vmem>>, vector<1x16xf32>,
        %parallel_loop3A_260 = vector.shape_cast %parallel_loop3A_259 : vector<1x16xf32> to vector<16xf32>
        %parallel_loop3A_261 = arith.index_cast %parallel_loop3A_207 : i32 to index
        %parallel_loop3A_262 = arith.constant 80 : index
        %parallel_loop3A_263 = tpu.vector_load %arg13[%parallel_loop3A_261, %parallel_loop3A_262] {strides = array<i32>} : memref<40x128xf32, #tpu.memory_space<vmem>>, vector<1x16xf32>,
        %parallel_loop3A_264 = vector.shape_cast %parallel_loop3A_263 : vector<1x16xf32> to vector<16xf32>
        %parallel_loop3A_265 = arith.mulf %parallel_loop3A_260, %parallel_loop3A_264 : vector<16xf32>
        %parallel_loop3A_266 = arith.addf %parallel_loop3A_256, %parallel_loop3A_265 : vector<16xf32>
        %parallel_loop3A_267 = arith.index_cast %parallel_loop3A_207 : i32 to index
        %parallel_loop3A_268 = arith.constant 96 : index
        %parallel_loop3A_269 = tpu.vector_load %arg15[%parallel_loop3A_267, %parallel_loop3A_268] {strides = array<i32>} : memref<40x256xf32, #tpu.memory_space<vmem>>, vector<1x16xf32>,
        %parallel_loop3A_270 = vector.shape_cast %parallel_loop3A_269 : vector<1x16xf32> to vector<16xf32>
        %parallel_loop3A_271 = arith.index_cast %parallel_loop3A_207 : i32 to index
        %parallel_loop3A_272 = arith.constant 96 : index
        %parallel_loop3A_273 = tpu.vector_load %arg13[%parallel_loop3A_271, %parallel_loop3A_272] {strides = array<i32>} : memref<40x128xf32, #tpu.memory_space<vmem>>, vector<1x16xf32>,
        %parallel_loop3A_274 = vector.shape_cast %parallel_loop3A_273 : vector<1x16xf32> to vector<16xf32>
        %parallel_loop3A_275 = arith.mulf %parallel_loop3A_270, %parallel_loop3A_274 : vector<16xf32>
        %parallel_loop3A_276 = arith.addf %parallel_loop3A_266, %parallel_loop3A_275 : vector<16xf32>
        %parallel_loop3A_277 = arith.index_cast %parallel_loop3A_207 : i32 to index
        %parallel_loop3A_278 = arith.constant 112 : index
        %parallel_loop3A_279 = tpu.vector_load %arg15[%parallel_loop3A_277, %parallel_loop3A_278] {strides = array<i32>} : memref<40x256xf32, #tpu.memory_space<vmem>>, vector<1x16xf32>,
        %parallel_loop3A_280 = vector.shape_cast %parallel_loop3A_279 : vector<1x16xf32> to vector<16xf32>
        %parallel_loop3A_281 = arith.index_cast %parallel_loop3A_207 : i32 to index
        %parallel_loop3A_282 = arith.constant 112 : index
        %parallel_loop3A_283 = tpu.vector_load %arg13[%parallel_loop3A_281, %parallel_loop3A_282] {strides = array<i32>} : memref<40x128xf32, #tpu.memory_space<vmem>>, vector<1x16xf32>,
        %parallel_loop3A_284 = vector.shape_cast %parallel_loop3A_283 : vector<1x16xf32> to vector<16xf32>
        %parallel_loop3A_285 = arith.mulf %parallel_loop3A_280, %parallel_loop3A_284 : vector<16xf32>
        %parallel_loop3A_286 = arith.addf %parallel_loop3A_276, %parallel_loop3A_285 : vector<16xf32>
        %parallel_loop3A_287 = arith.constant 0 : i32
        %parallel_loop3A_288 = vector.broadcast %parallel_loop3A_287 : i32 to vector<16xi32>
        %parallel_loop3A_289 = arith.cmpi slt, %xor3A_52, %parallel_loop3A_288 : vector<16xi32>
        %parallel_loop3A_290 = arith.constant 16 : i32
        %parallel_loop3A_291 = vector.broadcast %parallel_loop3A_290 : i32 to vector<16xi32>
        %parallel_loop3A_292 = arith.addi %xor3A_52, %parallel_loop3A_291 : vector<16xi32>
        %parallel_loop3A_293 = arith.select %parallel_loop3A_289, %parallel_loop3A_292, %xor3A_52 : vector<16xi1>, vector<16xi32>
        %parallel_loop3A_294 = vector.shape_cast %parallel_loop3A_293 : vector<16xi32> to vector<16x1xi32>
        %parallel_loop3A_295 = vector.shape_cast %parallel_loop3A_294 : vector<16x1xi32> to vector<16xi32>
        %parallel_loop3A_296 = tpu.dynamic_gather %parallel_loop3A_286[%parallel_loop3A_295] in [0] : vector<16xf32>, vector<16xi32> -> vector<16xf32>
        %parallel_loop3A_297 = arith.addf %parallel_loop3A_286, %parallel_loop3A_296 : vector<16xf32>
        %parallel_loop3A_298 = arith.constant 2.500000e-01 : f32
        %parallel_loop3A_299 = vector.broadcast %parallel_loop3A_298 : f32 to vector<16xf32>
        %parallel_loop3A_300 = arith.mulf %parallel_loop3A_297, %parallel_loop3A_299 : vector<16xf32>
        %parallel_loop3A_301 = arith.constant -5.000000e+00 : f32
        %parallel_loop3A_302 = arith.constant 5.000000e+00 : f32
        %parallel_loop3A_303 = vector.broadcast %parallel_loop3A_301 : f32 to vector<16xf32>
        %parallel_loop3A_304 = arith.maximumf %parallel_loop3A_303, %parallel_loop3A_300 : vector<16xf32>
        %parallel_loop3A_305 = vector.broadcast %parallel_loop3A_302 : f32 to vector<16xf32>
        %parallel_loop3A_306 = arith.minimumf %parallel_loop3A_305, %parallel_loop3A_304 : vector<16xf32>
        %parallel_loop3A_307 = math.exp %parallel_loop3A_306 : vector<16xf32>
        %parallel_loop3A_308 = arith.index_cast %parallel_loop3A_207 : i32 to index
        %parallel_loop3A_309 = arith.constant 128 : index
        %parallel_loop3A_310 = tpu.vector_load %arg15[%parallel_loop3A_308, %parallel_loop3A_309] {strides = array<i32>} : memref<40x256xf32, #tpu.memory_space<vmem>>, vector<1x16xf32>,
        %parallel_loop3A_311 = vector.shape_cast %parallel_loop3A_310 : vector<1x16xf32> to vector<16xf32>
        %parallel_loop3A_312 = arith.mulf %parallel_loop3A_311, %parallel_loop3A_307 : vector<16xf32>
        %parallel_loop3A_313 = arith.index_cast %parallel_loop3A_207 : i32 to index
        %parallel_loop3A_314 = arith.constant 0 : index
        %parallel_loop3A_315 = tpu.vector_load %arg17[%parallel_loop3A_313, %parallel_loop3A_314] {strides = array<i32>} : memref<40x128xf32, #tpu.memory_space<vmem>>, vector<1x16xf32>,
        %parallel_loop3A_316 = vector.shape_cast %parallel_loop3A_315 : vector<1x16xf32> to vector<16xf32>
        %parallel_loop3A_317 = vector.shape_cast %parallel_loop3A_312 : vector<16xf32> to vector<1x16xf32>
        tpu.vector_store %arg17[%parallel_loop3A_313, %parallel_loop3A_314], %parallel_loop3A_317 {strides = array<i32>} : memref<40x128xf32, #tpu.memory_space<vmem>>, vector<1x16xf32>,
        %parallel_loop3A_318 = arith.index_cast %parallel_loop3A_207 : i32 to index
        %parallel_loop3A_319 = arith.constant 144 : index
        %parallel_loop3A_320 = tpu.vector_load %arg15[%parallel_loop3A_318, %parallel_loop3A_319] {strides = array<i32>} : memref<40x256xf32, #tpu.memory_space<vmem>>, vector<1x16xf32>,
        %parallel_loop3A_321 = vector.shape_cast %parallel_loop3A_320 : vector<1x16xf32> to vector<16xf32>
        %parallel_loop3A_322 = arith.mulf %parallel_loop3A_321, %parallel_loop3A_307 : vector<16xf32>
        %parallel_loop3A_323 = arith.index_cast %parallel_loop3A_207 : i32 to index
        %parallel_loop3A_324 = arith.constant 16 : index
        %parallel_loop3A_325 = tpu.vector_load %arg17[%parallel_loop3A_323, %parallel_loop3A_324] {strides = array<i32>} : memref<40x128xf32, #tpu.memory_space<vmem>>, vector<1x16xf32>,
        %parallel_loop3A_326 = vector.shape_cast %parallel_loop3A_325 : vector<1x16xf32> to vector<16xf32>
        %parallel_loop3A_327 = vector.shape_cast %parallel_loop3A_322 : vector<16xf32> to vector<1x16xf32>
        tpu.vector_store %arg17[%parallel_loop3A_323, %parallel_loop3A_324], %parallel_loop3A_327 {strides = array<i32>} : memref<40x128xf32, #tpu.memory_space<vmem>>, vector<1x16xf32>,
        %parallel_loop3A_328 = arith.index_cast %parallel_loop3A_207 : i32 to index
        %parallel_loop3A_329 = arith.constant 160 : index
        %parallel_loop3A_330 = tpu.vector_load %arg15[%parallel_loop3A_328, %parallel_loop3A_329] {strides = array<i32>} : memref<40x256xf32, #tpu.memory_space<vmem>>, vector<1x16xf32>,
        %parallel_loop3A_331 = vector.shape_cast %parallel_loop3A_330 : vector<1x16xf32> to vector<16xf32>
        %parallel_loop3A_332 = arith.mulf %parallel_loop3A_331, %parallel_loop3A_307 : vector<16xf32>
        %parallel_loop3A_333 = arith.index_cast %parallel_loop3A_207 : i32 to index
        %parallel_loop3A_334 = arith.constant 32 : index
        %parallel_loop3A_335 = tpu.vector_load %arg17[%parallel_loop3A_333, %parallel_loop3A_334] {strides = array<i32>} : memref<40x128xf32, #tpu.memory_space<vmem>>, vector<1x16xf32>,
        %parallel_loop3A_336 = vector.shape_cast %parallel_loop3A_335 : vector<1x16xf32> to vector<16xf32>
        %parallel_loop3A_337 = vector.shape_cast %parallel_loop3A_332 : vector<16xf32> to vector<1x16xf32>
        tpu.vector_store %arg17[%parallel_loop3A_333, %parallel_loop3A_334], %parallel_loop3A_337 {strides = array<i32>} : memref<40x128xf32, #tpu.memory_space<vmem>>, vector<1x16xf32>,
        %parallel_loop3A_338 = arith.index_cast %parallel_loop3A_207 : i32 to index
        %parallel_loop3A_339 = arith.constant 176 : index
        %parallel_loop3A_340 = tpu.vector_load %arg15[%parallel_loop3A_338, %parallel_loop3A_339] {strides = array<i32>} : memref<40x256xf32, #tpu.memory_space<vmem>>, vector<1x16xf32>,
        %parallel_loop3A_341 = vector.shape_cast %parallel_loop3A_340 : vector<1x16xf32> to vector<16xf32>
        %parallel_loop3A_342 = arith.mulf %parallel_loop3A_341, %parallel_loop3A_307 : vector<16xf32>
        %parallel_loop3A_343 = arith.index_cast %parallel_loop3A_207 : i32 to index
        %parallel_loop3A_344 = arith.constant 48 : index
        %parallel_loop3A_345 = tpu.vector_load %arg17[%parallel_loop3A_343, %parallel_loop3A_344] {strides = array<i32>} : memref<40x128xf32, #tpu.memory_space<vmem>>, vector<1x16xf32>,
        %parallel_loop3A_346 = vector.shape_cast %parallel_loop3A_345 : vector<1x16xf32> to vector<16xf32>
        %parallel_loop3A_347 = vector.shape_cast %parallel_loop3A_342 : vector<16xf32> to vector<1x16xf32>
        tpu.vector_store %arg17[%parallel_loop3A_343, %parallel_loop3A_344], %parallel_loop3A_347 {strides = array<i32>} : memref<40x128xf32, #tpu.memory_space<vmem>>, vector<1x16xf32>,
        %parallel_loop3A_348 = arith.index_cast %parallel_loop3A_207 : i32 to index
        %parallel_loop3A_349 = arith.constant 192 : index
        %parallel_loop3A_350 = tpu.vector_load %arg15[%parallel_loop3A_348, %parallel_loop3A_349] {strides = array<i32>} : memref<40x256xf32, #tpu.memory_space<vmem>>, vector<1x16xf32>,
        %parallel_loop3A_351 = vector.shape_cast %parallel_loop3A_350 : vector<1x16xf32> to vector<16xf32>
        %parallel_loop3A_352 = arith.mulf %parallel_loop3A_351, %parallel_loop3A_307 : vector<16xf32>
        %parallel_loop3A_353 = arith.index_cast %parallel_loop3A_207 : i32 to index
        %parallel_loop3A_354 = arith.constant 64 : index
        %parallel_loop3A_355 = tpu.vector_load %arg17[%parallel_loop3A_353, %parallel_loop3A_354] {strides = array<i32>} : memref<40x128xf32, #tpu.memory_space<vmem>>, vector<1x16xf32>,
        %parallel_loop3A_356 = vector.shape_cast %parallel_loop3A_355 : vector<1x16xf32> to vector<16xf32>
        %parallel_loop3A_357 = vector.shape_cast %parallel_loop3A_352 : vector<16xf32> to vector<1x16xf32>
        tpu.vector_store %arg17[%parallel_loop3A_353, %parallel_loop3A_354], %parallel_loop3A_357 {strides = array<i32>} : memref<40x128xf32, #tpu.memory_space<vmem>>, vector<1x16xf32>,
        %parallel_loop3A_358 = arith.index_cast %parallel_loop3A_207 : i32 to index
        %parallel_loop3A_359 = arith.constant 208 : index
        %parallel_loop3A_360 = tpu.vector_load %arg15[%parallel_loop3A_358, %parallel_loop3A_359] {strides = array<i32>} : memref<40x256xf32, #tpu.memory_space<vmem>>, vector<1x16xf32>,
        %parallel_loop3A_361 = vector.shape_cast %parallel_loop3A_360 : vector<1x16xf32> to vector<16xf32>
        %parallel_loop3A_362 = arith.mulf %parallel_loop3A_361, %parallel_loop3A_307 : vector<16xf32>
        %parallel_loop3A_363 = arith.index_cast %parallel_loop3A_207 : i32 to index
        %parallel_loop3A_364 = arith.constant 80 : index
        %parallel_loop3A_365 = tpu.vector_load %arg17[%parallel_loop3A_363, %parallel_loop3A_364] {strides = array<i32>} : memref<40x128xf32, #tpu.memory_space<vmem>>, vector<1x16xf32>,
        %parallel_loop3A_366 = vector.shape_cast %parallel_loop3A_365 : vector<1x16xf32> to vector<16xf32>
        %parallel_loop3A_367 = vector.shape_cast %parallel_loop3A_362 : vector<16xf32> to vector<1x16xf32>
        tpu.vector_store %arg17[%parallel_loop3A_363, %parallel_loop3A_364], %parallel_loop3A_367 {strides = array<i32>} : memref<40x128xf32, #tpu.memory_space<vmem>>, vector<1x16xf32>,
        %parallel_loop3A_368 = arith.index_cast %parallel_loop3A_207 : i32 to index
        %parallel_loop3A_369 = arith.constant 224 : index
        %parallel_loop3A_370 = tpu.vector_load %arg15[%parallel_loop3A_368, %parallel_loop3A_369] {strides = array<i32>} : memref<40x256xf32, #tpu.memory_space<vmem>>, vector<1x16xf32>,
        %parallel_loop3A_371 = vector.shape_cast %parallel_loop3A_370 : vector<1x16xf32> to vector<16xf32>
        %parallel_loop3A_372 = arith.mulf %parallel_loop3A_371, %parallel_loop3A_307 : vector<16xf32>
        %parallel_loop3A_373 = arith.index_cast %parallel_loop3A_207 : i32 to index
        %parallel_loop3A_374 = arith.constant 96 : index
        %parallel_loop3A_375 = tpu.vector_load %arg17[%parallel_loop3A_373, %parallel_loop3A_374] {strides = array<i32>} : memref<40x128xf32, #tpu.memory_space<vmem>>, vector<1x16xf32>,
        %parallel_loop3A_376 = vector.shape_cast %parallel_loop3A_375 : vector<1x16xf32> to vector<16xf32>
        %parallel_loop3A_377 = vector.shape_cast %parallel_loop3A_372 : vector<16xf32> to vector<1x16xf32>
        tpu.vector_store %arg17[%parallel_loop3A_373, %parallel_loop3A_374], %parallel_loop3A_377 {strides = array<i32>} : memref<40x128xf32, #tpu.memory_space<vmem>>, vector<1x16xf32>,
        %parallel_loop3A_378 = arith.index_cast %parallel_loop3A_207 : i32 to index
        %parallel_loop3A_379 = arith.constant 240 : index
        %parallel_loop3A_380 = tpu.vector_load %arg15[%parallel_loop3A_378, %parallel_loop3A_379] {strides = array<i32>} : memref<40x256xf32, #tpu.memory_space<vmem>>, vector<1x16xf32>,
        %parallel_loop3A_381 = vector.shape_cast %parallel_loop3A_380 : vector<1x16xf32> to vector<16xf32>
        %parallel_loop3A_382 = arith.mulf %parallel_loop3A_381, %parallel_loop3A_307 : vector<16xf32>
        %parallel_loop3A_383 = arith.index_cast %parallel_loop3A_207 : i32 to index
        %parallel_loop3A_384 = arith.constant 112 : index
        %parallel_loop3A_385 = tpu.vector_load %arg17[%parallel_loop3A_383, %parallel_loop3A_384] {strides = array<i32>} : memref<40x128xf32, #tpu.memory_space<vmem>>, vector<1x16xf32>,
        %parallel_loop3A_386 = vector.shape_cast %parallel_loop3A_385 : vector<1x16xf32> to vector<16xf32>
        %parallel_loop3A_387 = vector.shape_cast %parallel_loop3A_382 : vector<16xf32> to vector<1x16xf32>
        tpu.vector_store %arg17[%parallel_loop3A_383, %parallel_loop3A_384], %parallel_loop3A_387 {strides = array<i32>} : memref<40x128xf32, #tpu.memory_space<vmem>>, vector<1x16xf32>,
        %parallel_loop3A_388 = arith.constant -16 : i32
        %parallel_loop3A_389 = arith.andi %parallel_loop3A_207, %parallel_loop3A_388 : i32
        %parallel_loop3A_390 = arith.index_cast %parallel_loop3A_389 : i32 to index
        %parallel_loop3A_391 = tpu.vector_load %arg10[%parallel_loop3A_390] {strides = array<i32>} : memref<40xi32, #tpu.memory_space<vmem>>, vector<16xi32>,
        %parallel_loop3A_392 = vector.shape_cast %parallel_loop3A_391 : vector<16xi32> to vector<16xi32>
        %parallel_loop3A_393 = arith.constant 15 : i32
        %parallel_loop3A_394 = arith.andi %parallel_loop3A_207, %parallel_loop3A_393 : i32
        %parallel_loop3A_395 = vector.broadcast %parallel_loop3A_394 : i32 to vector<16xi32>
        %parallel_loop3A_396 = arith.constant 0 : i32
        %parallel_loop3A_397 = vector.broadcast %parallel_loop3A_396 : i32 to vector<16xi32>
        %parallel_loop3A_398 = arith.cmpi slt, %parallel_loop3A_395, %parallel_loop3A_397 : vector<16xi32>
        %parallel_loop3A_399 = arith.constant 16 : i32
        %parallel_loop3A_400 = vector.broadcast %parallel_loop3A_399 : i32 to vector<16xi32>
        %parallel_loop3A_401 = arith.addi %parallel_loop3A_395, %parallel_loop3A_400 : vector<16xi32>
        %parallel_loop3A_402 = arith.select %parallel_loop3A_398, %parallel_loop3A_401, %parallel_loop3A_395 : vector<16xi1>, vector<16xi32>
        %parallel_loop3A_403 = vector.shape_cast %parallel_loop3A_402 : vector<16xi32> to vector<16x1xi32>
        %parallel_loop3A_404 = vector.shape_cast %parallel_loop3A_403 : vector<16x1xi32> to vector<16xi32>
        %parallel_loop3A_405 = tpu.dynamic_gather %parallel_loop3A_392[%parallel_loop3A_404] in [0] : vector<16xi32>, vector<16xi32> -> vector<16xi32>
        %parallel_loop3A_406 = arith.constant 15 : i32
        %parallel_loop3A_407 = vector.broadcast %parallel_loop3A_406 : i32 to vector<16xi32>
        %parallel_loop3A_408 = arith.andi %parallel_loop3A_405, %parallel_loop3A_407 : vector<16xi32>
        %parallel_loop3A_409 = arith.constant 1 : i32
        %parallel_loop3A_410 = vector.broadcast %parallel_loop3A_409 : i32 to vector<16xi32>
        %parallel_loop3A_411 = arith.constant 0 : i32
        %parallel_loop3A_412 = vector.broadcast %parallel_loop3A_411 : i32 to vector<16xi32>
        %parallel_loop3A_413 = arith.addi %shift_right_logical3A_54, %parallel_loop3A_412 : vector<16xi32>
        %parallel_loop3A_414 = arith.subi %parallel_loop3A_408, %parallel_loop3A_413 : vector<16xi32>
        %parallel_loop3A_415 = math.absi %parallel_loop3A_414 : vector<16xi32>
        %parallel_loop3A_416 = arith.subi %parallel_loop3A_410, %parallel_loop3A_415 : vector<16xi32>
        %parallel_loop3A_417 = arith.constant 0 : i32
        %parallel_loop3A_418 = vector.broadcast %parallel_loop3A_417 : i32 to vector<16xi32>
        %parallel_loop3A_419 = arith.maxsi %parallel_loop3A_416, %parallel_loop3A_418 : vector<16xi32>
        %parallel_loop3A_420 = arith.sitofp %parallel_loop3A_419 : vector<16xi32> to vector<16xf32>
        %parallel_loop3A_421 = arith.mulf %parallel_loop3A_307, %parallel_loop3A_420 : vector<16xf32>
        %parallel_loop3A_422 = arith.index_cast %parallel_loop3A_207 : i32 to index
        %parallel_loop3A_423 = arith.constant 0 : index
        %parallel_loop3A_424 = tpu.vector_load %arg18[%parallel_loop3A_422, %parallel_loop3A_423] {strides = array<i32>} : memref<40x128xf32, #tpu.memory_space<vmem>>, vector<1x16xf32>,
        %parallel_loop3A_425 = vector.shape_cast %parallel_loop3A_424 : vector<1x16xf32> to vector<16xf32>
        %parallel_loop3A_426 = vector.shape_cast %parallel_loop3A_421 : vector<16xf32> to vector<1x16xf32>
        tpu.vector_store %arg18[%parallel_loop3A_422, %parallel_loop3A_423], %parallel_loop3A_426 {strides = array<i32>} : memref<40x128xf32, #tpu.memory_space<vmem>>, vector<1x16xf32>,
        %parallel_loop3A_427 = arith.constant 2 : i32
        %parallel_loop3A_428 = vector.broadcast %parallel_loop3A_427 : i32 to vector<16xi32>
        %parallel_loop3A_429 = arith.addi %shift_right_logical3A_54, %parallel_loop3A_428 : vector<16xi32>
        %parallel_loop3A_430 = arith.subi %parallel_loop3A_408, %parallel_loop3A_429 : vector<16xi32>
        %parallel_loop3A_431 = math.absi %parallel_loop3A_430 : vector<16xi32>
        %parallel_loop3A_432 = arith.subi %parallel_loop3A_410, %parallel_loop3A_431 : vector<16xi32>
        %parallel_loop3A_433 = arith.constant 0 : i32
        %parallel_loop3A_434 = vector.broadcast %parallel_loop3A_433 : i32 to vector<16xi32>
        %parallel_loop3A_435 = arith.maxsi %parallel_loop3A_432, %parallel_loop3A_434 : vector<16xi32>
        %parallel_loop3A_436 = arith.sitofp %parallel_loop3A_435 : vector<16xi32> to vector<16xf32>
        %parallel_loop3A_437 = arith.mulf %parallel_loop3A_307, %parallel_loop3A_436 : vector<16xf32>
        %parallel_loop3A_438 = arith.index_cast %parallel_loop3A_207 : i32 to index
        %parallel_loop3A_439 = arith.constant 16 : index
        %parallel_loop3A_440 = tpu.vector_load %arg18[%parallel_loop3A_438, %parallel_loop3A_439] {strides = array<i32>} : memref<40x128xf32, #tpu.memory_space<vmem>>, vector<1x16xf32>,
        %parallel_loop3A_441 = vector.shape_cast %parallel_loop3A_440 : vector<1x16xf32> to vector<16xf32>
        %parallel_loop3A_442 = vector.shape_cast %parallel_loop3A_437 : vector<16xf32> to vector<1x16xf32>
        tpu.vector_store %arg18[%parallel_loop3A_438, %parallel_loop3A_439], %parallel_loop3A_442 {strides = array<i32>} : memref<40x128xf32, #tpu.memory_space<vmem>>, vector<1x16xf32>,
        %parallel_loop3A_443 = arith.constant 4 : i32
        %parallel_loop3A_444 = vector.broadcast %parallel_loop3A_443 : i32 to vector<16xi32>
        %parallel_loop3A_445 = arith.addi %shift_right_logical3A_54, %parallel_loop3A_444 : vector<16xi32>
        %parallel_loop3A_446 = arith.subi %parallel_loop3A_408, %parallel_loop3A_445 : vector<16xi32>
        %parallel_loop3A_447 = math.absi %parallel_loop3A_446 : vector<16xi32>
        %parallel_loop3A_448 = arith.subi %parallel_loop3A_410, %parallel_loop3A_447 : vector<16xi32>
        %parallel_loop3A_449 = arith.constant 0 : i32
        %parallel_loop3A_450 = vector.broadcast %parallel_loop3A_449 : i32 to vector<16xi32>
        %parallel_loop3A_451 = arith.maxsi %parallel_loop3A_448, %parallel_loop3A_450 : vector<16xi32>
        %parallel_loop3A_452 = arith.sitofp %parallel_loop3A_451 : vector<16xi32> to vector<16xf32>
        %parallel_loop3A_453 = arith.mulf %parallel_loop3A_307, %parallel_loop3A_452 : vector<16xf32>
        %parallel_loop3A_454 = arith.index_cast %parallel_loop3A_207 : i32 to index
        %parallel_loop3A_455 = arith.constant 32 : index
        %parallel_loop3A_456 = tpu.vector_load %arg18[%parallel_loop3A_454, %parallel_loop3A_455] {strides = array<i32>} : memref<40x128xf32, #tpu.memory_space<vmem>>, vector<1x16xf32>,
        %parallel_loop3A_457 = vector.shape_cast %parallel_loop3A_456 : vector<1x16xf32> to vector<16xf32>
        %parallel_loop3A_458 = vector.shape_cast %parallel_loop3A_453 : vector<16xf32> to vector<1x16xf32>
        tpu.vector_store %arg18[%parallel_loop3A_454, %parallel_loop3A_455], %parallel_loop3A_458 {strides = array<i32>} : memref<40x128xf32, #tpu.memory_space<vmem>>, vector<1x16xf32>,
        %parallel_loop3A_459 = arith.constant 6 : i32
        %parallel_loop3A_460 = vector.broadcast %parallel_loop3A_459 : i32 to vector<16xi32>
        %parallel_loop3A_461 = arith.addi %shift_right_logical3A_54, %parallel_loop3A_460 : vector<16xi32>
        %parallel_loop3A_462 = arith.subi %parallel_loop3A_408, %parallel_loop3A_461 : vector<16xi32>
        %parallel_loop3A_463 = math.absi %parallel_loop3A_462 : vector<16xi32>
        %parallel_loop3A_464 = arith.subi %parallel_loop3A_410, %parallel_loop3A_463 : vector<16xi32>
        %parallel_loop3A_465 = arith.constant 0 : i32
        %parallel_loop3A_466 = vector.broadcast %parallel_loop3A_465 : i32 to vector<16xi32>
        %parallel_loop3A_467 = arith.maxsi %parallel_loop3A_464, %parallel_loop3A_466 : vector<16xi32>
        %parallel_loop3A_468 = arith.sitofp %parallel_loop3A_467 : vector<16xi32> to vector<16xf32>
        %parallel_loop3A_469 = arith.mulf %parallel_loop3A_307, %parallel_loop3A_468 : vector<16xf32>
        %parallel_loop3A_470 = arith.index_cast %parallel_loop3A_207 : i32 to index
        %parallel_loop3A_471 = arith.constant 48 : index
        %parallel_loop3A_472 = tpu.vector_load %arg18[%parallel_loop3A_470, %parallel_loop3A_471] {strides = array<i32>} : memref<40x128xf32, #tpu.memory_space<vmem>>, vector<1x16xf32>,
        %parallel_loop3A_473 = vector.shape_cast %parallel_loop3A_472 : vector<1x16xf32> to vector<16xf32>
        %parallel_loop3A_474 = vector.shape_cast %parallel_loop3A_469 : vector<16xf32> to vector<1x16xf32>
        tpu.vector_store %arg18[%parallel_loop3A_470, %parallel_loop3A_471], %parallel_loop3A_474 {strides = array<i32>} : memref<40x128xf32, #tpu.memory_space<vmem>>, vector<1x16xf32>,
        %parallel_loop3A_475 = arith.constant 8 : i32
        %parallel_loop3A_476 = vector.broadcast %parallel_loop3A_475 : i32 to vector<16xi32>
        %parallel_loop3A_477 = arith.addi %shift_right_logical3A_54, %parallel_loop3A_476 : vector<16xi32>
        %parallel_loop3A_478 = arith.subi %parallel_loop3A_408, %parallel_loop3A_477 : vector<16xi32>
        %parallel_loop3A_479 = math.absi %parallel_loop3A_478 : vector<16xi32>
        %parallel_loop3A_480 = arith.subi %parallel_loop3A_410, %parallel_loop3A_479 : vector<16xi32>
        %parallel_loop3A_481 = arith.constant 0 : i32
        %parallel_loop3A_482 = vector.broadcast %parallel_loop3A_481 : i32 to vector<16xi32>
        %parallel_loop3A_483 = arith.maxsi %parallel_loop3A_480, %parallel_loop3A_482 : vector<16xi32>
        %parallel_loop3A_484 = arith.sitofp %parallel_loop3A_483 : vector<16xi32> to vector<16xf32>
        %parallel_loop3A_485 = arith.mulf %parallel_loop3A_307, %parallel_loop3A_484 : vector<16xf32>
        %parallel_loop3A_486 = arith.index_cast %parallel_loop3A_207 : i32 to index
        %parallel_loop3A_487 = arith.constant 64 : index
        %parallel_loop3A_488 = tpu.vector_load %arg18[%parallel_loop3A_486, %parallel_loop3A_487] {strides = array<i32>} : memref<40x128xf32, #tpu.memory_space<vmem>>, vector<1x16xf32>,
        %parallel_loop3A_489 = vector.shape_cast %parallel_loop3A_488 : vector<1x16xf32> to vector<16xf32>
        %parallel_loop3A_490 = vector.shape_cast %parallel_loop3A_485 : vector<16xf32> to vector<1x16xf32>
        tpu.vector_store %arg18[%parallel_loop3A_486, %parallel_loop3A_487], %parallel_loop3A_490 {strides = array<i32>} : memref<40x128xf32, #tpu.memory_space<vmem>>, vector<1x16xf32>,
        %parallel_loop3A_491 = arith.constant 10 : i32
        %parallel_loop3A_492 = vector.broadcast %parallel_loop3A_491 : i32 to vector<16xi32>
        %parallel_loop3A_493 = arith.addi %shift_right_logical3A_54, %parallel_loop3A_492 : vector<16xi32>
        %parallel_loop3A_494 = arith.subi %parallel_loop3A_408, %parallel_loop3A_493 : vector<16xi32>
        %parallel_loop3A_495 = math.absi %parallel_loop3A_494 : vector<16xi32>
        %parallel_loop3A_496 = arith.subi %parallel_loop3A_410, %parallel_loop3A_495 : vector<16xi32>
        %parallel_loop3A_497 = arith.constant 0 : i32
        %parallel_loop3A_498 = vector.broadcast %parallel_loop3A_497 : i32 to vector<16xi32>
        %parallel_loop3A_499 = arith.maxsi %parallel_loop3A_496, %parallel_loop3A_498 : vector<16xi32>
        %parallel_loop3A_500 = arith.sitofp %parallel_loop3A_499 : vector<16xi32> to vector<16xf32>
        %parallel_loop3A_501 = arith.mulf %parallel_loop3A_307, %parallel_loop3A_500 : vector<16xf32>
        %parallel_loop3A_502 = arith.index_cast %parallel_loop3A_207 : i32 to index
        %parallel_loop3A_503 = arith.constant 80 : index
        %parallel_loop3A_504 = tpu.vector_load %arg18[%parallel_loop3A_502, %parallel_loop3A_503] {strides = array<i32>} : memref<40x128xf32, #tpu.memory_space<vmem>>, vector<1x16xf32>,
        %parallel_loop3A_505 = vector.shape_cast %parallel_loop3A_504 : vector<1x16xf32> to vector<16xf32>
        %parallel_loop3A_506 = vector.shape_cast %parallel_loop3A_501 : vector<16xf32> to vector<1x16xf32>
        tpu.vector_store %arg18[%parallel_loop3A_502, %parallel_loop3A_503], %parallel_loop3A_506 {strides = array<i32>} : memref<40x128xf32, #tpu.memory_space<vmem>>, vector<1x16xf32>,
        %parallel_loop3A_507 = arith.constant 12 : i32
        %parallel_loop3A_508 = vector.broadcast %parallel_loop3A_507 : i32 to vector<16xi32>
        %parallel_loop3A_509 = arith.addi %shift_right_logical3A_54, %parallel_loop3A_508 : vector<16xi32>
        %parallel_loop3A_510 = arith.subi %parallel_loop3A_408, %parallel_loop3A_509 : vector<16xi32>
        %parallel_loop3A_511 = math.absi %parallel_loop3A_510 : vector<16xi32>
        %parallel_loop3A_512 = arith.subi %parallel_loop3A_410, %parallel_loop3A_511 : vector<16xi32>
        %parallel_loop3A_513 = arith.constant 0 : i32
        %parallel_loop3A_514 = vector.broadcast %parallel_loop3A_513 : i32 to vector<16xi32>
        %parallel_loop3A_515 = arith.maxsi %parallel_loop3A_512, %parallel_loop3A_514 : vector<16xi32>
        %parallel_loop3A_516 = arith.sitofp %parallel_loop3A_515 : vector<16xi32> to vector<16xf32>
        %parallel_loop3A_517 = arith.mulf %parallel_loop3A_307, %parallel_loop3A_516 : vector<16xf32>
        %parallel_loop3A_518 = arith.index_cast %parallel_loop3A_207 : i32 to index
        %parallel_loop3A_519 = arith.constant 96 : index
        %parallel_loop3A_520 = tpu.vector_load %arg18[%parallel_loop3A_518, %parallel_loop3A_519] {strides = array<i32>} : memref<40x128xf32, #tpu.memory_space<vmem>>, vector<1x16xf32>,
        %parallel_loop3A_521 = vector.shape_cast %parallel_loop3A_520 : vector<1x16xf32> to vector<16xf32>
        %parallel_loop3A_522 = vector.shape_cast %parallel_loop3A_517 : vector<16xf32> to vector<1x16xf32>
        tpu.vector_store %arg18[%parallel_loop3A_518, %parallel_loop3A_519], %parallel_loop3A_522 {strides = array<i32>} : memref<40x128xf32, #tpu.memory_space<vmem>>, vector<1x16xf32>,
        %parallel_loop3A_523 = arith.constant 14 : i32
        %parallel_loop3A_524 = vector.broadcast %parallel_loop3A_523 : i32 to vector<16xi32>
        %parallel_loop3A_525 = arith.addi %shift_right_logical3A_54, %parallel_loop3A_524 : vector<16xi32>
        %parallel_loop3A_526 = arith.subi %parallel_loop3A_408, %parallel_loop3A_525 : vector<16xi32>
        %parallel_loop3A_527 = math.absi %parallel_loop3A_526 : vector<16xi32>
        %parallel_loop3A_528 = arith.subi %parallel_loop3A_410, %parallel_loop3A_527 : vector<16xi32>
        %parallel_loop3A_529 = arith.constant 0 : i32
        %parallel_loop3A_530 = vector.broadcast %parallel_loop3A_529 : i32 to vector<16xi32>
        %parallel_loop3A_531 = arith.maxsi %parallel_loop3A_528, %parallel_loop3A_530 : vector<16xi32>
        %parallel_loop3A_532 = arith.sitofp %parallel_loop3A_531 : vector<16xi32> to vector<16xf32>
        %parallel_loop3A_533 = arith.mulf %parallel_loop3A_307, %parallel_loop3A_532 : vector<16xf32>
        %parallel_loop3A_534 = arith.index_cast %parallel_loop3A_207 : i32 to index
        %parallel_loop3A_535 = arith.constant 112 : index
        %parallel_loop3A_536 = tpu.vector_load %arg18[%parallel_loop3A_534, %parallel_loop3A_535] {strides = array<i32>} : memref<40x128xf32, #tpu.memory_space<vmem>>, vector<1x16xf32>,
        %parallel_loop3A_537 = vector.shape_cast %parallel_loop3A_536 : vector<1x16xf32> to vector<16xf32>
        %parallel_loop3A_538 = vector.shape_cast %parallel_loop3A_533 : vector<16xf32> to vector<1x16xf32>
        tpu.vector_store %arg18[%parallel_loop3A_534, %parallel_loop3A_535], %parallel_loop3A_538 {strides = array<i32>} : memref<40x128xf32, #tpu.memory_space<vmem>>, vector<1x16xf32>,
      } {sc.loop_unroll_factor = 10 : i64, sc.parallel_access}
      %get3A = arith.constant 0 : index
      %get3A_114 = tpu.vector_load %arg10[%get3A] {strides = array<i32>} : memref<40xi32, #tpu.memory_space<vmem>>, vector<16xi32>,
      %get3A_115 = vector.shape_cast %get3A_114 : vector<16xi32> to vector<16xi32>
      %shift_right_logical3A_116 = arith.constant 4 : i32
      %shift_right_logical3A_117 = vector.broadcast %shift_right_logical3A_116 : i32 to vector<16xi32>
      %shift_right_logical3A_118 = arith.shrui %get3A_115, %shift_right_logical3A_117 : vector<16xi32>
      %swap3A = arith.constant 0 : index
      %swap3A_119 = tpu.vector_load %arg12[%swap3A] {strides = array<i32>} : memref<40xi32, #tpu.memory_space<vmem>>, vector<16xi32>,
      %swap3A_120 = vector.shape_cast %swap3A_119 : vector<16xi32> to vector<16xi32>
      %swap3A_121 = vector.shape_cast %shift_right_logical3A_118 : vector<16xi32> to vector<16xi32>
      tpu.vector_store %arg12[%swap3A], %swap3A_121 {strides = array<i32>} : memref<40xi32, #tpu.memory_space<vmem>>, vector<16xi32>,
      %get3A_122 = arith.constant 16 : index
      %get3A_123 = tpu.vector_load %arg10[%get3A_122] {strides = array<i32>} : memref<40xi32, #tpu.memory_space<vmem>>, vector<16xi32>,
      %get3A_124 = vector.shape_cast %get3A_123 : vector<16xi32> to vector<16xi32>
      %shift_right_logical3A_125 = arith.constant 4 : i32
      %shift_right_logical3A_126 = vector.broadcast %shift_right_logical3A_125 : i32 to vector<16xi32>
      %shift_right_logical3A_127 = arith.shrui %get3A_124, %shift_right_logical3A_126 : vector<16xi32>
      %swap3A_128 = arith.constant 16 : index
      %swap3A_129 = tpu.vector_load %arg12[%swap3A_128] {strides = array<i32>} : memref<40xi32, #tpu.memory_space<vmem>>, vector<16xi32>,
      %swap3A_130 = vector.shape_cast %swap3A_129 : vector<16xi32> to vector<16xi32>
      %swap3A_131 = vector.shape_cast %shift_right_logical3A_127 : vector<16xi32> to vector<16xi32>
      tpu.vector_store %arg12[%swap3A_128], %swap3A_131 {strides = array<i32>} : memref<40xi32, #tpu.memory_space<vmem>>, vector<16xi32>,
      %get3A_132 = arith.constant 24 : index
      %get3A_133 = tpu.vector_load %arg10[%get3A_132] {strides = array<i32>} : memref<40xi32, #tpu.memory_space<vmem>>, vector<16xi32>,
      %get3A_134 = vector.shape_cast %get3A_133 : vector<16xi32> to vector<16xi32>
      %shift_right_logical3A_135 = arith.constant 4 : i32
      %shift_right_logical3A_136 = vector.broadcast %shift_right_logical3A_135 : i32 to vector<16xi32>
      %shift_right_logical3A_137 = arith.shrui %get3A_134, %shift_right_logical3A_136 : vector<16xi32>
      %swap3A_138 = arith.constant 24 : index
      %swap3A_139 = tpu.vector_load %arg12[%swap3A_138] {strides = array<i32>} : memref<40xi32, #tpu.memory_space<vmem>>, vector<16xi32>,
      %swap3A_140 = vector.shape_cast %swap3A_139 : vector<16xi32> to vector<16xi32>
      %swap3A_141 = vector.shape_cast %shift_right_logical3A_137 : vector<16xi32> to vector<16xi32>
      tpu.vector_store %arg12[%swap3A_138], %swap3A_141 {strides = array<i32>} : memref<40xi32, #tpu.memory_space<vmem>>, vector<16xi32>,
      "tpu.region"() ({
        %run_scoped3A = tpu.sem_alloc : memref<!tpu.dma_semaphore, #tpu.memory_space<semaphore_mem>>
        %dma_start3A_207 = arith.constant 0 : i32
        %dma_start3A_208 = arith.constant 0 : i32
        %dma_start3A_209 = tpu.memref_slice %arg19[%dma_start3A_207, %dma_start3A_208] : memref<10000x128xf32, #tpu.memory_space<vmem_shared>> -> memref<10000x128xf32, #tpu.memory_space<vmem_shared>>
        tpu.enqueue_indirect_dma source(%arg17 : memref<40x128xf32, #tpu.memory_space<vmem>>) target(%dma_start3A_209 : memref<10000x128xf32, #tpu.memory_space<vmem_shared>>) offsets(%arg10 : memref<40xi32, #tpu.memory_space<vmem>>) semaphore(%run_scoped3A : memref<!tpu.dma_semaphore, #tpu.memory_space<semaphore_mem>>) {add = true}
        %dma_wait3A_210 = arith.constant 0 : i32
        %dma_wait3A_211 = arith.constant 0 : i32
        %dma_wait3A_212 = tpu.memref_slice %arg19[%dma_wait3A_210, %dma_wait3A_211] : memref<10000x128xf32, #tpu.memory_space<vmem_shared>> -> memref<10000x128xf32, #tpu.memory_space<vmem_shared>>
        tpu.wait_indirect_dma semaphore(%run_scoped3A : memref<!tpu.dma_semaphore, #tpu.memory_space<semaphore_mem>>) src(%arg17 : memref<40x128xf32, #tpu.memory_space<vmem>>) dst(%dma_wait3A_212 : memref<10000x128xf32, #tpu.memory_space<vmem_shared>>)
        tpu.yield
      }) : () -> ()
      "tpu.region"() ({
        %run_scoped3A = tpu.sem_alloc : memref<!tpu.dma_semaphore, #tpu.memory_space<semaphore_mem>>
        %dma_start3A_207 = arith.constant 0 : i32
        %dma_start3A_208 = arith.constant 0 : i32
        %dma_start3A_209 = tpu.memref_slice %arg20[%dma_start3A_207, %dma_start3A_208] : memref<625x128xf32, #tpu.memory_space<vmem_shared>> -> memref<625x128xf32, #tpu.memory_space<vmem_shared>>
        tpu.enqueue_indirect_dma source(%arg18 : memref<40x128xf32, #tpu.memory_space<vmem>>) target(%dma_start3A_209 : memref<625x128xf32, #tpu.memory_space<vmem_shared>>) offsets(%arg12 : memref<40xi32, #tpu.memory_space<vmem>>) semaphore(%run_scoped3A : memref<!tpu.dma_semaphore, #tpu.memory_space<semaphore_mem>>) {add = true}
        %dma_wait3A_210 = arith.constant 0 : i32
        %dma_wait3A_211 = arith.constant 0 : i32
        %dma_wait3A_212 = tpu.memref_slice %arg20[%dma_wait3A_210, %dma_wait3A_211] : memref<625x128xf32, #tpu.memory_space<vmem_shared>> -> memref<625x128xf32, #tpu.memory_space<vmem_shared>>
        tpu.wait_indirect_dma semaphore(%run_scoped3A : memref<!tpu.dma_semaphore, #tpu.memory_space<semaphore_mem>>) src(%arg18 : memref<40x128xf32, #tpu.memory_space<vmem>>) dst(%dma_wait3A_212 : memref<625x128xf32, #tpu.memory_space<vmem_shared>>)
        tpu.yield
      }) : () -> ()
      %add3A_142 = arith.constant 2 : i32
      %add3A_143 = arith.addi %mul3A_98, %add3A_142 : i32
      %lt3A_144 = arith.constant 250 : i32
      %lt3A_145 = arith.cmpi slt, %add3A_143, %lt3A_144 : i32
      %convert_element_type3A_146 = arith.extui %lt3A_145 : i1 to i32
      %cond3A_147 = arith.constant 0 : i32
      %cond3A_148 = arith.cmpi ne, %convert_element_type3A_146, %cond3A_147 : i32
      scf.if %cond3A_148 {
        %add3A_207 = arith.constant 2 : i32
        %add3A_208 = arith.addi %mul3A_98, %add3A_207 : i32
        %mul3A_209 = arith.constant 40 : i32
        %mul3A_210 = arith.muli %add3A_208, %mul3A_209 : i32
        %add3A_211 = arith.addi %mul3A_56, %mul3A_210 : i32
        %dma_start3A_212 = tpu.memref_slice %arg4[%add3A_211] : memref<320000xi32, #tpu.memory_space<hbm>> -> memref<40xi32, #tpu.memory_space<hbm>>
        %dma_start3A_213 = tpu.memref_slice %arg4[%add3A_211] : memref<320000xi32, #tpu.memory_space<hbm>> -> memref<40xi32, #tpu.memory_space<hbm>>
        tpu.enqueue_dma source(%dma_start3A_213 : memref<40xi32, #tpu.memory_space<hbm>>) target(%arg8 : memref<40xi32, #tpu.memory_space<vmem>>) target_semaphore(%arg21 : memref<!tpu.dma_semaphore, #tpu.memory_space<semaphore_mem>>)
        %dma_start3A_214 = tpu.memref_slice %arg5[%add3A_211] : memref<320000xi32, #tpu.memory_space<hbm>> -> memref<40xi32, #tpu.memory_space<hbm>>
        %dma_start3A_215 = tpu.memref_slice %arg5[%add3A_211] : memref<320000xi32, #tpu.memory_space<hbm>> -> memref<40xi32, #tpu.memory_space<hbm>>
        tpu.enqueue_dma source(%dma_start3A_215 : memref<40xi32, #tpu.memory_space<hbm>>) target(%arg10 : memref<40xi32, #tpu.memory_space<vmem>>) target_semaphore(%arg23 : memref<!tpu.dma_semaphore, #tpu.memory_space<semaphore_mem>>)
      } else {
      }
      %mul3A_149 = arith.constant 2 : i32
      %mul3A_150 = arith.muli %mul3A_149, %scan3A_95 : i32
      %add3A_151 = arith.constant 1 : i32
      %add3A_152 = arith.addi %mul3A_150, %add3A_151 : i32
      %add3A_153 = arith.constant 1 : i32
      %add3A_154 = arith.addi %add3A_152, %add3A_153 : i32
      %lt3A_155 = arith.constant 250 : i32
      %lt3A_156 = arith.cmpi slt, %add3A_154, %lt3A_155 : i32
      %convert_element_type3A_157 = arith.extui %lt3A_156 : i1 to i32
      %cond3A_158 = arith.constant 0 : i32
      %cond3A_159 = arith.cmpi ne, %convert_element_type3A_157, %cond3A_158 : i32
      scf.if %cond3A_159 {
        %dma_wait3A_207 = arith.constant 0 : i32
        %dma_wait3A_208 = tpu.memref_slice %arg4[%dma_wait3A_207] : memref<320000xi32, #tpu.memory_space<hbm>> -> memref<40xi32, #tpu.memory_space<hbm>>
        %dma_wait3A_209 = arith.constant 0 : i32
        %dma_wait3A_210 = tpu.memref_slice %arg4[%dma_wait3A_209] : memref<320000xi32, #tpu.memory_space<hbm>> -> memref<40xi32, #tpu.memory_space<hbm>>
        tpu.wait_dma2 semaphore(%arg21 : memref<!tpu.dma_semaphore, #tpu.memory_space<semaphore_mem>>) src(%dma_wait3A_210 : memref<40xi32, #tpu.memory_space<hbm>>) dst(%arg8 : memref<40xi32, #tpu.memory_space<vmem>>)
        %dma_wait3A_211 = arith.constant 0 : i32
        %dma_wait3A_212 = tpu.memref_slice %arg5[%dma_wait3A_211] : memref<320000xi32, #tpu.memory_space<hbm>> -> memref<40xi32, #tpu.memory_space<hbm>>
        %dma_wait3A_213 = arith.constant 0 : i32
        %dma_wait3A_214 = tpu.memref_slice %arg5[%dma_wait3A_213] : memref<320000xi32, #tpu.memory_space<hbm>> -> memref<40xi32, #tpu.memory_space<hbm>>
        tpu.wait_dma2 semaphore(%arg23 : memref<!tpu.dma_semaphore, #tpu.memory_space<semaphore_mem>>) src(%dma_wait3A_214 : memref<40xi32, #tpu.memory_space<hbm>>) dst(%arg10 : memref<40xi32, #tpu.memory_space<vmem>>)
        %dma_start3A_215 = arith.constant 0 : i32
        %dma_start3A_216 = arith.constant 0 : i32
        %dma_start3A_217 = tpu.memref_slice %arg3[%dma_start3A_215, %dma_start3A_216] : memref<10000x256xf32, #tpu.memory_space<hbm>> -> memref<10000x256xf32, #tpu.memory_space<hbm>>
        tpu.enqueue_indirect_dma source(%dma_start3A_217 : memref<10000x256xf32, #tpu.memory_space<hbm>>) target(%arg15 : memref<40x256xf32, #tpu.memory_space<vmem>>) offsets(%arg8 : memref<40xi32, #tpu.memory_space<vmem>>) semaphore(%arg27 : memref<!tpu.dma_semaphore, #tpu.memory_space<semaphore_mem>>)
        %dma_start3A_218 = arith.constant 0 : i32
        %dma_start3A_219 = arith.constant 0 : i32
        %dma_start3A_220 = tpu.memref_slice %arg2[%dma_start3A_218, %dma_start3A_219] : memref<10000x128xf32, #tpu.memory_space<hbm>> -> memref<10000x128xf32, #tpu.memory_space<hbm>>
        tpu.enqueue_indirect_dma source(%dma_start3A_220 : memref<10000x128xf32, #tpu.memory_space<hbm>>) target(%arg13 : memref<40x128xf32, #tpu.memory_space<vmem>>) offsets(%arg10 : memref<40xi32, #tpu.memory_space<vmem>>) semaphore(%arg25 : memref<!tpu.dma_semaphore, #tpu.memory_space<semaphore_mem>>)
      } else {
      }
      %dma_wait3A_160 = arith.constant 0 : i32
      %dma_wait3A_161 = arith.constant 0 : i32
      %dma_wait3A_162 = tpu.memref_slice %arg3[%dma_wait3A_160, %dma_wait3A_161] : memref<10000x256xf32, #tpu.memory_space<hbm>> -> memref<10000x256xf32, #tpu.memory_space<hbm>>
      tpu.wait_indirect_dma semaphore(%arg28 : memref<!tpu.dma_semaphore, #tpu.memory_space<semaphore_mem>>) src(%dma_wait3A_162 : memref<10000x256xf32, #tpu.memory_space<hbm>>) dst(%arg16 : memref<40x256xf32, #tpu.memory_space<vmem>>)
      %dma_wait3A_163 = arith.constant 0 : i32
      %dma_wait3A_164 = arith.constant 0 : i32
      %dma_wait3A_165 = tpu.memref_slice %arg2[%dma_wait3A_163, %dma_wait3A_164] : memref<10000x128xf32, #tpu.memory_space<hbm>> -> memref<10000x128xf32, #tpu.memory_space<hbm>>
      tpu.wait_indirect_dma semaphore(%arg26 : memref<!tpu.dma_semaphore, #tpu.memory_space<semaphore_mem>>) src(%dma_wait3A_165 : memref<10000x128xf32, #tpu.memory_space<hbm>>) dst(%arg14 : memref<40x128xf32, #tpu.memory_space<vmem>>)
      %parallel_loop3A_166 = arith.constant 0 : i32
      %parallel_loop3A_167 = arith.constant 40 : i32
      %parallel_loop3A_168 = arith.constant 1 : i32
      scf.for %parallel_loop3A_207 = %parallel_loop3A_166 to %parallel_loop3A_167 step %parallel_loop3A_168  : i32 {
        %parallel_loop3A_208 = arith.index_cast %parallel_loop3A_207 : i32 to index
        %parallel_loop3A_209 = arith.constant 0 : index
        %parallel_loop3A_210 = tpu.vector_load %arg16[%parallel_loop3A_208, %parallel_loop3A_209] {strides = array<i32>} : memref<40x256xf32, #tpu.memory_space<vmem>>, vector<1x16xf32>,
        %parallel_loop3A_211 = vector.shape_cast %parallel_loop3A_210 : vector<1x16xf32> to vector<16xf32>
        %parallel_loop3A_212 = arith.index_cast %parallel_loop3A_207 : i32 to index
        %parallel_loop3A_213 = arith.constant 0 : index
        %parallel_loop3A_214 = tpu.vector_load %arg14[%parallel_loop3A_212, %parallel_loop3A_213] {strides = array<i32>} : memref<40x128xf32, #tpu.memory_space<vmem>>, vector<1x16xf32>,
        %parallel_loop3A_215 = vector.shape_cast %parallel_loop3A_214 : vector<1x16xf32> to vector<16xf32>
        %parallel_loop3A_216 = arith.mulf %parallel_loop3A_211, %parallel_loop3A_215 : vector<16xf32>
        %parallel_loop3A_217 = arith.index_cast %parallel_loop3A_207 : i32 to index
        %parallel_loop3A_218 = arith.constant 16 : index
        %parallel_loop3A_219 = tpu.vector_load %arg16[%parallel_loop3A_217, %parallel_loop3A_218] {strides = array<i32>} : memref<40x256xf32, #tpu.memory_space<vmem>>, vector<1x16xf32>,
        %parallel_loop3A_220 = vector.shape_cast %parallel_loop3A_219 : vector<1x16xf32> to vector<16xf32>
        %parallel_loop3A_221 = arith.index_cast %parallel_loop3A_207 : i32 to index
        %parallel_loop3A_222 = arith.constant 16 : index
        %parallel_loop3A_223 = tpu.vector_load %arg14[%parallel_loop3A_221, %parallel_loop3A_222] {strides = array<i32>} : memref<40x128xf32, #tpu.memory_space<vmem>>, vector<1x16xf32>,
        %parallel_loop3A_224 = vector.shape_cast %parallel_loop3A_223 : vector<1x16xf32> to vector<16xf32>
        %parallel_loop3A_225 = arith.mulf %parallel_loop3A_220, %parallel_loop3A_224 : vector<16xf32>
        %parallel_loop3A_226 = arith.addf %parallel_loop3A_216, %parallel_loop3A_225 : vector<16xf32>
        %parallel_loop3A_227 = arith.index_cast %parallel_loop3A_207 : i32 to index
        %parallel_loop3A_228 = arith.constant 32 : index
        %parallel_loop3A_229 = tpu.vector_load %arg16[%parallel_loop3A_227, %parallel_loop3A_228] {strides = array<i32>} : memref<40x256xf32, #tpu.memory_space<vmem>>, vector<1x16xf32>,
        %parallel_loop3A_230 = vector.shape_cast %parallel_loop3A_229 : vector<1x16xf32> to vector<16xf32>
        %parallel_loop3A_231 = arith.index_cast %parallel_loop3A_207 : i32 to index
        %parallel_loop3A_232 = arith.constant 32 : index
        %parallel_loop3A_233 = tpu.vector_load %arg14[%parallel_loop3A_231, %parallel_loop3A_232] {strides = array<i32>} : memref<40x128xf32, #tpu.memory_space<vmem>>, vector<1x16xf32>,
        %parallel_loop3A_234 = vector.shape_cast %parallel_loop3A_233 : vector<1x16xf32> to vector<16xf32>
        %parallel_loop3A_235 = arith.mulf %parallel_loop3A_230, %parallel_loop3A_234 : vector<16xf32>
        %parallel_loop3A_236 = arith.addf %parallel_loop3A_226, %parallel_loop3A_235 : vector<16xf32>
        %parallel_loop3A_237 = arith.index_cast %parallel_loop3A_207 : i32 to index
        %parallel_loop3A_238 = arith.constant 48 : index
        %parallel_loop3A_239 = tpu.vector_load %arg16[%parallel_loop3A_237, %parallel_loop3A_238] {strides = array<i32>} : memref<40x256xf32, #tpu.memory_space<vmem>>, vector<1x16xf32>,
        %parallel_loop3A_240 = vector.shape_cast %parallel_loop3A_239 : vector<1x16xf32> to vector<16xf32>
        %parallel_loop3A_241 = arith.index_cast %parallel_loop3A_207 : i32 to index
        %parallel_loop3A_242 = arith.constant 48 : index
        %parallel_loop3A_243 = tpu.vector_load %arg14[%parallel_loop3A_241, %parallel_loop3A_242] {strides = array<i32>} : memref<40x128xf32, #tpu.memory_space<vmem>>, vector<1x16xf32>,
        %parallel_loop3A_244 = vector.shape_cast %parallel_loop3A_243 : vector<1x16xf32> to vector<16xf32>
        %parallel_loop3A_245 = arith.mulf %parallel_loop3A_240, %parallel_loop3A_244 : vector<16xf32>
        %parallel_loop3A_246 = arith.addf %parallel_loop3A_236, %parallel_loop3A_245 : vector<16xf32>
        %parallel_loop3A_247 = arith.index_cast %parallel_loop3A_207 : i32 to index
        %parallel_loop3A_248 = arith.constant 64 : index
        %parallel_loop3A_249 = tpu.vector_load %arg16[%parallel_loop3A_247, %parallel_loop3A_248] {strides = array<i32>} : memref<40x256xf32, #tpu.memory_space<vmem>>, vector<1x16xf32>,
        %parallel_loop3A_250 = vector.shape_cast %parallel_loop3A_249 : vector<1x16xf32> to vector<16xf32>
        %parallel_loop3A_251 = arith.index_cast %parallel_loop3A_207 : i32 to index
        %parallel_loop3A_252 = arith.constant 64 : index
        %parallel_loop3A_253 = tpu.vector_load %arg14[%parallel_loop3A_251, %parallel_loop3A_252] {strides = array<i32>} : memref<40x128xf32, #tpu.memory_space<vmem>>, vector<1x16xf32>,
        %parallel_loop3A_254 = vector.shape_cast %parallel_loop3A_253 : vector<1x16xf32> to vector<16xf32>
        %parallel_loop3A_255 = arith.mulf %parallel_loop3A_250, %parallel_loop3A_254 : vector<16xf32>
        %parallel_loop3A_256 = arith.addf %parallel_loop3A_246, %parallel_loop3A_255 : vector<16xf32>
        %parallel_loop3A_257 = arith.index_cast %parallel_loop3A_207 : i32 to index
        %parallel_loop3A_258 = arith.constant 80 : index
        %parallel_loop3A_259 = tpu.vector_load %arg16[%parallel_loop3A_257, %parallel_loop3A_258] {strides = array<i32>} : memref<40x256xf32, #tpu.memory_space<vmem>>, vector<1x16xf32>,
        %parallel_loop3A_260 = vector.shape_cast %parallel_loop3A_259 : vector<1x16xf32> to vector<16xf32>
        %parallel_loop3A_261 = arith.index_cast %parallel_loop3A_207 : i32 to index
        %parallel_loop3A_262 = arith.constant 80 : index
        %parallel_loop3A_263 = tpu.vector_load %arg14[%parallel_loop3A_261, %parallel_loop3A_262] {strides = array<i32>} : memref<40x128xf32, #tpu.memory_space<vmem>>, vector<1x16xf32>,
        %parallel_loop3A_264 = vector.shape_cast %parallel_loop3A_263 : vector<1x16xf32> to vector<16xf32>
        %parallel_loop3A_265 = arith.mulf %parallel_loop3A_260, %parallel_loop3A_264 : vector<16xf32>
        %parallel_loop3A_266 = arith.addf %parallel_loop3A_256, %parallel_loop3A_265 : vector<16xf32>
        %parallel_loop3A_267 = arith.index_cast %parallel_loop3A_207 : i32 to index
        %parallel_loop3A_268 = arith.constant 96 : index
        %parallel_loop3A_269 = tpu.vector_load %arg16[%parallel_loop3A_267, %parallel_loop3A_268] {strides = array<i32>} : memref<40x256xf32, #tpu.memory_space<vmem>>, vector<1x16xf32>,
        %parallel_loop3A_270 = vector.shape_cast %parallel_loop3A_269 : vector<1x16xf32> to vector<16xf32>
        %parallel_loop3A_271 = arith.index_cast %parallel_loop3A_207 : i32 to index
        %parallel_loop3A_272 = arith.constant 96 : index
        %parallel_loop3A_273 = tpu.vector_load %arg14[%parallel_loop3A_271, %parallel_loop3A_272] {strides = array<i32>} : memref<40x128xf32, #tpu.memory_space<vmem>>, vector<1x16xf32>,
        %parallel_loop3A_274 = vector.shape_cast %parallel_loop3A_273 : vector<1x16xf32> to vector<16xf32>
        %parallel_loop3A_275 = arith.mulf %parallel_loop3A_270, %parallel_loop3A_274 : vector<16xf32>
        %parallel_loop3A_276 = arith.addf %parallel_loop3A_266, %parallel_loop3A_275 : vector<16xf32>
        %parallel_loop3A_277 = arith.index_cast %parallel_loop3A_207 : i32 to index
        %parallel_loop3A_278 = arith.constant 112 : index
        %parallel_loop3A_279 = tpu.vector_load %arg16[%parallel_loop3A_277, %parallel_loop3A_278] {strides = array<i32>} : memref<40x256xf32, #tpu.memory_space<vmem>>, vector<1x16xf32>,
        %parallel_loop3A_280 = vector.shape_cast %parallel_loop3A_279 : vector<1x16xf32> to vector<16xf32>
        %parallel_loop3A_281 = arith.index_cast %parallel_loop3A_207 : i32 to index
        %parallel_loop3A_282 = arith.constant 112 : index
        %parallel_loop3A_283 = tpu.vector_load %arg14[%parallel_loop3A_281, %parallel_loop3A_282] {strides = array<i32>} : memref<40x128xf32, #tpu.memory_space<vmem>>, vector<1x16xf32>,
        %parallel_loop3A_284 = vector.shape_cast %parallel_loop3A_283 : vector<1x16xf32> to vector<16xf32>
        %parallel_loop3A_285 = arith.mulf %parallel_loop3A_280, %parallel_loop3A_284 : vector<16xf32>
        %parallel_loop3A_286 = arith.addf %parallel_loop3A_276, %parallel_loop3A_285 : vector<16xf32>
        %parallel_loop3A_287 = arith.constant 0 : i32
        %parallel_loop3A_288 = vector.broadcast %parallel_loop3A_287 : i32 to vector<16xi32>
        %parallel_loop3A_289 = arith.cmpi slt, %xor3A_52, %parallel_loop3A_288 : vector<16xi32>
        %parallel_loop3A_290 = arith.constant 16 : i32
        %parallel_loop3A_291 = vector.broadcast %parallel_loop3A_290 : i32 to vector<16xi32>
        %parallel_loop3A_292 = arith.addi %xor3A_52, %parallel_loop3A_291 : vector<16xi32>
        %parallel_loop3A_293 = arith.select %parallel_loop3A_289, %parallel_loop3A_292, %xor3A_52 : vector<16xi1>, vector<16xi32>
        %parallel_loop3A_294 = vector.shape_cast %parallel_loop3A_293 : vector<16xi32> to vector<16x1xi32>
        %parallel_loop3A_295 = vector.shape_cast %parallel_loop3A_294 : vector<16x1xi32> to vector<16xi32>
        %parallel_loop3A_296 = tpu.dynamic_gather %parallel_loop3A_286[%parallel_loop3A_295] in [0] : vector<16xf32>, vector<16xi32> -> vector<16xf32>
        %parallel_loop3A_297 = arith.addf %parallel_loop3A_286, %parallel_loop3A_296 : vector<16xf32>
        %parallel_loop3A_298 = arith.constant 2.500000e-01 : f32
        %parallel_loop3A_299 = vector.broadcast %parallel_loop3A_298 : f32 to vector<16xf32>
        %parallel_loop3A_300 = arith.mulf %parallel_loop3A_297, %parallel_loop3A_299 : vector<16xf32>
        %parallel_loop3A_301 = arith.constant -5.000000e+00 : f32
        %parallel_loop3A_302 = arith.constant 5.000000e+00 : f32
        %parallel_loop3A_303 = vector.broadcast %parallel_loop3A_301 : f32 to vector<16xf32>
        %parallel_loop3A_304 = arith.maximumf %parallel_loop3A_303, %parallel_loop3A_300 : vector<16xf32>
        %parallel_loop3A_305 = vector.broadcast %parallel_loop3A_302 : f32 to vector<16xf32>
        %parallel_loop3A_306 = arith.minimumf %parallel_loop3A_305, %parallel_loop3A_304 : vector<16xf32>
        %parallel_loop3A_307 = math.exp %parallel_loop3A_306 : vector<16xf32>
        %parallel_loop3A_308 = arith.index_cast %parallel_loop3A_207 : i32 to index
        %parallel_loop3A_309 = arith.constant 128 : index
        %parallel_loop3A_310 = tpu.vector_load %arg16[%parallel_loop3A_308, %parallel_loop3A_309] {strides = array<i32>} : memref<40x256xf32, #tpu.memory_space<vmem>>, vector<1x16xf32>,
        %parallel_loop3A_311 = vector.shape_cast %parallel_loop3A_310 : vector<1x16xf32> to vector<16xf32>
        %parallel_loop3A_312 = arith.mulf %parallel_loop3A_311, %parallel_loop3A_307 : vector<16xf32>
        %parallel_loop3A_313 = arith.index_cast %parallel_loop3A_207 : i32 to index
        %parallel_loop3A_314 = arith.constant 0 : index
        %parallel_loop3A_315 = tpu.vector_load %arg17[%parallel_loop3A_313, %parallel_loop3A_314] {strides = array<i32>} : memref<40x128xf32, #tpu.memory_space<vmem>>, vector<1x16xf32>,
        %parallel_loop3A_316 = vector.shape_cast %parallel_loop3A_315 : vector<1x16xf32> to vector<16xf32>
        %parallel_loop3A_317 = vector.shape_cast %parallel_loop3A_312 : vector<16xf32> to vector<1x16xf32>
        tpu.vector_store %arg17[%parallel_loop3A_313, %parallel_loop3A_314], %parallel_loop3A_317 {strides = array<i32>} : memref<40x128xf32, #tpu.memory_space<vmem>>, vector<1x16xf32>,
        %parallel_loop3A_318 = arith.index_cast %parallel_loop3A_207 : i32 to index
        %parallel_loop3A_319 = arith.constant 144 : index
        %parallel_loop3A_320 = tpu.vector_load %arg16[%parallel_loop3A_318, %parallel_loop3A_319] {strides = array<i32>} : memref<40x256xf32, #tpu.memory_space<vmem>>, vector<1x16xf32>,
        %parallel_loop3A_321 = vector.shape_cast %parallel_loop3A_320 : vector<1x16xf32> to vector<16xf32>
        %parallel_loop3A_322 = arith.mulf %parallel_loop3A_321, %parallel_loop3A_307 : vector<16xf32>
        %parallel_loop3A_323 = arith.index_cast %parallel_loop3A_207 : i32 to index
        %parallel_loop3A_324 = arith.constant 16 : index
        %parallel_loop3A_325 = tpu.vector_load %arg17[%parallel_loop3A_323, %parallel_loop3A_324] {strides = array<i32>} : memref<40x128xf32, #tpu.memory_space<vmem>>, vector<1x16xf32>,
        %parallel_loop3A_326 = vector.shape_cast %parallel_loop3A_325 : vector<1x16xf32> to vector<16xf32>
        %parallel_loop3A_327 = vector.shape_cast %parallel_loop3A_322 : vector<16xf32> to vector<1x16xf32>
        tpu.vector_store %arg17[%parallel_loop3A_323, %parallel_loop3A_324], %parallel_loop3A_327 {strides = array<i32>} : memref<40x128xf32, #tpu.memory_space<vmem>>, vector<1x16xf32>,
        %parallel_loop3A_328 = arith.index_cast %parallel_loop3A_207 : i32 to index
        %parallel_loop3A_329 = arith.constant 160 : index
        %parallel_loop3A_330 = tpu.vector_load %arg16[%parallel_loop3A_328, %parallel_loop3A_329] {strides = array<i32>} : memref<40x256xf32, #tpu.memory_space<vmem>>, vector<1x16xf32>,
        %parallel_loop3A_331 = vector.shape_cast %parallel_loop3A_330 : vector<1x16xf32> to vector<16xf32>
        %parallel_loop3A_332 = arith.mulf %parallel_loop3A_331, %parallel_loop3A_307 : vector<16xf32>
        %parallel_loop3A_333 = arith.index_cast %parallel_loop3A_207 : i32 to index
        %parallel_loop3A_334 = arith.constant 32 : index
        %parallel_loop3A_335 = tpu.vector_load %arg17[%parallel_loop3A_333, %parallel_loop3A_334] {strides = array<i32>} : memref<40x128xf32, #tpu.memory_space<vmem>>, vector<1x16xf32>,
        %parallel_loop3A_336 = vector.shape_cast %parallel_loop3A_335 : vector<1x16xf32> to vector<16xf32>
        %parallel_loop3A_337 = vector.shape_cast %parallel_loop3A_332 : vector<16xf32> to vector<1x16xf32>
        tpu.vector_store %arg17[%parallel_loop3A_333, %parallel_loop3A_334], %parallel_loop3A_337 {strides = array<i32>} : memref<40x128xf32, #tpu.memory_space<vmem>>, vector<1x16xf32>,
        %parallel_loop3A_338 = arith.index_cast %parallel_loop3A_207 : i32 to index
        %parallel_loop3A_339 = arith.constant 176 : index
        %parallel_loop3A_340 = tpu.vector_load %arg16[%parallel_loop3A_338, %parallel_loop3A_339] {strides = array<i32>} : memref<40x256xf32, #tpu.memory_space<vmem>>, vector<1x16xf32>,
        %parallel_loop3A_341 = vector.shape_cast %parallel_loop3A_340 : vector<1x16xf32> to vector<16xf32>
        %parallel_loop3A_342 = arith.mulf %parallel_loop3A_341, %parallel_loop3A_307 : vector<16xf32>
        %parallel_loop3A_343 = arith.index_cast %parallel_loop3A_207 : i32 to index
        %parallel_loop3A_344 = arith.constant 48 : index
        %parallel_loop3A_345 = tpu.vector_load %arg17[%parallel_loop3A_343, %parallel_loop3A_344] {strides = array<i32>} : memref<40x128xf32, #tpu.memory_space<vmem>>, vector<1x16xf32>,
        %parallel_loop3A_346 = vector.shape_cast %parallel_loop3A_345 : vector<1x16xf32> to vector<16xf32>
        %parallel_loop3A_347 = vector.shape_cast %parallel_loop3A_342 : vector<16xf32> to vector<1x16xf32>
        tpu.vector_store %arg17[%parallel_loop3A_343, %parallel_loop3A_344], %parallel_loop3A_347 {strides = array<i32>} : memref<40x128xf32, #tpu.memory_space<vmem>>, vector<1x16xf32>,
        %parallel_loop3A_348 = arith.index_cast %parallel_loop3A_207 : i32 to index
        %parallel_loop3A_349 = arith.constant 192 : index
        %parallel_loop3A_350 = tpu.vector_load %arg16[%parallel_loop3A_348, %parallel_loop3A_349] {strides = array<i32>} : memref<40x256xf32, #tpu.memory_space<vmem>>, vector<1x16xf32>,
        %parallel_loop3A_351 = vector.shape_cast %parallel_loop3A_350 : vector<1x16xf32> to vector<16xf32>
        %parallel_loop3A_352 = arith.mulf %parallel_loop3A_351, %parallel_loop3A_307 : vector<16xf32>
        %parallel_loop3A_353 = arith.index_cast %parallel_loop3A_207 : i32 to index
        %parallel_loop3A_354 = arith.constant 64 : index
        %parallel_loop3A_355 = tpu.vector_load %arg17[%parallel_loop3A_353, %parallel_loop3A_354] {strides = array<i32>} : memref<40x128xf32, #tpu.memory_space<vmem>>, vector<1x16xf32>,
        %parallel_loop3A_356 = vector.shape_cast %parallel_loop3A_355 : vector<1x16xf32> to vector<16xf32>
        %parallel_loop3A_357 = vector.shape_cast %parallel_loop3A_352 : vector<16xf32> to vector<1x16xf32>
        tpu.vector_store %arg17[%parallel_loop3A_353, %parallel_loop3A_354], %parallel_loop3A_357 {strides = array<i32>} : memref<40x128xf32, #tpu.memory_space<vmem>>, vector<1x16xf32>,
        %parallel_loop3A_358 = arith.index_cast %parallel_loop3A_207 : i32 to index
        %parallel_loop3A_359 = arith.constant 208 : index
        %parallel_loop3A_360 = tpu.vector_load %arg16[%parallel_loop3A_358, %parallel_loop3A_359] {strides = array<i32>} : memref<40x256xf32, #tpu.memory_space<vmem>>, vector<1x16xf32>,
        %parallel_loop3A_361 = vector.shape_cast %parallel_loop3A_360 : vector<1x16xf32> to vector<16xf32>
        %parallel_loop3A_362 = arith.mulf %parallel_loop3A_361, %parallel_loop3A_307 : vector<16xf32>
        %parallel_loop3A_363 = arith.index_cast %parallel_loop3A_207 : i32 to index
        %parallel_loop3A_364 = arith.constant 80 : index
        %parallel_loop3A_365 = tpu.vector_load %arg17[%parallel_loop3A_363, %parallel_loop3A_364] {strides = array<i32>} : memref<40x128xf32, #tpu.memory_space<vmem>>, vector<1x16xf32>,
        %parallel_loop3A_366 = vector.shape_cast %parallel_loop3A_365 : vector<1x16xf32> to vector<16xf32>
        %parallel_loop3A_367 = vector.shape_cast %parallel_loop3A_362 : vector<16xf32> to vector<1x16xf32>
        tpu.vector_store %arg17[%parallel_loop3A_363, %parallel_loop3A_364], %parallel_loop3A_367 {strides = array<i32>} : memref<40x128xf32, #tpu.memory_space<vmem>>, vector<1x16xf32>,
        %parallel_loop3A_368 = arith.index_cast %parallel_loop3A_207 : i32 to index
        %parallel_loop3A_369 = arith.constant 224 : index
        %parallel_loop3A_370 = tpu.vector_load %arg16[%parallel_loop3A_368, %parallel_loop3A_369] {strides = array<i32>} : memref<40x256xf32, #tpu.memory_space<vmem>>, vector<1x16xf32>,
        %parallel_loop3A_371 = vector.shape_cast %parallel_loop3A_370 : vector<1x16xf32> to vector<16xf32>
        %parallel_loop3A_372 = arith.mulf %parallel_loop3A_371, %parallel_loop3A_307 : vector<16xf32>
        %parallel_loop3A_373 = arith.index_cast %parallel_loop3A_207 : i32 to index
        %parallel_loop3A_374 = arith.constant 96 : index
        %parallel_loop3A_375 = tpu.vector_load %arg17[%parallel_loop3A_373, %parallel_loop3A_374] {strides = array<i32>} : memref<40x128xf32, #tpu.memory_space<vmem>>, vector<1x16xf32>,
        %parallel_loop3A_376 = vector.shape_cast %parallel_loop3A_375 : vector<1x16xf32> to vector<16xf32>
        %parallel_loop3A_377 = vector.shape_cast %parallel_loop3A_372 : vector<16xf32> to vector<1x16xf32>
        tpu.vector_store %arg17[%parallel_loop3A_373, %parallel_loop3A_374], %parallel_loop3A_377 {strides = array<i32>} : memref<40x128xf32, #tpu.memory_space<vmem>>, vector<1x16xf32>,
        %parallel_loop3A_378 = arith.index_cast %parallel_loop3A_207 : i32 to index
        %parallel_loop3A_379 = arith.constant 240 : index
        %parallel_loop3A_380 = tpu.vector_load %arg16[%parallel_loop3A_378, %parallel_loop3A_379] {strides = array<i32>} : memref<40x256xf32, #tpu.memory_space<vmem>>, vector<1x16xf32>,
        %parallel_loop3A_381 = vector.shape_cast %parallel_loop3A_380 : vector<1x16xf32> to vector<16xf32>
        %parallel_loop3A_382 = arith.mulf %parallel_loop3A_381, %parallel_loop3A_307 : vector<16xf32>
        %parallel_loop3A_383 = arith.index_cast %parallel_loop3A_207 : i32 to index
        %parallel_loop3A_384 = arith.constant 112 : index
        %parallel_loop3A_385 = tpu.vector_load %arg17[%parallel_loop3A_383, %parallel_loop3A_384] {strides = array<i32>} : memref<40x128xf32, #tpu.memory_space<vmem>>, vector<1x16xf32>,
        %parallel_loop3A_386 = vector.shape_cast %parallel_loop3A_385 : vector<1x16xf32> to vector<16xf32>
        %parallel_loop3A_387 = vector.shape_cast %parallel_loop3A_382 : vector<16xf32> to vector<1x16xf32>
        tpu.vector_store %arg17[%parallel_loop3A_383, %parallel_loop3A_384], %parallel_loop3A_387 {strides = array<i32>} : memref<40x128xf32, #tpu.memory_space<vmem>>, vector<1x16xf32>,
        %parallel_loop3A_388 = arith.constant -16 : i32
        %parallel_loop3A_389 = arith.andi %parallel_loop3A_207, %parallel_loop3A_388 : i32
        %parallel_loop3A_390 = arith.index_cast %parallel_loop3A_389 : i32 to index
        %parallel_loop3A_391 = tpu.vector_load %arg11[%parallel_loop3A_390] {strides = array<i32>} : memref<40xi32, #tpu.memory_space<vmem>>, vector<16xi32>,
        %parallel_loop3A_392 = vector.shape_cast %parallel_loop3A_391 : vector<16xi32> to vector<16xi32>
        %parallel_loop3A_393 = arith.constant 15 : i32
        %parallel_loop3A_394 = arith.andi %parallel_loop3A_207, %parallel_loop3A_393 : i32
        %parallel_loop3A_395 = vector.broadcast %parallel_loop3A_394 : i32 to vector<16xi32>
        %parallel_loop3A_396 = arith.constant 0 : i32
        %parallel_loop3A_397 = vector.broadcast %parallel_loop3A_396 : i32 to vector<16xi32>
        %parallel_loop3A_398 = arith.cmpi slt, %parallel_loop3A_395, %parallel_loop3A_397 : vector<16xi32>
        %parallel_loop3A_399 = arith.constant 16 : i32
        %parallel_loop3A_400 = vector.broadcast %parallel_loop3A_399 : i32 to vector<16xi32>
        %parallel_loop3A_401 = arith.addi %parallel_loop3A_395, %parallel_loop3A_400 : vector<16xi32>
        %parallel_loop3A_402 = arith.select %parallel_loop3A_398, %parallel_loop3A_401, %parallel_loop3A_395 : vector<16xi1>, vector<16xi32>
        %parallel_loop3A_403 = vector.shape_cast %parallel_loop3A_402 : vector<16xi32> to vector<16x1xi32>
        %parallel_loop3A_404 = vector.shape_cast %parallel_loop3A_403 : vector<16x1xi32> to vector<16xi32>
        %parallel_loop3A_405 = tpu.dynamic_gather %parallel_loop3A_392[%parallel_loop3A_404] in [0] : vector<16xi32>, vector<16xi32> -> vector<16xi32>
        %parallel_loop3A_406 = arith.constant 15 : i32
        %parallel_loop3A_407 = vector.broadcast %parallel_loop3A_406 : i32 to vector<16xi32>
        %parallel_loop3A_408 = arith.andi %parallel_loop3A_405, %parallel_loop3A_407 : vector<16xi32>
        %parallel_loop3A_409 = arith.constant 1 : i32
        %parallel_loop3A_410 = vector.broadcast %parallel_loop3A_409 : i32 to vector<16xi32>
        %parallel_loop3A_411 = arith.constant 0 : i32
        %parallel_loop3A_412 = vector.broadcast %parallel_loop3A_411 : i32 to vector<16xi32>
        %parallel_loop3A_413 = arith.addi %shift_right_logical3A_54, %parallel_loop3A_412 : vector<16xi32>
        %parallel_loop3A_414 = arith.subi %parallel_loop3A_408, %parallel_loop3A_413 : vector<16xi32>
        %parallel_loop3A_415 = math.absi %parallel_loop3A_414 : vector<16xi32>
        %parallel_loop3A_416 = arith.subi %parallel_loop3A_410, %parallel_loop3A_415 : vector<16xi32>
        %parallel_loop3A_417 = arith.constant 0 : i32
        %parallel_loop3A_418 = vector.broadcast %parallel_loop3A_417 : i32 to vector<16xi32>
        %parallel_loop3A_419 = arith.maxsi %parallel_loop3A_416, %parallel_loop3A_418 : vector<16xi32>
        %parallel_loop3A_420 = arith.sitofp %parallel_loop3A_419 : vector<16xi32> to vector<16xf32>
        %parallel_loop3A_421 = arith.mulf %parallel_loop3A_307, %parallel_loop3A_420 : vector<16xf32>
        %parallel_loop3A_422 = arith.index_cast %parallel_loop3A_207 : i32 to index
        %parallel_loop3A_423 = arith.constant 0 : index
        %parallel_loop3A_424 = tpu.vector_load %arg18[%parallel_loop3A_422, %parallel_loop3A_423] {strides = array<i32>} : memref<40x128xf32, #tpu.memory_space<vmem>>, vector<1x16xf32>,
        %parallel_loop3A_425 = vector.shape_cast %parallel_loop3A_424 : vector<1x16xf32> to vector<16xf32>
        %parallel_loop3A_426 = vector.shape_cast %parallel_loop3A_421 : vector<16xf32> to vector<1x16xf32>
        tpu.vector_store %arg18[%parallel_loop3A_422, %parallel_loop3A_423], %parallel_loop3A_426 {strides = array<i32>} : memref<40x128xf32, #tpu.memory_space<vmem>>, vector<1x16xf32>,
        %parallel_loop3A_427 = arith.constant 2 : i32
        %parallel_loop3A_428 = vector.broadcast %parallel_loop3A_427 : i32 to vector<16xi32>
        %parallel_loop3A_429 = arith.addi %shift_right_logical3A_54, %parallel_loop3A_428 : vector<16xi32>
        %parallel_loop3A_430 = arith.subi %parallel_loop3A_408, %parallel_loop3A_429 : vector<16xi32>
        %parallel_loop3A_431 = math.absi %parallel_loop3A_430 : vector<16xi32>
        %parallel_loop3A_432 = arith.subi %parallel_loop3A_410, %parallel_loop3A_431 : vector<16xi32>
        %parallel_loop3A_433 = arith.constant 0 : i32
        %parallel_loop3A_434 = vector.broadcast %parallel_loop3A_433 : i32 to vector<16xi32>
        %parallel_loop3A_435 = arith.maxsi %parallel_loop3A_432, %parallel_loop3A_434 : vector<16xi32>
        %parallel_loop3A_436 = arith.sitofp %parallel_loop3A_435 : vector<16xi32> to vector<16xf32>
        %parallel_loop3A_437 = arith.mulf %parallel_loop3A_307, %parallel_loop3A_436 : vector<16xf32>
        %parallel_loop3A_438 = arith.index_cast %parallel_loop3A_207 : i32 to index
        %parallel_loop3A_439 = arith.constant 16 : index
        %parallel_loop3A_440 = tpu.vector_load %arg18[%parallel_loop3A_438, %parallel_loop3A_439] {strides = array<i32>} : memref<40x128xf32, #tpu.memory_space<vmem>>, vector<1x16xf32>,
        %parallel_loop3A_441 = vector.shape_cast %parallel_loop3A_440 : vector<1x16xf32> to vector<16xf32>
        %parallel_loop3A_442 = vector.shape_cast %parallel_loop3A_437 : vector<16xf32> to vector<1x16xf32>
        tpu.vector_store %arg18[%parallel_loop3A_438, %parallel_loop3A_439], %parallel_loop3A_442 {strides = array<i32>} : memref<40x128xf32, #tpu.memory_space<vmem>>, vector<1x16xf32>,
        %parallel_loop3A_443 = arith.constant 4 : i32
        %parallel_loop3A_444 = vector.broadcast %parallel_loop3A_443 : i32 to vector<16xi32>
        %parallel_loop3A_445 = arith.addi %shift_right_logical3A_54, %parallel_loop3A_444 : vector<16xi32>
        %parallel_loop3A_446 = arith.subi %parallel_loop3A_408, %parallel_loop3A_445 : vector<16xi32>
        %parallel_loop3A_447 = math.absi %parallel_loop3A_446 : vector<16xi32>
        %parallel_loop3A_448 = arith.subi %parallel_loop3A_410, %parallel_loop3A_447 : vector<16xi32>
        %parallel_loop3A_449 = arith.constant 0 : i32
        %parallel_loop3A_450 = vector.broadcast %parallel_loop3A_449 : i32 to vector<16xi32>
        %parallel_loop3A_451 = arith.maxsi %parallel_loop3A_448, %parallel_loop3A_450 : vector<16xi32>
        %parallel_loop3A_452 = arith.sitofp %parallel_loop3A_451 : vector<16xi32> to vector<16xf32>
        %parallel_loop3A_453 = arith.mulf %parallel_loop3A_307, %parallel_loop3A_452 : vector<16xf32>
        %parallel_loop3A_454 = arith.index_cast %parallel_loop3A_207 : i32 to index
        %parallel_loop3A_455 = arith.constant 32 : index
        %parallel_loop3A_456 = tpu.vector_load %arg18[%parallel_loop3A_454, %parallel_loop3A_455] {strides = array<i32>} : memref<40x128xf32, #tpu.memory_space<vmem>>, vector<1x16xf32>,
        %parallel_loop3A_457 = vector.shape_cast %parallel_loop3A_456 : vector<1x16xf32> to vector<16xf32>
        %parallel_loop3A_458 = vector.shape_cast %parallel_loop3A_453 : vector<16xf32> to vector<1x16xf32>
        tpu.vector_store %arg18[%parallel_loop3A_454, %parallel_loop3A_455], %parallel_loop3A_458 {strides = array<i32>} : memref<40x128xf32, #tpu.memory_space<vmem>>, vector<1x16xf32>,
        %parallel_loop3A_459 = arith.constant 6 : i32
        %parallel_loop3A_460 = vector.broadcast %parallel_loop3A_459 : i32 to vector<16xi32>
        %parallel_loop3A_461 = arith.addi %shift_right_logical3A_54, %parallel_loop3A_460 : vector<16xi32>
        %parallel_loop3A_462 = arith.subi %parallel_loop3A_408, %parallel_loop3A_461 : vector<16xi32>
        %parallel_loop3A_463 = math.absi %parallel_loop3A_462 : vector<16xi32>
        %parallel_loop3A_464 = arith.subi %parallel_loop3A_410, %parallel_loop3A_463 : vector<16xi32>
        %parallel_loop3A_465 = arith.constant 0 : i32
        %parallel_loop3A_466 = vector.broadcast %parallel_loop3A_465 : i32 to vector<16xi32>
        %parallel_loop3A_467 = arith.maxsi %parallel_loop3A_464, %parallel_loop3A_466 : vector<16xi32>
        %parallel_loop3A_468 = arith.sitofp %parallel_loop3A_467 : vector<16xi32> to vector<16xf32>
        %parallel_loop3A_469 = arith.mulf %parallel_loop3A_307, %parallel_loop3A_468 : vector<16xf32>
        %parallel_loop3A_470 = arith.index_cast %parallel_loop3A_207 : i32 to index
        %parallel_loop3A_471 = arith.constant 48 : index
        %parallel_loop3A_472 = tpu.vector_load %arg18[%parallel_loop3A_470, %parallel_loop3A_471] {strides = array<i32>} : memref<40x128xf32, #tpu.memory_space<vmem>>, vector<1x16xf32>,
        %parallel_loop3A_473 = vector.shape_cast %parallel_loop3A_472 : vector<1x16xf32> to vector<16xf32>
        %parallel_loop3A_474 = vector.shape_cast %parallel_loop3A_469 : vector<16xf32> to vector<1x16xf32>
        tpu.vector_store %arg18[%parallel_loop3A_470, %parallel_loop3A_471], %parallel_loop3A_474 {strides = array<i32>} : memref<40x128xf32, #tpu.memory_space<vmem>>, vector<1x16xf32>,
        %parallel_loop3A_475 = arith.constant 8 : i32
        %parallel_loop3A_476 = vector.broadcast %parallel_loop3A_475 : i32 to vector<16xi32>
        %parallel_loop3A_477 = arith.addi %shift_right_logical3A_54, %parallel_loop3A_476 : vector<16xi32>
        %parallel_loop3A_478 = arith.subi %parallel_loop3A_408, %parallel_loop3A_477 : vector<16xi32>
        %parallel_loop3A_479 = math.absi %parallel_loop3A_478 : vector<16xi32>
        %parallel_loop3A_480 = arith.subi %parallel_loop3A_410, %parallel_loop3A_479 : vector<16xi32>
        %parallel_loop3A_481 = arith.constant 0 : i32
        %parallel_loop3A_482 = vector.broadcast %parallel_loop3A_481 : i32 to vector<16xi32>
        %parallel_loop3A_483 = arith.maxsi %parallel_loop3A_480, %parallel_loop3A_482 : vector<16xi32>
        %parallel_loop3A_484 = arith.sitofp %parallel_loop3A_483 : vector<16xi32> to vector<16xf32>
        %parallel_loop3A_485 = arith.mulf %parallel_loop3A_307, %parallel_loop3A_484 : vector<16xf32>
        %parallel_loop3A_486 = arith.index_cast %parallel_loop3A_207 : i32 to index
        %parallel_loop3A_487 = arith.constant 64 : index
        %parallel_loop3A_488 = tpu.vector_load %arg18[%parallel_loop3A_486, %parallel_loop3A_487] {strides = array<i32>} : memref<40x128xf32, #tpu.memory_space<vmem>>, vector<1x16xf32>,
        %parallel_loop3A_489 = vector.shape_cast %parallel_loop3A_488 : vector<1x16xf32> to vector<16xf32>
        %parallel_loop3A_490 = vector.shape_cast %parallel_loop3A_485 : vector<16xf32> to vector<1x16xf32>
        tpu.vector_store %arg18[%parallel_loop3A_486, %parallel_loop3A_487], %parallel_loop3A_490 {strides = array<i32>} : memref<40x128xf32, #tpu.memory_space<vmem>>, vector<1x16xf32>,
        %parallel_loop3A_491 = arith.constant 10 : i32
        %parallel_loop3A_492 = vector.broadcast %parallel_loop3A_491 : i32 to vector<16xi32>
        %parallel_loop3A_493 = arith.addi %shift_right_logical3A_54, %parallel_loop3A_492 : vector<16xi32>
        %parallel_loop3A_494 = arith.subi %parallel_loop3A_408, %parallel_loop3A_493 : vector<16xi32>
        %parallel_loop3A_495 = math.absi %parallel_loop3A_494 : vector<16xi32>
        %parallel_loop3A_496 = arith.subi %parallel_loop3A_410, %parallel_loop3A_495 : vector<16xi32>
        %parallel_loop3A_497 = arith.constant 0 : i32
        %parallel_loop3A_498 = vector.broadcast %parallel_loop3A_497 : i32 to vector<16xi32>
        %parallel_loop3A_499 = arith.maxsi %parallel_loop3A_496, %parallel_loop3A_498 : vector<16xi32>
        %parallel_loop3A_500 = arith.sitofp %parallel_loop3A_499 : vector<16xi32> to vector<16xf32>
        %parallel_loop3A_501 = arith.mulf %parallel_loop3A_307, %parallel_loop3A_500 : vector<16xf32>
        %parallel_loop3A_502 = arith.index_cast %parallel_loop3A_207 : i32 to index
        %parallel_loop3A_503 = arith.constant 80 : index
        %parallel_loop3A_504 = tpu.vector_load %arg18[%parallel_loop3A_502, %parallel_loop3A_503] {strides = array<i32>} : memref<40x128xf32, #tpu.memory_space<vmem>>, vector<1x16xf32>,
        %parallel_loop3A_505 = vector.shape_cast %parallel_loop3A_504 : vector<1x16xf32> to vector<16xf32>
        %parallel_loop3A_506 = vector.shape_cast %parallel_loop3A_501 : vector<16xf32> to vector<1x16xf32>
        tpu.vector_store %arg18[%parallel_loop3A_502, %parallel_loop3A_503], %parallel_loop3A_506 {strides = array<i32>} : memref<40x128xf32, #tpu.memory_space<vmem>>, vector<1x16xf32>,
        %parallel_loop3A_507 = arith.constant 12 : i32
        %parallel_loop3A_508 = vector.broadcast %parallel_loop3A_507 : i32 to vector<16xi32>
        %parallel_loop3A_509 = arith.addi %shift_right_logical3A_54, %parallel_loop3A_508 : vector<16xi32>
        %parallel_loop3A_510 = arith.subi %parallel_loop3A_408, %parallel_loop3A_509 : vector<16xi32>
        %parallel_loop3A_511 = math.absi %parallel_loop3A_510 : vector<16xi32>
        %parallel_loop3A_512 = arith.subi %parallel_loop3A_410, %parallel_loop3A_511 : vector<16xi32>
        %parallel_loop3A_513 = arith.constant 0 : i32
        %parallel_loop3A_514 = vector.broadcast %parallel_loop3A_513 : i32 to vector<16xi32>
        %parallel_loop3A_515 = arith.maxsi %parallel_loop3A_512, %parallel_loop3A_514 : vector<16xi32>
        %parallel_loop3A_516 = arith.sitofp %parallel_loop3A_515 : vector<16xi32> to vector<16xf32>
        %parallel_loop3A_517 = arith.mulf %parallel_loop3A_307, %parallel_loop3A_516 : vector<16xf32>
        %parallel_loop3A_518 = arith.index_cast %parallel_loop3A_207 : i32 to index
        %parallel_loop3A_519 = arith.constant 96 : index
        %parallel_loop3A_520 = tpu.vector_load %arg18[%parallel_loop3A_518, %parallel_loop3A_519] {strides = array<i32>} : memref<40x128xf32, #tpu.memory_space<vmem>>, vector<1x16xf32>,
        %parallel_loop3A_521 = vector.shape_cast %parallel_loop3A_520 : vector<1x16xf32> to vector<16xf32>
        %parallel_loop3A_522 = vector.shape_cast %parallel_loop3A_517 : vector<16xf32> to vector<1x16xf32>
        tpu.vector_store %arg18[%parallel_loop3A_518, %parallel_loop3A_519], %parallel_loop3A_522 {strides = array<i32>} : memref<40x128xf32, #tpu.memory_space<vmem>>, vector<1x16xf32>,
        %parallel_loop3A_523 = arith.constant 14 : i32
        %parallel_loop3A_524 = vector.broadcast %parallel_loop3A_523 : i32 to vector<16xi32>
        %parallel_loop3A_525 = arith.addi %shift_right_logical3A_54, %parallel_loop3A_524 : vector<16xi32>
        %parallel_loop3A_526 = arith.subi %parallel_loop3A_408, %parallel_loop3A_525 : vector<16xi32>
        %parallel_loop3A_527 = math.absi %parallel_loop3A_526 : vector<16xi32>
        %parallel_loop3A_528 = arith.subi %parallel_loop3A_410, %parallel_loop3A_527 : vector<16xi32>
        %parallel_loop3A_529 = arith.constant 0 : i32
        %parallel_loop3A_530 = vector.broadcast %parallel_loop3A_529 : i32 to vector<16xi32>
        %parallel_loop3A_531 = arith.maxsi %parallel_loop3A_528, %parallel_loop3A_530 : vector<16xi32>
        %parallel_loop3A_532 = arith.sitofp %parallel_loop3A_531 : vector<16xi32> to vector<16xf32>
        %parallel_loop3A_533 = arith.mulf %parallel_loop3A_307, %parallel_loop3A_532 : vector<16xf32>
        %parallel_loop3A_534 = arith.index_cast %parallel_loop3A_207 : i32 to index
        %parallel_loop3A_535 = arith.constant 112 : index
        %parallel_loop3A_536 = tpu.vector_load %arg18[%parallel_loop3A_534, %parallel_loop3A_535] {strides = array<i32>} : memref<40x128xf32, #tpu.memory_space<vmem>>, vector<1x16xf32>,
        %parallel_loop3A_537 = vector.shape_cast %parallel_loop3A_536 : vector<1x16xf32> to vector<16xf32>
        %parallel_loop3A_538 = vector.shape_cast %parallel_loop3A_533 : vector<16xf32> to vector<1x16xf32>
        tpu.vector_store %arg18[%parallel_loop3A_534, %parallel_loop3A_535], %parallel_loop3A_538 {strides = array<i32>} : memref<40x128xf32, #tpu.memory_space<vmem>>, vector<1x16xf32>,
      } {sc.loop_unroll_factor = 10 : i64, sc.parallel_access}
      %get3A_169 = arith.constant 0 : index
      %get3A_170 = tpu.vector_load %arg11[%get3A_169] {strides = array<i32>} : memref<40xi32, #tpu.memory_space<vmem>>, vector<16xi32>,
      %get3A_171 = vector.shape_cast %get3A_170 : vector<16xi32> to vector<16xi32>
      %shift_right_logical3A_172 = arith.constant 4 : i32
      %shift_right_logical3A_173 = vector.broadcast %shift_right_logical3A_172 : i32 to vector<16xi32>
      %shift_right_logical3A_174 = arith.shrui %get3A_171, %shift_right_logical3A_173 : vector<16xi32>
      %swap3A_175 = arith.constant 0 : index
      %swap3A_176 = tpu.vector_load %arg12[%swap3A_175] {strides = array<i32>} : memref<40xi32, #tpu.memory_space<vmem>>, vector<16xi32>,
      %swap3A_177 = vector.shape_cast %swap3A_176 : vector<16xi32> to vector<16xi32>
      %swap3A_178 = vector.shape_cast %shift_right_logical3A_174 : vector<16xi32> to vector<16xi32>
      tpu.vector_store %arg12[%swap3A_175], %swap3A_178 {strides = array<i32>} : memref<40xi32, #tpu.memory_space<vmem>>, vector<16xi32>,
      %get3A_179 = arith.constant 16 : index
      %get3A_180 = tpu.vector_load %arg11[%get3A_179] {strides = array<i32>} : memref<40xi32, #tpu.memory_space<vmem>>, vector<16xi32>,
      %get3A_181 = vector.shape_cast %get3A_180 : vector<16xi32> to vector<16xi32>
      %shift_right_logical3A_182 = arith.constant 4 : i32
      %shift_right_logical3A_183 = vector.broadcast %shift_right_logical3A_182 : i32 to vector<16xi32>
      %shift_right_logical3A_184 = arith.shrui %get3A_181, %shift_right_logical3A_183 : vector<16xi32>
      %swap3A_185 = arith.constant 16 : index
      %swap3A_186 = tpu.vector_load %arg12[%swap3A_185] {strides = array<i32>} : memref<40xi32, #tpu.memory_space<vmem>>, vector<16xi32>,
      %swap3A_187 = vector.shape_cast %swap3A_186 : vector<16xi32> to vector<16xi32>
      %swap3A_188 = vector.shape_cast %shift_right_logical3A_184 : vector<16xi32> to vector<16xi32>
      tpu.vector_store %arg12[%swap3A_185], %swap3A_188 {strides = array<i32>} : memref<40xi32, #tpu.memory_space<vmem>>, vector<16xi32>,
      %get3A_189 = arith.constant 24 : index
      %get3A_190 = tpu.vector_load %arg11[%get3A_189] {strides = array<i32>} : memref<40xi32, #tpu.memory_space<vmem>>, vector<16xi32>,
      %get3A_191 = vector.shape_cast %get3A_190 : vector<16xi32> to vector<16xi32>
      %shift_right_logical3A_192 = arith.constant 4 : i32
      %shift_right_logical3A_193 = vector.broadcast %shift_right_logical3A_192 : i32 to vector<16xi32>
      %shift_right_logical3A_194 = arith.shrui %get3A_191, %shift_right_logical3A_193 : vector<16xi32>
      %swap3A_195 = arith.constant 24 : index
      %swap3A_196 = tpu.vector_load %arg12[%swap3A_195] {strides = array<i32>} : memref<40xi32, #tpu.memory_space<vmem>>, vector<16xi32>,
      %swap3A_197 = vector.shape_cast %swap3A_196 : vector<16xi32> to vector<16xi32>
      %swap3A_198 = vector.shape_cast %shift_right_logical3A_194 : vector<16xi32> to vector<16xi32>
      tpu.vector_store %arg12[%swap3A_195], %swap3A_198 {strides = array<i32>} : memref<40xi32, #tpu.memory_space<vmem>>, vector<16xi32>,
      "tpu.region"() ({
        %run_scoped3A = tpu.sem_alloc : memref<!tpu.dma_semaphore, #tpu.memory_space<semaphore_mem>>
        %dma_start3A_207 = arith.constant 0 : i32
        %dma_start3A_208 = arith.constant 0 : i32
        %dma_start3A_209 = tpu.memref_slice %arg19[%dma_start3A_207, %dma_start3A_208] : memref<10000x128xf32, #tpu.memory_space<vmem_shared>> -> memref<10000x128xf32, #tpu.memory_space<vmem_shared>>
        tpu.enqueue_indirect_dma source(%arg17 : memref<40x128xf32, #tpu.memory_space<vmem>>) target(%dma_start3A_209 : memref<10000x128xf32, #tpu.memory_space<vmem_shared>>) offsets(%arg11 : memref<40xi32, #tpu.memory_space<vmem>>) semaphore(%run_scoped3A : memref<!tpu.dma_semaphore, #tpu.memory_space<semaphore_mem>>) {add = true}
        %dma_wait3A_210 = arith.constant 0 : i32
        %dma_wait3A_211 = arith.constant 0 : i32
        %dma_wait3A_212 = tpu.memref_slice %arg19[%dma_wait3A_210, %dma_wait3A_211] : memref<10000x128xf32, #tpu.memory_space<vmem_shared>> -> memref<10000x128xf32, #tpu.memory_space<vmem_shared>>
        tpu.wait_indirect_dma semaphore(%run_scoped3A : memref<!tpu.dma_semaphore, #tpu.memory_space<semaphore_mem>>) src(%arg17 : memref<40x128xf32, #tpu.memory_space<vmem>>) dst(%dma_wait3A_212 : memref<10000x128xf32, #tpu.memory_space<vmem_shared>>)
        tpu.yield
      }) : () -> ()
      "tpu.region"() ({
        %run_scoped3A = tpu.sem_alloc : memref<!tpu.dma_semaphore, #tpu.memory_space<semaphore_mem>>
        %dma_start3A_207 = arith.constant 0 : i32
        %dma_start3A_208 = arith.constant 0 : i32
        %dma_start3A_209 = tpu.memref_slice %arg20[%dma_start3A_207, %dma_start3A_208] : memref<625x128xf32, #tpu.memory_space<vmem_shared>> -> memref<625x128xf32, #tpu.memory_space<vmem_shared>>
        tpu.enqueue_indirect_dma source(%arg18 : memref<40x128xf32, #tpu.memory_space<vmem>>) target(%dma_start3A_209 : memref<625x128xf32, #tpu.memory_space<vmem_shared>>) offsets(%arg12 : memref<40xi32, #tpu.memory_space<vmem>>) semaphore(%run_scoped3A : memref<!tpu.dma_semaphore, #tpu.memory_space<semaphore_mem>>) {add = true}
        %dma_wait3A_210 = arith.constant 0 : i32
        %dma_wait3A_211 = arith.constant 0 : i32
        %dma_wait3A_212 = tpu.memref_slice %arg20[%dma_wait3A_210, %dma_wait3A_211] : memref<625x128xf32, #tpu.memory_space<vmem_shared>> -> memref<625x128xf32, #tpu.memory_space<vmem_shared>>
        tpu.wait_indirect_dma semaphore(%run_scoped3A : memref<!tpu.dma_semaphore, #tpu.memory_space<semaphore_mem>>) src(%arg18 : memref<40x128xf32, #tpu.memory_space<vmem>>) dst(%dma_wait3A_212 : memref<625x128xf32, #tpu.memory_space<vmem_shared>>)
        tpu.yield
      }) : () -> ()
      %add3A_199 = arith.constant 2 : i32
      %add3A_200 = arith.addi %add3A_152, %add3A_199 : i32
      %lt3A_201 = arith.constant 250 : i32
      %lt3A_202 = arith.cmpi slt, %add3A_200, %lt3A_201 : i32
      %convert_element_type3A_203 = arith.extui %lt3A_202 : i1 to i32
      %cond3A_204 = arith.constant 0 : i32
      %cond3A_205 = arith.cmpi ne, %convert_element_type3A_203, %cond3A_204 : i32
      scf.if %cond3A_205 {
        %add3A_207 = arith.constant 2 : i32
        %add3A_208 = arith.addi %add3A_152, %add3A_207 : i32
        %mul3A_209 = arith.constant 40 : i32
        %mul3A_210 = arith.muli %add3A_208, %mul3A_209 : i32
        %add3A_211 = arith.addi %mul3A_56, %mul3A_210 : i32
        %dma_start3A_212 = tpu.memref_slice %arg4[%add3A_211] : memref<320000xi32, #tpu.memory_space<hbm>> -> memref<40xi32, #tpu.memory_space<hbm>>
        %dma_start3A_213 = tpu.memref_slice %arg4[%add3A_211] : memref<320000xi32, #tpu.memory_space<hbm>> -> memref<40xi32, #tpu.memory_space<hbm>>
        tpu.enqueue_dma source(%dma_start3A_213 : memref<40xi32, #tpu.memory_space<hbm>>) target(%arg9 : memref<40xi32, #tpu.memory_space<vmem>>) target_semaphore(%arg22 : memref<!tpu.dma_semaphore, #tpu.memory_space<semaphore_mem>>)
        %dma_start3A_214 = tpu.memref_slice %arg5[%add3A_211] : memref<320000xi32, #tpu.memory_space<hbm>> -> memref<40xi32, #tpu.memory_space<hbm>>
        %dma_start3A_215 = tpu.memref_slice %arg5[%add3A_211] : memref<320000xi32, #tpu.memory_space<hbm>> -> memref<40xi32, #tpu.memory_space<hbm>>
        tpu.enqueue_dma source(%dma_start3A_215 : memref<40xi32, #tpu.memory_space<hbm>>) target(%arg11 : memref<40xi32, #tpu.memory_space<vmem>>) target_semaphore(%arg24 : memref<!tpu.dma_semaphore, #tpu.memory_space<semaphore_mem>>)
      } else {
      }
      %scan3A_206 = arith.constant 0 : i32
      scf.yield %scan3A_206 : i32
    }
    %scan3A_83 = arith.constant 125 : i32
    %barrier3A_84 = arith.constant 0 : index
    tpu.barrier barrier_id(%barrier3A_84)
    "tpu.region"() ({
      %run_scoped3A = tpu.sem_alloc : memref<!tpu.dma_semaphore, #tpu.memory_space<semaphore_mem>>
      %dma_start3A_95 = arith.constant 0 : i32
      %dma_start3A_96 = tpu.memref_slice %arg6[%arg0, %mul3A_9, %dma_start3A_95] : memref<2x10000x128xf32, #tpu.memory_space<hbm>> -> memref<1x624x128xf32, #tpu.memory_space<hbm>>
      %dma_start3A_97 = tpu.memref_squeeze %dma_start3A_96 : memref<1x624x128xf32, #tpu.memory_space<hbm>> -> memref<624x128xf32, #tpu.memory_space<hbm>>
      %dma_start3A_98 = arith.constant 0 : i32
      %dma_start3A_99 = tpu.memref_slice %arg19[%mul3A_9, %dma_start3A_98] : memref<10000x128xf32, #tpu.memory_space<vmem_shared>> -> memref<624x128xf32, #tpu.memory_space<vmem_shared>>
      tpu.enqueue_dma source(%dma_start3A_99 : memref<624x128xf32, #tpu.memory_space<vmem_shared>>) target(%dma_start3A_97 : memref<624x128xf32, #tpu.memory_space<hbm>>) target_semaphore(%run_scoped3A : memref<!tpu.dma_semaphore, #tpu.memory_space<semaphore_mem>>)
      %dma_wait3A_100 = arith.constant 0 : i32
      %dma_wait3A_101 = tpu.memref_slice %arg6[%arg0, %mul3A_9, %dma_wait3A_100] : memref<2x10000x128xf32, #tpu.memory_space<hbm>> -> memref<1x624x128xf32, #tpu.memory_space<hbm>>
      %dma_wait3A_102 = tpu.memref_squeeze %dma_wait3A_101 : memref<1x624x128xf32, #tpu.memory_space<hbm>> -> memref<624x128xf32, #tpu.memory_space<hbm>>
      %dma_wait3A_103 = arith.constant 0 : i32
      %dma_wait3A_104 = tpu.memref_slice %arg19[%mul3A_9, %dma_wait3A_103] : memref<10000x128xf32, #tpu.memory_space<vmem_shared>> -> memref<624x128xf32, #tpu.memory_space<vmem_shared>>
      tpu.wait_dma2 semaphore(%run_scoped3A : memref<!tpu.dma_semaphore, #tpu.memory_space<semaphore_mem>>) src(%dma_wait3A_104 : memref<624x128xf32, #tpu.memory_space<vmem_shared>>) dst(%dma_wait3A_102 : memref<624x128xf32, #tpu.memory_space<hbm>>)
      tpu.yield
    }) : () -> ()
    %lt3A_85 = arith.constant 15 : i32
    %lt3A_86 = arith.cmpi slt, %arg1, %lt3A_85 : i32
    %convert_element_type3A_87 = arith.extui %lt3A_86 : i1 to i32
    %cond3A_88 = arith.constant 0 : i32
    %cond3A_89 = arith.cmpi ne, %convert_element_type3A_87, %cond3A_88 : i32
    scf.if %cond3A_89 {
      "tpu.region"() ({
        %run_scoped3A = tpu.sem_alloc : memref<!tpu.dma_semaphore, #tpu.memory_space<semaphore_mem>>
        %dma_start3A_95 = arith.constant 0 : i32
        %dma_start3A_96 = tpu.memref_slice %arg7[%arg0, %mul3A_11, %dma_start3A_95] : memref<2x625x128xf32, #tpu.memory_space<hbm>> -> memref<1x40x128xf32, #tpu.memory_space<hbm>>
        %dma_start3A_97 = tpu.memref_squeeze %dma_start3A_96 : memref<1x40x128xf32, #tpu.memory_space<hbm>> -> memref<40x128xf32, #tpu.memory_space<hbm>>
        %dma_start3A_98 = arith.constant 0 : i32
        %dma_start3A_99 = tpu.memref_slice %arg20[%mul3A_11, %dma_start3A_98] : memref<625x128xf32, #tpu.memory_space<vmem_shared>> -> memref<40x128xf32, #tpu.memory_space<vmem_shared>>
        tpu.enqueue_dma source(%dma_start3A_99 : memref<40x128xf32, #tpu.memory_space<vmem_shared>>) target(%dma_start3A_97 : memref<40x128xf32, #tpu.memory_space<hbm>>) target_semaphore(%run_scoped3A : memref<!tpu.dma_semaphore, #tpu.memory_space<semaphore_mem>>)
        %dma_wait3A_100 = arith.constant 0 : i32
        %dma_wait3A_101 = tpu.memref_slice %arg7[%arg0, %mul3A_11, %dma_wait3A_100] : memref<2x625x128xf32, #tpu.memory_space<hbm>> -> memref<1x40x128xf32, #tpu.memory_space<hbm>>
        %dma_wait3A_102 = tpu.memref_squeeze %dma_wait3A_101 : memref<1x40x128xf32, #tpu.memory_space<hbm>> -> memref<40x128xf32, #tpu.memory_space<hbm>>
        %dma_wait3A_103 = arith.constant 0 : i32
        %dma_wait3A_104 = tpu.memref_slice %arg20[%mul3A_11, %dma_wait3A_103] : memref<625x128xf32, #tpu.memory_space<vmem_shared>> -> memref<40x128xf32, #tpu.memory_space<vmem_shared>>
        tpu.wait_dma2 semaphore(%run_scoped3A : memref<!tpu.dma_semaphore, #tpu.memory_space<semaphore_mem>>) src(%dma_wait3A_104 : memref<40x128xf32, #tpu.memory_space<vmem_shared>>) dst(%dma_wait3A_102 : memref<40x128xf32, #tpu.memory_space<hbm>>)
        tpu.yield
      }) : () -> ()
    } else {
    }
    %eq3A_90 = arith.constant 15 : i32
    %eq3A_91 = arith.cmpi eq, %arg1, %eq3A_90 : i32
    %convert_element_type3A_92 = arith.extui %eq3A_91 : i1 to i32
    %cond3A_93 = arith.constant 0 : i32
    %cond3A_94 = arith.cmpi ne, %convert_element_type3A_92, %cond3A_93 : i32
    scf.if %cond3A_94 {
      "tpu.region"() ({
        %run_scoped3A = tpu.sem_alloc : memref<!tpu.dma_semaphore, #tpu.memory_space<semaphore_mem>>
        %dma_start3A_95 = arith.constant 9984 : i32
        %dma_start3A_96 = arith.constant 0 : i32
        %dma_start3A_97 = tpu.memref_slice %arg6[%arg0, %dma_start3A_95, %dma_start3A_96] : memref<2x10000x128xf32, #tpu.memory_space<hbm>> -> memref<1x16x128xf32, #tpu.memory_space<hbm>>
        %dma_start3A_98 = tpu.memref_squeeze %dma_start3A_97 : memref<1x16x128xf32, #tpu.memory_space<hbm>> -> memref<16x128xf32, #tpu.memory_space<hbm>>
        %dma_start3A_99 = arith.constant 9984 : i32
        %dma_start3A_100 = arith.constant 0 : i32
        %dma_start3A_101 = tpu.memref_slice %arg19[%dma_start3A_99, %dma_start3A_100] : memref<10000x128xf32, #tpu.memory_space<vmem_shared>> -> memref<16x128xf32, #tpu.memory_space<vmem_shared>>
        tpu.enqueue_dma source(%dma_start3A_101 : memref<16x128xf32, #tpu.memory_space<vmem_shared>>) target(%dma_start3A_98 : memref<16x128xf32, #tpu.memory_space<hbm>>) target_semaphore(%run_scoped3A : memref<!tpu.dma_semaphore, #tpu.memory_space<semaphore_mem>>)
        %dma_wait3A_102 = arith.constant 9984 : i32
        %dma_wait3A_103 = arith.constant 0 : i32
        %dma_wait3A_104 = tpu.memref_slice %arg6[%arg0, %dma_wait3A_102, %dma_wait3A_103] : memref<2x10000x128xf32, #tpu.memory_space<hbm>> -> memref<1x16x128xf32, #tpu.memory_space<hbm>>
        %dma_wait3A_105 = tpu.memref_squeeze %dma_wait3A_104 : memref<1x16x128xf32, #tpu.memory_space<hbm>> -> memref<16x128xf32, #tpu.memory_space<hbm>>
        %dma_wait3A_106 = arith.constant 9984 : i32
        %dma_wait3A_107 = arith.constant 0 : i32
        %dma_wait3A_108 = tpu.memref_slice %arg19[%dma_wait3A_106, %dma_wait3A_107] : memref<10000x128xf32, #tpu.memory_space<vmem_shared>> -> memref<16x128xf32, #tpu.memory_space<vmem_shared>>
        tpu.wait_dma2 semaphore(%run_scoped3A : memref<!tpu.dma_semaphore, #tpu.memory_space<semaphore_mem>>) src(%dma_wait3A_108 : memref<16x128xf32, #tpu.memory_space<vmem_shared>>) dst(%dma_wait3A_105 : memref<16x128xf32, #tpu.memory_space<hbm>>)
        tpu.yield
      }) : () -> ()
      "tpu.region"() ({
        %run_scoped3A = tpu.sem_alloc : memref<!tpu.dma_semaphore, #tpu.memory_space<semaphore_mem>>
        %dma_start3A_95 = arith.constant 600 : i32
        %dma_start3A_96 = arith.constant 0 : i32
        %dma_start3A_97 = tpu.memref_slice %arg7[%arg0, %dma_start3A_95, %dma_start3A_96] : memref<2x625x128xf32, #tpu.memory_space<hbm>> -> memref<1x25x128xf32, #tpu.memory_space<hbm>>
        %dma_start3A_98 = tpu.memref_squeeze %dma_start3A_97 : memref<1x25x128xf32, #tpu.memory_space<hbm>> -> memref<25x128xf32, #tpu.memory_space<hbm>>
        %dma_start3A_99 = arith.constant 600 : i32
        %dma_start3A_100 = arith.constant 0 : i32
        %dma_start3A_101 = tpu.memref_slice %arg20[%dma_start3A_99, %dma_start3A_100] : memref<625x128xf32, #tpu.memory_space<vmem_shared>> -> memref<25x128xf32, #tpu.memory_space<vmem_shared>>
        tpu.enqueue_dma source(%dma_start3A_101 : memref<25x128xf32, #tpu.memory_space<vmem_shared>>) target(%dma_start3A_98 : memref<25x128xf32, #tpu.memory_space<hbm>>) target_semaphore(%run_scoped3A : memref<!tpu.dma_semaphore, #tpu.memory_space<semaphore_mem>>)
        %dma_wait3A_102 = arith.constant 600 : i32
        %dma_wait3A_103 = arith.constant 0 : i32
        %dma_wait3A_104 = tpu.memref_slice %arg7[%arg0, %dma_wait3A_102, %dma_wait3A_103] : memref<2x625x128xf32, #tpu.memory_space<hbm>> -> memref<1x25x128xf32, #tpu.memory_space<hbm>>
        %dma_wait3A_105 = tpu.memref_squeeze %dma_wait3A_104 : memref<1x25x128xf32, #tpu.memory_space<hbm>> -> memref<25x128xf32, #tpu.memory_space<hbm>>
        %dma_wait3A_106 = arith.constant 600 : i32
        %dma_wait3A_107 = arith.constant 0 : i32
        %dma_wait3A_108 = tpu.memref_slice %arg20[%dma_wait3A_106, %dma_wait3A_107] : memref<625x128xf32, #tpu.memory_space<vmem_shared>> -> memref<25x128xf32, #tpu.memory_space<vmem_shared>>
        tpu.wait_dma2 semaphore(%run_scoped3A : memref<!tpu.dma_semaphore, #tpu.memory_space<semaphore_mem>>) src(%dma_wait3A_108 : memref<25x128xf32, #tpu.memory_space<vmem_shared>>) dst(%dma_wait3A_105 : memref<25x128xf32, #tpu.memory_space<hbm>>)
        tpu.yield
      }) : () -> ()
    } else {
    }
    return
  }
}

module attributes {stable_mosaic.version = 14 : i64} {
  func.func @_proj_body(%arg0: i32, %arg1: memref<1000x128xf32, #tpu.memory_space<vmem>>, %arg2: memref<128x128xf32, #tpu.memory_space<vmem>>, %arg3: memref<128x256xf32, #tpu.memory_space<vmem>>, %arg4: memref<1x128xf32, #tpu.memory_space<vmem>>, %arg5: memref<1x256xf32, #tpu.memory_space<vmem>>, %arg6: memref<1000x128xf32, #tpu.memory_space<vmem>>, %arg7: memref<1000x256xf32, #tpu.memory_space<vmem>>) attributes {dimension_semantics = [#tpu.dimension_semantics<arbitrary>], iteration_bounds = array<i64: 10>, scalar_prefetch = 0 : i64, scratch_operands = 0 : i64, tpu.core_type = #tpu.core_type<tc>, window_params = [{transform_indices = @transform_0, window_bounds = array<i64: 1000, 128>}, {pipeline_mode = #tpu.pipeline_mode<synchronous>, transform_indices = @transform_1, window_bounds = array<i64: 128, 128>}, {pipeline_mode = #tpu.pipeline_mode<synchronous>, transform_indices = @transform_2, window_bounds = array<i64: 128, 256>}, {pipeline_mode = #tpu.pipeline_mode<synchronous>, transform_indices = @transform_3, window_bounds = array<i64: 1, 128>}, {pipeline_mode = #tpu.pipeline_mode<synchronous>, transform_indices = @transform_4, window_bounds = array<i64: 1, 256>}, {transform_indices = @transform_5, window_bounds = array<i64: 1000, 128>}, {transform_indices = @transform_6, window_bounds = array<i64: 1000, 256>}]} {
    %get3A = arith.constant 0 : index
    %get3A_0 = arith.constant 0 : index
    %get3A_1 = vector.load %arg1[%get3A, %get3A_0] : memref<1000x128xf32, #tpu.memory_space<vmem>>, vector<1000x128xf32>
    %get3A_2 = arith.constant 0 : index
    %get3A_3 = arith.constant 0 : index
    %get3A_4 = vector.load %arg2[%get3A_2, %get3A_3] : memref<128x128xf32, #tpu.memory_space<vmem>>, vector<128x128xf32>
    %dot_general3A = arith.constant dense<0.000000e+00> : vector<1000x128xf32>
    %dot_general3A_5 = tpu.matmul %get3A_1, %get3A_4, %dot_general3A {dimension_numbers = #tpu.dot_dimension_numbers<[1], [0], [0], [1], [0, 0, 1, 1], [], []>, transpose_lhs_hint = false} : vector<1000x128xf32>, vector<128x128xf32>, vector<1000x128xf32> -> vector<1000x128xf32>
    %get3A_6 = arith.constant 0 : index
    %get3A_7 = arith.constant 0 : index
    %get3A_8 = vector.load %arg4[%get3A_6, %get3A_7] : memref<1x128xf32, #tpu.memory_space<vmem>>, vector<1x128xf32>
    %add3A = vector.broadcast %get3A_8 : vector<1x128xf32> to vector<1000x128xf32>
    %add3A_9 = arith.addf %dot_general3A_5, %add3A : vector<1000x128xf32>
    %swap3A = arith.constant 0 : index
    %swap3A_10 = arith.constant 0 : index
    %swap3A_11 = vector.load %arg6[%swap3A, %swap3A_10] : memref<1000x128xf32, #tpu.memory_space<vmem>>, vector<1000x128xf32>
    tpu.vector_store %arg6[%swap3A, %swap3A_10], %add3A_9 {strides = array<i32>} : memref<1000x128xf32, #tpu.memory_space<vmem>>, vector<1000x128xf32>,
    %get3A_12 = arith.constant 0 : index
    %get3A_13 = arith.constant 0 : index
    %get3A_14 = vector.load %arg3[%get3A_12, %get3A_13] : memref<128x256xf32, #tpu.memory_space<vmem>>, vector<128x256xf32>
    %dot_general3A_15 = arith.constant dense<0.000000e+00> : vector<1000x256xf32>
    %dot_general3A_16 = tpu.matmul %get3A_1, %get3A_14, %dot_general3A_15 {dimension_numbers = #tpu.dot_dimension_numbers<[1], [0], [0], [1], [0, 0, 1, 1], [], []>, transpose_lhs_hint = false} : vector<1000x128xf32>, vector<128x256xf32>, vector<1000x256xf32> -> vector<1000x256xf32>
    %get3A_17 = arith.constant 0 : index
    %get3A_18 = arith.constant 0 : index
    %get3A_19 = vector.load %arg5[%get3A_17, %get3A_18] : memref<1x256xf32, #tpu.memory_space<vmem>>, vector<1x256xf32>
    %add3A_20 = vector.broadcast %get3A_19 : vector<1x256xf32> to vector<1000x256xf32>
    %add3A_21 = arith.addf %dot_general3A_16, %add3A_20 : vector<1000x256xf32>
    %swap3A_22 = arith.constant 0 : index
    %swap3A_23 = arith.constant 0 : index
    %swap3A_24 = vector.load %arg7[%swap3A_22, %swap3A_23] : memref<1000x256xf32, #tpu.memory_space<vmem>>, vector<1000x256xf32>
    tpu.vector_store %arg7[%swap3A_22, %swap3A_23], %add3A_21 {strides = array<i32>} : memref<1000x256xf32, #tpu.memory_space<vmem>>, vector<1000x256xf32>,
    return
  }
  func.func @transform_0(%arg0: i32) -> (i32, i32) {
    %c0_i32 = arith.constant 0 : i32
    %c0_i32_0 = arith.constant 0 : i32
    return %arg0, %c0_i32 : i32, i32
  }
  func.func @transform_1(%arg0: i32) -> (i32, i32) {
    %c0_i32 = arith.constant 0 : i32
    %c0_i32_0 = arith.constant 0 : i32
    %c0_i32_1 = arith.constant 0 : i32
    return %c0_i32, %c0_i32_0 : i32, i32
  }
  func.func @transform_2(%arg0: i32) -> (i32, i32) {
    %c0_i32 = arith.constant 0 : i32
    %c0_i32_0 = arith.constant 0 : i32
    %c0_i32_1 = arith.constant 0 : i32
    return %c0_i32, %c0_i32_0 : i32, i32
  }
  func.func @transform_3(%arg0: i32) -> (i32, i32) {
    %c0_i32 = arith.constant 0 : i32
    %c0_i32_0 = arith.constant 0 : i32
    %c0_i32_1 = arith.constant 0 : i32
    return %c0_i32, %c0_i32_0 : i32, i32
  }
  func.func @transform_4(%arg0: i32) -> (i32, i32) {
    %c0_i32 = arith.constant 0 : i32
    %c0_i32_0 = arith.constant 0 : i32
    %c0_i32_1 = arith.constant 0 : i32
    return %c0_i32, %c0_i32_0 : i32, i32
  }
  func.func @transform_5(%arg0: i32) -> (i32, i32) {
    %c0_i32 = arith.constant 0 : i32
    %c0_i32_0 = arith.constant 0 : i32
    return %arg0, %c0_i32 : i32, i32
  }
  func.func @transform_6(%arg0: i32) -> (i32, i32) {
    %c0_i32 = arith.constant 0 : i32
    %c0_i32_0 = arith.constant 0 : i32
    return %arg0, %c0_i32 : i32, i32
  }
}

module attributes {stable_mosaic.version = 14 : i64} {
  func.func @_zsum_body(%arg0: memref<2x625x128xf32, #tpu.memory_space<vmem>>, %arg1: memref<625x128xf32, #tpu.memory_space<vmem>>) attributes {dimension_semantics = [], scalar_prefetch = 0 : i64, scratch_operands = 0 : i64, tpu.core_type = #tpu.core_type<tc>} {
    %get3A = arith.constant 0 : index
    %get3A_0 = arith.constant 0 : index
    %get3A_1 = arith.constant 0 : index
    %get3A_2 = vector.load %arg0[%get3A, %get3A_0, %get3A_1] : memref<2x625x128xf32, #tpu.memory_space<vmem>>, vector<1x625x128xf32>
    %get3A_3 = vector.shape_cast %get3A_2 : vector<1x625x128xf32> to vector<625x128xf32>
    %get3A_4 = arith.constant 1 : index
    %get3A_5 = arith.constant 0 : index
    %get3A_6 = arith.constant 0 : index
    %get3A_7 = vector.load %arg0[%get3A_4, %get3A_5, %get3A_6] : memref<2x625x128xf32, #tpu.memory_space<vmem>>, vector<1x625x128xf32>
    %get3A_8 = vector.shape_cast %get3A_7 : vector<1x625x128xf32> to vector<625x128xf32>
    %add3A = arith.addf %get3A_3, %get3A_8 : vector<625x128xf32>
    %swap3A = arith.constant 0 : index
    %swap3A_9 = arith.constant 0 : index
    %swap3A_10 = vector.load %arg1[%swap3A, %swap3A_9] : memref<625x128xf32, #tpu.memory_space<vmem>>, vector<625x128xf32>
    tpu.vector_store %arg1[%swap3A, %swap3A_9], %add3A {strides = array<i32>} : memref<625x128xf32, #tpu.memory_space<vmem>>, vector<625x128xf32>,
    return
  }
}

module attributes {stable_mosaic.version = 14 : i64} {
  func.func @_norm_body(%arg0: i32, %arg1: memref<2x1000x128xf32, #tpu.memory_space<vmem>>, %arg2: memref<1000x8xf32, #tpu.memory_space<vmem>>, %arg3: memref<128x128xf32, #tpu.memory_space<vmem>>, %arg4: memref<8x128xf32, #tpu.memory_space<vmem>>, %arg5: memref<1000x128xf32, #tpu.memory_space<vmem>>) attributes {dimension_semantics = [#tpu.dimension_semantics<arbitrary>], iteration_bounds = array<i64: 10>, scalar_prefetch = 0 : i64, scratch_operands = 0 : i64, tpu.core_type = #tpu.core_type<tc>, window_params = [{transform_indices = @transform_0, window_bounds = array<i64: 2, 1000, 128>}, {transform_indices = @transform_1, window_bounds = array<i64: 1000, 8>}, {pipeline_mode = #tpu.pipeline_mode<synchronous>, transform_indices = @transform_2, window_bounds = array<i64: 128, 128>}, {pipeline_mode = #tpu.pipeline_mode<synchronous>, transform_indices = @transform_3, window_bounds = array<i64: 8, 128>}, {transform_indices = @transform_4, window_bounds = array<i64: 1000, 128>}]} {
    %get3A = arith.constant 0 : index
    %get3A_0 = arith.constant 0 : index
    %get3A_1 = arith.constant 0 : index
    %get3A_2 = vector.load %arg1[%get3A, %get3A_0, %get3A_1] : memref<2x1000x128xf32, #tpu.memory_space<vmem>>, vector<1x1000x128xf32>
    %get3A_3 = vector.shape_cast %get3A_2 : vector<1x1000x128xf32> to vector<1000x128xf32>
    %get3A_4 = arith.constant 1 : index
    %get3A_5 = arith.constant 0 : index
    %get3A_6 = arith.constant 0 : index
    %get3A_7 = vector.load %arg1[%get3A_4, %get3A_5, %get3A_6] : memref<2x1000x128xf32, #tpu.memory_space<vmem>>, vector<1x1000x128xf32>
    %get3A_8 = vector.shape_cast %get3A_7 : vector<1x1000x128xf32> to vector<1000x128xf32>
    %add3A = arith.addf %get3A_3, %get3A_8 : vector<1000x128xf32>
    %get3A_9 = arith.constant 0 : index
    %get3A_10 = arith.constant 0 : index
    %get3A_11 = vector.load %arg3[%get3A_9, %get3A_10] : memref<128x128xf32, #tpu.memory_space<vmem>>, vector<128x128xf32>
    %dot_general3A = arith.constant dense<0.000000e+00> : vector<1000x128xf32>
    %dot_general3A_12 = tpu.matmul %add3A, %get3A_11, %dot_general3A {dimension_numbers = #tpu.dot_dimension_numbers<[1], [0], [0], [1], [0, 0, 1, 1], [], []>, transpose_lhs_hint = false} : vector<1000x128xf32>, vector<128x128xf32>, vector<1000x128xf32> -> vector<1000x128xf32>
    %get3A_13 = arith.constant 0 : index
    %get3A_14 = arith.constant 0 : index
    %get3A_15 = vector.load %arg2[%get3A_13, %get3A_14] : memref<1000x8xf32, #tpu.memory_space<vmem>>, vector<1000x8xf32>
    %get3A_16 = arith.constant 0 : index
    %get3A_17 = arith.constant 0 : index
    %get3A_18 = vector.load %arg4[%get3A_16, %get3A_17] : memref<8x128xf32, #tpu.memory_space<vmem>>, vector<8x128xf32>
    %dot_general3A_19 = arith.constant dense<0.000000e+00> : vector<1000x128xf32>
    %dot_general3A_20 = tpu.matmul %get3A_15, %get3A_18, %dot_general3A_19 {dimension_numbers = #tpu.dot_dimension_numbers<[1], [0], [0], [1], [0, 0, 1, 1], [], []>, transpose_lhs_hint = false} : vector<1000x8xf32>, vector<8x128xf32>, vector<1000x128xf32> -> vector<1000x128xf32>
    %add3A_21 = arith.constant 9.99999997E-7 : f32
    %add3A_22 = vector.broadcast %add3A_21 : f32 to vector<1000x128xf32>
    %add3A_23 = arith.addf %dot_general3A_20, %add3A_22 : vector<1000x128xf32>
    %div3A = arith.divf %dot_general3A_12, %add3A_23 : vector<1000x128xf32>
    %swap3A = arith.constant 0 : index
    %swap3A_24 = arith.constant 0 : index
    %swap3A_25 = vector.load %arg5[%swap3A, %swap3A_24] : memref<1000x128xf32, #tpu.memory_space<vmem>>, vector<1000x128xf32>
    tpu.vector_store %arg5[%swap3A, %swap3A_24], %div3A {strides = array<i32>} : memref<1000x128xf32, #tpu.memory_space<vmem>>, vector<1000x128xf32>,
    return
  }
  func.func @transform_0(%arg0: i32) -> (i32, i32, i32) {
    %c0_i32 = arith.constant 0 : i32
    %c0_i32_0 = arith.constant 0 : i32
    %c0_i32_1 = arith.constant 0 : i32
    return %c0_i32, %arg0, %c0_i32_0 : i32, i32, i32
  }
  func.func @transform_1(%arg0: i32) -> (i32, i32) {
    %c0_i32 = arith.constant 0 : i32
    %c0_i32_0 = arith.constant 0 : i32
    return %arg0, %c0_i32 : i32, i32
  }
  func.func @transform_2(%arg0: i32) -> (i32, i32) {
    %c0_i32 = arith.constant 0 : i32
    %c0_i32_0 = arith.constant 0 : i32
    %c0_i32_1 = arith.constant 0 : i32
    return %c0_i32, %c0_i32_0 : i32, i32
  }
  func.func @transform_3(%arg0: i32) -> (i32, i32) {
    %c0_i32 = arith.constant 0 : i32
    %c0_i32_0 = arith.constant 0 : i32
    %c0_i32_1 = arith.constant 0 : i32
    return %c0_i32, %c0_i32_0 : i32, i32
  }
  func.func @transform_4(%arg0: i32) -> (i32, i32) {
    %c0_i32 = arith.constant 0 : i32
    %c0_i32_0 = arith.constant 0 : i32
    return %arg0, %c0_i32 : i32, i32
  }
}

</mosaic_0001>

<sc_bundles>
// kernel: kernel.6.cloned.1.call-start
scs
__scs_entry_jumppad:
0x0: {  	(pc) =	sbr.rel $0x88, $3  }
0x1: {  	(tag) =	ssettag $0x0;
	lr =	simm.s32 $0x1  }
0x2: {  	[smem:$0x3F99] =	sst lr;
	_ =	strace $0xD0000000  }
0x3: {  	_ = 	snop  }
0x4: {  	_ = 	snop  }
0x5: {  	_ = 	snop  }
0x6: {  	_ = 	snop  }
0x7: {  	_ = 	snop  }
__scs_overlays_trampoline_lowered:
0x8: {  	[smem:$0x3FA8] =	sst s0  }
0x9: {  	[smem:$0x3FA9] =	sst s1  }
0xa: {  	[smem:$0x3FAA] =	sst s2  }
0xb: {  	[smem:$0x3FAB] =	sst s3  }
0xc: {  	[smem:$0x3FAC] =	sst s4  }
0xd: {  	[smem:$0x3FAD] =	sst s5  }
0xe: {  	[smem:$0x3FAE] =	sst s6  }
0xf: {  	[smem:$0x3FAF] =	sst s7  }
0x10: {  	[smem:$0x3FB0] =	sst s8  }
0x11: {  	[smem:$0x3FB1] =	sst s9;
	s0 =	simm.s32 @!p0 $0x0  }
0x12: {  	s1 =	sld [smem:$0x3F97];
	s0 =	simm.s32 @p0 $0x1  }
0x13: {  	[smem:$0x3FB2] =	sst s0;
	s0 =	simm.s32 @!p1 $0x0  }
0x14: {  	s2 =	sld [smem:$0x3F96];
	s0 =	simm.s32 @p1 $0x1  }
0x15: {  	[smem:$0x3FB3] =	sst s0;
	s0 =	simm.s32 @!p2 $0x0  }
0x16: {  	s3 =	sld [smem:$0x3FDB];
	s0 =	simm.s32 @p2 $0x1  }
0x17: {  	s4 =	simm.s32 $0x1BF5;
	[smem:$0x3FB5] =	sst s0  }
0x18: {  	s0 =	sld [smem:$0x3F98];
	_ =	swait.ge [sflag:s4], $0x0  }
0x19: {  	s7 =	sld [smem:$0x3F99]  }
0x1a: {  	s8 =	sadd.s32 $0xFFFFE003, lr  }
0x1b: {  	s9 =	sadd.s32 $0xFFFFFEF7, lr;
	s5 =	simm.s32 $0xFFFFFFFF;
	p2 =	slt.u32 s8, $0xFFFFF086  }
0x1c: {  	p1 =	slt.u32 s9, $0xF7A;
	s5 =	simm.s32 @!p2 $0x0  }
0x1d: {  	s5 =	simm.s32 @p1 $0x1;
	p0 =	seq.s32 s7, s2  }
0x1e: {  	s7 =	smul.u32 @!p0 $0xF7A, s2;
	p2 =	seq.s32 @!p0 s5, $0x0  }
0x1f: {  	s9 =	smul.u32 $0xF7A, s1;
	s8 =	simm.s32 @!p0 $0x1BF5;
	p2 =	por !p2, p0  }
0x20: {  	[sflag:s8] =	ssyncset.s32 @!p0 $0xFFFFF086;
	s6 =	sadd.s32 @!p0 s3, s7;
	s7 =	simm.s32 @!p0 $0x108  }
0x21: {  	s3 =	sadd.s32 s3, s9;
	s6 =	sadd.s32 @!p0 $0x88, s6;
	s7 =	simm.s32 @p2 $0x1082  }
0x22: {  	[simem:s7], [sflag:s8] =	dma.local @!p0 [hbm:s6], $0xF7A  }
0x23: {  	s9 =	sor.u32 $0xD0000000, s2;
	s6 =	simm.s32 $0x108;
	_ =	swait.ge @!p0 [sflag:s8], $0x0  }
0x24: {  	s3 =	sadd.s32 $0x88, s3;
	s6 =	simm.s32 @!p1 $0x1082;
	[sflag:s4] =	ssyncset.s32 $0xFFFFF086  }
0x25: {  	[simem:s6], [sflag:s4] =	dma.local [hbm:s3], $0xF7A  }
0x26: {  	[smem:$0x3F99] =	sst s1;
	(tag) =	ssettag s2;
	_ =	strace s9  }
0x27: {  	s1 =	sld [smem:$0x3FA9]  }
0x28: {  	s2 =	sld [smem:$0x3FAA]  }
0x29: {  	s4 =	sld [smem:$0x3FAC]  }
0x2a: {  	p0 =	seq.s32 s5, $0x0;
	s5 =	sld [smem:$0x3FAD]  }
0x2b: {  	s6 =	sld [smem:$0x3FAE]  }
0x2c: {  	s7 =	sld [smem:$0x3FAF]  }
0x2d: {  	s3 =	simm.s32 $0x108;
	s8 =	sld [smem:$0x3FB0]  }
0x2e: {  	s3 =	simm.s32 @!p0 $0x1082;
	s9 =	sld [smem:$0x3FB1]  }
0x2f: {  	lr =	sadd.s32 s0, s3;
	s0 =	sld [smem:$0x3FA8]  }
0x30: {  	s3 =	sld [smem:$0x3FAB]  }
0x31: {  	[smem:$0x3FB4] =	sst s10  }
0x32: {  	s10 =	sld [smem:$0x3FB2];
	_ =	sdelay $0x3  }
0x33: {  	p0 =	seq.s32 s10, $0x1;
	s10 =	sld [smem:$0x3FB4];
	_ =	sdelay $0x3  }
0x34: {  	[smem:$0x3FB4] =	sst s10  }
0x35: {  	s10 =	sld [smem:$0x3FB3];
	_ =	sdelay $0x3  }
0x36: {  	p1 =	seq.s32 s10, $0x1;
	s10 =	sld [smem:$0x3FB4];
	_ =	sdelay $0x3  }
0x37: {  	[smem:$0x3FB4] =	sst s10  }
0x38: {  	s10 =	sld [smem:$0x3FB5]  }
0x39: {  	_ = 	snop;
	(pc) =	sbr.ind lr, $3  }
0x3a: {  	_ = 	snop  }
0x3b: {  	_ = 	snop  }
0x3c: {  	p2 =	seq.s32 s10, $0x1;
	s10 =	sld [smem:$0x3FB4]  }
0x3d: {  	_ =	shalt  }
0x3e: {  	_ =	shalt  }
0x3f: {  	_ =	shalt  }
0x40: {  	_ =	shalt  }
0x41: {  	_ =	shalt  }
0x42: {  	_ =	shalt  }
0x43: {  	_ =	shalt  }
0x44: {  	_ =	shalt  }
0x45: {  	_ =	shalt  }
0x46: {  	_ =	shalt  }
0x47: {  	_ =	shalt  }
0x48: {  	_ =	shalt  }
0x49: {  	_ =	shalt  }
0x4a: {  	_ =	shalt  }
0x4b: {  	_ =	shalt  }
0x4c: {  	_ =	shalt  }
0x4d: {  	_ =	shalt  }
0x4e: {  	_ =	shalt  }
0x4f: {  	_ =	shalt  }
0x50: {  	_ =	shalt  }
0x51: {  	_ =	shalt  }
0x52: {  	_ =	shalt  }
0x53: {  	_ =	shalt  }
0x54: {  	_ =	shalt  }
0x55: {  	_ =	shalt  }
0x56: {  	_ =	shalt  }
0x57: {  	_ =	shalt  }
0x58: {  	_ =	shalt  }
0x59: {  	_ =	shalt  }
0x5a: {  	_ =	shalt  }
0x5b: {  	_ =	shalt  }
0x5c: {  	_ =	shalt  }
0x5d: {  	_ =	shalt  }
0x5e: {  	_ =	shalt  }
0x5f: {  	_ =	shalt  }
0x60: {  	_ =	shalt  }
0x61: {  	_ =	shalt  }
0x62: {  	_ =	shalt  }
0x63: {  	_ =	shalt  }
0x64: {  	_ =	shalt  }
0x65: {  	_ =	shalt  }
0x66: {  	_ =	shalt  }
0x67: {  	_ =	shalt  }
0x68: {  	_ =	shalt  }
0x69: {  	_ =	shalt  }
0x6a: {  	_ =	shalt  }
0x6b: {  	_ =	shalt  }
0x6c: {  	_ =	shalt  }
0x6d: {  	_ =	shalt  }
0x6e: {  	_ =	shalt  }
0x6f: {  	_ =	shalt  }
0x70: {  	_ =	shalt  }
0x71: {  	_ =	shalt  }
0x72: {  	_ =	shalt  }
0x73: {  	_ =	shalt  }
0x74: {  	_ =	shalt  }
0x75: {  	_ =	shalt  }
0x76: {  	_ =	shalt  }
0x77: {  	_ =	shalt  }
0x78: {  	_ =	shalt  }
0x79: {  	_ =	shalt  }
0x7a: {  	_ =	shalt  }
0x7b: {  	_ =	shalt  }
0x7c: {  	_ =	shalt  }
0x7d: {  	_ =	shalt  }
0x7e: {  	_ =	shalt  }
0x7f: {  	_ =	shalt  }
0x80: {  	_ =	shalt  }
0x81: {  	_ =	shalt  }
0x82: {  	_ =	shalt  }
0x83: {  	_ =	shalt  }
0x84: {  	_ =	shalt  }
0x85: {  	_ =	shalt  }
0x86: {  	_ =	shalt  }
0x87: {  	_ =	shalt  }
.Lfunc_end0:
.L_simem_size_0:
called_computation_lowered:
.L_overlay_start_0:
0x88: {  	s2 =	sld [smem:$0x3FD9]  }
0x89: {  	s3 =	sld [smem:$0x3FFE];
	_ =	sdelay $0x1  }
0x8a: {  	s1 =	srdreg.scid  }
0x8b: {  	s0 =	sand.u32 $0x1, s1  }
0x8c: {  	s17 =	sshll.u32 s0, $0xA;
	s2 =	sadd.s32 s3, s2  }
0x8d: {  	s2 =	sadd.s32 s2, s17  }
0x8e: {  	[smem:$0x3FC0] =	sst s2  }
0x8f: {  	_ = 	snop  }
0x90: {  	s2 =	sld [smem:$0x3FD0];
	(tm) =	ssettm $0x1  }
0x91: {  	s18 =	sld [smem:$0x3FFB];
	_ =	sdelay $0x3  }
0x92: {  	_ =	strace s18  }
0x93: {  	s3 =	sld [smem:$0x3FFC];
	_ =	sdelay $0x3  }
0x94: {  	_ =	strace s3  }
0x95: {  	s3 =	sld [smem:$0x3FFD];
	_ =	sdelay $0x3  }
0x96: {  	_ =	strace s3  }
0x97: {  	_ =	strace $0x8FFFFFFF  }
0x98: {  	s19 =	sld [smem:$0x3FDB];
	_ =	sdelay $0x1  }
0x99: {  	s4 =	simm.s32 $_scs_section_size  }
0x9a: {  	s5 =	simm.s32 $_size__tile_overlayer_lowered;
	s6 =	simm.s32 $_tile_overlayer_lowered  }
0x9b: {  	s22 =	simm.s32 $0x1BFF;
	s21 =	sshll.u32 s6, $0x1;
	s3 =	sadd.s32 s4, s19  }
0x9c: {  	s7 =	simm.s32 $0x0;
	s20 =	sshll.u32 s5, $0x1;
	s5 =	sadd.s32 s21, s3  }
0x9d: {  	[timem:s7], [sflag:s22] =	dma.local [hbm:s5], s20  }
0x9e: {  	_ =	swait.ge [sflag:s22], s20  }
0x9f: {  	s4 =	ssub.s32 $0x0, s20;
	[sflag:s22] =	ssyncset.done $0x0  }
0xa0: {  	[sflag:s22] =	ssyncadd.s32 s4;
	_ =	sdelay $0x1  }
0xa1: {  	s23 =	simm.s32 $0x1B8B  }
0xa2: {  	_ =	swait.ge [sflag:s23], $0x1  }
0xa3: {  	[sflag:s23] =	ssyncset.done $0x0  }
0xa4: {  	s25 =	simm.s32 $0x1B8E;
	s24 =	sld [smem:$0x3FFE];
	[sflag:s23] =	ssyncadd.s32 $0xFFFFFFFF  }
0xa5: {  	s26 =	simm.s32 $execute0_lowered;
	[smem:$0x3FD2] =	sst s25  }
0xa6: {  	s5 =	sshll.u32 s26, $0x1;
	_ =	strace $0x80000046;
	[dreg:$0x1] =	wrdreg $0xFFFFFFFF  }
0xa7: {  	s28 =	simm.s32 $_size_execute0_lowered;
	s3 =	sadd.s32 s3, s5;
	[dreg:$0x0] =	wrdreg $0x0  }
0xa8: {  	s5 =	sshll.u32 s28, $0x1;
	[dreg:$0x2] =	wrdreg s3  }
0xa9: {  	[dreg:$0x3] =	wrdreg s5  }
0xaa: {  	[dreg:$0x4] =	wrdreg $0xC0  }
0xab: {  	_ =	task [dreg:s7], $0x5FFFF  }
0xac: {  	[dreg:$0x1] =	wrdreg $0xFFFFFFFF  }
0xad: {  	[dreg:$0x0] =	wrdreg $0x60  }
0xae: {  	[dreg:$0x2] =	wrdreg s2  }
0xaf: {  	[dreg:$0x3] =	wrdreg s24  }
0xb0: {  	[dreg:$0x4] =	wrdreg $0xA2800  }
0xb1: {  	[dreg:$0x5] =	wrdreg $0x1DB000  }
0xb2: {  	[dreg:$0x6] =	wrdreg $0x9  }
0xb3: {  	_ =	task.clear_ibuf [dreg:s7], $0x7FFFF;
	_ =	strace $0x90000046  }
0xb4: {  	s29 =	simm.s32 $0x9;
	_ =	strace $0x80000048  }
0xb5: {  	_ =	swait.ge [sflag:s29], $0x1  }
0xb6: {  	[sflag:s29] =	ssyncadd.s32 $0xFFFFFFFF  }
0xb7: {  	_ =	strace $0x90000048  }
0xb8: {  	_ =	sfence  }
0xb9: {  	s30 =	sld [smem:$0x0];
	_ =	sdelay $0x2  }
0xba: {  	s31 =	sshll.u32 s1, $0xD;
	s1 =	sshrl.u32 s1, $0x2  }
0xbb: {  	s3 =	sand.u32 $0x4000, s31;
	s1 =	sadd.s32 s1, s30  }
0xbc: {  	s0 =	sor.u32 s3, s0;
	s1 =	sshll.u32 s1, $0x11  }
0xbd: {  	s0 =	sor.u32 s1, s0  }
0xbe: {  	s0 =	sadd.s32 $0x8F2B, s0  }
0xbf: {  	[sflag:s0] =	ssyncadd.remote.s32 $0x1  }
0xc0: {  	_ =	sfence.sel $0xFFFF  }
0xc1: {  	[dreg:$0x0] =	wrdreg $0xFFFFFFFF;
	(pc) =	sbr.abs _section_cstart, $3  }
0xc2: {  	[dreg:$0x1] =	wrdreg $0xFFFFFFFF  }
0xc3: {  	_ =	task.clear_ibuf [dreg:s7], $0x2FFFF;
	_ =	strace $0x9FFFFFFF  }
0xc4: {  	(tm) =	ssettm $0x7FFFFFFF  }
0xc5: {  	_ =	shalt  }
tec
execute0_lowered:
.L_overlay_start_1:
0x0: {  	(tag) =	ssettag $0x1  }
0x1: {  	s0 =	rddreg [dreg:$0x1]  }
0x2: {  	s12 =	rddreg [dreg:$0x2]  }
0x3: {  	s13 =	rddreg [dreg:$0x3]  }
0x4: {  	s1 =	simm.s32 $0x0;
	s20 =	srdreg.scid;
	s14 =	stileid.u32  }
0x5: {  	[smem:$0x7FF] =	sst s1;
	s3 =	smul.u32 $0x4E000, s14  }
0x6: {  	s6 =	sadd.s32 $0x14C00, s0;
	s7 =	sadd.s32 $0xAE00, s0;
	s1 =	sand.u32 $0x1, s20  }
0x7: {  	s8 =	sadd.s32 $0x1000, s0;
	s4 =	sadd.s32 $0x67E00, s0;
	s3 =	sshrl.u32 s3, $0x2  }
0x8: {  	s21 =	sshll.u32 s14, $0x1;
	_ =	strace $0x80000047;
	s16 =	sadd.s32 s3, s12  }
0x9: {  	s2 =	ssub.s32 $0x2, s1;
	s9 =	sadd.s32 $0x1400, s16;
	[dreg:$0x5] =	wrdreg s16  }
0xa: {  	s5 =	sshrl.u32 s2, $0x1;
	s23 =	sadd.s32 $0x2800, s16;
	[dreg:$0x6] =	wrdreg s9  }
0xb: {  	s2 =	ssub.s32 s2, s5;
	s24 =	sadd.s32 $0x3C00, s16;
	[dreg:$0x7] =	wrdreg s23  }
0xc: {  	s22 =	smul.u32 $0x5000, s14;
	s15 =	smax.u32 s2, $0x1;
	[dreg:$0x8] =	wrdreg s24  }
0xd: {  	s10 =	smul.u32 $0x13800, s14;
	s18 =	sadd.s32 $0x5000, s16;
	[dreg:$0x14] =	wrdreg s15  }
0xe: {  	s25 =	smul.u32 $0x138800, s1;
	s19 =	sadd.s32 $0x6400, s16;
	[dreg:$0x16] =	wrdreg s18  }
0xf: {  	s5 =	sor.u32 s1, s21;
	s20 =	sadd.s32 $0x7800, s16;
	[dreg:$0x17] =	wrdreg s19  }
0x10: {  	s3 =	sshrl.u32 s22, $0x2;
	s21 =	sadd.s32 $0x8C00, s16;
	[dreg:$0x18] =	wrdreg s20  }
0x11: {  	s10 =	sadd.s32 s10, s25;
	s22 =	sadd.s32 $0xA000, s16;
	[dreg:$0x19] =	wrdreg s21  }
0x12: {  	s17 =	sadd.s32 s3, s13;
	s10 =	sshrl.u32 s10, $0x3;
	[dreg:$0x1a] =	wrdreg s22  }
0x13: {  	s0 =	sadd.s32 $0x62E00, s0;
	s31 =	sadd.s32 s4, s10;
	[dreg:$0x9] =	wrdreg s17  }
0x14: {  	s30 =	smul.u32 $0x1400, s14;
	s23 =	sadd.s32 $0xB400, s16;
	[dreg:$0xe] =	wrdreg s31  }
0x15: {  	s5 =	smul.u32 $0x2710, s5;
	s24 =	sadd.s32 $0xC800, s16;
	[dreg:$0x1b] =	wrdreg s23  }
0x16: {  	s9 =	sshrl.u32 s25, $0x3;
	s25 =	sadd.s32 $0xDC00, s16;
	[dreg:$0x1c] =	wrdreg s24  }
0x17: {  	s26 =	sshrl.u32 s5, $0x3;
	s10 =	sadd.s32 $0x50, s5;
	[dreg:$0x1d] =	wrdreg s25  }
0x18: {  	s28 =	sadd.s32 $0x28, s5;
	s5 =	sadd.s32 $0x78, s5;
	[dreg:$0xf] =	wrdreg s10  }
0x19: {  	p0 =	seq.s32 s14, $0xF;
	s31 =	sadd.s32 $0x137400, s12;
	[dreg:$0x10] =	wrdreg s5  }
0x1a: {  	s14 =	simm.s32 $0x7;
	s11 =	sadd.s32 s7, s26;
	[smem:$0x7FC] =	sst s31  }
0x1b: {  	s1 =	smul.u32 $0x13C00, s1;
	s3 =	sadd.s32 s8, s26;
	[dreg:$0xa] =	wrdreg s11  }
0x1c: {  	s2 =	simm.s32 $0x0;
	s26 =	sadd.s32 $0xF000, s16;
	[dreg:$0xb] =	wrdreg s3  }
0x1d: {  	s3 =	sshrl.u32 s28, $0x3;
	[dreg:$0x1e] =	wrdreg s26;
	s28 =	sadd.s32 $0x10400, s16  }
0x1e: {  	s11 =	sadd.s32 s30, s1;
	s30 =	sadd.s32 $0x12400, s16;
	[dreg:$0x1f] =	wrdreg s28  }
0x1f: {  	s21 =	simm.s32 $0x9;
	s29 =	sadd.s32 s7, s3;
	[smem:$0x7FB] =	sst s30  }
0x20: {  	v1 =	vimm.s32 $0x76543210;
	v4 =	vlaneseq.u32;
	s15 =	simm.s32 $0x5;
	s3 =	sadd.s32 s8, s3;
	[dreg:$0xc] =	wrdreg s29  }
0x21: {  	v3 =	vunpack.c.l.s4.s8 v1;
	v5 =	vshrl.u32 v4, $0x3;
	v1 =	vand.u32 $0x7, v4;
	s25 =	simm.s32 $0x28;
	s1 =	sshrl.u32 s1, $0x3;
	[dreg:$0xd] =	wrdreg s3  }
0x22: {  	v0 =	vimm.s32 $0xFEDCBA98;
	[tilespmem:$0x1FFA0] =	vst v1;
	v1 =	vmul.u32 $0x8, v5;
	s3 =	sadd.s32 s4, s9;
	s4 =	sshrl.u32 s11, $0x3;
	s29 =	sadd.s32 $0x11800, s16  }
0x23: {  	v2 =	vunpack.c.l.s4.s8 v0;
	v8 =	vmul.u32 $0xFFFFFFFF, v5;
	s4 =	sadd.s32 s0, s4;
	s3 =	sadd.s32 $0x27000, s3;
	[smem:$0x7FA] =	sst s29  }
.Ltmp0:
0x24: {  	vm0 =	vmmov $0xffff;
	[tilespmem:$0x1FFB0] =	vst v1;
	v1 =	vor.u32 $0x8, v4;
	s0 =	sadd.s32 s0, s1;
	[dreg:$0x11] =	wrdreg s4;
	(pc) =	sbr.rel .LBB2_1-.Ltmp0, $4  }
0x25: {  	v0 =	vimm.f32 $0.0e+00;
	v6 =	vunpack.c.0.s8.s32 v2;
	v37 =	vadd.s32 $0xFFFFFFF6, v8;
	[tilespmem:$0x1FFC0] =	vst v1;
	s24 =	simm.s32 $0x8;
	[dreg:$0x12] =	wrdreg s3;
	s0 =	sadd.s32 $0x2580, s0  }
0x26: {  	v7 =	vunpack.c.0.s8.s32 v3;
	v10 =	vadd.s32 $0xFFFFFFFC, v8;
	v38 =	vadd.s32 $0xFFFFFFF4, v8;
	[tilespmem:$0x1FFD0] =	vst v37;
	s1 =	sadd.s32 $0x138000, s12;
	s4 =	sadd.s32 $0x12C00, s13;
	[dreg:$0x13] =	wrdreg s0  }
0x27: {  	v11 =	vadd.s32 $0xFFFFFFFA, v8;
	v40 =	vadd.s32 $0xFFFFFFF2, v8;
	v5 =	vand.u32 $0xF, v6;
	[tilespmem:$0x1FFE0] =	vst v38;
	s5 =	simm.s32 $0x180;
	s0 =	sshrl.u32 @p0 s1, $0x3;
	[smem:$0x7FD] =	sst s4  }
0x28: {  	v12 =	vadd.s32 $0xFFFFFFF8, v8;
	[tilespmem:$0x1FFF0] =	vst v40;
	v9 =	vcombine.low v5, v7;
	v7 =	vadd.s32 $0xFFFFFFFE, v8;
	s9 =	simm.s32 $0x0;
	s13 =	simm.s32 $0x6;
	[dreg:$0x15] =	wrdreg s0  }
.LBB2_10:
0x29: {  	s0 =	stileid.u32;
	[bflag:$0x0] =	sbarrier.arrive $0xFFFF  }
0x2a: {  	s0 =	sshll.u32 s0, $0x6;
	s16 =	rddreg [dreg:$0x5]  }
0x2b: {  	s2 =	rddreg [dreg:$0xe];
	s0 =	sor.u32 $0x1C09, s0;
	s1 =	sshrl.u32 s16, $0x3  }
0x2c: {  	[hbm:s2], [sflag:s0] =	dma.local [spmem:s1], $0x2700  }
0x2d: {  	_ =	swait.ge [sflag:s21], $0x2700  }
0x2e: {  	[sflag:s21] =	ssyncset.done $0x0;
	s1 =	rddreg [dreg:$0x12]  }
0x2f: {  	s2 =	rddreg [dreg:$0x15];
	[sflag:s21] =	ssyncadd.s32 $0xFFFFD900  }
0x30: {  	[hbm:s1], [sflag:s0] =	dma.local @p0 [spmem:s2], $0x100  }
0x31: {  	s1 =	simm.s32 @p0 $0x9  }
0x32: {  	_ =	swait.ge @p0 [sflag:s1], $0x100  }
0x33: {  	s4 =	sld [smem:$0x7FD];
	_ =	sdelay $0x1  }
0x34: {  	[sflag:s1] =	ssyncset.done @p0 $0x0  }
0x35: {  	s3 =	rddreg [dreg:$0x13];
	[sflag:s1] =	ssyncadd.s32 @p0 $0xFFFFFF00;
	s2 =	sshrl.u32 @p0 s4, $0x3  }
0x36: {  	[hbm:s3], [sflag:s0] =	dma.local @p0 [spmem:s2], $0x190  }
0x37: {  	_ =	swait.ge @p0 [sflag:s1], $0x190  }
0x38: {  	[sflag:s1] =	ssyncset.done @p0 $0x0;
	s17 =	rddreg [dreg:$0x9]  }
0x39: {  	s2 =	rddreg [dreg:$0x11];
	[sflag:s1] =	ssyncadd.s32 @p0 $0xFFFFFE70;
	s1 =	sshrl.u32 @!p0 s17, $0x3  }
0x3a: {  	[hbm:s2], [sflag:s0] =	dma.local @!p0 [spmem:s1], $0x280  }
0x3b: {  	s0 =	simm.s32 @!p0 $0x9  }
0x3c: {  	_ =	swait.ge @!p0 [sflag:s0], $0x280  }
0x3d: {  	s30 =	sld [smem:$0x7F9];
	_ =	sdelay $0x2  }
0x3e: {  	s31 =	rddreg [dreg:$0x14];
	s2 =	sadd.s32 $0x1, s30  }
0x3f: {  	p1 =	sne.s32 s2, s31  }
.Ltmp1:
0x40: {  	_ = 	snop;
	(pc) =	sbr.rel @!p1 .LBB2_11-.Ltmp1, $3  }
0x41: {  	_ =	sdelay $0x1  }
0x42: {  	[sflag:s0] =	ssyncset.done @!p0 $0x0  }
0x43: {  	v0 =	vimm.f32 $0.0e+00;
	[sflag:s0] =	ssyncadd.s32 @!p0 $0xFFFFFD80  }
.LBB2_1:
0x44: {  	[smem:$0x7F9] =	sst s2;
	s0 =	simm.s32 $0x0;
	s1 =	simm.s32 $0x200  }
.LBB2_2:
0x45: {  	p1 =	sne.s32 s1, $0x4E00;
	[tilespmem:s0+$0x7AF0] =	vst v0  }
0x46: {  	[tilespmem:s0+$0x7A80] =	vst v0  }
0x47: {  	[tilespmem:s0+$0x7A90] =	vst v0  }
.Ltmp2:
0x48: {  	[tilespmem:s0+$0x7AA0] =	vst v0;
	(pc) =	sbr.rel @p1 .LBB2_2-.Ltmp2, $4  }
0x49: {  	[tilespmem:s0+$0x7AB0] =	vst v0  }
0x4a: {  	[tilespmem:s0+$0x7AC0] =	vst v0  }
0x4b: {  	[tilespmem:s0+$0x7AD0] =	vst v0  }
0x4c: {  	[tilespmem:s0+$0x7AE0] =	vst v0;
	s0 =	sshra.s32 s1, $0x2;
	s1 =	sadd.s32 $0x200, s1  }
0x4d: {  	[tilespmem:s0+$0x7AF0] =	vst v0  }
0x4e: {  	[tilespmem:s0+$0x7A80] =	vst v0  }
0x4f: {  	[tilespmem:s0+$0x7A90] =	vst v0  }
0x50: {  	[tilespmem:s0+$0x7AA0] =	vst v0  }
0x51: {  	[tilespmem:s0+$0x7AB0] =	vst v0  }
0x52: {  	[tilespmem:s0+$0x7AC0] =	vst v0  }
0x53: {  	[tilespmem:s0+$0x7AD0] =	vst v0  }
0x54: {  	[tilespmem:s0+$0x7AE0] =	vst v0;
	s1 =	simm.s32 $0x7A80  }
0x55: {  	[spmem:s16] =	stream.linear.scatter [tilespmem:s1], [sflag:$0x9], $0x1400, $0x38;
	[tilespmem:$0x1EE88] =	vst v63  }
0x56: {  	_ =	swait.ge [sflag:s21], $0x1400  }
0x57: {  	[sflag:s21] =	ssyncset.done $0x0  }
0x58: {  	s12 =	rddreg [dreg:$0x6];
	[sflag:s21] =	ssyncadd.s32 $0xFFFFEC00  }
0x59: {  	[spmem:s12] =	stream.linear.scatter [tilespmem:s1], [sflag:$0x9], $0x1400, $0x38;
	[tilespmem:$0x1EE88] =	vst v63  }
0x5a: {  	_ =	swait.ge [sflag:s21], $0x1400  }
0x5b: {  	[sflag:s21] =	ssyncset.done $0x0  }
0x5c: {  	s16 =	rddreg [dreg:$0x7];
	[sflag:s21] =	ssyncadd.s32 $0xFFFFEC00  }
0x5d: {  	[spmem:s16] =	stream.linear.scatter [tilespmem:s1], [sflag:$0x9], $0x1400, $0x38;
	[tilespmem:$0x1EE88] =	vst v63  }
0x5e: {  	_ =	swait.ge [sflag:s21], $0x1400  }
0x5f: {  	[sflag:s21] =	ssyncset.done $0x0  }
0x60: {  	s18 =	rddreg [dreg:$0x8];
	[sflag:s21] =	ssyncadd.s32 $0xFFFFEC00  }
0x61: {  	[spmem:s18] =	stream.linear.scatter [tilespmem:s1], [sflag:$0x9], $0x1400, $0x38;
	[tilespmem:$0x1EE88] =	vst v63  }
0x62: {  	_ =	swait.ge [sflag:s21], $0x1400  }
0x63: {  	[sflag:s21] =	ssyncset.done $0x0  }
0x64: {  	s19 =	rddreg [dreg:$0x16];
	[sflag:s21] =	ssyncadd.s32 $0xFFFFEC00  }
0x65: {  	[spmem:s19] =	stream.linear.scatter [tilespmem:s1], [sflag:$0x9], $0x1400, $0x38;
	[tilespmem:$0x1EE88] =	vst v63  }
0x66: {  	_ =	swait.ge [sflag:s21], $0x1400  }
0x67: {  	[sflag:s21] =	ssyncset.done $0x0  }
0x68: {  	s20 =	rddreg [dreg:$0x17];
	[sflag:s21] =	ssyncadd.s32 $0xFFFFEC00  }
0x69: {  	[spmem:s20] =	stream.linear.scatter [tilespmem:s1], [sflag:$0x9], $0x1400, $0x38;
	[tilespmem:$0x1EE88] =	vst v63  }
0x6a: {  	_ =	swait.ge [sflag:s21], $0x1400  }
0x6b: {  	[sflag:s21] =	ssyncset.done $0x0  }
0x6c: {  	s22 =	rddreg [dreg:$0x18];
	[sflag:s21] =	ssyncadd.s32 $0xFFFFEC00  }
0x6d: {  	[spmem:s22] =	stream.linear.scatter [tilespmem:s1], [sflag:$0x9], $0x1400, $0x38;
	[tilespmem:$0x1EE88] =	vst v63  }
0x6e: {  	_ =	swait.ge [sflag:s21], $0x1400  }
0x6f: {  	[sflag:s21] =	ssyncset.done $0x0  }
0x70: {  	s23 =	rddreg [dreg:$0x19];
	[sflag:s21] =	ssyncadd.s32 $0xFFFFEC00  }
0x71: {  	[spmem:s23] =	stream.linear.scatter [tilespmem:s1], [sflag:$0x9], $0x1400, $0x38;
	[tilespmem:$0x1EE88] =	vst v63  }
0x72: {  	_ =	swait.ge [sflag:s21], $0x1400  }
0x73: {  	[sflag:s21] =	ssyncset.done $0x0  }
0x74: {  	s26 =	rddreg [dreg:$0x1a];
	[sflag:s21] =	ssyncadd.s32 $0xFFFFEC00  }
0x75: {  	[spmem:s26] =	stream.linear.scatter [tilespmem:s1], [sflag:$0x9], $0x1400, $0x38;
	[tilespmem:$0x1EE88] =	vst v63  }
0x76: {  	_ =	swait.ge [sflag:s21], $0x1400  }
0x77: {  	[sflag:s21] =	ssyncset.done $0x0  }
0x78: {  	s28 =	rddreg [dreg:$0x1b];
	[sflag:s21] =	ssyncadd.s32 $0xFFFFEC00  }
0x79: {  	[spmem:s28] =	stream.linear.scatter [tilespmem:s1], [sflag:$0x9], $0x1400, $0x38;
	[tilespmem:$0x1EE88] =	vst v63  }
0x7a: {  	_ =	swait.ge [sflag:s21], $0x1400  }
0x7b: {  	[sflag:s21] =	ssyncset.done $0x0  }
0x7c: {  	s29 =	rddreg [dreg:$0x1c];
	[sflag:s21] =	ssyncadd.s32 $0xFFFFEC00  }
0x7d: {  	[spmem:s29] =	stream.linear.scatter [tilespmem:s1], [sflag:$0x9], $0x1400, $0x38;
	[tilespmem:$0x1EE88] =	vst v63  }
0x7e: {  	_ =	swait.ge [sflag:s21], $0x1400  }
0x7f: {  	[sflag:s21] =	ssyncset.done $0x0  }
0x80: {  	s30 =	rddreg [dreg:$0x1d];
	[sflag:s21] =	ssyncadd.s32 $0xFFFFEC00  }
0x81: {  	[spmem:s30] =	stream.linear.scatter [tilespmem:s1], [sflag:$0x9], $0x1400, $0x38;
	[tilespmem:$0x1EE88] =	vst v63  }
0x82: {  	_ =	swait.ge [sflag:s21], $0x1400  }
0x83: {  	[sflag:s21] =	ssyncset.done $0x0  }
0x84: {  	s31 =	rddreg [dreg:$0x1e];
	[sflag:s21] =	ssyncadd.s32 $0xFFFFEC00  }
0x85: {  	[spmem:s31] =	stream.linear.scatter [tilespmem:s1], [sflag:$0x9], $0x1400, $0x38;
	[tilespmem:$0x1EE88] =	vst v63  }
0x86: {  	_ =	swait.ge [sflag:s21], $0x1400  }
0x87: {  	[sflag:s21] =	ssyncset.done $0x0  }
0x88: {  	s2 =	rddreg [dreg:$0x1f];
	[sflag:s21] =	ssyncadd.s32 $0xFFFFEC00  }
0x89: {  	[spmem:s2] =	stream.linear.scatter [tilespmem:s1], [sflag:$0x9], $0x1400, $0x38;
	[tilespmem:$0x1EE88] =	vst v63  }
0x8a: {  	_ =	swait.ge [sflag:s21], $0x1400  }
0x8b: {  	s3 =	sld [smem:$0x7FA]  }
0x8c: {  	[sflag:s21] =	ssyncset.done $0x0  }
0x8d: {  	[sflag:s21] =	ssyncadd.s32 $0xFFFFEC00  }
0x8e: {  	[spmem:s3] =	stream.linear.scatter [tilespmem:s1], [sflag:$0x9], $0x1400, $0x38;
	[tilespmem:$0x1EE88] =	vst v63  }
0x8f: {  	_ =	swait.ge [sflag:s21], $0x1400  }
0x90: {  	s10 =	sld [smem:$0x7FB]  }
0x91: {  	[sflag:s21] =	ssyncset.done $0x0  }
0x92: {  	[sflag:s21] =	ssyncadd.s32 $0xFFFFEC00  }
0x93: {  	[spmem:s10] =	stream.linear.scatter [tilespmem:s1], [sflag:$0x9], $0x1400, $0x38;
	[tilespmem:$0x1EE88] =	vst v63  }
0x94: {  	_ =	swait.ge [sflag:s21], $0x1400  }
0x95: {  	s1 =	sld [smem:$0x7FC]  }
0x96: {  	[sflag:s21] =	ssyncset.done $0x0  }
0x97: {  	s0 =	simm.s32 @p0 $0x7A80;
	[sflag:s21] =	ssyncadd.s32 $0xFFFFEC00  }
0x98: {  	[spmem:s1] =	stream.linear.scatter @p0 [tilespmem:s0], [sflag:$0x9], $0x1400, $0x38;
	[tilespmem:$0x1EE88] =	vst v63  }
0x99: {  	s1 =	simm.s32 @p0 $0x9  }
0x9a: {  	_ =	swait.ge @p0 [sflag:s1], $0x1400  }
0x9b: {  	[sflag:s1] =	ssyncset.done @p0 $0x0  }
0x9c: {  	[sflag:s1] =	ssyncadd.s32 @p0 $0xFFFFEC00  }
0x9d: {  	[spmem:s4] =	stream.linear.scatter @p0 [tilespmem:s0], [sflag:$0x9], $0xC80, $0x38;
	[tilespmem:$0x1EE88] =	vst v63  }
0x9e: {  	_ =	swait.ge @p0 [sflag:s1], $0xC80  }
0x9f: {  	[sflag:s1] =	ssyncset.done @p0 $0x0  }
0xa0: {  	s0 =	simm.s32 @!p0 $0x7A80;
	[sflag:s1] =	ssyncadd.s32 @p0 $0xFFFFF380  }
0xa1: {  	[spmem:s17] =	stream.linear.scatter @!p0 [tilespmem:s0], [sflag:$0x9], $0x1400, $0x38;
	[tilespmem:$0x1EE88] =	vst v63  }
0xa2: {  	s0 =	simm.s32 @!p0 $0x9  }
0xa3: {  	_ =	swait.ge @!p0 [sflag:s0], $0x1400  }
0xa4: {  	[sflag:s0] =	ssyncset.done @!p0 $0x0  }
0xa5: {  	[sflag:s0] =	ssyncadd.s32 @!p0 $0xFFFFEC00  }
0xa6: {  	[bflag:$0x0] =	sbarrier.arrive $0xFFFF  }
0xa7: {  	s11 =	rddreg [dreg:$0xa]  }
0xa8: {  	[tilespmem:s9], [sflag:$0x1] =	stream.linear.gather [hbm4b:s11+s9], $0x28, $0x38;
	[tilespmem:$0x1EE88] =	vst v63  }
0xa9: {  	s16 =	simm.s32 $0x100;
	s17 =	simm.s32 $0x1;
	s12 =	rddreg [dreg:$0xb]  }
0xaa: {  	[tilespmem:s16], [sflag:$0x3] =	stream.linear.gather [hbm4b:s12+s9], $0x28, $0x38;
	[tilespmem:$0x1EE88] =	vst v63  }
0xab: {  	_ =	swait.ge [sflag:s17], $0x28  }
0xac: {  	[sflag:s17] =	ssyncset.done $0x0  }
0xad: {  	s18 =	simm.s32 $0x3;
	[sflag:s17] =	ssyncadd.s32 $0xFFFFFFD8  }
0xae: {  	_ =	swait.ge [sflag:s18], $0x28  }
0xaf: {  	[sflag:s18] =	ssyncset.done $0x0  }
0xb0: {  	[sflag:s18] =	ssyncadd.s32 $0xFFFFFFD8  }
0xb1: {  	v4 =	vld [tilespmem:$0x0];
	_ =	sdelay $0x2  }
0xb2: {  	v63 =	vld [tilespmem:$0x1FFA0]  }
0xb3: {  	v1 =	vld [tilespmem:$0x1FFB0]  }
0xb4: {  	v2 =	vld [tilespmem:$0x1FFC0];
	v13 =	vshll.u32 v4, $0x1  }
0xb5: {  	v4 =	vand.u32 $0x7, v4;
	v13 =	vand.u32 $0xFFFFFFF0, v13  }
0xb6: {  	v4 =	vor.u32 v4, v13  }
0xb7: {  	v13 =	vperm.xlane v4, v63;
	_ =	sdelay $0x1  }
0xb8: {  	v4 =	vperm.xlane v4, v2;
	v13 =	vadd.s32 v1, v13;
	_ =	sdelay $0x1  }
0xb9: {  	v4 =	vadd.s32 v1, v4;
	_ =	sdelay $0x1  }
0xba: {  	s19 =	simm.s32 $0x2A80  }
0xbb: {  	[tilespmem:s19], [sflag:$0x7] =	stream.indirect_vreg.gather [hbm4b:s6+s9], $0x80, v13, vm0, $0xb8;
	[tilespmem:$0x1EE88] =	vst v63  }
0xbc: {  	s20 =	simm.s32 $0x3280  }
0xbd: {  	[tilespmem:s20], [sflag:$0x7] =	stream.indirect_vreg.gather [hbm4b:s6+s9], $0x80, v4, vm0, $0xb8;
	[tilespmem:$0x1EE88] =	vst v63  }
0xbe: {  	v4 =	vld [tilespmem:$0x10];
	_ =	sdelay $0x4  }
0xbf: {  	v13 =	vshll.u32 v4, $0x1  }
0xc0: {  	v4 =	vand.u32 $0x7, v4;
	v13 =	vand.u32 $0xFFFFFFF0, v13  }
0xc1: {  	v4 =	vor.u32 v4, v13  }
0xc2: {  	v13 =	vperm.xlane v4, v63;
	_ =	sdelay $0x1  }
0xc3: {  	v4 =	vperm.xlane v4, v2;
	v13 =	vadd.s32 v1, v13;
	_ =	sdelay $0x1  }
0xc4: {  	v4 =	vadd.s32 v1, v4;
	_ =	sdelay $0x1  }
0xc5: {  	s22 =	simm.s32 $0x3A80  }
0xc6: {  	[tilespmem:s22], [sflag:$0x7] =	stream.indirect_vreg.gather [hbm4b:s6+s9], $0x80, v13, vm0, $0xb8;
	[tilespmem:$0x1EE88] =	vst v63  }
0xc7: {  	s23 =	simm.s32 $0x4280  }
0xc8: {  	[tilespmem:s23], [sflag:$0x7] =	stream.indirect_vreg.gather [hbm4b:s6+s9], $0x80, v4, vm0, $0xb8;
	[tilespmem:$0x1EE88] =	vst v63  }
0xc9: {  	v4 =	vld.msk [tilespmem:$0x20], $0xff;
	_ =	sdelay $0x4  }
0xca: {  	v13 =	vshll.u32 v4, $0x1  }
0xcb: {  	v4 =	vand.u32 $0x7, v4;
	v13 =	vand.u32 $0xFFFFFFF0, v13  }
0xcc: {  	v4 =	vor.u32 v4, v13  }
0xcd: {  	v4 =	vperm.xlane v4, v63;
	_ =	sdelay $0x1  }
0xce: {  	v4 =	vadd.s32 v1, v4;
	_ =	sdelay $0x3  }
0xcf: {  	s26 =	simm.s32 $0x4A80  }
0xd0: {  	[tilespmem:s26], [sflag:$0x7] =	stream.indirect_vreg.gather [hbm4b:s6+s9], $0x80, v4, vm0, $0xb8;
	[tilespmem:$0x1EE88] =	vst v63  }
0xd1: {  	s2 =	simm.s32 $0x280;
	s28 =	rddreg [dreg:$0x0]  }
0xd2: {  	[tilespmem:s2], [sflag:$0x5] =	stream.indirect.gather [hbm4b:s28+s25], $0x80, s16, s25, $0xb8;
	[tilespmem:$0x1EE88] =	vst v63  }
0xd3: {  	s30 =	simm.s32 $0x80;
	s29 =	rddreg [dreg:$0xc]  }
0xd4: {  	[tilespmem:s30], [sflag:$0x2] =	stream.linear.gather [hbm4b:s29+s9], $0x28, $0x38;
	[tilespmem:$0x1EE88] =	vst v63  }
0xd5: {  	s17 =	simm.s32 $0x0;
	s31 =	rddreg [dreg:$0xd]  }
0xd6: {  	[tilespmem:s5], [sflag:$0x4] =	stream.linear.gather [hbm4b:s31+s9], $0x28, $0x38;
	[tilespmem:$0x1EE88] =	vst v63  }
.LBB2_4:
0xd7: {  	s0 =	simm.s32 $0x2  }
0xd8: {  	_ =	swait.ge [sflag:s0], $0x28  }
0xd9: {  	[sflag:s0] =	ssyncset.done $0x0  }
0xda: {  	s22 =	simm.s32 $0x4;
	[sflag:s0] =	ssyncadd.s32 $0xFFFFFFD8  }
0xdb: {  	_ =	swait.ge [sflag:s22], $0x28  }
0xdc: {  	[sflag:s22] =	ssyncset.done $0x0  }
0xdd: {  	[sflag:s22] =	ssyncadd.s32 $0xFFFFFFD8  }
0xde: {  	v4 =	vld [tilespmem:$0x80];
	_ =	sdelay $0x2  }
0xdf: {  	v0 =	vld [tilespmem:$0x1FFA0]  }
0xe0: {  	v1 =	vld [tilespmem:$0x1FFB0]  }
0xe1: {  	v2 =	vld [tilespmem:$0x1FFC0];
	v13 =	vshll.u32 v4, $0x1  }
0xe2: {  	v4 =	vand.u32 $0x7, v4;
	v13 =	vand.u32 $0xFFFFFFF0, v13  }
0xe3: {  	v4 =	vor.u32 v4, v13  }
0xe4: {  	v13 =	vperm.xlane v4, v0;
	_ =	sdelay $0x1  }
0xe5: {  	v4 =	vperm.xlane v4, v2;
	v13 =	vadd.s32 v1, v13;
	_ =	sdelay $0x1  }
0xe6: {  	v4 =	vadd.s32 v1, v4;
	_ =	sdelay $0x1  }
0xe7: {  	s23 =	simm.s32 $0x5280  }
0xe8: {  	[tilespmem:s23], [sflag:$0x8] =	stream.indirect_vreg.gather [hbm4b:s6+s9], $0x80, v13, vm0, $0xb8;
	[tilespmem:$0x1EE88] =	vst v63  }
0xe9: {  	s26 =	simm.s32 $0x5A80  }
0xea: {  	[tilespmem:s26], [sflag:$0x8] =	stream.indirect_vreg.gather [hbm4b:s6+s9], $0x80, v4, vm0, $0xb8;
	[tilespmem:$0x1EE88] =	vst v63  }
0xeb: {  	v4 =	vld [tilespmem:$0x90];
	_ =	sdelay $0x4  }
0xec: {  	v13 =	vshll.u32 v4, $0x1  }
0xed: {  	v4 =	vand.u32 $0x7, v4;
	v13 =	vand.u32 $0xFFFFFFF0, v13  }
0xee: {  	v4 =	vor.u32 v4, v13  }
0xef: {  	v13 =	vperm.xlane v4, v0;
	_ =	sdelay $0x1  }
0xf0: {  	v4 =	vperm.xlane v4, v2;
	v13 =	vadd.s32 v1, v13;
	_ =	sdelay $0x1  }
0xf1: {  	v4 =	vadd.s32 v1, v4;
	_ =	sdelay $0x1  }
0xf2: {  	s28 =	simm.s32 $0x6280  }
0xf3: {  	[tilespmem:s28], [sflag:$0x8] =	stream.indirect_vreg.gather [hbm4b:s6+s9], $0x80, v13, vm0, $0xb8;
	[tilespmem:$0x1EE88] =	vst v63  }
0xf4: {  	s29 =	simm.s32 $0x6A80  }
0xf5: {  	[tilespmem:s29], [sflag:$0x8] =	stream.indirect_vreg.gather [hbm4b:s6+s9], $0x80, v4, vm0, $0xb8;
	[tilespmem:$0x1EE88] =	vst v63  }
0xf6: {  	v4 =	vld.msk [tilespmem:$0xA0], $0xff;
	_ =	sdelay $0x4  }
0xf7: {  	v13 =	vshll.u32 v4, $0x1  }
0xf8: {  	v4 =	vand.u32 $0x7, v4;
	v13 =	vand.u32 $0xFFFFFFF0, v13  }
0xf9: {  	v4 =	vor.u32 v4, v13  }
0xfa: {  	v4 =	vperm.xlane v4, v0;
	_ =	sdelay $0x1  }
0xfb: {  	v4 =	vadd.s32 v1, v4;
	_ =	sdelay $0x3  }
0xfc: {  	s30 =	simm.s32 $0x7280  }
0xfd: {  	[tilespmem:s30], [sflag:$0x8] =	stream.indirect_vreg.gather [hbm4b:s6+s9], $0x80, v4, vm0, $0xb8;
	[tilespmem:$0x1EE88] =	vst v63  }
0xfe: {  	s1 =	simm.s32 $0x1680;
	s31 =	rddreg [dreg:$0x0]  }
0xff: {  	[tilespmem:s1], [sflag:$0x6] =	stream.indirect.gather [hbm4b:s31+s25], $0x80, s5, s25, $0xb8;
	[tilespmem:$0x1EE88] =	vst v63  }
0x100: {  	_ =	swait.ge [sflag:s14], $0x2800  }
0x101: {  	[sflag:s14] =	ssyncset.done $0x0  }
0x102: {  	[sflag:s14] =	ssyncadd.s32 $0xFFFFD800  }
0x103: {  	_ =	swait.ge [sflag:s15], $0x1400  }
0x104: {  	[sflag:s15] =	ssyncset.done $0x0  }
0x105: {  	s26 =	simm.s32 $0x0;
	[sflag:s15] =	ssyncadd.s32 $0xFFFFEC00  }
.LBB2_5:
0x106: {  	s10 =	sshll.u32 s26, $0x7  }
0x107: {  	s0 =	sshll.u32 s26, $0x8;
	v13 =	vld [tilespmem:s10+$0x280]  }
0x108: {  	s0 =	sand.u32 $0x3800, s0;
	v15 =	vld [tilespmem:s10+$0x290]  }
0x109: {  	s20 =	sand.u32 $0x300, s10;
	v17 =	vld [tilespmem:s10+$0x2A0];
	s0 =	sadd.s32 $0x2A80, s0  }
0x10a: {  	v19 =	vld [tilespmem:s10+$0x2B0];
	s1 =	sadd.s32 s20, s0  }
0x10b: {  	v4 =	vld [tilespmem:s1+$0x0]  }
0x10c: {  	v14 =	vld [tilespmem:s1+$0x10]  }
0x10d: {  	v45 =	vld [tilespmem:s10+$0x2D0]  }
0x10e: {  	v16 =	vld [tilespmem:s1+$0x20]  }
0x10f: {  	v47 =	vld [tilespmem:s10+$0x2E0]  }
0x110: {  	v18 =	vld [tilespmem:s1+$0x30]  }
0x111: {  	s16 =	sor.u32 $0x1, s26;
	v4 =	vmul.f32 v13, v4;
	v13 =	vmul.f32 v15, v14;
	v14 =	vld [tilespmem:s1+$0x40]  }
0x112: {  	s5 =	sshll.u32 s16, $0x7;
	v15 =	vld [tilespmem:s10+$0x2C0]  }
0x113: {  	v48 =	vld [tilespmem:s5+$0x290];
	v4 =	vadd.f32 v13, v4;
	v13 =	vmul.f32 v17, v16  }
0x114: {  	v44 =	vld [tilespmem:s1+$0x50]  }
0x115: {  	v50 =	vld [tilespmem:s5+$0x2A0];
	v4 =	vadd.f32 v13, v4;
	v13 =	vmul.f32 v19, v18  }
0x116: {  	v46 =	vld [tilespmem:s1+$0x60]  }
0x117: {  	v4 =	vadd.f32 v13, v4;
	v13 =	vmul.f32 v15, v14;
	v14 =	vld [tilespmem:s1+$0x70]  }
0x118: {  	v15 =	vld [tilespmem:s10+$0x2F0]  }
0x119: {  	v21 =	vld [tilespmem:s5+$0x2B0];
	v4 =	vadd.f32 v13, v4;
	v13 =	vmul.f32 v45, v44  }
0x11a: {  	v23 =	vld [tilespmem:s5+$0x2C0]  }
0x11b: {  	v25 =	vld [tilespmem:s5+$0x2D0];
	v4 =	vadd.f32 v13, v4;
	v13 =	vmul.f32 v47, v46  }
0x11c: {  	s19 =	sadd.s32 $0x3, s26;
	v27 =	vld [tilespmem:s5+$0x2E0]  }
0x11d: {  	s31 =	sshll.u32 s19, $0x7;
	v52 =	vld [tilespmem:s5+$0x2F0];
	v4 =	vadd.f32 v13, v4;
	v13 =	vmul.f32 v15, v14  }
0x11e: {  	v3 =	vld [tilespmem:s31+$0x280]  }
0x11f: {  	s2 =	sand.u32 $0x380, s5;
	v34 =	vld [tilespmem:s31+$0x290];
	v4 =	vadd.f32 v13, v4  }
0x120: {  	v36 =	vld [tilespmem:s31+$0x2A0];
	s22 =	sadd.s32 s2, s0  }
0x121: {  	v49 =	vld [tilespmem:s22+$0x20];
	v13 =	vperm.xlane v4, v9  }
0x122: {  	v14 =	vld [tilespmem:s5+$0x280]  }
0x123: {  	v4 =	vadd.f32 v4, v13;
	v13 =	vld [tilespmem:s22+$0x0]  }
0x124: {  	v15 =	vld [tilespmem:s22+$0x10]  }
0x125: {  	v51 =	vld [tilespmem:s22+$0x30];
	v4 =	vmul.f32 $2.500000000e-01, v4  }
0x126: {  	v22 =	vld [tilespmem:s22+$0x40]  }
0x127: {  	s2 =	sadd.s32 $0x2, s26;
	v24 =	vld [tilespmem:s22+$0x50];
	v4 =	vmax.f32 v4, $-5.000000000e+00  }
0x128: {  	v26 =	vld [tilespmem:s22+$0x60];
	s0 =	sshll.u32 s2, $0x7;
	v4 =	vmin.f32 v4, $5.000000000e+00;
	v13 =	vmul.f32 v14, v13  }
0x129: {  	v54 =	vld [tilespmem:s0+$0x280];
	v14 =	vmul.f32 v48, v15;
	v4 =	vmul.f32 $1.442695020e+00, v4  }
0x12a: {  	v56 =	vld [tilespmem:s0+$0x290]  }
0x12b: {  	v58 =	vld [tilespmem:s0+$0x2A0];
	v13 =	vadd.f32 v14, v13;
	v14 =	vmul.f32 v50, v49;
	(erf) = vpow2.f32 v4  }
0x12c: {  	v60 =	vld [tilespmem:s0+$0x2B0]  }
0x12d: {  	v30 =	vld [tilespmem:s0+$0x2E0];
	v13 =	vadd.f32 v14, v13;
	v14 =	vmul.f32 v21, v51  }
0x12e: {  	s3 =	sshll.u32 s2, $0x8;
	v0 =	vld [tilespmem:s0+$0x2F0]  }
0x12f: {  	s3 =	sand.u32 $0x7800, s3;
	s4 =	sand.u32 $0x300, s0;
	v15 =	vld [tilespmem:s22+$0x70];
	v13 =	vadd.f32 v14, v13;
	v14 =	vmul.f32 v23, v22  }
0x130: {  	s18 =	sor.u32 s4, s3;
	v4 =	vld [tilespmem:s1+$0x400]  }
0x131: {  	v53 =	vld [tilespmem:s18+$0x2A80];
	v13 =	vadd.f32 v14, v13;
	v14 =	vmul.f32 v25, v24  }
0x132: {  	v55 =	vld [tilespmem:s18+$0x2A90]  }
0x133: {  	v57 =	vld [tilespmem:s18+$0x2AA0];
	v13 =	vadd.f32 v14, v13;
	v14 =	vmul.f32 v27, v26  }
0x134: {  	v59 =	vld [tilespmem:s18+$0x2AB0];
	v20 =	vpop (erf)  }
0x135: {  	v61 =	vld [tilespmem:s18+$0x2AC0];
	v13 =	vadd.f32 v14, v13;
	v14 =	vmul.f32 v52, v15;
	v4 =	vmul.f32 v20, v4  }
0x136: {  	v62 =	vld [tilespmem:s18+$0x2AD0]  }
0x137: {  	s28 =	sshll.u32 s19, $0x8;
	v28 =	vld [tilespmem:s18+$0x2AE0];
	v13 =	vadd.f32 v14, v13;
	[tilespmem:s10+$0x7A80] =	vst v4  }
0x138: {  	s29 =	sand.u32 $0x380, s31;
	s3 =	sand.u32 $0x7800, s28;
	v4 =	vld [tilespmem:s1+$0x410]  }
0x139: {  	v31 =	vld [tilespmem:s18+$0x2AF0];
	s4 =	sor.u32 s29, s3;
	v29 =	vperm.xlane v13, v9  }
0x13a: {  	v1 =	vld [tilespmem:s4+$0x2A80]  }
0x13b: {  	v32 =	vld [tilespmem:s4+$0x2A90];
	v63 =	vmul.f32 v56, v55;
	v18 =	vmul.f32 v54, v53;
	v13 =	vadd.f32 v13, v29  }
0x13c: {  	v2 =	vmul.f32 v58, v57;
	v15 =	vld [tilespmem:s0+$0x2C0]  }
0x13d: {  	v35 =	vld [tilespmem:s4+$0x2AA0];
	v18 =	vadd.f32 v63, v18;
	v13 =	vmul.f32 $2.500000000e-01, v13;
	v4 =	vmul.f32 v20, v4  }
0x13e: {  	v14 =	vld [tilespmem:s0+$0x2D0]  }
0x13f: {  	v39 =	vld [tilespmem:s4+$0x2AB0];
	v33 =	vmul.f32 v60, v59;
	v18 =	vadd.f32 v2, v18;
	v13 =	vmax.f32 v13, $-5.000000000e+00;
	[tilespmem:s10+$0x7A90] =	vst v4  }
0x140: {  	v13 =	vmin.f32 v13, $5.000000000e+00;
	v4 =	vld [tilespmem:s1+$0x420]  }
0x141: {  	v43 =	vld [tilespmem:s4+$0x2AC0];
	v18 =	vadd.f32 v33, v18;
	v15 =	vmul.f32 v15, v61;
	v13 =	vmul.f32 $1.442695020e+00, v13  }
0x142: {  	v17 =	vld [tilespmem:s22+$0x400]  }
0x143: {  	v14 =	vmul.f32 v14, v62;
	(erf) = vpow2.f32 v13;
	v13 =	vadd.f32 v15, v18;
	v15 =	vld [tilespmem:s31+$0x2B0]  }
0x144: {  	v41 =	vmul.f32 v3, v1;
	v42 =	vmul.f32 v34, v32;
	v44 =	vld [tilespmem:s31+$0x2C0]  }
0x145: {  	v46 =	vld [tilespmem:s4+$0x2AD0];
	v13 =	vadd.f32 v14, v13;
	v14 =	vmul.f32 v30, v28;
	v4 =	vmul.f32 v20, v4  }
0x146: {  	v16 =	vadd.f32 v42, v41;
	v45 =	vmul.f32 v36, v35;
	v47 =	vld [tilespmem:s31+$0x2D0]  }
0x147: {  	v48 =	vld [tilespmem:s4+$0x2AE0];
	v13 =	vadd.f32 v14, v13;
	v14 =	vmul.f32 v0, v31;
	[tilespmem:s10+$0x7AA0] =	vst v4  }
0x148: {  	v16 =	vadd.f32 v45, v16;
	v15 =	vmul.f32 v15, v39;
	v4 =	vld [tilespmem:s1+$0x430]  }
0x149: {  	v13 =	vadd.f32 v14, v13;
	v14 =	vld [tilespmem:s31+$0x2E0]  }
0x14a: {  	v49 =	vmul.f32 v44, v43;
	v50 =	vld [tilespmem:s4+$0x2AF0];
	v15 =	vadd.f32 v15, v16  }
0x14b: {  	v52 =	vld [tilespmem:s31+$0x2F0];
	v51 =	vperm.xlane v13, v9  }
0x14c: {  	v53 =	vmul.f32 v47, v46;
	v15 =	vadd.f32 v49, v15  }
0x14d: {  	v29 =	vpop (erf);
	v13 =	vadd.f32 v13, v51;
	v4 =	vmul.f32 v20, v4  }
0x14e: {  	v17 =	vmul.f32 v29, v17;
	v15 =	vadd.f32 v53, v15;
	v14 =	vmul.f32 v14, v48  }
0x14f: {  	[tilespmem:s10+$0x7AB0] =	vst v4;
	v4 =	vmul.f32 $2.500000000e-01, v13  }
0x150: {  	[tilespmem:s5+$0x7A80] =	vst v17;
	v14 =	vadd.f32 v14, v15;
	v15 =	vmul.f32 v52, v50;
	v13 =	vld [tilespmem:s1+$0x440]  }
0x151: {  	v54 =	vld [tilespmem:s22+$0x410];
	v4 =	vmax.f32 v4, $-5.000000000e+00  }
0x152: {  	v14 =	vadd.f32 v15, v14;
	v4 =	vmin.f32 v4, $5.000000000e+00  }
0x153: {  	v4 =	vmul.f32 $1.442695020e+00, v4  }
0x154: {  	v15 =	vperm.xlane v14, v9  }
0x155: {  	v13 =	vmul.f32 v13, v20;
	(erf) = vpow2.f32 v4  }
0x156: {  	v4 =	vmul.f32 v29, v54  }
0x157: {  	v14 =	vadd.f32 v14, v15;
	[tilespmem:s10+$0x7AC0] =	vst v13  }
0x158: {  	[tilespmem:s5+$0x7A90] =	vst v4;
	v13 =	vld [tilespmem:s1+$0x450]  }
0x159: {  	v4 =	vmul.f32 $2.500000000e-01, v14;
	v14 =	vld [tilespmem:s22+$0x420]  }
0x15a: {  	v15 =	vld [tilespmem:s18+$0x2E80]  }
0x15b: {  	v4 =	vmax.f32 v4, $-5.000000000e+00  }
0x15c: {  	v4 =	vmin.f32 v4, $5.000000000e+00  }
0x15d: {  	v4 =	vmul.f32 $1.442695020e+00, v4;
	v13 =	vmul.f32 v13, v20  }
0x15e: {  	v14 =	vmul.f32 v29, v14;
	v39 =	vpop (erf)  }
0x15f: {  	(erf) = vpow2.f32 v4;
	[tilespmem:s10+$0x7AD0] =	vst v13;
	v4 =	vmul.f32 v39, v15  }
0x160: {  	[tilespmem:s5+$0x7AA0] =	vst v14;
	v13 =	vld [tilespmem:s1+$0x460]  }
0x161: {  	v14 =	vld [tilespmem:s22+$0x430];
	[tilespmem:s0+$0x7A80] =	vst v4  }
0x162: {  	v4 =	vld [tilespmem:s18+$0x2E90];
	_ =	sdelay $0x1  }
0x163: {  	v15 =	vld [tilespmem:s4+$0x2E80]  }
0x164: {  	v13 =	vmul.f32 v13, v20  }
0x165: {  	v14 =	vmul.f32 v29, v14  }
0x166: {  	[tilespmem:s10+$0x7AE0] =	vst v13;
	v4 =	vmul.f32 v39, v4  }
0x167: {  	v31 =	vpop (erf);
	[tilespmem:s5+$0x7AB0] =	vst v14;
	v13 =	vld [tilespmem:s1+$0x470]  }
0x168: {  	v14 =	vmul.f32 v31, v15;
	v15 =	vld [tilespmem:s22+$0x440];
	s1 =	sadd.s32 $0x4, s26;
	[tilespmem:s0+$0x7A90] =	vst v4  }
0x169: {  	s12 =	sshll.u32 s1, $0x7;
	v4 =	vld [tilespmem:s18+$0x2EA0]  }
0x16a: {  	v55 =	vld [tilespmem:s12+$0x280]  }
0x16b: {  	v57 =	vld [tilespmem:s12+$0x290]  }
0x16c: {  	v59 =	vld [tilespmem:s12+$0x2A0]  }
0x16d: {  	v61 =	vld [tilespmem:s12+$0x2B0]  }
0x16e: {  	v63 =	vld [tilespmem:s12+$0x2C0]  }
0x16f: {  	v1 =	vld [tilespmem:s12+$0x2D0]  }
0x170: {  	s30 =	sshll.u32 s1, $0x8;
	v33 =	vld [tilespmem:s12+$0x2E0]  }
0x171: {  	[tilespmem:s31+$0x7A80] =	vst v14;
	s3 =	sand.u32 $0x7800, s30;
	s11 =	sand.u32 $0x300, s12;
	v3 =	vld [tilespmem:s12+$0x2F0]  }
0x172: {  	v14 =	vld [tilespmem:s4+$0x2E90];
	s29 =	sor.u32 s11, s3  }
0x173: {  	v56 =	vld [tilespmem:s29+$0x2A90]  }
0x174: {  	v58 =	vld [tilespmem:s29+$0x2AA0]  }
0x175: {  	v60 =	vld [tilespmem:s29+$0x2AB0]  }
0x176: {  	v62 =	vld [tilespmem:s29+$0x2AC0]  }
0x177: {  	v0 =	vld [tilespmem:s29+$0x2AD0];
	v13 =	vmul.f32 v13, v20  }
0x178: {  	v32 =	vld [tilespmem:s29+$0x2AE0];
	v15 =	vmul.f32 v15, v29  }
0x179: {  	s28 =	sand.u32 $0x30, s26;
	v34 =	vld [tilespmem:s29+$0x2AF0];
	[tilespmem:s10+$0x7AF0] =	vst v13;
	v4 =	vmul.f32 v39, v4  }
0x17a: {  	[tilespmem:s5+$0x7AC0] =	vst v15;
	v13 =	vld [tilespmem:s28+$0x100]  }
0x17b: {  	v14 =	vmul.f32 v31, v14;
	v15 =	vld [tilespmem:s22+$0x450];
	[tilespmem:s0+$0x7AA0] =	vst v4  }
0x17c: {  	s11 =	sand.u32 $0xE, s26;
	s3 =	sadd.s32 $0x5, s26;
	v16 =	vld [tilespmem:s18+$0x2EB0]  }
0x17d: {  	v4 =	vmov s11;
	s11 =	sshll.u32 s3, $0x7;
	[tilespmem:s31+$0x7A90] =	vst v14;
	v14 =	vld [tilespmem:s29+$0x2A80]  }
0x17e: {  	v43 =	vld [tilespmem:s11+$0x280]  }
0x17f: {  	v46 =	vld [tilespmem:s11+$0x290]  }
0x180: {  	v50 =	vld [tilespmem:s11+$0x2A0]  }
0x181: {  	v53 =	vld [tilespmem:s11+$0x2B0]  }
0x182: {  	s23 =	sshll.u32 s3, $0x8;
	v49 =	vmul.f32 v63, v62;
	v62 =	vld [tilespmem:s11+$0x2D0]  }
0x183: {  	s23 =	sand.u32 $0x7800, s23;
	v45 =	vmul.f32 v61, v60;
	v61 =	vmul.f32 v3, v34;
	s30 =	sand.u32 $0x380, s11;
	v3 =	vld [tilespmem:s11+$0x2E0]  }
0x184: {  	v17 =	vld [tilespmem:s4+$0x2EA0];
	s23 =	sor.u32 s30, s23  }
0x185: {  	v41 =	vld [tilespmem:s23+$0x2A80]  }
0x186: {  	v44 =	vld [tilespmem:s23+$0x2A90]  }
0x187: {  	v2 =	vmul.f32 v57, v56;
	v47 =	vld [tilespmem:s23+$0x2AA0];
	v4 =	vperm.xlane v13, v4  }
0x188: {  	v42 =	vmul.f32 v59, v58;
	v52 =	vmul.f32 v1, v0;
	v36 =	vld [tilespmem:s23+$0x2AB0]  }
0x189: {  	v56 =	vmul.f32 v33, v32;
	v59 =	vld [tilespmem:s23+$0x2AD0];
	v15 =	vmul.f32 v15, v29;
	v4 =	vand.u32 $0xF, v4  }
0x18a: {  	v1 =	vld [tilespmem:s23+$0x2AE0];
	v14 =	vmul.f32 v55, v14;
	v16 =	vmul.f32 v39, v16;
	v13 =	vadd.s32 v8, v4  }
0x18b: {  	v48 =	vadd.s32 v7, v4;
	v63 =	vadd.s32 v10, v4;
	v17 =	vmul.f32 v31, v17  }
0x18c: {  	v57 =	vld [tilespmem:s11+$0x2C0];
	v35 =	vsub.s32 $0x0, v13;
	v14 =	vadd.f32 v2, v14;
	v21 =	vmul.f32 v43, v41  }
0x18d: {  	v55 =	vld [tilespmem:s23+$0x2AC0];
	v51 =	vsub.s32 $0x0, v48;
	v54 =	vmul.f32 v46, v44;
	v58 =	vmul.f32 v50, v47  }
0x18e: {  	v0 =	vmul.f32 v53, v36;
	v2 =	vsub.s32 $0x0, v63;
	v19 =	vmul.f32 v62, v59  }
0x18f: {  	v44 =	vmul.f32 v3, v1;
	v1 =	vadd.s32 v38, v4;
	v13 =	vmin.u32 v13, v35  }
0x190: {  	v34 =	vld [tilespmem:s23+$0x2AF0];
	v27 =	vmin.u32 v48, v51;
	v28 =	vsub.s32 $0x0, v1;
	v13 =	vsub.s32 $0x1, v13  }
0x191: {  	[tilespmem:s5+$0x7AD0] =	vst v15;
	v36 =	vld [tilespmem:s11+$0x2F0];
	v14 =	vadd.f32 v42, v14;
	v27 =	vsub.s32 $0x1, v27;
	v21 =	vadd.f32 v54, v21  }
0x192: {  	v41 =	vld [tilespmem:s22+$0x460];
	v42 =	vadd.s32 v11, v4;
	vm1 =	vgt.s32 v13, $0x0;
	v33 =	vmul.f32 v57, v55  }
0x193: {  	[tilespmem:s0+$0x7AB0] =	vst v16;
	v46 =	vsub.s32 $0x0, v42;
	v57 =	vadd.s32 v12, v4;
	v13 =	vnsel vm1, $0x0, v13  }
0x194: {  	v48 =	vld [tilespmem:s18+$0x2EC0];
	v14 =	vadd.f32 v45, v14;
	vm1 =	vgt.s32 v27, $0x0;
	v21 =	vadd.f32 v58, v21  }
0x195: {  	v47 =	vmin.u32 v42, v46;
	v58 =	vsub.s32 $0x0, v57;
	v13 =	vcvt.s32.f32 v13  }
0x196: {  	v27 =	vnsel vm1, $0x0, v27;
	v50 =	vmul.f32 v36, v34;
	v16 =	vsub.s32 $0x1, v47  }
0x197: {  	v51 =	vmul.f32 v41, v29;
	v34 =	vmov s16;
	v14 =	vadd.f32 v49, v14  }
0x198: {  	v60 =	vcvt.s32.f32 v27;
	v27 =	vmin.u32 v63, v2;
	v21 =	vadd.f32 v0, v21  }
0x199: {  	[tilespmem:s31+$0x7AA0] =	vst v17;
	v22 =	vmul.f32 v48, v39;
	v35 =	vsub.s32 $0x1, v27;
	v14 =	vadd.f32 v52, v14  }
0x19a: {  	v13 =	vmul.f32 v13, v20;
	[tilespmem:s5+$0x7AE0] =	vst v51;
	vm1 =	vgt.s32 v35, $0x0;
	v21 =	vadd.f32 v33, v21;
	v52 =	vld [tilespmem:s4+$0x2EB0]  }
0x19b: {  	v55 =	vld [tilespmem:s22+$0x470];
	v45 =	vnsel vm1, $0x0, v35;
	vm1 =	vgt.s32 v16, $0x0;
	v14 =	vadd.f32 v56, v14  }
0x19c: {  	[tilespmem:s0+$0x7AC0] =	vst v22;
	v43 =	vadd.f32 v19, v21;
	v53 =	vcvt.s32.f32 v45;
	v16 =	vnsel vm1, $0x0, v16  }
0x19d: {  	v22 =	vld [tilespmem:s18+$0x2ED0];
	v54 =	vcvt.s32.f32 v16;
	v18 =	vadd.f32 v61, v14;
	v14 =	vmul.f32 v60, v20  }
0x19e: {  	v49 =	vadd.f32 v44, v43;
	v0 =	vmul.f32 v53, v20;
	v60 =	vmin.u32 v57, v58  }
0x19f: {  	v61 =	vadd.s32 v37, v4;
	v4 =	vadd.s32 v40, v4;
	v23 =	vmul.f32 v31, v52  }
0x1a0: {  	v59 =	vmul.f32 v54, v20;
	v62 =	vsub.s32 $0x0, v61;
	v21 =	vmul.f32 v55, v29  }
0x1a1: {  	v40 =	vsub.s32 $0x0, v4;
	v15 =	vperm.xlane v18, v9;
	v17 =	vadd.f32 v50, v49  }
0x1a2: {  	v19 =	vmin.u32 v61, v62;
	v22 =	vmul.f32 v22, v39;
	v4 =	vmin.u32 v4, v40;
	[tilespmem:s31+$0x7AB0] =	vst v23  }
0x1a3: {  	v19 =	vsub.s32 $0x1, v19;
	[tilespmem:s5+$0x7AF0] =	vst v21;
	v21 =	vmin.u32 v1, v28;
	v15 =	vadd.f32 v18, v15  }
0x1a4: {  	v4 =	vsub.s32 $0x1, v4;
	v56 =	vperm.xlane v17, v9;
	v18 =	vsub.s32 $0x1, v60;
	v63 =	vld [tilespmem:s4+$0x2EC0]  }
0x1a5: {  	v2 =	vld [tilespmem:s28+$0x100];
	v32 =	vsub.s32 $0x1, v21;
	[tilespmem:s0+$0x7AD0] =	vst v22;
	vm1 =	vgt.s32 v18, $0x0;
	v15 =	vmul.f32 $2.500000000e-01, v15  }
0x1a6: {  	v35 =	vld [tilespmem:s18+$0x2EE0];
	v17 =	vadd.f32 v17, v56;
	v18 =	vnsel vm1, $0x0, v18;
	vm1 =	vgt.s32 v19, $0x0  }
0x1a7: {  	v18 =	vcvt.s32.f32 v18;
	v19 =	vnsel vm1, $0x0, v19;
	vm1 =	vgt.s32 v32, $0x0  }
0x1a8: {  	v15 =	vmax.f32 v15, $-5.000000000e+00;
	v17 =	vmul.f32 $2.500000000e-01, v17;
	v30 =	vcvt.s32.f32 v19  }
0x1a9: {  	v38 =	vnsel vm1, $0x0, v32;
	vm1 =	vgt.s32 v4, $0x0;
	v24 =	vmul.f32 v63, v31  }
0x1aa: {  	v15 =	vmin.f32 v15, $5.000000000e+00;
	v22 =	vperm.xlane v2, v34;
	v42 =	vcvt.s32.f32 v38  }
0x1ab: {  	v4 =	vnsel vm1, $0x0, v4;
	v15 =	vmul.f32 $1.442695020e+00, v15;
	v23 =	vmul.f32 v35, v39;
	[tilespmem:s31+$0x7AC0] =	vst v24  }
0x1ac: {  	v17 =	vmax.f32 v17, $-5.000000000e+00;
	v16 =	vmul.f32 v30, v20;
	v4 =	vcvt.s32.f32 v4;
	v41 =	vld [tilespmem:s4+$0x2ED0]  }
0x1ad: {  	v17 =	vmin.f32 v17, $5.000000000e+00;
	v27 =	vand.u32 $0xF, v22;
	(erf) = vpow2.f32 v15;
	[tilespmem:s0+$0x7AE0] =	vst v23  }
0x1ae: {  	v17 =	vmul.f32 $1.442695020e+00, v17;
	v15 =	vmul.f32 v18, v20;
	v45 =	vadd.s32 v8, v27;
	v51 =	vld [tilespmem:s18+$0x2EF0]  }
0x1af: {  	v48 =	vadd.s32 v7, v27;
	v52 =	vadd.s32 v10, v27;
	v58 =	vadd.s32 v11, v27  }
0x1b0: {  	v60 =	vadd.s32 v12, v27;
	v46 =	vsub.s32 $0x0, v45;
	v50 =	vsub.s32 $0x0, v48  }
0x1b1: {  	[tilespmem:$0x1FF80] =	vst v0;
	v55 =	vsub.s32 $0x0, v52;
	v21 =	vmin.u32 v45, v46;
	v47 =	vmul.f32 v41, v31  }
0x1b2: {  	v0 =	vld [tilespmem:s29+$0x2E80];
	[tilespmem:$0x1FF90] =	vst v59;
	v59 =	vsub.s32 $0x0, v58;
	v24 =	vmin.u32 v48, v50;
	v21 =	vsub.s32 $0x1, v21  }
0x1b3: {  	v54 =	vsub.s32 $0x1, v24;
	vm1 =	vgt.s32 v21, $0x0;
	v57 =	vmul.f32 v51, v39;
	v51 =	vld [tilespmem:$0x1FFE0];
	[tilespmem:s31+$0x7AD0] =	vst v47  }
0x1b4: {  	v62 =	vsub.s32 $0x0, v60;
	v21 =	vnsel vm1, $0x0, v21;
	vm1 =	vgt.s32 v54, $0x0;
	v53 =	vld [tilespmem:s4+$0x2EE0]  }
0x1b5: {  	v26 =	vmin.u32 v58, v59;
	v45 =	vadd.s32 v37, v27;
	v23 =	vnsel vm1, $0x0, v54;
	v54 =	vld [tilespmem:$0x1FFF0]  }
0x1b6: {  	s16 =	sadd.s32 $0x6, s26;
	s22 =	sand.u32 $0x70, s2;
	v44 =	vld [tilespmem:s23+$0x2E80];
	v26 =	vsub.s32 $0x1, v26;
	v21 =	vcvt.s32.f32 v21;
	[tilespmem:s0+$0x7AF0] =	vst v57;
	v36 =	vpop (erf);
	(erf) = vpow2.f32 v17  }
0x1b7: {  	v23 =	vcvt.s32.f32 v23;
	v47 =	vsub.s32 $0x0, v45;
	v63 =	vld [tilespmem:s22+$0x100];
	s22 =	sshll.u32 s16, $0x7;
	v33 =	vmul.f32 v36, v0  }
0x1b8: {  	v17 =	vmul.f32 v42, v20;
	v20 =	vmul.f32 v4, v20;
	v4 =	vmin.u32 v52, v55;
	v50 =	vld [tilespmem:s22+$0x280]  }
0x1b9: {  	v21 =	vmul.f32 v21, v29;
	v4 =	vsub.s32 $0x1, v4;
	v2 =	vld [tilespmem:s22+$0x2D0];
	[tilespmem:s12+$0x7A80] =	vst v33;
	v28 =	vmul.f32 v53, v31  }
0x1ba: {  	vm1 =	vgt.s32 v4, $0x0;
	v52 =	vadd.s32 v51, v27;
	v27 =	vadd.s32 v54, v27;
	v43 =	vld [tilespmem:s29+$0x2E90]  }
0x1bb: {  	s28 =	sshll.u32 s16, $0x8;
	v4 =	vnsel vm1, $0x0, v4;
	vm1 =	vgt.s32 v26, $0x0;
	v41 =	vsub.s32 $0x0, v52;
	v53 =	vld [tilespmem:s22+$0x290];
	[tilespmem:s31+$0x7AE0] =	vst v28  }
0x1bc: {  	s30 =	sand.u32 $0x300, s22;
	v55 =	vsub.s32 $0x0, v27;
	v4 =	vcvt.s32.f32 v4;
	v46 =	vnsel vm1, $0x0, v26;
	v33 =	vld [tilespmem:s4+$0x2EF0];
	s4 =	sand.u32 $0x7800, s28  }
0x1bd: {  	v26 =	vmul.f32 v23, v29;
	v37 =	vmin.u32 v52, v41;
	v41 =	vmin.u32 v27, v55;
	v55 =	vld [tilespmem:s22+$0x2F0];
	s28 =	sor.u32 s30, s4  }
0x1be: {  	v37 =	vsub.s32 $0x1, v37;
	v57 =	vsub.s32 $0x1, v41;
	v28 =	vmin.u32 v45, v47;
	v48 =	vld [tilespmem:s28+$0x2A80]  }
0x1bf: {  	s2 =	sand.u32 $0xE, s2;
	v18 =	vmul.f32 v4, v29;
	v49 =	vmul.f32 v36, v43;
	v25 =	vpop (erf);
	v43 =	vmin.u32 v60, v62;
	v4 =	vld [tilespmem:s28+$0x2A90]  }
0x1c0: {  	v42 =	vld [tilespmem:s28+$0x2AA0];
	v22 =	vmul.f32 v25, v44;
	v44 =	vsub.s32 $0x1, v43;
	v43 =	vmov s2  }
0x1c1: {  	v28 =	vsub.s32 $0x1, v28;
	v52 =	vld [tilespmem:s28+$0x2AF0];
	[tilespmem:s12+$0x7A90] =	vst v49;
	vm1 =	vgt.s32 v44, $0x0;
	v32 =	vperm.xlane v63, v43  }
0x1c2: {  	v56 =	vld [tilespmem:s29+$0x2EA0];
	[tilespmem:s11+$0x7A80] =	vst v22;
	v24 =	vnsel vm1, $0x0, v44;
	vm1 =	vgt.s32 v28, $0x0;
	v33 =	vmul.f32 v33, v31  }
0x1c3: {  	v22 =	vld [tilespmem:s23+$0x2E90];
	v49 =	vcvt.s32.f32 v24;
	v28 =	vnsel vm1, $0x0, v28;
	vm1 =	vgt.s32 v37, $0x0  }
0x1c4: {  	v44 =	vld [tilespmem:s22+$0x2A0];
	v45 =	vand.u32 $0xF, v32;
	v28 =	vcvt.s32.f32 v28;
	v30 =	vmul.f32 v50, v48  }
0x1c5: {  	v63 =	vld [tilespmem:s28+$0x2AD0];
	v4 =	vmul.f32 v53, v4;
	v37 =	vnsel vm1, $0x0, v37;
	vm1 =	vgt.s32 v57, $0x0  }
0x1c6: {  	v60 =	vadd.s32 v8, v45;
	v54 =	vadd.s32 v7, v45;
	v32 =	vmul.f32 v55, v52  }
0x1c7: {  	v58 =	vld [tilespmem:s22+$0x2B0];
	v55 =	vadd.s32 v12, v45;
	v37 =	vcvt.s32.f32 v37;
	v27 =	vmul.f32 v28, v29  }
0x1c8: {  	v0 =	vnsel vm1, $0x0, v57;
	v61 =	vmul.f32 v36, v56;
	v56 =	vld [tilespmem:s28+$0x2AB0];
	v22 =	vmul.f32 v25, v22  }
0x1c9: {  	s18 =	sand.u32 $0x70, s19;
	v59 =	vld [tilespmem:s28+$0x2AC0];
	s2 =	sadd.s32 $0x7, s26;
	[tilespmem:s31+$0x7AF0] =	vst v33;
	v4 =	vadd.f32 v4, v30;
	v48 =	vcvt.s32.f32 v0;
	v62 =	vmul.f32 v44, v42  }
0x1ca: {  	s30 =	sshll.u32 s2, $0x8;
	s4 =	sshll.u32 s2, $0x7;
	v40 =	vld [tilespmem:s18+$0x100];
	v38 =	vmul.f32 v2, v63;
	v63 =	vadd.s32 v11, v45;
	[tilespmem:s11+$0x7A90] =	vst v22;
	v22 =	vcvt.s32.f32 v46  }
0x1cb: {  	s18 =	sand.u32 $0x7800, s30;
	s30 =	sand.u32 $0x380, s4;
	v28 =	vmul.f32 v37, v29;
	[tilespmem:s12+$0x7AA0] =	vst v61;
	v61 =	vld [tilespmem:s22+$0x2C0];
	v4 =	vadd.f32 v62, v4;
	v46 =	vsub.s32 $0x0, v60  }
0x1cc: {  	v24 =	vld [tilespmem:s28+$0x2AE0];
	s18 =	sor.u32 s30, s18;
	v1 =	vmin.u32 v60, v46;
	v19 =	vmul.f32 v22, v29;
	v22 =	vmul.f32 v49, v29  }
0x1cd: {  	v47 =	vld [tilespmem:s18+$0x2A90];
	v46 =	vsub.s32 $0x1, v1;
	v23 =	vmul.f32 v58, v56;
	v29 =	vmul.f32 v48, v29  }
0x1ce: {  	v34 =	vld [tilespmem:s29+$0x2EB0];
	v56 =	vsub.s32 $0x0, v54;
	v58 =	vadd.s32 v10, v45;
	v1 =	vsub.s32 $0x0, v63  }
0x1cf: {  	v49 =	vld [tilespmem:s22+$0x2E0];
	vm1 =	vgt.s32 v46, $0x0;
	v57 =	vmin.u32 v54, v56;
	v60 =	vsub.s32 $0x0, v58  }
0x1d0: {  	v35 =	vld [tilespmem:s23+$0x2EA0];
	v3 =	vmin.u32 v63, v1;
	v4 =	vadd.f32 v23, v4;
	v51 =	vmul.f32 v61, v59  }
0x1d1: {  	v48 =	vld [tilespmem:s18+$0x2AA0];
	v50 =	vnsel vm1, $0x0, v46;
	v37 =	vsub.s32 $0x1, v57;
	v62 =	vmin.u32 v58, v60  }
0x1d2: {  	v56 =	vld [tilespmem:s4+$0x280];
	v33 =	vsub.s32 $0x1, v3;
	v58 =	vsub.s32 $0x0, v55;
	v4 =	vadd.f32 v51, v4  }
0x1d3: {  	v63 =	vld [tilespmem:$0x1FFE0];
	v53 =	vcvt.s32.f32 v50;
	v34 =	vmul.f32 v36, v34;
	vm1 =	vgt.s32 v37, $0x0  }
0x1d4: {  	v60 =	vld [tilespmem:$0x1FFD0];
	v0 =	vsub.s32 $0x1, v62;
	v59 =	vmul.f32 v49, v24;
	v4 =	vadd.f32 v38, v4  }
0x1d5: {  	v42 =	vmin.u32 v55, v58;
	v50 =	vld [tilespmem:s4+$0x2A0];
	v61 =	vmul.f32 v25, v35;
	v2 =	vnsel vm1, $0x0, v37  }
0x1d6: {  	v62 =	vld [tilespmem:s18+$0x2AB0];
	vm1 =	vgt.s32 v0, $0x0;
	v42 =	vsub.s32 $0x1, v42;
	v4 =	vadd.f32 v59, v4  }
0x1d7: {  	v51 =	vld [tilespmem:s4+$0x2B0];
	v30 =	vmul.f32 v53, v39;
	[tilespmem:s12+$0x7AB0] =	vst v34;
	v34 =	vnsel vm1, $0x0, v0;
	vm1 =	vgt.s32 v33, $0x0  }
0x1d8: {  	v24 =	vld [tilespmem:s18+$0x2A80];
	v34 =	vcvt.s32.f32 v34;
	v33 =	vnsel vm1, $0x0, v33;
	v4 =	vadd.f32 v32, v4  }
0x1d9: {  	v41 =	vld [tilespmem:s29+$0x2EC0];
	vm1 =	vgt.s32 v42, $0x0;
	v52 =	vadd.s32 v63, v45;
	v57 =	vcvt.s32.f32 v33  }
0x1da: {  	[tilespmem:s11+$0x7AA0] =	vst v61;
	v61 =	vadd.s32 v60, v45;
	v42 =	vnsel vm1, $0x0, v42;
	v59 =	vld [tilespmem:s4+$0x290];
	v23 =	vperm.xlane v4, v9  }
0x1db: {  	v58 =	vld [tilespmem:s4+$0x2D0];
	v55 =	vsub.s32 $0x0, v52;
	v33 =	vmul.f32 v34, v39;
	v42 =	vcvt.s32.f32 v42  }
0x1dc: {  	v38 =	vld [tilespmem:s23+$0x2EB0];
	v48 =	vmul.f32 v50, v48;
	v34 =	vmul.f32 v57, v39;
	v4 =	vadd.f32 v4, v23  }
0x1dd: {  	v49 =	vsub.s32 $0x0, v61;
	v50 =	vld [tilespmem:s18+$0x2AD0];
	v60 =	vmul.f32 v51, v62;
	v32 =	vcvt.s32.f32 v2  }
0x1de: {  	v63 =	vld [tilespmem:s4+$0x2E0];
	v44 =	vmin.u32 v61, v49;
	v35 =	vmul.f32 v56, v24;
	v4 =	vmul.f32 $2.500000000e-01, v4  }
0x1df: {  	v44 =	vsub.s32 $0x1, v44;
	v41 =	vmul.f32 v41, v36;
	v23 =	vmul.f32 v59, v47;
	v59 =	vld [tilespmem:$0x1FFF0]  }
0x1e0: {  	v61 =	vld [tilespmem:s18+$0x2AE0];
	vm1 =	vgt.s32 v44, $0x0;
	v32 =	vmul.f32 v32, v39;
	v4 =	vmax.f32 v4, $-5.000000000e+00  }
0x1e1: {  	v56 =	vnsel vm1, $0x0, v44;
	v38 =	vmul.f32 v25, v38;
	[tilespmem:s12+$0x7AC0] =	vst v41;
	v4 =	vmin.f32 v4, $5.000000000e+00  }
0x1e2: {  	v53 =	vmul.f32 v58, v50;
	v47 =	vmin.u32 v52, v55;
	v55 =	vld [tilespmem:s29+$0x2ED0];
	v4 =	vmul.f32 $1.442695020e+00, v4  }
0x1e3: {  	v24 =	vld [tilespmem:s18+$0x2AC0];
	v57 =	vsub.s32 $0x1, v47;
	v37 =	vadd.f32 v23, v35;
	v35 =	vmul.f32 v42, v39  }
0x1e4: {  	v42 =	vcvt.s32.f32 v56;
	v45 =	vadd.s32 v59, v45;
	(erf) = vpow2.f32 v4;
	v4 =	vld [tilespmem:s4+$0x2C0]  }
0x1e5: {  	v0 =	vld [tilespmem:s18+$0x2AF0];
	vm1 =	vgt.s32 v57, $0x0;
	v56 =	vmul.f32 v63, v61;
	v62 =	vsub.s32 $0x0, v45  }
0x1e6: {  	[tilespmem:s11+$0x7AB0] =	vst v38;
	v23 =	vld [tilespmem:s4+$0x2F0];
	v1 =	vnsel vm1, $0x0, v57;
	v37 =	vadd.f32 v48, v37;
	v2 =	vmin.u32 v45, v62  }
0x1e7: {  	v61 =	vld [tilespmem:s23+$0x2EC0];
	v54 =	vcvt.s32.f32 v1;
	v63 =	vmul.f32 v55, v36;
	v44 =	vsub.s32 $0x1, v2  }
0x1e8: {  	v43 =	vld [tilespmem:s28+$0x2E80];
	v48 =	vadd.f32 v60, v37;
	v37 =	vmul.f32 v42, v39;
	vm1 =	vgt.s32 v44, $0x0  }
0x1e9: {  	[tilespmem:s12+$0x7AD0] =	vst v63;
	v63 =	vld [tilespmem:$0x1FFD0];
	v44 =	vnsel vm1, $0x0, v44;
	v4 =	vmul.f32 v4, v24;
	v24 =	vmov s19  }
0x1ea: {  	v1 =	vcvt.s32.f32 v44;
	v40 =	vperm.xlane v40, v24  }
0x1eb: {  	v38 =	vmul.f32 v54, v39;
	v59 =	vmul.f32 v23, v0;
	v4 =	vadd.f32 v4, v48  }
0x1ec: {  	v46 =	vmul.f32 v61, v25;
	v39 =	vmul.f32 v1, v39;
	v48 =	vld [tilespmem:s29+$0x2EE0];
	v49 =	vand.u32 $0xF, v40  }
0x1ed: {  	v42 =	vpop (erf);
	v4 =	vadd.f32 v53, v4;
	v58 =	vadd.s32 v8, v49;
	v2 =	vadd.s32 v7, v49  }
0x1ee: {  	v51 =	vadd.s32 v10, v49;
	v1 =	vadd.s32 v63, v49;
	v57 =	vmul.f32 v42, v43  }
0x1ef: {  	[tilespmem:s11+$0x7AC0] =	vst v46;
	v60 =	vsub.s32 $0x0, v58;
	v3 =	vsub.s32 $0x0, v2;
	v4 =	vadd.f32 v56, v4  }
0x1f0: {  	v53 =	vld [tilespmem:s23+$0x2ED0];
	v52 =	vsub.s32 $0x0, v51;
	v62 =	vmin.u32 v58, v60;
	v24 =	vmin.u32 v2, v3  }
0x1f1: {  	v54 =	vmin.u32 v51, v52;
	[tilespmem:s22+$0x7A80] =	vst v57;
	v44 =	vmul.f32 v48, v36;
	v4 =	vadd.f32 v59, v4  }
0x1f2: {  	v56 =	vadd.s32 v11, v49;
	v2 =	vsub.s32 $0x0, v1;
	v40 =	vsub.s32 $0x1, v62;
	v0 =	vld [tilespmem:s28+$0x2E90]  }
0x1f3: {  	v41 =	vsub.s32 $0x1, v24;
	v43 =	vsub.s32 $0x1, v54;
	[tilespmem:s12+$0x7AE0] =	vst v44;
	v23 =	vperm.xlane v4, v9  }
0x1f4: {  	v57 =	vsub.s32 $0x0, v56;
	vm1 =	vgt.s32 v40, $0x0;
	v59 =	vadd.s32 v12, v49;
	v60 =	vld [tilespmem:s29+$0x2EF0]  }
0x1f5: {  	v61 =	vsub.s32 $0x0, v59;
	v47 =	vmul.f32 v53, v25;
	v4 =	vadd.f32 v4, v23  }
0x1f6: {  	v58 =	vmin.u32 v56, v57;
	v40 =	vnsel vm1, $0x0, v40;
	v62 =	vmin.u32 v59, v61  }
0x1f7: {  	v44 =	vsub.s32 $0x1, v62;
	[tilespmem:s11+$0x7AD0] =	vst v47;
	v62 =	vld [tilespmem:$0x1FFF0];
	v50 =	vmul.f32 v42, v0;
	v4 =	vmul.f32 $2.500000000e-01, v4  }
0x1f8: {  	v56 =	vmin.u32 v1, v2;
	vm1 =	vgt.s32 v41, $0x0;
	v40 =	vcvt.s32.f32 v40;
	v47 =	vld [tilespmem:s23+$0x2EE0]  }
0x1f9: {  	v41 =	vnsel vm1, $0x0, v41;
	[tilespmem:s22+$0x7A90] =	vst v50;
	v48 =	vmul.f32 v60, v36;
	v60 =	vld [tilespmem:$0x1FFE0];
	v4 =	vmax.f32 v4, $-5.000000000e+00  }
0x1fa: {  	vm1 =	vgt.s32 v43, $0x0;
	v41 =	vcvt.s32.f32 v41;
	v55 =	vld [tilespmem:s28+$0x2EA0];
	v4 =	vmin.f32 v4, $5.000000000e+00  }
0x1fb: {  	s30 =	sand.u32 $0x70, s1;
	s1 =	sand.u32 $0xE, s1;
	v43 =	vnsel vm1, $0x0, v43;
	v40 =	vmul.f32 v40, v31;
	v4 =	vmul.f32 $1.442695020e+00, v4  }
0x1fc: {  	v1 =	vmov s1;
	v43 =	vcvt.s32.f32 v43;
	v46 =	vmul.f32 v41, v31  }
0x1fd: {  	v47 =	vmul.f32 v47, v25;
	(erf) = vpow2.f32 v4;
	v4 =	vsub.s32 $0x1, v58  }
0x1fe: {  	s19 =	sadd.s32 $0x8, s26;
	v58 =	vsub.s32 $0x1, v56;
	v61 =	vadd.s32 v60, v49;
	v49 =	vadd.s32 v62, v49  }
0x1ff: {  	s29 =	sshll.u32 s19, $0x8;
	v45 =	vmul.f32 v42, v55;
	vm1 =	vgt.s32 v4, $0x0;
	v53 =	vsub.s32 $0x0, v61  }
0x200: {  	v57 =	vld [tilespmem:s18+$0x2E80];
	s1 =	sand.u32 $0x7800, s29;
	[tilespmem:s11+$0x7AE0] =	vst v47;
	v63 =	vsub.s32 $0x0, v49;
	v4 =	vnsel vm1, $0x0, v4;
	vm1 =	vgt.s32 v44, $0x0  }
0x201: {  	[tilespmem:s12+$0x7AF0] =	vst v48;
	v51 =	vmin.u32 v61, v53;
	v49 =	vmin.u32 v49, v63;
	v53 =	vld [tilespmem:s23+$0x2EF0];
	s23 =	sor.u32 s20, s1;
	s20 =	sshll.u32 s19, $0x7;
	v4 =	vcvt.s32.f32 v4  }
0x202: {  	[tilespmem:s22+$0x7AA0] =	vst v45;
	v44 =	vnsel vm1, $0x0, v44;
	v45 =	vmul.f32 v43, v31;
	vm1 =	vgt.s32 v58, $0x0;
	v61 =	vld [tilespmem:s20+$0x2A0]  }
0x203: {  	v51 =	vsub.s32 $0x1, v51;
	v24 =	vcvt.s32.f32 v44;
	v44 =	vmul.f32 v4, v31;
	v4 =	vld [tilespmem:s30+$0x100]  }
0x204: {  	v49 =	vsub.s32 $0x1, v49;
	v23 =	vld [tilespmem:s28+$0x2EB0];
	v59 =	vnsel vm1, $0x0, v58;
	vm1 =	vgt.s32 v51, $0x0  }
0x205: {  	v2 =	vcvt.s32.f32 v59;
	v3 =	vnsel vm1, $0x0, v51;
	vm1 =	vgt.s32 v49, $0x0;
	v59 =	vld [tilespmem:s23+$0x2AA0]  }
0x206: {  	v62 =	vld [tilespmem:s20+$0x2B0];
	v43 =	vmul.f32 v24, v31;
	v48 =	vcvt.s32.f32 v3;
	v49 =	vnsel vm1, $0x0, v49  }
0x207: {  	v58 =	vld [tilespmem:s23+$0x2A90];
	v47 =	vmul.f32 v2, v31;
	v49 =	vcvt.s32.f32 v49  }
0x208: {  	v24 =	vld [tilespmem:s20+$0x280];
	v53 =	vmul.f32 v53, v25;
	v4 =	vperm.xlane v4, v1  }
0x209: {  	v48 =	vmul.f32 v48, v31;
	v50 =	vmul.f32 v42, v23;
	v41 =	vpop (erf);
	v1 =	vld [tilespmem:s20+$0x290]  }
0x20a: {  	v0 =	vmul.f32 v41, v57;
	v59 =	vmul.f32 v61, v59;
	v56 =	vand.u32 $0xF, v4;
	v4 =	vld [tilespmem:s23+$0x2A80]  }
0x20b: {  	v61 =	vld [tilespmem:s23+$0x2AD0];
	[tilespmem:s22+$0x7AB0] =	vst v50;
	v23 =	vadd.s32 v8, v56;
	v57 =	vadd.s32 v7, v56;
	v2 =	vadd.s32 v10, v56  }
0x20c: {  	v52 =	vld [tilespmem:s28+$0x2EC0];
	[tilespmem:s4+$0x7A80] =	vst v0;
	v55 =	vsub.s32 $0x0, v23;
	v0 =	vsub.s32 $0x0, v57;
	v60 =	vsub.s32 $0x0, v2  }
0x20d: {  	v63 =	vmin.u32 v23, v55;
	v50 =	vmin.u32 v57, v0;
	v57 =	vmin.u32 v2, v60;
	v60 =	vld [tilespmem:s23+$0x2AB0]  }
0x20e: {  	v31 =	vmul.f32 v49, v31;
	v3 =	vmul.f32 v1, v58;
	v55 =	vld [tilespmem:s23+$0x2AC0];
	v49 =	vsub.s32 $0x1, v63  }
0x20f: {  	v58 =	vld [tilespmem:s20+$0x2C0];
	v50 =	vsub.s32 $0x1, v50;
	v63 =	vadd.s32 v11, v56;
	v4 =	vmul.f32 v24, v4  }
0x210: {  	v1 =	vld [tilespmem:s20+$0x2D0];
	v57 =	vsub.s32 $0x1, v57;
	vm1 =	vgt.s32 v49, $0x0;
	v24 =	vsub.s32 $0x0, v63  }
0x211: {  	v49 =	vnsel vm1, $0x0, v49;
	vm1 =	vgt.s32 v50, $0x0;
	v4 =	vadd.f32 v3, v4  }
0x212: {  	v54 =	vld [tilespmem:s18+$0x2E90];
	v52 =	vmul.f32 v52, v42;
	v50 =	vnsel vm1, $0x0, v50;
	vm1 =	vgt.s32 v57, $0x0  }
0x213: {  	v57 =	vnsel vm1, $0x0, v57;
	v4 =	vadd.f32 v59, v4;
	v59 =	vmul.f32 v62, v60;
	v60 =	vld [tilespmem:s23+$0x2AE0]  }
0x214: {  	v50 =	vcvt.s32.f32 v50;
	v23 =	vcvt.s32.f32 v57;
	v57 =	vmin.u32 v63, v24;
	v63 =	vld [tilespmem:$0x1FFD0]  }
0x215: {  	v55 =	vmul.f32 v58, v55;
	v1 =	vmul.f32 v1, v61;
	v24 =	vld [tilespmem:s20+$0x2E0]  }
0x216: {  	v58 =	vld [tilespmem:s23+$0x2AF0];
	v61 =	vmov s3;
	v51 =	vmul.f32 v50, v36;
	v4 =	vadd.f32 v59, v4  }
0x217: {  	v57 =	vsub.s32 $0x1, v57;
	v50 =	vmul.f32 v23, v36;
	v23 =	vadd.s32 v12, v56;
	v59 =	vld [tilespmem:s20+$0x2F0]  }
0x218: {  	vm1 =	vgt.s32 v57, $0x0;
	v3 =	vsub.s32 $0x0, v23;
	v4 =	vadd.f32 v55, v4  }
0x219: {  	v3 =	vmin.u32 v23, v3;
	v23 =	vmul.f32 v41, v54;
	v54 =	vadd.s32 v63, v56;
	v63 =	vld [tilespmem:$0x1FFE0]  }
0x21a: {  	s1 =	sadd.s32 $0x9, s26;
	[tilespmem:s11+$0x7AF0] =	vst v53;
	v3 =	vsub.s32 $0x1, v3;
	v24 =	vmul.f32 v24, v60;
	v1 =	vadd.f32 v1, v4  }
0x21b: {  	s30 =	sand.u32 $0x70, s3;
	s3 =	sshll.u32 s1, $0x7;
	v55 =	vnsel vm1, $0x0, v57;
	vm1 =	vgt.s32 v3, $0x0;
	[tilespmem:s4+$0x7A90] =	vst v23;
	v23 =	vsub.s32 $0x0, v54  }
0x21c: {  	[tilespmem:s22+$0x7AC0] =	vst v52;
	v52 =	vld [tilespmem:s3+$0x280];
	v53 =	vmin.u32 v54, v23;
	v1 =	vadd.f32 v24, v1;
	v24 =	vmul.f32 v59, v58  }
0x21d: {  	v2 =	vld [tilespmem:s3+$0x290];
	v3 =	vnsel vm1, $0x0, v3;
	v53 =	vsub.s32 $0x1, v53  }
0x21e: {  	s29 =	sand.u32 $0xE, s16;
	v57 =	vld [tilespmem:s30+$0x100];
	s30 =	sshll.u32 s1, $0x8;
	vm1 =	vgt.s32 v53, $0x0;
	v54 =	vadd.s32 v63, v56;
	v1 =	vadd.f32 v24, v1  }
0x21f: {  	v6 =	vld [tilespmem:s3+$0x2B0];
	v4 =	vmov s29;
	s29 =	sand.u32 $0x7800, s30;
	s30 =	sand.u32 $0x380, s3;
	v24 =	vnsel vm1, $0x0, v53;
	v23 =	vsub.s32 $0x0, v54  }
0x220: {  	v60 =	vld [tilespmem:s28+$0x2ED0];
	s29 =	sor.u32 s30, s29;
	v0 =	vcvt.s32.f32 v24;
	v54 =	vmin.u32 v54, v23;
	v23 =	vperm.xlane v1, v9  }
0x221: {  	v49 =	vcvt.s32.f32 v49;
	v58 =	vld [tilespmem:s29+$0x2A80]  }
0x222: {  	v55 =	vcvt.s32.f32 v55;
	v1 =	vadd.f32 v1, v23;
	v23 =	vmul.f32 v0, v36;
	v0 =	vld [tilespmem:$0x1FFF0]  }
0x223: {  	v49 =	vmul.f32 v49, v36;
	v3 =	vcvt.s32.f32 v3;
	v63 =	vld [tilespmem:s29+$0x2A90]  }
0x224: {  	v59 =	vld [tilespmem:s3+$0x2A0];
	v57 =	vperm.xlane v57, v61;
	v53 =	vmul.f32 v55, v36  }
0x225: {  	v55 =	vld [tilespmem:s29+$0x2AA0];
	v60 =	vmul.f32 v60, v42;
	v24 =	vmul.f32 v3, v36  }
0x226: {  	v62 =	vld [tilespmem:s18+$0x2EA0];
	v57 =	vand.u32 $0xF, v57;
	v54 =	vsub.s32 $0x1, v54;
	v1 =	vmul.f32 $2.500000000e-01, v1  }
0x227: {  	v52 =	vmul.f32 v52, v58;
	v58 =	vld [tilespmem:s3+$0x2C0];
	vm1 =	vgt.s32 v54, $0x0;
	v56 =	vadd.s32 v0, v56  }
0x228: {  	v2 =	vmul.f32 v2, v63;
	v1 =	vmax.f32 v1, $-5.000000000e+00;
	v0 =	vld [tilespmem:s29+$0x2AB0];
	v5 =	vsub.s32 $0x0, v56  }
0x229: {  	v54 =	vnsel vm1, $0x0, v54;
	v1 =	vmin.f32 v1, $5.000000000e+00;
	v5 =	vmin.u32 v56, v5;
	v56 =	vld [tilespmem:s29+$0x2AC0]  }
0x22a: {  	v2 =	vadd.f32 v2, v52;
	v52 =	vmul.f32 v59, v55;
	v55 =	vld [tilespmem:s29+$0x2AD0];
	v1 =	vmul.f32 $1.442695020e+00, v1  }
0x22b: {  	v61 =	vadd.s32 v8, v57;
	v54 =	vcvt.s32.f32 v54;
	v59 =	vld [tilespmem:s3+$0x2D0];
	v5 =	vsub.s32 $0x1, v5  }
0x22c: {  	v2 =	vadd.f32 v52, v2;
	(erf) = vpow2.f32 v1;
	v1 =	vld [tilespmem:s3+$0x2E0];
	vm1 =	vgt.s32 v5, $0x0  }
0x22d: {  	v52 =	vsub.s32 $0x0, v61;
	v0 =	vmul.f32 v6, v0;
	v6 =	vld [tilespmem:s29+$0x2AE0];
	v5 =	vnsel vm1, $0x0, v5  }
0x22e: {  	v52 =	vmin.u32 v61, v52;
	v5 =	vcvt.s32.f32 v5;
	v63 =	vmul.f32 v58, v56;
	v58 =	vld [tilespmem:s29+$0x2AF0]  }
0x22f: {  	[tilespmem:s22+$0x7AD0] =	vst v60;
	v61 =	vadd.s32 v10, v57;
	v0 =	vadd.f32 v0, v2;
	v56 =	vmul.f32 v54, v36;
	v54 =	vld [tilespmem:s3+$0x2F0]  }
0x230: {  	v52 =	vsub.s32 $0x1, v52;
	v3 =	vmul.f32 v5, v36;
	v5 =	vadd.s32 v7, v57;
	v36 =	vld [tilespmem:s28+$0x2EE0]  }
0x231: {  	v60 =	vld [tilespmem:s23+$0x2E80];
	v55 =	vmul.f32 v59, v55;
	v2 =	vadd.f32 v63, v0;
	v59 =	vsub.s32 $0x0, v5  }
0x232: {  	vm1 =	vgt.s32 v52, $0x0;
	v1 =	vmul.f32 v1, v6;
	v5 =	vmin.u32 v5, v59  }
0x233: {  	v6 =	vnsel vm1, $0x0, v52;
	v2 =	vadd.f32 v55, v2;
	v5 =	vsub.s32 $0x1, v5  }
0x234: {  	v59 =	vmul.f32 v41, v62;
	v62 =	vsub.s32 $0x0, v61;
	vm1 =	vgt.s32 v5, $0x0  }
0x235: {  	v1 =	vadd.f32 v1, v2;
	v2 =	vmul.f32 v54, v58;
	v63 =	vmul.f32 v36, v42;
	v36 =	vpop (erf)  }
0x236: {  	[tilespmem:s4+$0x7AA0] =	vst v59;
	v59 =	vnsel vm1, $0x0, v5;
	v5 =	vmin.u32 v61, v62;
	v52 =	vmul.f32 v36, v60  }
0x237: {  	v58 =	vld [tilespmem:s18+$0x2EB0];
	v54 =	vadd.s32 v11, v57;
	v5 =	vsub.s32 $0x1, v5;
	v1 =	vadd.f32 v2, v1;
	[tilespmem:s22+$0x7AE0] =	vst v63  }
0x238: {  	v6 =	vcvt.s32.f32 v6;
	v0 =	vsub.s32 $0x0, v54;
	vm1 =	vgt.s32 v5, $0x0;
	v61 =	vld [tilespmem:s28+$0x2EF0];
	[tilespmem:s20+$0x7A80] =	vst v52  }
0x239: {  	v60 =	vmin.u32 v54, v0;
	v5 =	vnsel vm1, $0x0, v5;
	v55 =	vperm.xlane v1, v9;
	v54 =	vld [tilespmem:s23+$0x2E90]  }
0x23a: {  	v2 =	vcvt.s32.f32 v59;
	v63 =	vld [tilespmem:$0x1FFD0];
	v52 =	vsub.s32 $0x1, v60;
	v5 =	vcvt.s32.f32 v5  }
0x23b: {  	v60 =	vmul.f32 v6, v25;
	vm1 =	vgt.s32 v52, $0x0;
	v1 =	vadd.f32 v1, v55  }
0x23c: {  	v55 =	vmul.f32 v41, v58;
	v58 =	vmul.f32 v5, v25;
	v5 =	vadd.s32 v12, v57  }
0x23d: {  	v62 =	vsub.s32 $0x0, v5;
	v1 =	vmul.f32 $2.500000000e-01, v1;
	v6 =	vmul.f32 v61, v42  }
0x23e: {  	v59 =	vmul.f32 v2, v25;
	[tilespmem:s4+$0x7AB0] =	vst v55;
	v5 =	vmin.u32 v5, v62;
	v62 =	vld [tilespmem:$0x1FFE0];
	v54 =	vmul.f32 v36, v54  }
0x23f: {  	s16 =	sand.u32 $0x70, s16;
	v2 =	vnsel vm1, $0x0, v52;
	v55 =	vadd.s32 v63, v57;
	v52 =	vld [tilespmem:s18+$0x2EC0];
	v1 =	vmax.f32 v1, $-5.000000000e+00;
	[tilespmem:s22+$0x7AF0] =	vst v6  }
0x240: {  	v0 =	vsub.s32 $0x0, v55;
	v1 =	vmin.f32 v1, $5.000000000e+00;
	v6 =	vld [tilespmem:s16+$0x100];
	[tilespmem:s20+$0x7A90] =	vst v54  }
0x241: {  	v5 =	vsub.s32 $0x1, v5;
	v63 =	vmin.u32 v55, v0;
	v1 =	vmul.f32 $1.442695020e+00, v1;
	v55 =	vld [tilespmem:s23+$0x2EA0]  }
0x242: {  	v2 =	vcvt.s32.f32 v2;
	vm1 =	vgt.s32 v5, $0x0  }
0x243: {  	v61 =	vnsel vm1, $0x0, v5;
	v5 =	vsub.s32 $0x1, v63;
	(erf) = vpow2.f32 v1  }
0x244: {  	vm1 =	vgt.s32 v5, $0x0;
	v54 =	vadd.s32 v62, v57;
	v52 =	vmul.f32 v52, v41  }
0x245: {  	v1 =	vcvt.s32.f32 v61;
	v61 =	vmul.f32 v2, v25;
	v2 =	vnsel vm1, $0x0, v5  }
0x246: {  	v5 =	vsub.s32 $0x0, v54;
	[tilespmem:s4+$0x7AC0] =	vst v52;
	v4 =	vperm.xlane v6, v4;
	v6 =	vmul.f32 v36, v55;
	v55 =	vld [tilespmem:$0x1FFF0]  }
0x247: {  	v54 =	vmin.u32 v54, v5;
	v5 =	vld [tilespmem:s18+$0x2ED0]  }
0x248: {  	v63 =	vcvt.s32.f32 v2;
	v2 =	vsub.s32 $0x1, v54;
	v54 =	vld [tilespmem:s29+$0x2E80]  }
0x249: {  	[tilespmem:s20+$0x7AA0] =	vst v6  }
0x24a: {  	v62 =	vmul.f32 v1, v25;
	vm1 =	vgt.s32 v2, $0x0;
	v6 =	vld [tilespmem:s23+$0x2EB0]  }
0x24b: {  	v2 =	vnsel vm1, $0x0, v2;
	v1 =	vadd.s32 v55, v57;
	v55 =	vand.u32 $0xF, v4  }
0x24c: {  	v2 =	vcvt.s32.f32 v2;
	v5 =	vmul.f32 v5, v41;
	v4 =	vadd.s32 v8, v55;
	v52 =	vpop (erf)  }
0x24d: {  	v57 =	vsub.s32 $0x0, v1;
	v0 =	vsub.s32 $0x0, v4;
	v54 =	vmul.f32 v52, v54  }
0x24e: {  	v1 =	vmin.u32 v1, v57;
	[tilespmem:s4+$0x7AD0] =	vst v5;
	v57 =	vmin.u32 v4, v0  }
0x24f: {  	v4 =	vmul.f32 v2, v25;
	v6 =	vmul.f32 v36, v6;
	v2 =	vsub.s32 $0x1, v57;
	v57 =	vld [tilespmem:s18+$0x2EE0];
	[tilespmem:s3+$0x7A80] =	vst v54  }
0x250: {  	v0 =	vld [tilespmem:s29+$0x2E90]  }
0x251: {  	[tilespmem:s20+$0x7AB0] =	vst v6;
	v6 =	vld [tilespmem:$0x1FF80]  }
0x252: {  	v1 =	vsub.s32 $0x1, v1  }
0x253: {  	vm1 =	vgt.s32 v1, $0x0  }
0x254: {  	v5 =	vadd.s32 v7, v55;
	v1 =	vnsel vm1, $0x0, v1  }
0x255: {  	v54 =	vsub.s32 $0x0, v5;
	vm1 =	vgt.s32 v2, $0x0;
	v1 =	vcvt.s32.f32 v1  }
0x256: {  	v2 =	vnsel vm1, $0x0, v2;
	[tilespmem:s10+$0x8EA0] =	vst v6;
	v6 =	vmul.f32 v57, v41;
	v57 =	vld [tilespmem:$0x1FF90];
	v0 =	vmul.f32 v52, v0  }
0x257: {  	[tilespmem:s10+$0x8E80] =	vst v13;
	v63 =	vmul.f32 v63, v25;
	v5 =	vmin.u32 v5, v54;
	v2 =	vcvt.s32.f32 v2  }
0x258: {  	v54 =	vadd.s32 v10, v55;
	v13 =	vmul.f32 v1, v25;
	v25 =	vsub.s32 $0x1, v5;
	[tilespmem:s3+$0x7A90] =	vst v0;
	v0 =	vld [tilespmem:$0x1FFD0]  }
0x259: {  	[tilespmem:s10+$0x8E90] =	vst v14;
	v5 =	vsub.s32 $0x0, v54;
	v14 =	vmul.f32 v2, v42;
	vm1 =	vgt.s32 v25, $0x0  }
0x25a: {  	v54 =	vmin.u32 v54, v5;
	v1 =	vnsel vm1, $0x0, v25;
	v25 =	vadd.s32 v11, v55  }
0x25b: {  	v2 =	vsub.s32 $0x1, v54;
	v54 =	vsub.s32 $0x0, v25;
	[tilespmem:s10+$0x8EB0] =	vst v57;
	v57 =	vadd.s32 v12, v55  }
0x25c: {  	v25 =	vmin.u32 v25, v54;
	v54 =	vsub.s32 $0x0, v57  }
0x25d: {  	[tilespmem:s10+$0x8EC0] =	vst v15;
	v0 =	vadd.s32 v0, v55;
	v15 =	vmin.u32 v57, v54;
	v57 =	vld [tilespmem:s29+$0x2EA0]  }
0x25e: {  	v5 =	vld [tilespmem:s23+$0x2EC0];
	v54 =	vsub.s32 $0x0, v0  }
0x25f: {  	v0 =	vmin.u32 v0, v54;
	v54 =	vld [tilespmem:$0x1FFE0];
	_ =	sdelay $0x1  }
0x260: {  	[tilespmem:s10+$0x8ED0] =	vst v16  }
0x261: {  	[tilespmem:s5+$0x8E80] =	vst v21;
	v57 =	vmul.f32 v52, v57  }
0x262: {  	vm1 =	vgt.s32 v2, $0x0;
	[tilespmem:s4+$0x7AE0] =	vst v6;
	v25 =	vsub.s32 $0x1, v25;
	v5 =	vmul.f32 v5, v36  }
0x263: {  	v2 =	vnsel vm1, $0x0, v2;
	v6 =	vld [tilespmem:s18+$0x2EF0];
	vm1 =	vgt.s32 v25, $0x0;
	v16 =	vadd.s32 v54, v55;
	[tilespmem:s3+$0x7AA0] =	vst v57  }
0x264: {  	v25 =	vnsel vm1, $0x0, v25;
	[tilespmem:s20+$0x7AC0] =	vst v5;
	v5 =	vsub.s32 $0x0, v16;
	v21 =	vld [tilespmem:s29+$0x2EB0]  }
0x265: {  	v1 =	vcvt.s32.f32 v1;
	v5 =	vmin.u32 v16, v5;
	v16 =	vcvt.s32.f32 v25;
	v25 =	vld [tilespmem:$0x1FFF0];
	_ =	sdelay $0x1  }
0x266: {  	[tilespmem:s10+$0x8EE0] =	vst v17;
	v2 =	vcvt.s32.f32 v2;
	v17 =	vmul.f32 v1, v42;
	v15 =	vsub.s32 $0x1, v15  }
0x267: {  	[tilespmem:s10+$0x8EF0] =	vst v20;
	v6 =	vmul.f32 v6, v41;
	vm1 =	vgt.s32 v15, $0x0;
	v0 =	vsub.s32 $0x1, v0;
	v54 =	vld [tilespmem:s23+$0x2ED0]  }
0x268: {  	[tilespmem:s5+$0x8ED0] =	vst v27;
	v20 =	vnsel vm1, $0x0, v15;
	v15 =	vmul.f32 v2, v42;
	vm1 =	vgt.s32 v0, $0x0  }
0x269: {  	s16 =	sand.u32 $0x70, s2;
	[tilespmem:s4+$0x7AF0] =	vst v6;
	v0 =	vnsel vm1, $0x0, v0;
	v27 =	vmul.f32 v52, v21;
	v1 =	vadd.s32 v25, v55  }
0x26a: {  	v2 =	vld [tilespmem:s16+$0x100];
	v0 =	vcvt.s32.f32 v0;
	v5 =	vsub.s32 $0x1, v5;
	v6 =	vsub.s32 $0x0, v1  }
0x26b: {  	v16 =	vmul.f32 v16, v42;
	vm1 =	vgt.s32 v5, $0x0;
	[tilespmem:s3+$0x7AB0] =	vst v27;
	v1 =	vmin.u32 v1, v6  }
0x26c: {  	v5 =	vnsel vm1, $0x0, v5;
	v6 =	vmul.f32 v54, v36;
	v25 =	vld [tilespmem:s29+$0x2EC0];
	v1 =	vsub.s32 $0x1, v1  }
0x26d: {  	[tilespmem:s0+$0x8EA0] =	vst v33;
	v5 =	vcvt.s32.f32 v5;
	v55 =	vcvt.s32.f32 v20;
	vm1 =	vgt.s32 v1, $0x0  }
0x26e: {  	v33 =	vld [tilespmem:$0x1FFD0];
	v20 =	vmul.f32 v0, v42;
	[tilespmem:s20+$0x7AD0] =	vst v6;
	v6 =	vmov s2;
	v1 =	vnsel vm1, $0x0, v1  }
0x26f: {  	[tilespmem:s5+$0x8E90] =	vst v26;
	s18 =	sand.u32 $0xE, s19;
	v57 =	vld [tilespmem:s23+$0x2EE0];
	v2 =	vperm.xlane v2, v6;
	v1 =	vcvt.s32.f32 v1  }
0x270: {  	[tilespmem:s5+$0x8EB0] =	vst v19;
	v19 =	vmul.f32 v5, v42;
	v21 =	vmul.f32 v55, v42;
	v6 =	vmov s18  }
0x271: {  	[tilespmem:s5+$0x8EA0] =	vst v18;
	v0 =	vand.u32 $0xF, v2;
	v25 =	vmul.f32 v25, v52;
	v18 =	vmul.f32 v1, v42  }
0x272: {  	[tilespmem:s5+$0x8EF0] =	vst v29;
	v54 =	vadd.s32 v8, v0;
	v5 =	vadd.s32 v7, v0;
	v42 =	vadd.s32 v10, v0  }
0x273: {  	[tilespmem:s0+$0x8E80] =	vst v30;
	v29 =	vadd.s32 v33, v0;
	v55 =	vsub.s32 $0x0, v54;
	v30 =	vsub.s32 $0x0, v5  }
0x274: {  	[tilespmem:s0+$0x8EB0] =	vst v34;
	v34 =	vsub.s32 $0x0, v29;
	v57 =	vmul.f32 v57, v36;
	v1 =	vmin.u32 v54, v55  }
0x275: {  	[tilespmem:s3+$0x7AC0] =	vst v25;
	v2 =	vmin.u32 v5, v30;
	v5 =	vsub.s32 $0x0, v42;
	v54 =	vadd.s32 v11, v0  }
0x276: {  	[tilespmem:s5+$0x8EE0] =	vst v28;
	v28 =	vmin.u32 v29, v34;
	v33 =	vld [tilespmem:s29+$0x2ED0];
	v5 =	vmin.u32 v42, v5;
	v55 =	vsub.s32 $0x0, v54  }
0x277: {  	v1 =	vsub.s32 $0x1, v1;
	v42 =	vld [tilespmem:$0x1FFE0];
	v2 =	vsub.s32 $0x1, v2;
	[tilespmem:s20+$0x7AE0] =	vst v57;
	v57 =	vadd.s32 v12, v0  }
0x278: {  	[tilespmem:s5+$0x8EC0] =	vst v22;
	v26 =	vmin.u32 v54, v55;
	vm1 =	vgt.s32 v1, $0x0;
	v55 =	vld [tilespmem:$0x1FFF0];
	v5 =	vsub.s32 $0x1, v5  }
0x279: {  	[tilespmem:s0+$0x8E90] =	vst v32;
	v22 =	vld [tilespmem:s23+$0x2EF0];
	v32 =	vsub.s32 $0x0, v57;
	v1 =	vnsel vm1, $0x0, v1;
	vm1 =	vgt.s32 v2, $0x0  }
0x27a: {  	[tilespmem:s0+$0x8EC0] =	vst v35;
	v35 =	vsub.s32 $0x1, v26;
	v2 =	vnsel vm1, $0x0, v2;
	vm1 =	vgt.s32 v5, $0x0  }
0x27b: {  	[tilespmem:s0+$0x8ED0] =	vst v37;
	v27 =	vmin.u32 v57, v32;
	v1 =	vcvt.s32.f32 v1;
	v5 =	vnsel vm1, $0x0, v5  }
0x27c: {  	[tilespmem:s0+$0x8EE0] =	vst v38;
	vm1 =	vgt.s32 v35, $0x0;
	v30 =	vmul.f32 v33, v52;
	v29 =	vadd.s32 v42, v0  }
0x27d: {  	[tilespmem:s0+$0x8EF0] =	vst v39;
	v33 =	vsub.s32 $0x1, v28;
	v32 =	vcvt.s32.f32 v5;
	v54 =	vsub.s32 $0x0, v29  }
0x27e: {  	[tilespmem:s31+$0x8E80] =	vst v40;
	v0 =	vadd.s32 v55, v0;
	v55 =	vnsel vm1, $0x0, v35;
	v22 =	vmul.f32 v22, v36  }
0x27f: {  	[tilespmem:s31+$0x8E90] =	vst v46;
	v25 =	vmin.u32 v29, v54;
	v57 =	vsub.s32 $0x0, v0;
	v54 =	vsub.s32 $0x1, v27  }
0x280: {  	s28 =	sand.u32 $0x70, s19;
	v5 =	vcvt.s32.f32 v55;
	v0 =	vmin.u32 v0, v57;
	vm1 =	vgt.s32 v54, $0x0;
	[tilespmem:s20+$0x7AF0] =	vst v22  }
0x281: {  	[tilespmem:s31+$0x8EA0] =	vst v45;
	v57 =	vcvt.s32.f32 v2;
	v25 =	vsub.s32 $0x1, v25;
	v2 =	vmul.f32 v32, v41;
	v34 =	vld [tilespmem:s28+$0x100]  }
0x282: {  	[tilespmem:s31+$0x8EB0] =	vst v44;
	v26 =	vnsel vm1, $0x0, v54;
	v22 =	vmul.f32 v1, v41;
	vm1 =	vgt.s32 v33, $0x0  }
0x283: {  	[tilespmem:s31+$0x8EC0] =	vst v43;
	v5 =	vmul.f32 v5, v41;
	v0 =	vsub.s32 $0x1, v0;
	v1 =	vmul.f32 v57, v41  }
0x284: {  	v37 =	vld [tilespmem:$0x1FFD0];
	[tilespmem:s31+$0x8ED0] =	vst v47;
	v27 =	vnsel vm1, $0x0, v33;
	vm1 =	vgt.s32 v25, $0x0;
	v26 =	vcvt.s32.f32 v26  }
0x285: {  	v38 =	vld [tilespmem:$0x1FFE0];
	[tilespmem:s31+$0x8EE0] =	vst v48;
	v25 =	vnsel vm1, $0x0, v25;
	v27 =	vcvt.s32.f32 v27;
	vm1 =	vgt.s32 v0, $0x0  }
0x286: {  	v40 =	vld [tilespmem:$0x1FFF0];
	[tilespmem:s31+$0x8EF0] =	vst v31;
	v25 =	vcvt.s32.f32 v25;
	v0 =	vnsel vm1, $0x0, v0;
	v6 =	vperm.xlane v34, v6  }
0x287: {  	[tilespmem:s12+$0x8E80] =	vst v49;
	v26 =	vmul.f32 v26, v41;
	v0 =	vcvt.s32.f32 v0  }
0x288: {  	[tilespmem:s3+$0x7AD0] =	vst v30;
	v27 =	vmul.f32 v27, v41;
	v25 =	vmul.f32 v25, v41;
	v6 =	vand.u32 $0xF, v6  }
0x289: {  	[tilespmem:s12+$0x8E90] =	vst v51;
	v34 =	vld [tilespmem:s29+$0x2EE0];
	v0 =	vmul.f32 v0, v41;
	v35 =	vadd.s32 v8, v6;
	v42 =	vadd.s32 v7, v6  }
0x28a: {  	[tilespmem:s12+$0x8EE0] =	vst v56;
	v44 =	vadd.s32 v10, v6;
	v47 =	vadd.s32 v11, v6;
	v54 =	vadd.s32 v12, v6  }
0x28b: {  	[tilespmem:s11+$0x8EA0] =	vst v58;
	v56 =	vadd.s32 v37, v6;
	v58 =	vadd.s32 v38, v6;
	v6 =	vadd.s32 v40, v6  }
0x28c: {  	[tilespmem:s12+$0x8EA0] =	vst v50;
	v39 =	vsub.s32 $0x0, v35;
	v43 =	vsub.s32 $0x0, v42;
	v46 =	vsub.s32 $0x0, v44  }
0x28d: {  	[tilespmem:s11+$0x8E80] =	vst v60;
	v50 =	vsub.s32 $0x0, v47;
	v55 =	vsub.s32 $0x0, v54;
	v57 =	vsub.s32 $0x0, v56  }
0x28e: {  	[tilespmem:s11+$0x8E90] =	vst v59;
	v59 =	vsub.s32 $0x0, v58;
	v60 =	vsub.s32 $0x0, v6;
	v28 =	vmul.f32 v34, v52  }
0x28f: {  	[tilespmem:s12+$0x8EB0] =	vst v53;
	v29 =	vmin.u32 v35, v39;
	v45 =	vmin.u32 v42, v43;
	v49 =	vmin.u32 v44, v46  }
0x290: {  	v30 =	vmin.u32 v47, v50;
	v31 =	vmin.u32 v56, v57;
	v32 =	vmin.u32 v58, v59;
	[tilespmem:s3+$0x7AE0] =	vst v28  }
0x291: {  	[tilespmem:s12+$0x8EC0] =	vst v24;
	v6 =	vmin.u32 v6, v60;
	v29 =	vsub.s32 $0x1, v29;
	v24 =	vsub.s32 $0x1, v45;
	v28 =	vld [tilespmem:s29+$0x2EF0]  }
0x292: {  	[tilespmem:s12+$0x8ED0] =	vst v23;
	v51 =	vsub.s32 $0x1, v49;
	v53 =	vsub.s32 $0x1, v30;
	v30 =	vmin.u32 v54, v55  }
0x293: {  	[tilespmem:s11+$0x8ED0] =	vst v63;
	v63 =	vsub.s32 $0x1, v31;
	v6 =	vsub.s32 $0x1, v6;
	vm1 =	vgt.s32 v29, $0x0  }
0x294: {  	[tilespmem:s12+$0x8EF0] =	vst v3;
	v30 =	vsub.s32 $0x1, v30;
	v48 =	vnsel vm1, $0x0, v29;
	vm1 =	vgt.s32 v24, $0x0  }
0x295: {  	[tilespmem:s11+$0x8EB0] =	vst v61;
	v23 =	vcvt.s32.f32 v48;
	v24 =	vnsel vm1, $0x0, v24;
	vm1 =	vgt.s32 v51, $0x0  }
0x296: {  	[tilespmem:s11+$0x8EC0] =	vst v62;
	v3 =	vnsel vm1, $0x0, v51;
	vm1 =	vgt.s32 v53, $0x0;
	v28 =	vmul.f32 v28, v52  }
0x297: {  	[tilespmem:s11+$0x8EF0] =	vst v13;
	v13 =	vcvt.s32.f32 v24;
	v29 =	vnsel vm1, $0x0, v53;
	vm1 =	vgt.s32 v30, $0x0  }
0x298: {  	s30 =	sand.u32 $0x70, s1;
	v23 =	vmul.f32 v23, v36;
	v3 =	vcvt.s32.f32 v3;
	v62 =	vnsel vm1, $0x0, v30;
	[tilespmem:s3+$0x7AF0] =	vst v28  }
0x299: {  	[tilespmem:s22+$0x8E80] =	vst v14;
	v14 =	vcvt.s32.f32 v29;
	vm1 =	vgt.s32 v63, $0x0;
	v30 =	vsub.s32 $0x1, v32;
	v28 =	vld [tilespmem:s30+$0x100]  }
0x29a: {  	[tilespmem:s11+$0x8EE0] =	vst v4;
	v13 =	vmul.f32 v13, v36;
	v29 =	vnsel vm1, $0x0, v63;
	vm1 =	vgt.s32 v30, $0x0  }
0x29b: {  	[tilespmem:s22+$0x8E90] =	vst v17;
	v3 =	vmul.f32 v3, v36;
	v32 =	vnsel vm1, $0x0, v30;
	vm1 =	vgt.s32 v6, $0x0  }
0x29c: {  	[tilespmem:s22+$0x8EA0] =	vst v15;
	v14 =	vmul.f32 v14, v36;
	v31 =	vcvt.s32.f32 v29;
	v6 =	vnsel vm1, $0x0, v6  }
0x29d: {  	v61 =	vmov s1;
	[tilespmem:s22+$0x8EB0] =	vst v16;
	v17 =	vcvt.s32.f32 v32;
	v6 =	vcvt.s32.f32 v6  }
0x29e: {  	[tilespmem:s22+$0x8ED0] =	vst v20;
	v4 =	vperm.xlane v28, v61;
	v28 =	vcvt.s32.f32 v62  }
0x29f: {  	[tilespmem:s22+$0x8EE0] =	vst v19;
	v16 =	vmul.f32 v31, v36;
	v17 =	vmul.f32 v17, v36  }
0x2a0: {  	[tilespmem:s22+$0x8EC0] =	vst v21;
	v6 =	vmul.f32 v6, v36;
	v15 =	vmul.f32 v28, v36;
	v4 =	vand.u32 $0xF, v4  }
0x2a1: {  	[tilespmem:s22+$0x8EF0] =	vst v18;
	v33 =	vadd.s32 v8, v4;
	v39 =	vadd.s32 v7, v4;
	v43 =	vadd.s32 v10, v4  }
0x2a2: {  	[tilespmem:s4+$0x8EA0] =	vst v2;
	v46 =	vadd.s32 v11, v4;
	v48 =	vadd.s32 v12, v4;
	v51 =	vadd.s32 v37, v4  }
0x2a3: {  	[tilespmem:s4+$0x8E80] =	vst v22;
	v54 =	vadd.s32 v38, v4;
	v4 =	vadd.s32 v40, v4;
	v34 =	vsub.s32 $0x0, v33  }
0x2a4: {  	[tilespmem:s4+$0x8EB0] =	vst v5;
	v41 =	vsub.s32 $0x0, v39;
	v45 =	vsub.s32 $0x0, v43;
	v47 =	vsub.s32 $0x0, v46  }
0x2a5: {  	[tilespmem:s4+$0x8E90] =	vst v1;
	v49 =	vsub.s32 $0x0, v48;
	v53 =	vsub.s32 $0x0, v51;
	v55 =	vsub.s32 $0x0, v54  }
0x2a6: {  	[tilespmem:s4+$0x8EC0] =	vst v26;
	v56 =	vsub.s32 $0x0, v4;
	v35 =	vmin.u32 v33, v34;
	v42 =	vmin.u32 v39, v41  }
0x2a7: {  	[tilespmem:s20+$0x8E90] =	vst v13;
	v5 =	vmin.u32 v43, v45;
	v50 =	vmin.u32 v48, v49;
	v13 =	vmin.u32 v51, v53  }
0x2a8: {  	[tilespmem:s4+$0x8ED0] =	vst v27;
	v57 =	vmin.u32 v54, v55;
	v4 =	vmin.u32 v4, v56;
	v18 =	vsub.s32 $0x1, v35  }
0x2a9: {  	[tilespmem:s4+$0x8EF0] =	vst v0;
	v1 =	vsub.s32 $0x1, v42;
	v5 =	vsub.s32 $0x1, v5;
	v0 =	vsub.s32 $0x1, v50  }
0x2aa: {  	[tilespmem:s20+$0x8EA0] =	vst v3;
	v13 =	vsub.s32 $0x1, v13;
	v3 =	vsub.s32 $0x1, v57;
	vm1 =	vgt.s32 v18, $0x0  }
0x2ab: {  	[tilespmem:s4+$0x8EE0] =	vst v25;
	v44 =	vnsel vm1, $0x0, v18;
	vm1 =	vgt.s32 v1, $0x0;
	v18 =	vmin.u32 v46, v47  }
0x2ac: {  	[tilespmem:s20+$0x8E80] =	vst v23;
	v1 =	vnsel vm1, $0x0, v1;
	vm1 =	vgt.s32 v5, $0x0;
	v18 =	vsub.s32 $0x1, v18  }
0x2ad: {  	[tilespmem:s20+$0x8EB0] =	vst v14;
	v2 =	vcvt.s32.f32 v44;
	v5 =	vnsel vm1, $0x0, v5;
	vm1 =	vgt.s32 v18, $0x0  }
0x2ae: {  	[tilespmem:s20+$0x8ED0] =	vst v16;
	v4 =	vsub.s32 $0x1, v4;
	v1 =	vcvt.s32.f32 v1;
	v18 =	vnsel vm1, $0x0, v18  }
0x2af: {  	[tilespmem:s20+$0x8EE0] =	vst v17;
	v5 =	vcvt.s32.f32 v5;
	vm1 =	vgt.s32 v0, $0x0;
	v2 =	vmul.f32 v2, v52  }
0x2b0: {  	[tilespmem:s20+$0x8EF0] =	vst v6;
	v14 =	vcvt.s32.f32 v18;
	v0 =	vnsel vm1, $0x0, v0;
	v1 =	vmul.f32 v1, v52  }
0x2b1: {  	[tilespmem:s20+$0x8EC0] =	vst v15;
	vm1 =	vgt.s32 v13, $0x0;
	v5 =	vmul.f32 v5, v52;
	v0 =	vcvt.s32.f32 v0  }
0x2b2: {  	[tilespmem:s3+$0x8E80] =	vst v2;
	v58 =	vnsel vm1, $0x0, v13;
	vm1 =	vgt.s32 v3, $0x0;
	v14 =	vmul.f32 v14, v52  }
0x2b3: {  	[tilespmem:s3+$0x8E90] =	vst v1;
	v59 =	vcvt.s32.f32 v58;
	v60 =	vnsel vm1, $0x0, v3;
	vm1 =	vgt.s32 v4, $0x0  }
0x2b4: {  	p1 =	slt.u32 s26, $0x1E;
	[tilespmem:s3+$0x8EA0] =	vst v5;
	v61 =	vnsel vm1, $0x0, v4;
	v0 =	vmul.f32 v0, v52;
	v2 =	vcvt.s32.f32 v60  }
.Ltmp3:
0x2b5: {  	[tilespmem:s3+$0x8EB0] =	vst v14;
	v1 =	vmul.f32 v59, v52;
	v3 =	vcvt.s32.f32 v61;
	(pc) =	sbr.rel @p1 .LBB2_5-.Ltmp3, $4  }
0x2b6: {  	[tilespmem:s3+$0x8EC0] =	vst v0;
	v62 =	vmul.f32 v2, v52  }
0x2b7: {  	[tilespmem:s3+$0x8ED0] =	vst v1;
	v63 =	vmul.f32 v3, v52  }
0x2b8: {  	s31 =	sadd.s32 $0xA, s26;
	[tilespmem:s3+$0x8EE0] =	vst v62  }
0x2b9: {  	s26 =	smov.u32 s31;
	[tilespmem:s3+$0x8EF0] =	vst v63  }
0x2ba: {  	v0 =	vld [tilespmem:$0x100]  }
0x2bb: {  	v1 =	vld [tilespmem:$0x110]  }
0x2bc: {  	v2 =	vld [tilespmem:$0x118];
	_ =	sdelay $0x2  }
0x2bd: {  	v0 =	vshrl.u32 v0, $0x4  }
0x2be: {  	v62 =	vshrl.u32 v1, $0x4;
	[tilespmem:$0x200] =	vst v0  }
0x2bf: {  	v63 =	vshrl.u32 v2, $0x4;
	[tilespmem:$0x210] =	vst v62  }
0x2c0: {  	s0 =	rddreg [dreg:$0x2];
	s1 =	simm.s32 $0x7A80;
	s2 =	simm.s32 $0x100;
	[tilespmem:$0x218] =	vst v63  }
0x2c1: {  	[spmem:s0] =	stream.indirect.scatter.add.f32 [tilespmem:s1], [sflag:$0x9], $0x80, s2, s25, $0xb8;
	[tilespmem:$0x1EE88] =	vst v63  }
0x2c2: {  	_ =	swait.ge [sflag:s21], $0x1400  }
0x2c3: {  	[sflag:s21] =	ssyncset.done $0x0  }
0x2c4: {  	p1 =	seq.s32 s17, $0x7C;
	[sflag:s21] =	ssyncadd.s32 $0xFFFFEC00  }
0x2c5: {  	s31 =	simm.s32 $0x200;
	s3 =	simm.s32 $0x8E80;
	s30 =	rddreg [dreg:$0x3]  }
0x2c6: {  	[spmem:s30] =	stream.indirect.scatter.add.f32 [tilespmem:s3], [sflag:$0x9], $0x80, s31, s25, $0xb8;
	[tilespmem:$0x1EE88] =	vst v63  }
0x2c7: {  	s0 =	smul.u32 @!p1 $0x50, s17;
	_ =	swait.ge [sflag:s21], $0x1400  }
0x2c8: {  	s1 =	rddreg [dreg:$0xf]  }
0x2c9: {  	s0 =	sadd.s32 @!p1 s0, s1  }
0x2ca: {  	[sflag:s21] =	ssyncset.done $0x0;
	s0 =	sshrl.u32 @!p1 s0, $0x3  }
0x2cb: {  	s2 =	simm.s32 @!p1 $0x0;
	[sflag:s21] =	ssyncadd.s32 $0xFFFFEC00;
	s1 =	sadd.s32 @!p1 s7, s0  }
0x2cc: {  	[tilespmem:s2], [sflag:$0x1] =	stream.linear.gather @!p1 [hbm4b:s1+s2], $0x28, $0x38;
	[tilespmem:$0x1EE88] =	vst v63  }
0x2cd: {  	s0 =	sadd.s32 @!p1 s8, s0;
	s1 =	simm.s32 @!p1 $0x100  }
0x2ce: {  	[tilespmem:s1], [sflag:$0x3] =	stream.linear.gather @!p1 [hbm4b:s0+s2], $0x28, $0x38;
	[tilespmem:$0x1EE88] =	vst v63  }
0x2cf: {  	s0 =	simm.s32 @!p1 $0x1  }
0x2d0: {  	_ =	swait.ge @!p1 [sflag:s0], $0x28  }
0x2d1: {  	[sflag:s0] =	ssyncset.done @!p1 $0x0  }
0x2d2: {  	[sflag:s0] =	ssyncadd.s32 @!p1 $0xFFFFFFD8;
	s0 =	simm.s32 @!p1 $0x3  }
0x2d3: {  	_ =	swait.ge @!p1 [sflag:s0], $0x28  }
0x2d4: {  	[sflag:s0] =	ssyncset.done @!p1 $0x0  }
0x2d5: {  	[sflag:s0] =	ssyncadd.s32 @!p1 $0xFFFFFFD8  }
0x2d6: {  	v0 =	vld @!p1 [tilespmem:$0x0];
	_ =	sdelay $0x4  }
0x2d7: {  	v1 =	vshll.u32 @!p1 v0, $0x1  }
0x2d8: {  	v2 =	vlaneseq.u32 @!p1;
	v0 =	vand.u32 @!p1 $0x7, v0;
	v1 =	vand.u32 @!p1 $0xFFFFFFF0, v1  }
0x2d9: {  	v3 =	vshrl.u32 @!p1 v2, $0x3;
	v0 =	vor.u32 @!p1 v0, v1;
	v1 =	vand.u32 @!p1 $0x7, v2  }
0x2da: {  	v3 =	vmul.u32 @!p1 $0x8, v3;
	v4 =	vperm.xlane @!p1 v0, v1  }
0x2db: {  	v2 =	vor.u32 @!p1 $0x8, v2  }
0x2dc: {  	v0 =	vperm.xlane @!p1 v0, v2;
	v4 =	vadd.s32 @!p1 v3, v4;
	_ =	sdelay $0x1  }
0x2dd: {  	v0 =	vadd.s32 @!p1 v3, v0;
	_ =	sdelay $0x1  }
0x2de: {  	vm1 =	vmmov @!p1 $0xffff;
	s0 =	simm.s32 @!p1 $0x2A80  }
0x2df: {  	[tilespmem:s0], [sflag:$0x7] =	stream.indirect_vreg.gather @!p1 [hbm4b:s6+s2], $0x80, v4, vm1, $0xb8;
	[tilespmem:$0x1EE88] =	vst v63  }
0x2e0: {  	s0 =	simm.s32 @!p1 $0x3280  }
0x2e1: {  	[tilespmem:s0], [sflag:$0x7] =	stream.indirect_vreg.gather @!p1 [hbm4b:s6+s2], $0x80, v0, vm1, $0xb8;
	[tilespmem:$0x1EE88] =	vst v63  }
0x2e2: {  	v0 =	vld @!p1 [tilespmem:$0x10];
	_ =	sdelay $0x4  }
0x2e3: {  	v4 =	vshll.u32 @!p1 v0, $0x1  }
0x2e4: {  	v0 =	vand.u32 @!p1 $0x7, v0;
	v4 =	vand.u32 @!p1 $0xFFFFFFF0, v4  }
0x2e5: {  	v0 =	vor.u32 @!p1 v0, v4  }
0x2e6: {  	v4 =	vperm.xlane @!p1 v0, v1;
	_ =	sdelay $0x1  }
0x2e7: {  	v0 =	vperm.xlane @!p1 v0, v2;
	v4 =	vadd.s32 @!p1 v3, v4;
	_ =	sdelay $0x1  }
0x2e8: {  	v0 =	vadd.s32 @!p1 v3, v0;
	_ =	sdelay $0x1  }
0x2e9: {  	s0 =	simm.s32 @!p1 $0x3A80  }
0x2ea: {  	[tilespmem:s0], [sflag:$0x7] =	stream.indirect_vreg.gather @!p1 [hbm4b:s6+s2], $0x80, v4, vm1, $0xb8;
	[tilespmem:$0x1EE88] =	vst v63  }
0x2eb: {  	s0 =	simm.s32 @!p1 $0x4280  }
0x2ec: {  	[tilespmem:s0], [sflag:$0x7] =	stream.indirect_vreg.gather @!p1 [hbm4b:s6+s2], $0x80, v0, vm1, $0xb8;
	[tilespmem:$0x1EE88] =	vst v63  }
0x2ed: {  	v0 =	vld.msk @!p1 [tilespmem:$0x20], $0xff;
	_ =	sdelay $0x4  }
0x2ee: {  	v2 =	vshll.u32 @!p1 v0, $0x1  }
0x2ef: {  	v0 =	vand.u32 @!p1 $0x7, v0;
	v2 =	vand.u32 @!p1 $0xFFFFFFF0, v2  }
0x2f0: {  	v0 =	vor.u32 @!p1 v0, v2  }
0x2f1: {  	v0 =	vperm.xlane @!p1 v0, v1;
	_ =	sdelay $0x1  }
0x2f2: {  	v0 =	vadd.s32 @!p1 v3, v0;
	_ =	sdelay $0x3  }
0x2f3: {  	s0 =	simm.s32 @!p1 $0x4A80  }
0x2f4: {  	[tilespmem:s0], [sflag:$0x7] =	stream.indirect_vreg.gather @!p1 [hbm4b:s6+s2], $0x80, v0, vm1, $0xb8;
	[tilespmem:$0x1EE88] =	vst v63  }
0x2f5: {  	s3 =	rddreg [dreg:$0x0];
	s0 =	simm.s32 @!p1 $0x28;
	s2 =	simm.s32 @!p1 $0x280  }
0x2f6: {  	[tilespmem:s2], [sflag:$0x5] =	stream.indirect.gather @!p1 [hbm4b:s3+s0], $0x80, s1, s0, $0xb8;
	[tilespmem:$0x1EE88] =	vst v63  }
0x2f7: {  	_ =	swait.ge [sflag:s24], $0x2800  }
0x2f8: {  	[sflag:s24] =	ssyncset.done $0x0  }
0x2f9: {  	[sflag:s24] =	ssyncadd.s32 $0xFFFFD800  }
0x2fa: {  	_ =	swait.ge [sflag:s13], $0x1400  }
0x2fb: {  	[sflag:s13] =	ssyncset.done $0x0  }
0x2fc: {  	s26 =	simm.s32 $0x0;
	[sflag:s13] =	ssyncadd.s32 $0xFFFFEC00  }
.LBB2_7:
0x2fd: {  	s10 =	sshll.u32 s26, $0x7  }
0x2fe: {  	v1 =	vld [tilespmem:s10+$0x1680]  }
0x2ff: {  	v3 =	vld [tilespmem:s10+$0x1690]  }
0x300: {  	s0 =	sshll.u32 s26, $0x8;
	v5 =	vld [tilespmem:s10+$0x16A0]  }
0x301: {  	s0 =	sand.u32 $0x3800, s0;
	v13 =	vld [tilespmem:s10+$0x16B0]  }
0x302: {  	s20 =	sand.u32 $0x300, s10;
	v24 =	vld [tilespmem:s10+$0x16C0];
	s0 =	sadd.s32 $0x5280, s0  }
0x303: {  	v29 =	vld [tilespmem:s10+$0x16F0];
	s1 =	sadd.s32 s20, s0  }
0x304: {  	s16 =	sor.u32 $0x1, s26;
	v0 =	vld [tilespmem:s1+$0x0]  }
0x305: {  	s5 =	sshll.u32 s16, $0x7;
	v2 =	vld [tilespmem:s1+$0x10]  }
0x306: {  	v35 =	vld [tilespmem:s5+$0x1680]  }
0x307: {  	v4 =	vld [tilespmem:s1+$0x20]  }
0x308: {  	v14 =	vld [tilespmem:s5+$0x16B0]  }
0x309: {  	v6 =	vld [tilespmem:s1+$0x30]  }
0x30a: {  	v16 =	vld [tilespmem:s5+$0x16C0];
	v0 =	vmul.f32 v1, v0;
	v22 =	vmul.f32 v3, v2  }
0x30b: {  	v23 =	vld [tilespmem:s1+$0x40]  }
0x30c: {  	v25 =	vmul.f32 v5, v4;
	v4 =	vld [tilespmem:s1+$0x50];
	v0 =	vadd.f32 v22, v0  }
0x30d: {  	v5 =	vld [tilespmem:s10+$0x16D0]  }
0x30e: {  	v26 =	vmul.f32 v13, v6;
	v6 =	vld [tilespmem:s1+$0x60];
	v0 =	vadd.f32 v25, v0  }
0x30f: {  	v13 =	vld [tilespmem:s10+$0x16E0]  }
0x310: {  	v18 =	vld [tilespmem:s5+$0x16D0];
	v27 =	vmul.f32 v24, v23;
	v0 =	vadd.f32 v26, v0  }
0x311: {  	s19 =	sadd.s32 $0x3, s26;
	v28 =	vld [tilespmem:s1+$0x70]  }
0x312: {  	s31 =	sshll.u32 s19, $0x7;
	v21 =	vld [tilespmem:s5+$0x16E0];
	v30 =	vmul.f32 v5, v4;
	v0 =	vadd.f32 v27, v0  }
0x313: {  	v55 =	vld [tilespmem:s31+$0x1680]  }
0x314: {  	s2 =	sand.u32 $0x380, s5;
	v57 =	vld [tilespmem:s31+$0x1690];
	v31 =	vmul.f32 v13, v6;
	v0 =	vadd.f32 v30, v0  }
0x315: {  	v61 =	vld [tilespmem:s31+$0x16B0];
	s22 =	sadd.s32 s2, s0  }
0x316: {  	v34 =	vld [tilespmem:s22+$0x0];
	v32 =	vmul.f32 v29, v28;
	v0 =	vadd.f32 v31, v0  }
0x317: {  	v36 =	vld [tilespmem:s22+$0x10]  }
0x318: {  	v4 =	vld [tilespmem:s5+$0x1690];
	v0 =	vadd.f32 v32, v0  }
0x319: {  	v5 =	vld [tilespmem:s22+$0x20]  }
0x31a: {  	v6 =	vld [tilespmem:s5+$0x16A0];
	v1 =	vperm.xlane v0, v9  }
0x31b: {  	v63 =	vld [tilespmem:s31+$0x16C0]  }
0x31c: {  	v13 =	vld [tilespmem:s22+$0x30];
	v0 =	vadd.f32 v0, v1  }
0x31d: {  	v33 =	vld [tilespmem:s1+$0x400];
	v39 =	vmul.f32 v4, v36;
	v1 =	vmul.f32 v35, v34  }
0x31e: {  	v15 =	vld [tilespmem:s22+$0x40];
	v0 =	vmul.f32 $2.500000000e-01, v0  }
0x31f: {  	v17 =	vld [tilespmem:s22+$0x50];
	v42 =	vmul.f32 v6, v5;
	v1 =	vadd.f32 v39, v1  }
0x320: {  	s2 =	sadd.s32 $0x2, s26;
	v19 =	vld [tilespmem:s22+$0x60];
	v0 =	vmax.f32 v0, $-5.000000000e+00  }
0x321: {  	v41 =	vld [tilespmem:s22+$0x70];
	s0 =	sshll.u32 s2, $0x7;
	v43 =	vmul.f32 v14, v13;
	v1 =	vadd.f32 v42, v1;
	v0 =	vmin.f32 v0, $5.000000000e+00  }
0x322: {  	v47 =	vld [tilespmem:s0+$0x16A0];
	v0 =	vmul.f32 $1.442695020e+00, v0  }
0x323: {  	v50 =	vld [tilespmem:s0+$0x16B0];
	v44 =	vmul.f32 v16, v15;
	v1 =	vadd.f32 v43, v1  }
0x324: {  	s3 =	sshll.u32 s2, $0x8;
	v4 =	vld [tilespmem:s5+$0x16F0];
	(erf) = vpow2.f32 v0  }
0x325: {  	s3 =	sand.u32 $0x7800, s3;
	s4 =	sand.u32 $0x300, s0;
	v53 =	vld [tilespmem:s0+$0x16C0];
	v46 =	vmul.f32 v18, v17;
	v1 =	vadd.f32 v44, v1  }
0x326: {  	v54 =	vld [tilespmem:s0+$0x16D0];
	s18 =	sor.u32 s4, s3  }
0x327: {  	v45 =	vld [tilespmem:s18+$0x52A0];
	v49 =	vmul.f32 v21, v19;
	v1 =	vadd.f32 v46, v1  }
0x328: {  	v48 =	vld [tilespmem:s18+$0x52B0]  }
0x329: {  	v15 =	vld [tilespmem:s0+$0x1690];
	v52 =	vmul.f32 v4, v41;
	v1 =	vadd.f32 v49, v1  }
0x32a: {  	v6 =	vld [tilespmem:s18+$0x5280]  }
0x32b: {  	s28 =	sshll.u32 s19, $0x8;
	v13 =	vld [tilespmem:s0+$0x1680];
	v1 =	vadd.f32 v52, v1  }
0x32c: {  	s29 =	sand.u32 $0x380, s31;
	s3 =	sand.u32 $0x7800, s28;
	v14 =	vld [tilespmem:s18+$0x5290]  }
0x32d: {  	v51 =	vld [tilespmem:s18+$0x52C0];
	s4 =	sor.u32 s29, s3;
	v23 =	vperm.xlane v1, v9;
	v20 =	vpop (erf)  }
0x32e: {  	v56 =	vld [tilespmem:s4+$0x5290];
	v0 =	vmul.f32 v20, v33  }
0x32f: {  	v58 =	vld [tilespmem:s4+$0x52A0];
	v1 =	vadd.f32 v1, v23  }
0x330: {  	v24 =	vld [tilespmem:s0+$0x16E0];
	v6 =	vmul.f32 v13, v6;
	[tilespmem:s10+$0x7A80] =	vst v0  }
0x331: {  	v13 =	vmul.f32 v15, v14;
	v1 =	vmul.f32 $2.500000000e-01, v1;
	v0 =	vld [tilespmem:s1+$0x410]  }
0x332: {  	v22 =	vld [tilespmem:s18+$0x52E0]  }
0x333: {  	v25 =	vld [tilespmem:s18+$0x52F0];
	v6 =	vadd.f32 v13, v6;
	v13 =	vmul.f32 v47, v45;
	v1 =	vmax.f32 v1, $-5.000000000e+00  }
0x334: {  	v4 =	vld [tilespmem:s18+$0x52D0];
	v1 =	vmin.f32 v1, $5.000000000e+00  }
0x335: {  	v15 =	vld [tilespmem:s4+$0x5280];
	v6 =	vadd.f32 v13, v6;
	v13 =	vmul.f32 v50, v48;
	v1 =	vmul.f32 $1.442695020e+00, v1  }
0x336: {  	v14 =	vld [tilespmem:s0+$0x16F0];
	v0 =	vmul.f32 v20, v0  }
0x337: {  	v6 =	vadd.f32 v13, v6;
	v13 =	vld [tilespmem:s31+$0x16A0];
	(erf) = vpow2.f32 v1  }
0x338: {  	v59 =	vld [tilespmem:s4+$0x52B0];
	v3 =	vmul.f32 v53, v51;
	[tilespmem:s10+$0x7A90] =	vst v0  }
0x339: {  	v2 =	vmul.f32 v54, v4;
	v0 =	vld [tilespmem:s1+$0x420]  }
0x33a: {  	v5 =	vld [tilespmem:s22+$0x400];
	v4 =	vmul.f32 v55, v15;
	v60 =	vadd.f32 v3, v6;
	v6 =	vmul.f32 v57, v56  }
0x33b: {  	v62 =	vmul.f32 v24, v22;
	v15 =	vld [tilespmem:s4+$0x52C0]  }
0x33c: {  	v22 =	vmul.f32 v14, v25;
	v14 =	vld [tilespmem:s31+$0x16D0];
	v4 =	vadd.f32 v6, v4;
	v6 =	vmul.f32 v13, v58  }
0x33d: {  	v13 =	vld [tilespmem:s4+$0x52D0];
	v1 =	vadd.f32 v2, v60  }
0x33e: {  	v3 =	vmul.f32 v61, v59;
	v4 =	vadd.f32 v6, v4;
	v0 =	vmul.f32 v20, v0  }
0x33f: {  	v6 =	vld [tilespmem:s4+$0x52E0];
	v1 =	vadd.f32 v62, v1  }
0x340: {  	v3 =	vadd.f32 v3, v4;
	v4 =	vmul.f32 v63, v15;
	v23 =	vld [tilespmem:s31+$0x16E0];
	v29 =	vpop (erf);
	[tilespmem:s10+$0x7AA0] =	vst v0  }
0x341: {  	v1 =	vadd.f32 v22, v1;
	v5 =	vmul.f32 v29, v5;
	v0 =	vld [tilespmem:s1+$0x430]  }
0x342: {  	v25 =	vld [tilespmem:s31+$0x16F0];
	v3 =	vadd.f32 v4, v3;
	v4 =	vmul.f32 v14, v13  }
0x343: {  	v15 =	vld [tilespmem:s4+$0x52F0];
	v24 =	vperm.xlane v1, v9;
	[tilespmem:s5+$0x7A80] =	vst v5  }
0x344: {  	v3 =	vadd.f32 v4, v3;
	v4 =	vld [tilespmem:s22+$0x410]  }
0x345: {  	v1 =	vadd.f32 v1, v24  }
0x346: {  	v2 =	vmul.f32 v23, v6;
	v0 =	vmul.f32 v20, v0  }
0x347: {  	v26 =	vmul.f32 $2.500000000e-01, v1  }
0x348: {  	v28 =	vmul.f32 v25, v15;
	v2 =	vadd.f32 v2, v3;
	[tilespmem:s10+$0x7AB0] =	vst v0  }
0x349: {  	v0 =	vmax.f32 v26, $-5.000000000e+00;
	v30 =	vmul.f32 v29, v4;
	v27 =	vld [tilespmem:s1+$0x440]  }
0x34a: {  	v2 =	vadd.f32 v28, v2;
	v0 =	vmin.f32 v0, $5.000000000e+00  }
0x34b: {  	v0 =	vmul.f32 $1.442695020e+00, v0;
	[tilespmem:s5+$0x7A90] =	vst v30  }
0x34c: {  	v3 =	vperm.xlane v2, v9;
	v32 =	vld [tilespmem:s22+$0x420]  }
0x34d: {  	(erf) = vpow2.f32 v0  }
0x34e: {  	v2 =	vadd.f32 v2, v3;
	v1 =	vmul.f32 v27, v20;
	_ =	sdelay $0x1  }
0x34f: {  	v31 =	vmul.f32 $2.500000000e-01, v2;
	[tilespmem:s10+$0x7AC0] =	vst v1  }
0x350: {  	v2 =	vmul.f32 v29, v32;
	v1 =	vld [tilespmem:s1+$0x450]  }
0x351: {  	v33 =	vld [tilespmem:s18+$0x5680];
	v0 =	vmax.f32 v31, $-5.000000000e+00  }
0x352: {  	v0 =	vmin.f32 v0, $5.000000000e+00;
	[tilespmem:s5+$0x7AA0] =	vst v2  }
0x353: {  	v0 =	vmul.f32 $1.442695020e+00, v0;
	v2 =	vld [tilespmem:s22+$0x430];
	_ =	sdelay $0x1  }
0x354: {  	v39 =	vpop (erf);
	(erf) = vpow2.f32 v0;
	v1 =	vmul.f32 v1, v20  }
0x355: {  	v34 =	vmul.f32 v39, v33  }
0x356: {  	[tilespmem:s10+$0x7AD0] =	vst v1  }
0x357: {  	[tilespmem:s0+$0x7A80] =	vst v34;
	v2 =	vmul.f32 v29, v2;
	v1 =	vld [tilespmem:s1+$0x460]  }
0x358: {  	v0 =	vld [tilespmem:s18+$0x5690]  }
0x359: {  	v35 =	vld [tilespmem:s4+$0x5680];
	[tilespmem:s5+$0x7AB0] =	vst v2  }
0x35a: {  	v41 =	vld [tilespmem:s22+$0x440];
	_ =	sdelay $0x1  }
0x35b: {  	v1 =	vmul.f32 v1, v20  }
0x35c: {  	v0 =	vmul.f32 v39, v0;
	v31 =	vpop (erf)  }
0x35d: {  	v36 =	vmul.f32 v31, v35;
	[tilespmem:s10+$0x7AE0] =	vst v1  }
0x35e: {  	[tilespmem:s0+$0x7A90] =	vst v0;
	v3 =	vmul.f32 v41, v29;
	v1 =	vld [tilespmem:s1+$0x470]  }
0x35f: {  	v0 =	vld [tilespmem:s18+$0x56A0];
	[tilespmem:s31+$0x7A80] =	vst v36  }
0x360: {  	s1 =	sadd.s32 $0x4, s26;
	v2 =	vld [tilespmem:s4+$0x5690];
	[tilespmem:s5+$0x7AC0] =	vst v3  }
0x361: {  	s12 =	sshll.u32 s1, $0x7;
	v3 =	vld [tilespmem:s22+$0x450]  }
0x362: {  	v6 =	vld [tilespmem:s12+$0x1680]  }
0x363: {  	v14 =	vld [tilespmem:s12+$0x1690]  }
0x364: {  	v42 =	vld [tilespmem:s12+$0x16A0]  }
0x365: {  	v44 =	vld [tilespmem:s12+$0x16B0]  }
0x366: {  	s30 =	sshll.u32 s1, $0x8;
	v46 =	vld [tilespmem:s12+$0x16C0]  }
0x367: {  	s3 =	sand.u32 $0x7800, s30;
	s11 =	sand.u32 $0x300, s12;
	v48 =	vld [tilespmem:s12+$0x16D0]  }
0x368: {  	v50 =	vld [tilespmem:s12+$0x16E0];
	s29 =	sor.u32 s11, s3  }
0x369: {  	v5 =	vld [tilespmem:s29+$0x5280]  }
0x36a: {  	v13 =	vld [tilespmem:s29+$0x5290]  }
0x36b: {  	v15 =	vld [tilespmem:s29+$0x52A0]  }
0x36c: {  	v43 =	vld [tilespmem:s29+$0x52B0]  }
0x36d: {  	v45 =	vld [tilespmem:s29+$0x52C0]  }
0x36e: {  	s11 =	sand.u32 $0xE, s26;
	s3 =	sadd.s32 $0x5, s26;
	v47 =	vld [tilespmem:s29+$0x52D0]  }
0x36f: {  	v4 =	vmov s11;
	v49 =	vld [tilespmem:s29+$0x52E0];
	s11 =	sshll.u32 s3, $0x7  }
0x370: {  	s23 =	sshll.u32 s3, $0x8;
	v54 =	vld [tilespmem:s11+$0x1690]  }
0x371: {  	s23 =	sand.u32 $0x7800, s23;
	s30 =	sand.u32 $0x380, s11;
	v57 =	vld [tilespmem:s11+$0x16A0]  }
0x372: {  	v59 =	vld [tilespmem:s11+$0x16B0];
	s23 =	sor.u32 s30, s23  }
0x373: {  	v1 =	vmul.f32 v1, v20;
	v53 =	vld [tilespmem:s23+$0x5290]  }
0x374: {  	v0 =	vmul.f32 v39, v0;
	v55 =	vld [tilespmem:s23+$0x52A0]  }
0x375: {  	s28 =	sand.u32 $0x30, s26;
	v2 =	vmul.f32 v31, v2;
	[tilespmem:s10+$0x7AF0] =	vst v1;
	v28 =	vld [tilespmem:s23+$0x52B0]  }
0x376: {  	[tilespmem:s0+$0x7AA0] =	vst v0;
	v1 =	vld [tilespmem:s28+$0x180]  }
0x377: {  	v0 =	vld [tilespmem:s18+$0x56B0];
	[tilespmem:s31+$0x7A90] =	vst v2  }
0x378: {  	v2 =	vld [tilespmem:s4+$0x56A0];
	v5 =	vmul.f32 v6, v5;
	v6 =	vmul.f32 v14, v13  }
0x379: {  	v52 =	vld [tilespmem:s23+$0x5280];
	v3 =	vmul.f32 v3, v29  }
0x37a: {  	v5 =	vadd.f32 v6, v5;
	v6 =	vmul.f32 v42, v15;
	v15 =	vld [tilespmem:s11+$0x1680];
	v16 =	vmul.f32 v54, v53  }
0x37b: {  	v33 =	vld [tilespmem:s11+$0x16F0];
	v61 =	vmul.f32 v57, v55;
	v1 =	vperm.xlane v1, v4  }
0x37c: {  	v25 =	vmul.f32 v59, v28;
	v28 =	vld [tilespmem:s23+$0x52F0];
	v5 =	vadd.f32 v6, v5;
	v6 =	vmul.f32 v44, v43  }
0x37d: {  	v0 =	vmul.f32 v39, v0;
	v2 =	vmul.f32 v31, v2;
	v4 =	vand.u32 $0xF, v1  }
0x37e: {  	v26 =	vld [tilespmem:s29+$0x52F0];
	v5 =	vadd.f32 v6, v5;
	v6 =	vmul.f32 v46, v45;
	v1 =	vmul.f32 v50, v49  }
0x37f: {  	v14 =	vld [tilespmem:s12+$0x16F0];
	v51 =	vadd.s32 v8, v4;
	v56 =	vadd.s32 v7, v4;
	v15 =	vmul.f32 v15, v52  }
0x380: {  	v24 =	vld [tilespmem:s11+$0x16D0];
	v35 =	vadd.s32 v11, v4;
	v5 =	vadd.f32 v6, v5;
	v6 =	vmul.f32 v48, v47  }
0x381: {  	v60 =	vld [tilespmem:s23+$0x52C0];
	v27 =	vsub.s32 $0x0, v51;
	v58 =	vsub.s32 $0x0, v56;
	v44 =	vmul.f32 v33, v28  }
0x382: {  	v47 =	vadd.s32 v12, v4;
	v13 =	vmin.u32 v51, v27;
	v5 =	vadd.f32 v6, v5;
	v6 =	vld [tilespmem:s11+$0x16C0]  }
0x383: {  	v62 =	vld [tilespmem:s23+$0x52D0];
	[tilespmem:s31+$0x7AA0] =	vst v2;
	v21 =	vmin.u32 v56, v58;
	v15 =	vadd.f32 v16, v15;
	v13 =	vsub.s32 $0x1, v13  }
0x384: {  	v45 =	vld [tilespmem:s4+$0x56B0];
	vm1 =	vgt.s32 v13, $0x0;
	v1 =	vadd.f32 v1, v5;
	v5 =	vmul.f32 v14, v26  }
0x385: {  	v21 =	vsub.s32 $0x1, v21;
	v15 =	vadd.f32 v61, v15;
	v13 =	vnsel vm1, $0x0, v13;
	v26 =	vld [tilespmem:s23+$0x52E0]  }
0x386: {  	vm1 =	vgt.s32 v21, $0x0;
	v14 =	vadd.s32 v10, v4;
	v1 =	vadd.f32 v5, v1;
	v5 =	vld [tilespmem:s11+$0x16E0]  }
0x387: {  	[tilespmem:s5+$0x7AD0] =	vst v3;
	v13 =	vcvt.s32.f32 v13;
	v15 =	vadd.f32 v25, v15;
	v6 =	vmul.f32 v6, v60  }
0x388: {  	v34 =	vld [tilespmem:s22+$0x460];
	v21 =	vnsel vm1, $0x0, v21;
	v27 =	vsub.s32 $0x0, v14;
	v32 =	vperm.xlane v1, v9  }
0x389: {  	v50 =	vmul.f32 v31, v45;
	v6 =	vadd.f32 v6, v15;
	v15 =	vmul.f32 v24, v62  }
0x38a: {  	v63 =	vcvt.s32.f32 v21;
	v23 =	vmin.u32 v14, v27;
	v1 =	vadd.f32 v1, v32  }
0x38b: {  	[tilespmem:s0+$0x7AB0] =	vst v0;
	v36 =	vadd.f32 v15, v6;
	v5 =	vmul.f32 v5, v26;
	v15 =	vsub.s32 $0x0, v35  }
0x38c: {  	v30 =	vsub.s32 $0x1, v23;
	v41 =	vmul.f32 $2.500000000e-01, v1;
	v42 =	vmin.u32 v35, v15;
	v15 =	vld [tilespmem:s18+$0x56C0]  }
0x38d: {  	vm1 =	vgt.s32 v30, $0x0;
	v43 =	vadd.f32 v5, v36;
	v5 =	vmul.f32 v34, v29  }
0x38e: {  	v6 =	vnsel vm1, $0x0, v30;
	v1 =	vsub.s32 $0x1, v42;
	v0 =	vmax.f32 v41, $-5.000000000e+00  }
0x38f: {  	v46 =	vcvt.s32.f32 v6;
	vm1 =	vgt.s32 v1, $0x0;
	v0 =	vmin.f32 v0, $5.000000000e+00;
	[tilespmem:s5+$0x7AE0] =	vst v5  }
0x390: {  	v2 =	vadd.f32 v44, v43;
	v1 =	vnsel vm1, $0x0, v1;
	v0 =	vmul.f32 $1.442695020e+00, v0;
	v5 =	vld [tilespmem:s22+$0x470]  }
0x391: {  	v49 =	vsub.s32 $0x0, v47;
	[tilespmem:s31+$0x7AB0] =	vst v50;
	v1 =	vcvt.s32.f32 v1;
	v48 =	vmul.f32 v15, v39  }
0x392: {  	v51 =	vadd.s32 v37, v4;
	v53 =	vld [tilespmem:s4+$0x56C0];
	v6 =	vperm.xlane v2, v9;
	(erf) = vpow2.f32 v0  }
0x393: {  	v14 =	vmul.f32 v63, v20;
	v1 =	vmul.f32 v1, v20;
	v0 =	vmin.u32 v47, v49;
	[tilespmem:s0+$0x7AC0] =	vst v48  }
0x394: {  	v2 =	vadd.f32 v2, v6;
	v0 =	vsub.s32 $0x1, v0;
	v6 =	vsub.s32 $0x0, v51;
	v52 =	vld [tilespmem:s18+$0x56D0]  }
0x395: {  	[tilespmem:$0x1FF60] =	vst v1;
	vm1 =	vgt.s32 v0, $0x0;
	v1 =	vmin.u32 v51, v6;
	v5 =	vmul.f32 v5, v29  }
0x396: {  	v2 =	vmul.f32 $2.500000000e-01, v2;
	v0 =	vnsel vm1, $0x0, v0;
	v1 =	vsub.s32 $0x1, v1  }
0x397: {  	v17 =	vmul.f32 v53, v31;
	v6 =	vld [tilespmem:s29+$0x5680];
	v0 =	vcvt.s32.f32 v0;
	vm1 =	vgt.s32 v1, $0x0;
	[tilespmem:s5+$0x7AF0] =	vst v5  }
0x398: {  	v2 =	vmax.f32 v2, $-5.000000000e+00;
	v5 =	vadd.s32 v38, v4;
	v1 =	vnsel vm1, $0x0, v1;
	v54 =	vld [tilespmem:s28+$0x180]  }
0x399: {  	v4 =	vadd.s32 v40, v4;
	v55 =	vsub.s32 $0x0, v5;
	v3 =	vmul.f32 v52, v39  }
0x39a: {  	v2 =	vmin.f32 v2, $5.000000000e+00;
	v1 =	vcvt.s32.f32 v1;
	v5 =	vmin.u32 v5, v55  }
0x39b: {  	v58 =	vsub.s32 $0x0, v4;
	v2 =	vmul.f32 $1.442695020e+00, v2;
	v56 =	vsub.s32 $0x1, v5;
	v36 =	vpop (erf);
	[tilespmem:s0+$0x7AD0] =	vst v3  }
0x39c: {  	[tilespmem:s31+$0x7AC0] =	vst v17;
	v5 =	vmov s16;
	vm1 =	vgt.s32 v56, $0x0;
	v57 =	vmul.f32 v36, v6;
	v6 =	vld [tilespmem:s18+$0x56E0]  }
0x39d: {  	v59 =	vld [tilespmem:s4+$0x56D0];
	(erf) = vpow2.f32 v2;
	v2 =	vnsel vm1, $0x0, v56;
	v5 =	vperm.xlane v54, v5  }
0x39e: {  	v16 =	vmul.f32 v0, v20;
	v61 =	vmin.u32 v4, v58;
	v60 =	vcvt.s32.f32 v2  }
0x39f: {  	v18 =	vmul.f32 v1, v20;
	v62 =	vsub.s32 $0x1, v61;
	v63 =	vand.u32 $0xF, v5  }
0x3a0: {  	vm1 =	vgt.s32 v62, $0x0;
	v0 =	vmul.f32 v60, v20;
	v33 =	vadd.s32 v8, v63  }
0x3a1: {  	v1 =	vnsel vm1, $0x0, v62;
	[tilespmem:s12+$0x7A80] =	vst v57;
	v5 =	vsub.s32 $0x0, v33;
	v6 =	vmul.f32 v6, v39  }
0x3a2: {  	v1 =	vcvt.s32.f32 v1;
	v3 =	vld [tilespmem:s29+$0x5690];
	[tilespmem:$0x1FF70] =	vst v0;
	v0 =	vmin.u32 v33, v5;
	v5 =	vmul.f32 v59, v31  }
0x3a3: {  	v13 =	vmul.f32 v13, v20;
	v4 =	vld [tilespmem:s23+$0x5680];
	[tilespmem:s0+$0x7AE0] =	vst v6  }
0x3a4: {  	v15 =	vmul.f32 v46, v20;
	v34 =	vadd.s32 v7, v63;
	v17 =	vmul.f32 v1, v20;
	v35 =	vld [tilespmem:s18+$0x56F0];
	[tilespmem:s31+$0x7AD0] =	vst v5  }
0x3a5: {  	v48 =	vadd.s32 v12, v63;
	v57 =	vadd.s32 v38, v63;
	v2 =	vadd.s32 v40, v63;
	v41 =	vld [tilespmem:s4+$0x56E0]  }
0x3a6: {  	v50 =	vsub.s32 $0x0, v48;
	v58 =	vsub.s32 $0x0, v57;
	v0 =	vsub.s32 $0x1, v0  }
0x3a7: {  	v6 =	vsub.s32 $0x0, v34;
	v3 =	vmul.f32 v36, v3;
	v25 =	vpop (erf);
	vm1 =	vgt.s32 v0, $0x0  }
0x3a8: {  	v5 =	vmin.u32 v34, v6;
	v6 =	vadd.s32 v10, v63;
	v4 =	vmul.f32 v25, v4  }
0x3a9: {  	v42 =	vsub.s32 $0x1, v5;
	v5 =	vsub.s32 $0x0, v6;
	[tilespmem:s12+$0x7A90] =	vst v3;
	v46 =	vmul.f32 v35, v39  }
0x3aa: {  	v0 =	vnsel vm1, $0x0, v0;
	v44 =	vmin.u32 v6, v5;
	v43 =	vld [tilespmem:s29+$0x56A0];
	[tilespmem:s11+$0x7A80] =	vst v4;
	v6 =	vmul.f32 v41, v31  }
0x3ab: {  	s22 =	sand.u32 $0x70, s2;
	v59 =	vsub.s32 $0x0, v2;
	v0 =	vcvt.s32.f32 v0;
	vm1 =	vgt.s32 v42, $0x0;
	v4 =	vld [tilespmem:s23+$0x5690];
	[tilespmem:s0+$0x7AF0] =	vst v46  }
0x3ac: {  	s16 =	sadd.s32 $0x6, s26;
	v2 =	vmin.u32 v2, v59;
	v5 =	vadd.s32 v11, v63;
	v45 =	vnsel vm1, $0x0, v42;
	v51 =	vld [tilespmem:s22+$0x180];
	[tilespmem:s31+$0x7AE0] =	vst v6  }
0x3ad: {  	v1 =	vsub.s32 $0x1, v44;
	v47 =	vsub.s32 $0x0, v5;
	v19 =	vmul.f32 v0, v29;
	s22 =	sshll.u32 s16, $0x7;
	v32 =	vld [tilespmem:s4+$0x56F0]  }
0x3ae: {  	s2 =	sand.u32 $0xE, s2;
	s28 =	sshll.u32 s16, $0x8;
	v0 =	vcvt.s32.f32 v45;
	vm1 =	vgt.s32 v1, $0x0;
	v5 =	vmin.u32 v5, v47;
	v60 =	vld [tilespmem:s22+$0x16A0]  }
0x3af: {  	v1 =	vnsel vm1, $0x0, v1;
	v5 =	vsub.s32 $0x1, v5;
	v35 =	vmov s2;
	s4 =	sand.u32 $0x7800, s28;
	s30 =	sand.u32 $0x300, s22;
	v20 =	vld [tilespmem:s22+$0x16B0]  }
0x3b0: {  	v1 =	vcvt.s32.f32 v1;
	v6 =	vmin.u32 v48, v50;
	v4 =	vmul.f32 v25, v4;
	v46 =	vld [tilespmem:s22+$0x16D0];
	s28 =	sor.u32 s30, s4  }
0x3b1: {  	vm1 =	vgt.s32 v5, $0x0;
	v52 =	vsub.s32 $0x1, v6;
	v6 =	vadd.s32 v37, v63;
	v55 =	vld [tilespmem:s28+$0x5290]  }
0x3b2: {  	v26 =	vmul.f32 v0, v29;
	[tilespmem:s11+$0x7A90] =	vst v4;
	v4 =	vnsel vm1, $0x0, v5;
	v5 =	vsub.s32 $0x0, v6;
	v62 =	vld [tilespmem:s28+$0x52B0]  }
0x3b3: {  	v49 =	vmul.f32 v36, v43;
	v4 =	vcvt.s32.f32 v4;
	v5 =	vmin.u32 v6, v5;
	v6 =	vld [tilespmem:s28+$0x5280]  }
0x3b4: {  	v24 =	vmul.f32 v1, v29;
	vm1 =	vgt.s32 v52, $0x0;
	v54 =	vsub.s32 $0x1, v5;
	v5 =	vld [tilespmem:s22+$0x1680]  }
0x3b5: {  	v63 =	vsub.s32 $0x1, v2;
	v3 =	vnsel vm1, $0x0, v52;
	v21 =	vmul.f32 v4, v29;
	v4 =	vld [tilespmem:s22+$0x1690]  }
0x3b6: {  	v45 =	vld [tilespmem:s28+$0x52D0];
	v53 =	vcvt.s32.f32 v3;
	v3 =	vmin.u32 v57, v58;
	v61 =	vperm.xlane v51, v35  }
0x3b7: {  	v30 =	vld [tilespmem:s28+$0x52A0];
	vm1 =	vgt.s32 v54, $0x0;
	v3 =	vsub.s32 $0x1, v3;
	v32 =	vmul.f32 v32, v31  }
0x3b8: {  	v34 =	vld [tilespmem:s23+$0x56A0];
	v22 =	vmul.f32 v53, v29;
	v56 =	vnsel vm1, $0x0, v54;
	vm1 =	vgt.s32 v3, $0x0  }
0x3b9: {  	v38 =	vand.u32 $0xF, v61;
	v0 =	vcvt.s32.f32 v56;
	v3 =	vnsel vm1, $0x0, v3  }
0x3ba: {  	v23 =	vld [tilespmem:s22+$0x16C0];
	vm1 =	vgt.s32 v63, $0x0;
	v5 =	vmul.f32 v5, v6;
	v1 =	vmul.f32 v4, v55  }
0x3bb: {  	v2 =	vmul.f32 v20, v62;
	v52 =	vmul.f32 v46, v45;
	v6 =	vadd.s32 v8, v38;
	v4 =	vld [tilespmem:s28+$0x52C0]  }
0x3bc: {  	v44 =	vsub.s32 $0x0, v6;
	v1 =	vadd.f32 v1, v5;
	v5 =	vmul.f32 v60, v30  }
0x3bd: {  	v47 =	vld [tilespmem:s22+$0x16E0];
	v3 =	vcvt.s32.f32 v3;
	v56 =	vmul.f32 v25, v34;
	v6 =	vmin.u32 v6, v44  }
0x3be: {  	v50 =	vld [tilespmem:s22+$0x16F0];
	v27 =	vmul.f32 v0, v29;
	v6 =	vsub.s32 $0x1, v6;
	v1 =	vadd.f32 v5, v1  }
0x3bf: {  	[tilespmem:s12+$0x7AA0] =	vst v49;
	v0 =	vnsel vm1, $0x0, v63;
	v28 =	vmul.f32 v3, v29;
	vm1 =	vgt.s32 v6, $0x0;
	v5 =	vld [tilespmem:s28+$0x52E0]  }
0x3c0: {  	s2 =	sadd.s32 $0x7, s26;
	v33 =	vld [tilespmem:s29+$0x56B0];
	v6 =	vnsel vm1, $0x0, v6;
	v48 =	vmul.f32 v23, v4;
	v1 =	vadd.f32 v2, v1  }
0x3c1: {  	s4 =	sshll.u32 s2, $0x7;
	v0 =	vcvt.s32.f32 v0;
	v4 =	vld [tilespmem:s28+$0x52F0];
	v49 =	vcvt.s32.f32 v6;
	v6 =	vadd.s32 v7, v38  }
0x3c2: {  	v45 =	vld [tilespmem:s4+$0x16B0];
	v60 =	vadd.s32 v12, v38;
	v51 =	vsub.s32 $0x0, v6;
	v1 =	vadd.f32 v48, v1  }
0x3c3: {  	v63 =	vld [tilespmem:s4+$0x1690];
	v29 =	vmul.f32 v0, v29;
	v62 =	vsub.s32 $0x0, v60;
	v53 =	vmin.u32 v6, v51  }
0x3c4: {  	v44 =	vld [tilespmem:s4+$0x16A0];
	v6 =	vadd.s32 v10, v38;
	v54 =	vmul.f32 v47, v5;
	v1 =	vadd.f32 v52, v1  }
0x3c5: {  	s18 =	sand.u32 $0x70, s19;
	s30 =	sshll.u32 s2, $0x8;
	[tilespmem:s31+$0x7AF0] =	vst v32;
	v30 =	vmul.f32 v49, v39;
	v51 =	vld [tilespmem:$0x1FFE0];
	v0 =	vsub.s32 $0x1, v53;
	v55 =	vsub.s32 $0x0, v6  }
0x3c6: {  	v3 =	vmin.u32 v6, v55;
	v6 =	vld [tilespmem:s18+$0x180];
	s18 =	sand.u32 $0x7800, s30;
	s30 =	sand.u32 $0x380, s4;
	v57 =	vmul.f32 v50, v4;
	v1 =	vadd.f32 v54, v1  }
0x3c7: {  	v49 =	vld [tilespmem:$0x1FFD0];
	v5 =	vmul.f32 v36, v33;
	vm1 =	vgt.s32 v0, $0x0;
	v4 =	vadd.s32 v11, v38;
	s18 =	sor.u32 s30, s18  }
0x3c8: {  	v3 =	vsub.s32 $0x1, v3;
	v0 =	vnsel vm1, $0x0, v0;
	v59 =	vld [tilespmem:s18+$0x5280];
	v1 =	vadd.f32 v57, v1  }
0x3c9: {  	[tilespmem:s12+$0x7AB0] =	vst v5;
	v5 =	vsub.s32 $0x0, v4;
	vm1 =	vgt.s32 v3, $0x0;
	v0 =	vcvt.s32.f32 v0;
	v41 =	vld [tilespmem:s18+$0x5290]  }
0x3ca: {  	v42 =	vld [tilespmem:s18+$0x52A0];
	v58 =	vmin.u32 v4, v5;
	v3 =	vnsel vm1, $0x0, v3;
	v5 =	vperm.xlane v1, v9  }
0x3cb: {  	v50 =	vld [tilespmem:s18+$0x52B0];
	v46 =	vadd.s32 v51, v38;
	v2 =	vsub.s32 $0x1, v58;
	v3 =	vcvt.s32.f32 v3  }
0x3cc: {  	v37 =	vld [tilespmem:s29+$0x56C0];
	v53 =	vsub.s32 $0x0, v46;
	vm1 =	vgt.s32 v2, $0x0;
	v1 =	vadd.f32 v1, v5  }
0x3cd: {  	[tilespmem:s11+$0x7AA0] =	vst v56;
	v23 =	vmul.f32 v0, v39;
	v46 =	vmin.u32 v46, v53;
	v2 =	vnsel vm1, $0x0, v2;
	v5 =	vld [tilespmem:s4+$0x1680]  }
0x3ce: {  	v4 =	vld [tilespmem:s23+$0x56B0];
	v33 =	vmul.f32 v3, v39;
	v57 =	vsub.s32 $0x1, v46;
	v1 =	vmul.f32 $2.500000000e-01, v1  }
0x3cf: {  	v52 =	vld [tilespmem:s18+$0x52C0];
	v61 =	vcvt.s32.f32 v2;
	v2 =	vmin.u32 v60, v62;
	v3 =	vmul.f32 v63, v41  }
0x3d0: {  	v55 =	vld [tilespmem:s18+$0x52D0];
	v48 =	vsub.s32 $0x1, v2;
	v2 =	vadd.s32 v49, v38;
	v1 =	vmax.f32 v1, $-5.000000000e+00  }
0x3d1: {  	v54 =	vld [tilespmem:s4+$0x16C0];
	v47 =	vmul.f32 v37, v36;
	vm1 =	vgt.s32 v48, $0x0;
	v1 =	vmin.f32 v1, $5.000000000e+00  }
0x3d2: {  	v58 =	vld [tilespmem:s4+$0x16D0];
	v43 =	vsub.s32 $0x0, v2;
	v5 =	vmul.f32 v5, v59;
	v1 =	vmul.f32 $1.442695020e+00, v1  }
0x3d3: {  	v60 =	vld [tilespmem:s18+$0x52E0];
	v4 =	vmul.f32 v25, v4;
	v0 =	vnsel vm1, $0x0, v48;
	v2 =	vmin.u32 v2, v43  }
0x3d4: {  	v62 =	vld [tilespmem:s4+$0x16E0];
	v3 =	vadd.f32 v3, v5;
	v5 =	vmul.f32 v44, v42;
	(erf) = vpow2.f32 v1  }
0x3d5: {  	v40 =	vld [tilespmem:s28+$0x5680];
	v34 =	vmul.f32 v61, v39;
	v0 =	vcvt.s32.f32 v0;
	v2 =	vsub.s32 $0x1, v2  }
0x3d6: {  	[tilespmem:s11+$0x7AB0] =	vst v4;
	vm1 =	vgt.s32 v2, $0x0;
	v59 =	vld [tilespmem:$0x1FFF0];
	v3 =	vadd.f32 v5, v3;
	v5 =	vmul.f32 v45, v50  }
0x3d7: {  	v4 =	vld [tilespmem:s23+$0x56C0];
	v35 =	vmul.f32 v0, v39;
	v56 =	vnsel vm1, $0x0, v2;
	vm1 =	vgt.s32 v57, $0x0  }
0x3d8: {  	v32 =	vld [tilespmem:s4+$0x16F0];
	v0 =	vcvt.s32.f32 v56;
	v1 =	vmul.f32 v54, v52;
	v3 =	vadd.f32 v5, v3  }
0x3d9: {  	[tilespmem:s12+$0x7AC0] =	vst v47;
	v47 =	vmul.f32 v58, v55;
	v49 =	vmul.f32 v62, v60;
	v63 =	vnsel vm1, $0x0, v57;
	v5 =	vld [tilespmem:s18+$0x52F0]  }
0x3da: {  	v48 =	vld [tilespmem:s29+$0x56D0];
	v37 =	vmul.f32 v0, v39;
	v45 =	vmov s19;
	v1 =	vadd.f32 v1, v3  }
0x3db: {  	v0 =	vcvt.s32.f32 v63;
	v38 =	vadd.s32 v59, v38;
	v6 =	vperm.xlane v6, v45  }
0x3dc: {  	v4 =	vmul.f32 v4, v25;
	v61 =	vsub.s32 $0x0, v38;
	v1 =	vadd.f32 v47, v1  }
0x3dd: {  	v20 =	vmin.u32 v38, v61;
	v6 =	vand.u32 $0xF, v6;
	v38 =	vmul.f32 v0, v39;
	v42 =	vpop (erf)  }
0x3de: {  	v51 =	vmul.f32 v32, v5;
	v1 =	vadd.f32 v49, v1;
	v40 =	vmul.f32 v42, v40  }
0x3df: {  	[tilespmem:s11+$0x7AC0] =	vst v4;
	v2 =	vsub.s32 $0x1, v20;
	v50 =	vadd.s32 v8, v6;
	v5 =	vmul.f32 v48, v36  }
0x3e0: {  	v4 =	vld [tilespmem:s23+$0x56D0];
	v54 =	vadd.s32 v7, v6;
	v59 =	vadd.s32 v10, v6;
	v1 =	vadd.f32 v51, v1;
	[tilespmem:s22+$0x7A80] =	vst v40  }
0x3e1: {  	v62 =	vadd.s32 v11, v6;
	vm1 =	vgt.s32 v2, $0x0;
	v53 =	vsub.s32 $0x0, v50;
	[tilespmem:s12+$0x7AD0] =	vst v5;
	v40 =	vld [tilespmem:s28+$0x5690]  }
0x3e2: {  	v55 =	vsub.s32 $0x0, v54;
	v61 =	vsub.s32 $0x0, v59;
	v58 =	vld [tilespmem:s29+$0x56E0];
	v5 =	vperm.xlane v1, v9  }
0x3e3: {  	v63 =	vsub.s32 $0x0, v62;
	v52 =	vnsel vm1, $0x0, v2;
	v2 =	vmin.u32 v50, v53  }
0x3e4: {  	v57 =	vmin.u32 v54, v55;
	v20 =	vmin.u32 v62, v63;
	v1 =	vadd.f32 v1, v5  }
0x3e5: {  	v4 =	vmul.f32 v4, v25;
	v0 =	vcvt.s32.f32 v52;
	v2 =	vsub.s32 $0x1, v2  }
0x3e6: {  	vm1 =	vgt.s32 v2, $0x0;
	v1 =	vmul.f32 $2.500000000e-01, v1;
	v5 =	vmul.f32 v42, v40  }
0x3e7: {  	[tilespmem:s11+$0x7AD0] =	vst v4;
	v4 =	vld [tilespmem:$0x1FFD0];
	v56 =	vnsel vm1, $0x0, v2;
	v2 =	vsub.s32 $0x1, v57;
	v3 =	vmul.f32 v58, v36  }
0x3e8: {  	v32 =	vadd.s32 v12, v6;
	v52 =	vld [tilespmem:s23+$0x56E0];
	vm1 =	vgt.s32 v2, $0x0;
	v1 =	vmax.f32 v1, $-5.000000000e+00;
	[tilespmem:s22+$0x7A90] =	vst v5  }
0x3e9: {  	v50 =	vsub.s32 $0x1, v20;
	v2 =	vnsel vm1, $0x0, v2;
	[tilespmem:s12+$0x7AE0] =	vst v3;
	v1 =	vmin.f32 v1, $5.000000000e+00;
	v5 =	vld [tilespmem:s28+$0x56A0]  }
0x3ea: {  	v60 =	vcvt.s32.f32 v2;
	v2 =	vmin.u32 v59, v61;
	v48 =	vld [tilespmem:s29+$0x56F0];
	v1 =	vmul.f32 $1.442695020e+00, v1  }
0x3eb: {  	v49 =	vsub.s32 $0x0, v32;
	v39 =	vmul.f32 v0, v39;
	v2 =	vsub.s32 $0x1, v2  }
0x3ec: {  	v0 =	vcvt.s32.f32 v56;
	v56 =	vld [tilespmem:$0x1FFE0];
	vm1 =	vgt.s32 v2, $0x0;
	(erf) = vpow2.f32 v1  }
0x3ed: {  	v51 =	vmin.u32 v32, v49;
	v57 =	vmul.f32 v52, v25;
	v2 =	vnsel vm1, $0x0, v2;
	v58 =	vld [tilespmem:$0x1FFF0]  }
0x3ee: {  	v4 =	vadd.s32 v4, v6;
	v2 =	vcvt.s32.f32 v2;
	v5 =	vmul.f32 v42, v5  }
0x3ef: {  	vm1 =	vgt.s32 v50, $0x0;
	v40 =	vmul.f32 v0, v31;
	v43 =	vmul.f32 v48, v36  }
0x3f0: {  	v3 =	vsub.s32 $0x1, v51;
	v45 =	vmul.f32 v2, v31;
	[tilespmem:s22+$0x7AA0] =	vst v5;
	v5 =	vsub.s32 $0x0, v4  }
0x3f1: {  	s30 =	sand.u32 $0x70, s1;
	v2 =	vadd.s32 v56, v6;
	v1 =	vnsel vm1, $0x0, v50;
	[tilespmem:s12+$0x7AF0] =	vst v43;
	v4 =	vmin.u32 v4, v5;
	v5 =	vld [tilespmem:s18+$0x5680]  }
0x3f2: {  	v6 =	vadd.s32 v58, v6;
	vm1 =	vgt.s32 v3, $0x0;
	v1 =	vcvt.s32.f32 v1;
	v55 =	vld [tilespmem:s30+$0x180]  }
0x3f3: {  	v3 =	vnsel vm1, $0x0, v3;
	v54 =	vsub.s32 $0x1, v4;
	v4 =	vsub.s32 $0x0, v2  }
0x3f4: {  	s19 =	sadd.s32 $0x8, s26;
	v44 =	vmul.f32 v1, v31;
	vm1 =	vgt.s32 v54, $0x0;
	v2 =	vmin.u32 v2, v4  }
0x3f5: {  	s1 =	sand.u32 $0xE, s1;
	s29 =	sshll.u32 s19, $0x8;
	v4 =	vsub.s32 $0x0, v6;
	v0 =	vnsel vm1, $0x0, v54;
	v41 =	vpop (erf);
	v2 =	vsub.s32 $0x1, v2  }
0x3f6: {  	[tilespmem:s11+$0x7AE0] =	vst v57;
	v53 =	vld [tilespmem:s28+$0x56B0];
	v4 =	vmin.u32 v6, v4;
	v59 =	vmul.f32 v41, v5;
	v5 =	vmov s1;
	s1 =	sand.u32 $0x7800, s29  }
0x3f7: {  	v6 =	vld [tilespmem:s23+$0x56F0];
	vm1 =	vgt.s32 v2, $0x0;
	v4 =	vsub.s32 $0x1, v4;
	v1 =	vperm.xlane v55, v5;
	s23 =	sor.u32 s20, s1  }
0x3f8: {  	v2 =	vnsel vm1, $0x0, v2;
	vm1 =	vgt.s32 v4, $0x0;
	s20 =	sshll.u32 s19, $0x7;
	v49 =	vld [tilespmem:s23+$0x5280]  }
0x3f9: {  	v46 =	vmul.f32 v60, v31;
	v4 =	vnsel vm1, $0x0, v4;
	v50 =	vld [tilespmem:s20+$0x1680];
	v1 =	vand.u32 $0xF, v1  }
0x3fa: {  	v3 =	vcvt.s32.f32 v3;
	v60 =	vcvt.s32.f32 v4;
	v52 =	vld [tilespmem:s23+$0x5290];
	v4 =	vadd.s32 v8, v1  }
0x3fb: {  	v0 =	vcvt.s32.f32 v0;
	v47 =	vmul.f32 v42, v53;
	v53 =	vld [tilespmem:s23+$0x52A0];
	v61 =	vsub.s32 $0x0, v4  }
0x3fc: {  	v43 =	vmul.f32 v3, v31;
	v2 =	vcvt.s32.f32 v2;
	v62 =	vmin.u32 v4, v61;
	v4 =	vld [tilespmem:s20+$0x1690]  }
0x3fd: {  	[tilespmem:s22+$0x7AB0] =	vst v47;
	v47 =	vmul.f32 v0, v31;
	v55 =	vld [tilespmem:s20+$0x16A0];
	v51 =	vadd.s32 v7, v1;
	v20 =	vadd.s32 v10, v1  }
0x3fe: {  	v56 =	vld [tilespmem:s20+$0x16B0];
	v48 =	vmul.f32 v2, v31;
	v63 =	vsub.s32 $0x0, v51;
	v54 =	vsub.s32 $0x0, v20  }
0x3ff: {  	v57 =	vld [tilespmem:s20+$0x16C0];
	v58 =	vadd.s32 v11, v1;
	v2 =	vmin.u32 v51, v63;
	v51 =	vmin.u32 v20, v54  }
0x400: {  	v54 =	vld [tilespmem:s23+$0x52B0];
	v0 =	vsub.s32 $0x1, v62;
	v2 =	vsub.s32 $0x1, v2;
	v51 =	vsub.s32 $0x1, v51  }
0x401: {  	v5 =	vld [tilespmem:s28+$0x56C0];
	v50 =	vmul.f32 v50, v49;
	vm1 =	vgt.s32 v0, $0x0;
	v4 =	vmul.f32 v4, v52  }
0x402: {  	v61 =	vmul.f32 v55, v53;
	v0 =	vnsel vm1, $0x0, v0;
	vm1 =	vgt.s32 v2, $0x0;
	v52 =	vld [tilespmem:s23+$0x52C0]  }
0x403: {  	v20 =	vld [tilespmem:s20+$0x16D0];
	v2 =	vnsel vm1, $0x0, v2;
	vm1 =	vgt.s32 v51, $0x0;
	v4 =	vadd.f32 v4, v50  }
0x404: {  	v31 =	vmul.f32 v60, v31;
	v63 =	vsub.s32 $0x0, v58;
	v53 =	vld [tilespmem:s23+$0x52D0];
	v60 =	vnsel vm1, $0x0, v51  }
0x405: {  	v54 =	vmul.f32 v56, v54;
	v62 =	vcvt.s32.f32 v60;
	v4 =	vadd.f32 v61, v4  }
0x406: {  	v32 =	vcvt.s32.f32 v2;
	v2 =	vmin.u32 v58, v63;
	v63 =	vld [tilespmem:s20+$0x16F0]  }
0x407: {  	v50 =	vmul.f32 v62, v36;
	v62 =	vld [tilespmem:s23+$0x52F0];
	v52 =	vmul.f32 v57, v52;
	v4 =	vadd.f32 v54, v4  }
0x408: {  	v56 =	vld [tilespmem:s23+$0x52E0]  }
0x409: {  	[tilespmem:s4+$0x7A80] =	vst v59;
	v5 =	vmul.f32 v5, v42;
	v20 =	vmul.f32 v20, v53;
	v61 =	vld [tilespmem:s20+$0x16E0];
	v4 =	vadd.f32 v52, v4  }
0x40a: {  	v3 =	vld [tilespmem:s18+$0x5690]  }
0x40b: {  	v6 =	vmul.f32 v6, v25;
	v0 =	vcvt.s32.f32 v0;
	[tilespmem:s22+$0x7AC0] =	vst v5;
	v5 =	vadd.f32 v20, v4;
	v4 =	vld [tilespmem:$0x1FFD0]  }
0x40c: {  	v51 =	vmul.f32 v32, v36;
	v32 =	vsub.s32 $0x1, v2;
	v62 =	vmul.f32 v63, v62;
	v63 =	vld [tilespmem:$0x1FFE0]  }
0x40d: {  	v49 =	vmul.f32 v0, v36;
	v60 =	vadd.s32 v12, v1;
	vm1 =	vgt.s32 v32, $0x0  }
0x40e: {  	v59 =	vsub.s32 $0x0, v60;
	v0 =	vnsel vm1, $0x0, v32;
	v32 =	vmul.f32 v61, v56  }
0x40f: {  	s30 =	sand.u32 $0x70, s3;
	s1 =	sadd.s32 $0x9, s26;
	[tilespmem:s11+$0x7AF0] =	vst v6;
	v3 =	vmul.f32 v41, v3;
	v2 =	vmin.u32 v60, v59;
	v59 =	vmov s3  }
0x410: {  	s29 =	sand.u32 $0xE, s16;
	v6 =	vld [tilespmem:s30+$0x180];
	s30 =	sshll.u32 s1, $0x8;
	s3 =	sshll.u32 s1, $0x7;
	v2 =	vsub.s32 $0x1, v2;
	v5 =	vadd.f32 v32, v5;
	v60 =	vadd.s32 v4, v1  }
0x411: {  	v32 =	vadd.s32 v63, v1;
	v4 =	vmov s29;
	s29 =	sand.u32 $0x7800, s30;
	s30 =	sand.u32 $0x380, s3;
	v61 =	vsub.s32 $0x0, v60  }
0x412: {  	[tilespmem:s4+$0x7A90] =	vst v3;
	vm1 =	vgt.s32 v2, $0x0;
	v52 =	vld [tilespmem:s3+$0x1680];
	v20 =	vsub.s32 $0x0, v32;
	s29 =	sor.u32 s30, s29;
	v3 =	vmin.u32 v60, v61  }
0x413: {  	v5 =	vadd.f32 v62, v5;
	v54 =	vmin.u32 v32, v20;
	v57 =	vld [tilespmem:s29+$0x5280];
	v3 =	vsub.s32 $0x1, v3  }
0x414: {  	v2 =	vnsel vm1, $0x0, v2;
	v20 =	vsub.s32 $0x1, v54;
	v60 =	vld [tilespmem:s29+$0x5290];
	vm1 =	vgt.s32 v3, $0x0  }
0x415: {  	v32 =	vperm.xlane v5, v9;
	v61 =	vld [tilespmem:s3+$0x1690];
	v3 =	vnsel vm1, $0x0, v3;
	vm1 =	vgt.s32 v20, $0x0  }
0x416: {  	v0 =	vcvt.s32.f32 v0;
	v2 =	vcvt.s32.f32 v2;
	v63 =	vnsel vm1, $0x0, v20;
	v20 =	vld [tilespmem:$0x1FFF0]  }
0x417: {  	v6 =	vperm.xlane v6, v59;
	v62 =	vld [tilespmem:s29+$0x52A0];
	v32 =	vadd.f32 v5, v32  }
0x418: {  	v53 =	vmul.f32 v0, v36;
	v54 =	vmul.f32 v2, v36;
	v5 =	vld [tilespmem:s3+$0x16A0]  }
0x419: {  	v59 =	vld [tilespmem:s3+$0x16C0];
	v2 =	vmul.f32 $2.500000000e-01, v32;
	v0 =	vcvt.s32.f32 v3  }
0x41a: {  	v3 =	vld [tilespmem:s29+$0x52B0];
	v52 =	vmul.f32 v52, v57;
	v32 =	vmul.f32 v61, v60  }
0x41b: {  	v1 =	vadd.s32 v20, v1;
	v20 =	vmovc v12;
	v12 =	vmovc v11;
	v11 =	vmov v10;
	v10 =	vmov v7;
	v7 =	vld [tilespmem:s3+$0x16B0]  }
0x41c: {  	v6 =	vand.u32 $0xF, v6;
	v56 =	vld [tilespmem:s28+$0x56D0];
	v2 =	vmax.f32 v2, $-5.000000000e+00;
	v55 =	vmul.f32 v0, v36  }
0x41d: {  	v60 =	vld [tilespmem:s29+$0x52C0];
	v2 =	vmin.f32 v2, $5.000000000e+00;
	v5 =	vmul.f32 v5, v62;
	v52 =	vadd.f32 v32, v52  }
0x41e: {  	v57 =	vld [tilespmem:s29+$0x52D0];
	v0 =	vcvt.s32.f32 v63;
	v62 =	vadd.s32 v8, v6;
	v2 =	vmul.f32 $1.442695020e+00, v2  }
0x41f: {  	v61 =	vld [tilespmem:s3+$0x16D0];
	v5 =	vadd.f32 v5, v52;
	v52 =	vsub.s32 $0x0, v62;
	v63 =	vsub.s32 $0x0, v1  }
0x420: {  	(erf) = vpow2.f32 v2;
	v2 =	vld [tilespmem:s3+$0x16E0];
	v1 =	vmin.u32 v1, v63;
	v3 =	vmul.f32 v7, v3  }
0x421: {  	v62 =	vmin.u32 v62, v52;
	v1 =	vsub.s32 $0x1, v1;
	v7 =	vld [tilespmem:s29+$0x52E0]  }
0x422: {  	v52 =	vld [tilespmem:s3+$0x16F0];
	vm1 =	vgt.s32 v1, $0x0;
	v3 =	vadd.f32 v3, v5;
	v5 =	vmul.f32 v59, v60  }
0x423: {  	v32 =	vmul.f32 v56, v42;
	v1 =	vnsel vm1, $0x0, v1;
	v59 =	vld [tilespmem:s29+$0x52F0]  }
0x424: {  	v58 =	vld [tilespmem:s18+$0x56A0];
	v60 =	vcvt.s32.f32 v1;
	v3 =	vadd.f32 v5, v3;
	v5 =	vmul.f32 v61, v57  }
0x425: {  	v56 =	vmul.f32 v0, v36;
	[tilespmem:s22+$0x7AD0] =	vst v32;
	v0 =	vadd.s32 v10, v6  }
0x426: {  	v57 =	vmul.f32 v60, v36;
	v36 =	vld [tilespmem:s28+$0x56E0];
	v2 =	vmul.f32 v2, v7;
	v3 =	vadd.f32 v5, v3  }
0x427: {  	v32 =	vld [tilespmem:s23+$0x5680];
	v60 =	vsub.s32 $0x0, v0  }
0x428: {  	v0 =	vmin.u32 v0, v60;
	v60 =	vmul.f32 v52, v59;
	v2 =	vadd.f32 v2, v3  }
0x429: {  	v5 =	vmul.f32 v41, v58  }
0x42a: {  	v1 =	vsub.s32 $0x1, v62;
	v7 =	vadd.s32 v11, v6;
	v2 =	vadd.f32 v60, v2  }
0x42b: {  	vm1 =	vgt.s32 v1, $0x0;
	[tilespmem:s4+$0x7AA0] =	vst v5;
	v5 =	vsub.s32 $0x0, v7;
	v62 =	vmul.f32 v36, v42;
	v36 =	vpop (erf)  }
0x42c: {  	v63 =	vmin.u32 v7, v5;
	v5 =	vmul.f32 v36, v32;
	v32 =	vperm.xlane v2, v9  }
0x42d: {  	v1 =	vnsel vm1, $0x0, v1  }
0x42e: {  	v1 =	vcvt.s32.f32 v1;
	v7 =	vadd.s32 v12, v6;
	v2 =	vadd.f32 v2, v32  }
0x42f: {  	v0 =	vsub.s32 $0x1, v0;
	v58 =	vld [tilespmem:s18+$0x56B0];
	v3 =	vsub.s32 $0x1, v63;
	v63 =	vsub.s32 $0x0, v7;
	[tilespmem:s22+$0x7AE0] =	vst v62  }
0x430: {  	vm1 =	vgt.s32 v0, $0x0;
	v61 =	vld [tilespmem:s28+$0x56F0];
	[tilespmem:s20+$0x7A80] =	vst v5;
	v5 =	vmin.u32 v7, v63;
	v63 =	vmul.f32 $2.500000000e-01, v2  }
0x431: {  	v0 =	vnsel vm1, $0x0, v0;
	v7 =	vld [tilespmem:s23+$0x5690]  }
0x432: {  	v0 =	vcvt.s32.f32 v0;
	v60 =	vmul.f32 v1, v25;
	v1 =	vmax.f32 v63, $-5.000000000e+00;
	v63 =	vld [tilespmem:$0x1FFD0]  }
0x433: {  	vm1 =	vgt.s32 v3, $0x0  }
0x434: {  	v59 =	vmul.f32 v0, v25;
	v3 =	vnsel vm1, $0x0, v3;
	v32 =	vmul.f32 v41, v58  }
0x435: {  	v3 =	vcvt.s32.f32 v3;
	v5 =	vsub.s32 $0x1, v5;
	v61 =	vmul.f32 v61, v42  }
0x436: {  	vm1 =	vgt.s32 v5, $0x0;
	[tilespmem:s4+$0x7AB0] =	vst v32;
	v32 =	vadd.s32 v20, v6;
	v7 =	vmul.f32 v36, v7  }
0x437: {  	s16 =	sand.u32 $0x70, s16;
	v0 =	vnsel vm1, $0x0, v5;
	v5 =	vld [tilespmem:s18+$0x56C0];
	v62 =	vsub.s32 $0x0, v32;
	[tilespmem:s22+$0x7AF0] =	vst v61;
	v52 =	vadd.s32 v63, v6  }
0x438: {  	v58 =	vmul.f32 v3, v25;
	v2 =	vmin.u32 v32, v62;
	v3 =	vld [tilespmem:s16+$0x180];
	[tilespmem:s20+$0x7A90] =	vst v7;
	v32 =	vsub.s32 $0x0, v52  }
0x439: {  	v7 =	vmin.u32 v52, v32;
	v52 =	vld [tilespmem:s23+$0x56A0]  }
0x43a: {  	v1 =	vmin.f32 v1, $5.000000000e+00;
	v32 =	vsub.s32 $0x1, v7;
	v7 =	vld [tilespmem:$0x1FFE0]  }
0x43b: {  	v1 =	vmul.f32 $1.442695020e+00, v1  }
0x43c: {  	v2 =	vsub.s32 $0x1, v2  }
0x43d: {  	v0 =	vcvt.s32.f32 v0;
	vm1 =	vgt.s32 v2, $0x0;
	(erf) = vpow2.f32 v1  }
0x43e: {  	v5 =	vmul.f32 v5, v41;
	v63 =	vnsel vm1, $0x0, v2;
	v3 =	vperm.xlane v3, v4  }
0x43f: {  	vm1 =	vgt.s32 v32, $0x0;
	v4 =	vmul.f32 v36, v52;
	v52 =	vld [tilespmem:$0x1FFF0];
	v7 =	vadd.s32 v7, v6  }
0x440: {  	v61 =	vmul.f32 v0, v25;
	[tilespmem:s4+$0x7AC0] =	vst v5;
	v0 =	vnsel vm1, $0x0, v32;
	v32 =	vsub.s32 $0x0, v7  }
0x441: {  	v1 =	vcvt.s32.f32 v63;
	v3 =	vand.u32 $0xF, v3;
	v63 =	vmin.u32 v7, v32;
	v32 =	vld [tilespmem:s18+$0x56D0]  }
0x442: {  	v5 =	vld [tilespmem:s29+$0x5680];
	v0 =	vcvt.s32.f32 v0;
	[tilespmem:s20+$0x7AA0] =	vst v4;
	v4 =	vadd.s32 v8, v3  }
0x443: {  	v62 =	vmul.f32 v1, v25;
	v7 =	vsub.s32 $0x0, v4  }
0x444: {  	v1 =	vsub.s32 $0x1, v63;
	v63 =	vmul.f32 v0, v25;
	v0 =	vadd.s32 v52, v6  }
0x445: {  	v7 =	vmin.u32 v4, v7;
	vm1 =	vgt.s32 v1, $0x0;
	v6 =	vsub.s32 $0x0, v0  }
0x446: {  	v52 =	vpop (erf);
	v1 =	vnsel vm1, $0x0, v1;
	v0 =	vmin.u32 v0, v6;
	v2 =	vmul.f32 v32, v41  }
0x447: {  	v5 =	vmul.f32 v52, v5;
	v0 =	vsub.s32 $0x1, v0;
	v32 =	vsub.s32 $0x1, v7  }
0x448: {  	v1 =	vcvt.s32.f32 v1;
	v6 =	vld [tilespmem:s23+$0x56B0];
	vm1 =	vgt.s32 v0, $0x0;
	[tilespmem:s4+$0x7AD0] =	vst v2  }
0x449: {  	[tilespmem:s3+$0x7A80] =	vst v5;
	v0 =	vnsel vm1, $0x0, v0;
	vm1 =	vgt.s32 v32, $0x0;
	v7 =	vld [tilespmem:s18+$0x56E0]  }
0x44a: {  	v4 =	vmul.f32 v1, v25;
	v1 =	vnsel vm1, $0x0, v32;
	v32 =	vmovc v9;
	v9 =	vmov v8;
	v8 =	vld [tilespmem:s29+$0x5690]  }
0x44b: {  	v2 =	vadd.s32 v10, v3  }
0x44c: {  	v0 =	vcvt.s32.f32 v0;
	v5 =	vsub.s32 $0x0, v2;
	v1 =	vcvt.s32.f32 v1  }
0x44d: {  	[tilespmem:s10+$0x8E80] =	vst v13;
	v6 =	vmul.f32 v36, v6;
	v2 =	vmin.u32 v2, v5;
	v5 =	vadd.s32 v11, v3  }
0x44e: {  	[tilespmem:s10+$0x8E90] =	vst v14;
	v13 =	vmul.f32 v0, v25;
	v25 =	vsub.s32 $0x0, v5;
	v14 =	vmul.f32 v1, v42  }
0x44f: {  	[tilespmem:s20+$0x7AB0] =	vst v6;
	v1 =	vmin.u32 v5, v25;
	v6 =	vld [tilespmem:$0x1FF60];
	v5 =	vmul.f32 v7, v41;
	v7 =	vmul.f32 v52, v8  }
0x450: {  	[tilespmem:s10+$0x8EA0] =	vst v15;
	v25 =	vld [tilespmem:s23+$0x56C0]  }
0x451: {  	[tilespmem:s3+$0x7A90] =	vst v7;
	v7 =	vld [tilespmem:$0x1FFD0]  }
0x452: {  	[tilespmem:s10+$0x8EC0] =	vst v16;
	v0 =	vsub.s32 $0x1, v2;
	v16 =	vld [tilespmem:s29+$0x56A0]  }
0x453: {  	v15 =	vadd.s32 v20, v3;
	vm1 =	vgt.s32 v0, $0x0;
	v1 =	vsub.s32 $0x1, v1;
	[tilespmem:s4+$0x7AE0] =	vst v5  }
0x454: {  	v0 =	vnsel vm1, $0x0, v0;
	vm1 =	vgt.s32 v1, $0x0;
	[tilespmem:s10+$0x8EB0] =	vst v6;
	v6 =	vadd.s32 v12, v3  }
0x455: {  	[tilespmem:s10+$0x8ED0] =	vst v18;
	v0 =	vcvt.s32.f32 v0;
	v5 =	vld [tilespmem:s18+$0x56F0];
	v8 =	vsub.s32 $0x0, v6;
	v2 =	vmul.f32 v25, v36  }
0x456: {  	[tilespmem:s10+$0x8EF0] =	vst v17;
	v25 =	vld [tilespmem:$0x1FF70];
	v6 =	vmin.u32 v6, v8;
	v8 =	vsub.s32 $0x0, v15;
	v7 =	vadd.s32 v7, v3  }
0x457: {  	[tilespmem:s5+$0x8E80] =	vst v19;
	v8 =	vmin.u32 v15, v8;
	v15 =	vsub.s32 $0x0, v7;
	v19 =	vmul.f32 v52, v16;
	v16 =	vld [tilespmem:$0x1FFF0]  }
0x458: {  	v1 =	vnsel vm1, $0x0, v1;
	v6 =	vsub.s32 $0x1, v6;
	[tilespmem:s20+$0x7AC0] =	vst v2;
	v7 =	vmin.u32 v7, v15;
	v15 =	vld [tilespmem:$0x1FFE0]  }
0x459: {  	[tilespmem:s5+$0x8E90] =	vst v26;
	v1 =	vcvt.s32.f32 v1;
	vm1 =	vgt.s32 v6, $0x0;
	v8 =	vsub.s32 $0x1, v8;
	v18 =	vld [tilespmem:s23+$0x56D0]  }
0x45a: {  	[tilespmem:s5+$0x8EA0] =	vst v24;
	v6 =	vnsel vm1, $0x0, v6;
	vm1 =	vgt.s32 v8, $0x0;
	v5 =	vmul.f32 v5, v41  }
0x45b: {  	v17 =	vmul.f32 v0, v42;
	[tilespmem:s10+$0x8EE0] =	vst v25;
	v8 =	vnsel vm1, $0x0, v8;
	v6 =	vcvt.s32.f32 v6  }
0x45c: {  	[tilespmem:s4+$0x7AF0] =	vst v5;
	v25 =	vsub.s32 $0x1, v7;
	v7 =	vcvt.s32.f32 v8;
	v0 =	vadd.s32 v16, v3  }
0x45d: {  	[tilespmem:s3+$0x7AA0] =	vst v19;
	v16 =	vmul.f32 v6, v42;
	v15 =	vadd.s32 v15, v3;
	v5 =	vsub.s32 $0x0, v0  }
0x45e: {  	[tilespmem:s5+$0x8EB0] =	vst v21;
	s16 =	sand.u32 $0x70, s2;
	v6 =	vld [tilespmem:s29+$0x56B0];
	v2 =	vsub.s32 $0x0, v15;
	v0 =	vmin.u32 v0, v5;
	v5 =	vmul.f32 v18, v36  }
0x45f: {  	[tilespmem:s5+$0x8EC0] =	vst v22;
	vm1 =	vgt.s32 v25, $0x0;
	v2 =	vmin.u32 v15, v2;
	v15 =	vmul.f32 v1, v42;
	v1 =	vld [tilespmem:s16+$0x180]  }
0x460: {  	v21 =	vmul.f32 v7, v42;
	v3 =	vnsel vm1, $0x0, v25;
	v2 =	vsub.s32 $0x1, v2;
	[tilespmem:s20+$0x7AD0] =	vst v5  }
0x461: {  	[tilespmem:s5+$0x8ED0] =	vst v27;
	v3 =	vcvt.s32.f32 v3;
	v0 =	vsub.s32 $0x1, v0;
	vm1 =	vgt.s32 v2, $0x0;
	v8 =	vld [tilespmem:s23+$0x56E0]  }
0x462: {  	[tilespmem:s5+$0x8EE0] =	vst v28;
	v5 =	vmov s2;
	v2 =	vnsel vm1, $0x0, v2;
	vm1 =	vgt.s32 v0, $0x0  }
0x463: {  	[tilespmem:s5+$0x8EF0] =	vst v29;
	v6 =	vmul.f32 v52, v6;
	v0 =	vnsel vm1, $0x0, v0;
	v2 =	vcvt.s32.f32 v2  }
0x464: {  	[tilespmem:s0+$0x8E80] =	vst v30;
	s18 =	sand.u32 $0xE, s19;
	v1 =	vperm.xlane v1, v5;
	v0 =	vcvt.s32.f32 v0  }
0x465: {  	v30 =	vld [tilespmem:$0x1FFD0];
	v18 =	vmul.f32 v3, v42;
	[tilespmem:s3+$0x7AB0] =	vst v6;
	v5 =	vmov s18;
	v19 =	vmul.f32 v2, v42  }
0x466: {  	[tilespmem:s0+$0x8E90] =	vst v23;
	v7 =	vld [tilespmem:s29+$0x56C0];
	v1 =	vand.u32 $0xF, v1;
	v42 =	vmul.f32 v0, v42;
	v6 =	vmul.f32 v8, v36  }
0x467: {  	[tilespmem:s0+$0x8EA0] =	vst v33;
	v28 =	vadd.s32 v9, v1;
	v24 =	vadd.s32 v10, v1;
	v8 =	vadd.s32 v11, v1  }
0x468: {  	[tilespmem:s0+$0x8EB0] =	vst v34;
	v27 =	vadd.s32 v12, v1;
	v22 =	vsub.s32 $0x0, v28;
	v25 =	vsub.s32 $0x0, v24  }
0x469: {  	v34 =	vld [tilespmem:$0x1FFE0];
	[tilespmem:s0+$0x8EC0] =	vst v35;
	v26 =	vsub.s32 $0x0, v8;
	v0 =	vmin.u32 v28, v22;
	v2 =	vmin.u32 v24, v25  }
0x46a: {  	v35 =	vld [tilespmem:$0x1FFF0];
	[tilespmem:s0+$0x8ED0] =	vst v37;
	v3 =	vmin.u32 v8, v26;
	v8 =	vsub.s32 $0x0, v27;
	v28 =	vadd.s32 v20, v1  }
0x46b: {  	[tilespmem:s0+$0x8EE0] =	vst v38;
	v24 =	vadd.s32 v30, v1;
	v7 =	vmul.f32 v7, v52;
	v8 =	vmin.u32 v27, v8  }
0x46c: {  	[tilespmem:s20+$0x7AE0] =	vst v6;
	v29 =	vsub.s32 $0x0, v28;
	v33 =	vsub.s32 $0x0, v24;
	v0 =	vsub.s32 $0x1, v0  }
0x46d: {  	[tilespmem:s0+$0x8EF0] =	vst v39;
	v6 =	vld [tilespmem:s23+$0x56F0];
	v2 =	vsub.s32 $0x1, v2;
	v3 =	vsub.s32 $0x1, v3;
	v22 =	vmin.u32 v28, v29  }
0x46e: {  	[tilespmem:s31+$0x8E90] =	vst v46;
	v23 =	vmin.u32 v24, v33;
	v24 =	vadd.s32 v34, v1;
	vm1 =	vgt.s32 v0, $0x0  }
0x46f: {  	[tilespmem:s3+$0x7AC0] =	vst v7;
	v1 =	vadd.s32 v35, v1;
	v8 =	vsub.s32 $0x1, v8;
	v7 =	vsub.s32 $0x0, v24  }
0x470: {  	[tilespmem:s31+$0x8E80] =	vst v40;
	v28 =	vsub.s32 $0x0, v1;
	v0 =	vnsel vm1, $0x0, v0;
	vm1 =	vgt.s32 v2, $0x0  }
0x471: {  	[tilespmem:s31+$0x8EA0] =	vst v45;
	v22 =	vsub.s32 $0x1, v22;
	v7 =	vmin.u32 v24, v7;
	v1 =	vmin.u32 v1, v28  }
0x472: {  	[tilespmem:s31+$0x8ED0] =	vst v47;
	v29 =	vld [tilespmem:s29+$0x56D0];
	v2 =	vnsel vm1, $0x0, v2;
	vm1 =	vgt.s32 v3, $0x0;
	v6 =	vmul.f32 v6, v36  }
0x473: {  	[tilespmem:s31+$0x8EE0] =	vst v48;
	v0 =	vcvt.s32.f32 v0;
	v3 =	vnsel vm1, $0x0, v3;
	vm1 =	vgt.s32 v8, $0x0  }
0x474: {  	s28 =	sand.u32 $0x70, s19;
	v34 =	vcvt.s32.f32 v2;
	v7 =	vsub.s32 $0x1, v7;
	v1 =	vsub.s32 $0x1, v1;
	[tilespmem:s20+$0x7AF0] =	vst v6  }
0x475: {  	[tilespmem:s12+$0x8E80] =	vst v49;
	v8 =	vnsel vm1, $0x0, v8;
	vm1 =	vgt.s32 v22, $0x0;
	v35 =	vcvt.s32.f32 v3;
	v6 =	vld [tilespmem:s28+$0x180]  }
0x476: {  	[tilespmem:s12+$0x8E90] =	vst v51;
	v33 =	vnsel vm1, $0x0, v22;
	v22 =	vmul.f32 v0, v41;
	v39 =	vcvt.s32.f32 v8  }
0x477: {  	[tilespmem:s12+$0x8EA0] =	vst v50;
	v8 =	vsub.s32 $0x1, v23;
	v0 =	vmul.f32 v34, v41;
	v30 =	vmul.f32 v29, v52  }
0x478: {  	[tilespmem:s12+$0x8EB0] =	vst v53;
	vm1 =	vgt.s32 v8, $0x0;
	v2 =	vmul.f32 v35, v41;
	v45 =	vcvt.s32.f32 v33  }
0x479: {  	v37 =	vld [tilespmem:$0x1FFD0];
	v8 =	vnsel vm1, $0x0, v8;
	vm1 =	vgt.s32 v7, $0x0;
	v3 =	vmul.f32 v39, v41;
	[tilespmem:s3+$0x7AD0] =	vst v30  }
0x47a: {  	[tilespmem:s12+$0x8EC0] =	vst v54;
	v7 =	vnsel vm1, $0x0, v7;
	vm1 =	vgt.s32 v1, $0x0;
	v5 =	vperm.xlane v6, v5;
	v6 =	vld [tilespmem:s29+$0x56E0]  }
0x47b: {  	v38 =	vld [tilespmem:$0x1FFE0];
	[tilespmem:s12+$0x8ED0] =	vst v55;
	v8 =	vcvt.s32.f32 v8;
	v7 =	vcvt.s32.f32 v7;
	v1 =	vnsel vm1, $0x0, v1  }
0x47c: {  	v40 =	vld [tilespmem:$0x1FFF0];
	[tilespmem:s11+$0x8ED0] =	vst v63;
	v63 =	vmov s1;
	v23 =	vmul.f32 v45, v41;
	v1 =	vcvt.s32.f32 v1  }
0x47d: {  	[tilespmem:s12+$0x8EE0] =	vst v56;
	v8 =	vmul.f32 v8, v41;
	v7 =	vmul.f32 v7, v41;
	v5 =	vand.u32 $0xF, v5  }
0x47e: {  	[tilespmem:s12+$0x8EF0] =	vst v57;
	v1 =	vmul.f32 v1, v41;
	v46 =	vadd.s32 v9, v5;
	v48 =	vadd.s32 v10, v5  }
0x47f: {  	[tilespmem:s11+$0x8E80] =	vst v60;
	v50 =	vadd.s32 v11, v5;
	v53 =	vadd.s32 v12, v5;
	v6 =	vmul.f32 v6, v52  }
0x480: {  	[tilespmem:s11+$0x8E90] =	vst v59;
	v55 =	vadd.s32 v20, v5;
	v57 =	vadd.s32 v37, v5;
	v60 =	vadd.s32 v38, v5  }
0x481: {  	v5 =	vadd.s32 v40, v5;
	v47 =	vsub.s32 $0x0, v46;
	v49 =	vsub.s32 $0x0, v48;
	[tilespmem:s3+$0x7AE0] =	vst v6  }
0x482: {  	[tilespmem:s11+$0x8EB0] =	vst v61;
	v51 =	vsub.s32 $0x0, v50;
	v54 =	vsub.s32 $0x0, v53;
	v56 =	vsub.s32 $0x0, v55;
	v6 =	vld [tilespmem:s29+$0x56F0]  }
0x483: {  	[tilespmem:s11+$0x8EC0] =	vst v62;
	v59 =	vsub.s32 $0x0, v57;
	v61 =	vsub.s32 $0x0, v60;
	v62 =	vsub.s32 $0x0, v5  }
0x484: {  	v24 =	vmin.u32 v46, v47;
	v25 =	vmin.u32 v48, v49;
	v26 =	vmin.u32 v50, v51  }
0x485: {  	v27 =	vmin.u32 v53, v54;
	v28 =	vmin.u32 v55, v56;
	v29 =	vmin.u32 v57, v59  }
0x486: {  	v30 =	vmin.u32 v60, v61;
	v5 =	vmin.u32 v5, v62;
	v24 =	vsub.s32 $0x1, v24  }
0x487: {  	[tilespmem:s31+$0x8EB0] =	vst v44;
	v25 =	vsub.s32 $0x1, v25;
	v26 =	vsub.s32 $0x1, v26;
	v6 =	vmul.f32 v6, v52  }
0x488: {  	[tilespmem:s31+$0x8EC0] =	vst v43;
	v27 =	vsub.s32 $0x1, v27;
	v28 =	vsub.s32 $0x1, v28;
	vm1 =	vgt.s32 v24, $0x0  }
0x489: {  	s30 =	sand.u32 $0x70, s1;
	v33 =	vsub.s32 $0x1, v29;
	v24 =	vnsel vm1, $0x0, v24;
	vm1 =	vgt.s32 v25, $0x0;
	[tilespmem:s3+$0x7AF0] =	vst v6  }
0x48a: {  	[tilespmem:s22+$0x8EA0] =	vst v15;
	v15 =	vsub.s32 $0x1, v30;
	v25 =	vnsel vm1, $0x0, v25;
	vm1 =	vgt.s32 v26, $0x0;
	v6 =	vld [tilespmem:s30+$0x180]  }
0x48b: {  	[tilespmem:s31+$0x8EF0] =	vst v31;
	v24 =	vcvt.s32.f32 v24;
	v26 =	vnsel vm1, $0x0, v26;
	vm1 =	vgt.s32 v27, $0x0  }
0x48c: {  	[tilespmem:s11+$0x8EF0] =	vst v13;
	v13 =	vcvt.s32.f32 v25;
	v27 =	vnsel vm1, $0x0, v27;
	v31 =	vcvt.s32.f32 v26  }
0x48d: {  	[tilespmem:s22+$0x8E80] =	vst v14;
	v5 =	vsub.s32 $0x1, v5;
	v24 =	vmul.f32 v24, v36;
	v14 =	vcvt.s32.f32 v27  }
0x48e: {  	[tilespmem:s11+$0x8EA0] =	vst v58;
	vm1 =	vgt.s32 v28, $0x0;
	v13 =	vmul.f32 v13, v36;
	v25 =	vmul.f32 v31, v36  }
0x48f: {  	[tilespmem:s11+$0x8EE0] =	vst v4;
	v4 =	vperm.xlane v6, v63;
	v6 =	vnsel vm1, $0x0, v28;
	vm1 =	vgt.s32 v33, $0x0  }
0x490: {  	[tilespmem:s22+$0x8E90] =	vst v17;
	v6 =	vcvt.s32.f32 v6;
	v34 =	vnsel vm1, $0x0, v33;
	vm1 =	vgt.s32 v15, $0x0  }
0x491: {  	[tilespmem:s22+$0x8EC0] =	vst v21;
	v14 =	vmul.f32 v14, v36;
	v35 =	vcvt.s32.f32 v34;
	v15 =	vnsel vm1, $0x0, v15  }
0x492: {  	[tilespmem:s22+$0x8EB0] =	vst v16;
	vm1 =	vgt.s32 v5, $0x0;
	v4 =	vand.u32 $0xF, v4;
	v6 =	vmul.f32 v6, v36  }
0x493: {  	[tilespmem:s22+$0x8ED0] =	vst v18;
	v15 =	vcvt.s32.f32 v15;
	v5 =	vnsel vm1, $0x0, v5;
	v39 =	vadd.s32 v9, v4  }
0x494: {  	[tilespmem:s22+$0x8EE0] =	vst v19;
	v43 =	vadd.s32 v10, v4;
	v46 =	vadd.s32 v11, v4;
	v50 =	vadd.s32 v12, v4  }
0x495: {  	[tilespmem:s22+$0x8EF0] =	vst v42;
	v53 =	vadd.s32 v20, v4;
	v56 =	vadd.s32 v38, v4;
	v16 =	vmul.f32 v35, v36  }
0x496: {  	[tilespmem:s4+$0x8E80] =	vst v22;
	v5 =	vcvt.s32.f32 v5;
	v41 =	vsub.s32 $0x0, v39;
	v44 =	vsub.s32 $0x0, v43  }
0x497: {  	[tilespmem:s20+$0x8E90] =	vst v13;
	v48 =	vsub.s32 $0x0, v46;
	v51 =	vsub.s32 $0x0, v50;
	v13 =	vsub.s32 $0x0, v56  }
0x498: {  	[tilespmem:s4+$0x8E90] =	vst v0;
	v15 =	vmul.f32 v15, v36;
	v17 =	vmin.u32 v39, v41;
	v45 =	vmin.u32 v43, v44  }
0x499: {  	[tilespmem:s4+$0x8ED0] =	vst v8;
	v49 =	vmin.u32 v46, v48;
	v8 =	vmin.u32 v50, v51;
	v13 =	vmin.u32 v56, v13  }
0x49a: {  	[tilespmem:s4+$0x8EB0] =	vst v3;
	v5 =	vmul.f32 v5, v36;
	v17 =	vsub.s32 $0x1, v17;
	v0 =	vsub.s32 $0x1, v45  }
0x49b: {  	[tilespmem:s4+$0x8EE0] =	vst v7;
	v3 =	vsub.s32 $0x1, v49;
	v7 =	vsub.s32 $0x1, v8;
	v8 =	vsub.s32 $0x0, v53  }
0x49c: {  	[tilespmem:s4+$0x8EA0] =	vst v2;
	vm1 =	vgt.s32 v17, $0x0;
	v54 =	vmin.u32 v53, v8;
	v8 =	vadd.s32 v37, v4  }
0x49d: {  	[tilespmem:s4+$0x8EC0] =	vst v23;
	v4 =	vadd.s32 v40, v4;
	v47 =	vnsel vm1, $0x0, v17;
	vm1 =	vgt.s32 v0, $0x0  }
0x49e: {  	[tilespmem:s4+$0x8EF0] =	vst v1;
	v55 =	vsub.s32 $0x0, v8;
	v57 =	vsub.s32 $0x0, v4;
	v1 =	vsub.s32 $0x1, v54  }
0x49f: {  	[tilespmem:s20+$0x8EF0] =	vst v5;
	v5 =	vsub.s32 $0x1, v13;
	v0 =	vnsel vm1, $0x0, v0;
	vm1 =	vgt.s32 v3, $0x0  }
0x4a0: {  	[tilespmem:s20+$0x8E80] =	vst v24;
	v8 =	vmin.u32 v8, v55;
	v4 =	vmin.u32 v4, v57;
	v2 =	vcvt.s32.f32 v47  }
0x4a1: {  	[tilespmem:s20+$0x8EA0] =	vst v25;
	v3 =	vnsel vm1, $0x0, v3;
	vm1 =	vgt.s32 v7, $0x0;
	v0 =	vcvt.s32.f32 v0  }
0x4a2: {  	[tilespmem:s20+$0x8EB0] =	vst v14;
	v4 =	vsub.s32 $0x1, v4;
	v7 =	vnsel vm1, $0x0, v7;
	v3 =	vcvt.s32.f32 v3  }
0x4a3: {  	[tilespmem:s20+$0x8EC0] =	vst v6;
	vm1 =	vgt.s32 v1, $0x0;
	v2 =	vmul.f32 v2, v52;
	v6 =	vcvt.s32.f32 v7  }
0x4a4: {  	[tilespmem:s20+$0x8ED0] =	vst v16;
	v1 =	vnsel vm1, $0x0, v1;
	v0 =	vmul.f32 v0, v52;
	v7 =	vsub.s32 $0x1, v8  }
0x4a5: {  	[tilespmem:s20+$0x8EE0] =	vst v15;
	v3 =	vmul.f32 v3, v52;
	v1 =	vcvt.s32.f32 v1;
	vm1 =	vgt.s32 v7, $0x0  }
0x4a6: {  	[tilespmem:s3+$0x8E80] =	vst v2;
	v6 =	vmul.f32 v6, v52;
	v58 =	vnsel vm1, $0x0, v7;
	vm1 =	vgt.s32 v5, $0x0  }
0x4a7: {  	[tilespmem:s3+$0x8E90] =	vst v0;
	v59 =	vcvt.s32.f32 v58;
	v60 =	vnsel vm1, $0x0, v5;
	vm1 =	vgt.s32 v4, $0x0  }
0x4a8: {  	p2 =	slt.u32 s26, $0x1E;
	[tilespmem:s3+$0x8EA0] =	vst v3;
	v1 =	vmul.f32 v1, v52;
	v61 =	vnsel vm1, $0x0, v4;
	v2 =	vcvt.s32.f32 v60  }
.Ltmp4:
0x4a9: {  	[tilespmem:s3+$0x8EB0] =	vst v6;
	v0 =	vmul.f32 v59, v52;
	v3 =	vcvt.s32.f32 v61;
	(pc) =	sbr.rel @p2 .LBB2_7-.Ltmp4, $4  }
0x4aa: {  	[tilespmem:s3+$0x8EC0] =	vst v1;
	v62 =	vmul.f32 v2, v52  }
0x4ab: {  	[tilespmem:s3+$0x8ED0] =	vst v0;
	v63 =	vmul.f32 v3, v52  }
0x4ac: {  	s31 =	sadd.s32 $0xA, s26;
	v8 =	vmov v9;
	[tilespmem:s3+$0x8EE0] =	vst v62  }
0x4ad: {  	s26 =	smov.u32 s31;
	v9 =	vmovc v32;
	v7 =	vmovc v10;
	v10 =	vmov v11;
	v11 =	vmov v12;
	v12 =	vmov v20;
	[tilespmem:s3+$0x8EF0] =	vst v63  }
0x4ae: {  	v0 =	vld [tilespmem:$0x180]  }
0x4af: {  	v1 =	vld [tilespmem:$0x190]  }
0x4b0: {  	v2 =	vld [tilespmem:$0x198];
	_ =	sdelay $0x2  }
0x4b1: {  	v0 =	vshrl.u32 v0, $0x4  }
0x4b2: {  	v62 =	vshrl.u32 v1, $0x4;
	[tilespmem:$0x200] =	vst v0  }
0x4b3: {  	v63 =	vshrl.u32 v2, $0x4;
	[tilespmem:$0x210] =	vst v62  }
0x4b4: {  	s0 =	rddreg [dreg:$0x2];
	s1 =	simm.s32 $0x7A80;
	s5 =	simm.s32 $0x180;
	[tilespmem:$0x218] =	vst v63  }
0x4b5: {  	[spmem:s0] =	stream.indirect.scatter.add.f32 [tilespmem:s1], [sflag:$0x9], $0x80, s5, s25, $0xb8;
	[tilespmem:$0x1EE88] =	vst v63  }
0x4b6: {  	_ =	swait.ge [sflag:s21], $0x1400  }
0x4b7: {  	[sflag:s21] =	ssyncset.done $0x0  }
0x4b8: {  	s31 =	simm.s32 $0x200;
	[sflag:s21] =	ssyncadd.s32 $0xFFFFEC00  }
.Ltmp5:
0x4b9: {  	s2 =	simm.s32 $0x8E80;
	s30 =	rddreg [dreg:$0x3];
	(pc) =	sbr.rel @p1 .LBB2_10-.Ltmp5, $4  }
0x4ba: {  	[spmem:s30] =	stream.indirect.scatter.add.f32 [tilespmem:s2], [sflag:$0x9], $0x80, s31, s25, $0xb8;
	[tilespmem:$0x1EE88] =	vst v63  }
0x4bb: {  	_ =	swait.ge [sflag:s21], $0x1400  }
0x4bc: {  	[sflag:s21] =	ssyncset.done $0x0  }
0x4bd: {  	[sflag:s21] =	ssyncadd.s32 $0xFFFFEC00  }
0x4be: {  	s0 =	smul.u32 $0x50, s17  }
0x4bf: {  	s1 =	rddreg [dreg:$0x10]  }
0x4c0: {  	s0 =	sadd.s32 s0, s1  }
.Ltmp6:
0x4c1: {  	s0 =	sshrl.u32 s0, $0x3;
	(pc) =	sbr.rel .LBB2_4-.Ltmp6, $4  }
0x4c2: {  	s2 =	simm.s32 $0x0;
	s3 =	simm.s32 $0x80;
	s31 =	sadd.s32 s7, s0  }
0x4c3: {  	[tilespmem:s3], [sflag:$0x2] =	stream.linear.gather [hbm4b:s31+s2], $0x28, $0x38;
	[tilespmem:$0x1EE88] =	vst v63  }
0x4c4: {  	s17 =	sadd.s32 $0x1, s17;
	s0 =	sadd.s32 s8, s0  }
0x4c5: {  	[tilespmem:s5], [sflag:$0x4] =	stream.linear.gather [hbm4b:s0+s2], $0x28, $0x38;
	[tilespmem:$0x1EE88] =	vst v63  }
.LBB2_11:
0x4c6: {  	_ =	sfence.sel $0x180000  }
0x4c7: {  	[bflag:$0x0] =	sbarrier.arrive $0xFFFF  }
0x4c8: {  	_ =	strace $0x90000047  }
0x4c9: {  	s0 =	stileid.u32;
	[bflag:$0x2] =	sbarrier.arrive $0xFFFF  }
0x4ca: {  	p0 =	sne.s32 s0, $0x0;
	s0 =	rddreg [dreg:$0x4]  }
0x4cb: {  	s0 =	sadd.s32 @!p0 $0x100000, s0  }
0x4cc: {  	[sflag:s0] =	ssyncadd.tile.s32 @!p0 $0x1;
	_ =	shalt  }
.Lfunc_end2:
_tile_overlayer_lowered:
.L_overlay_start_2:
0x4cd: {  	(tag) =	ssettag $0x2  }
0x4ce: {  	s0 =	rddreg [dreg:$0x0];
	s2 =	stileid.u32  }
0x4cf: {  	s1 =	rddreg [dreg:$0x1];
	p0 =	sne.s32 s2, $0x0  }
0x4d0: {  	s3 =	rddreg [dreg:$0x2];
	[bflag:$0x3] =	sbarrier.arrive $0xFFFF;
	s2 =	simm.s32 @!p0 $0x1C09  }
0x4d1: {  	[timem:s3], [sflag:s2] =	dma.local @!p0 [hbm:s0], s1  }
0x4d2: {  	s0 =	simm.s32 @!p0 $0x9  }
0x4d3: {  	_ =	swait.ge @!p0 [sflag:s0], s1  }
0x4d4: {  	s1 =	ssub.s32 @!p0 $0x0, s1;
	[sflag:s0] =	ssyncset.done @!p0 $0x0  }
0x4d5: {  	[sflag:s0] =	ssyncadd.s32 @!p0 s1  }
0x4d6: {  	[bflag:$0x3] =	sbarrier.arrive $0xFFFF  }
0x4d7: {  	_ =	shalt  }

</sc_bundles>
